<compile_context>
chip_gen: v7x
topology: tpu7x:2x2x1
jax: 0.10.2.dev20260603
libtpu: 0.0.44.dev20260713+nightly
codegen_flags: <defaults>
</compile_context>

<pallas_src>
import functools
import math

import jax
import jax.numpy as jnp
import numpy as np
from jax import lax
from jax.experimental import pallas as pl
from jax.experimental.pallas import tpu as pltpu
from jax.experimental.pallas import tpu_sc as plsc

_DEPTH = 11
_NLEVELS = _DEPTH + 1
_N_NODES = 2 ** _NLEVELS - 1
_WIDTH = 2048
_TOKENS = 8192
_TILE = 256
_NTILES = _TOKENS // _TILE
_SHALLOW = 10

_NW = 32
_BPW = _TOKENS // _NW
_CHUNK = 16
_NCH = _BPW // _CHUNK


def _gelu(x):
    return 0.5 * x * (1.0 + lax.erf(x * (1.0 / math.sqrt(2.0))))


def _walk_level(x, n, sel, wsplit_refs, bias_ref):
    dn = (((1,), (0,)), ((), ()))
    oh = sel.astype(jnp.bfloat16)
    w0_ref, w1_ref, w2_ref = wsplit_refs
    rows = (lax.dot_general(oh, w0_ref[...], dn,
                            preferred_element_type=jnp.float32)
            + lax.dot_general(oh, w1_ref[...], dn,
                              preferred_element_type=jnp.float32)
            + lax.dot_general(oh, w2_ref[...], dn,
                              preferred_element_type=jnp.float32))
    k = sel.shape[1]
    bias_row = bias_ref[0:1, :]
    bsum = jnp.sum(
        jnp.where(sel, jnp.broadcast_to(bias_row, (sel.shape[0], k)), 0.0),
        axis=1, keepdims=True)
    logit = jnp.sum(x * rows, axis=1, keepdims=True) + bsum
    return logit


def _shallow_kernel(x_ref, a0_ref, a1_ref, a2_ref, b0_ref, b1_ref,
                    b2_ref, c0_ref, c1_ref, c2_ref, ba_ref, bb_ref,
                    bc_ref, acts_ref, n10_ref):
    x = x_ref[...]
    t = x.shape[0]
    ids256 = lax.broadcasted_iota(jnp.int32, (t, 256), 1)
    ids512 = lax.broadcasted_iota(jnp.int32, (t, 512), 1)
    lane = lax.broadcasted_iota(jnp.int32, (t, 16), 1)
    n = jnp.zeros((t, 1), jnp.int32)
    acts = jnp.zeros((t, 16), jnp.float32)
    for d in range(_SHALLOW):
        if d < 8:
            sel = ids256 == n
            logit = _walk_level(x, n, sel, (a0_ref, a1_ref, a2_ref),
                                ba_ref)
        elif d == 8:
            sel = ids256 == n - 255
            logit = _walk_level(x, n, sel, (b0_ref, b1_ref, b2_ref),
                                bb_ref)
        else:
            sel = ids512 == n - 511
            logit = _walk_level(x, n, sel, (c0_ref, c1_ref, c2_ref),
                                bc_ref)
        act = _gelu(logit)
        acts = jnp.where(lane == d, act, acts)
        n = 2 * n + 1 + (logit > 0.0).astype(jnp.int32)
    acts_ref[...] = acts
    n10_ref[...] = n


def _sc_gather_body(w_hbm, idx_hbm, rows_hbm, idx_v, buf0, buf1, buf2,
                    gs0, gs1, gs2, ws0, ws1, ws2):
    wid = lax.axis_index("s") * 2 + lax.axis_index("c")
    base = wid * _BPW
    pltpu.sync_copy(idx_hbm.at[wid], idx_v)
    bufs = (buf0, buf1, buf2)
    gsems = (gs0, gs1, gs2)
    wsems = (ws0, ws1, ws2)
    g = [None, None, None]
    g[0] = pltpu.async_copy(w_hbm.at[idx_v.at[0]], bufs[0], gsems[0])
    g[1] = pltpu.async_copy(w_hbm.at[idx_v.at[1]], bufs[1], gsems[1])
    for c in range(_NCH):
        b = c % 3
        g[b].wait()
        if c + 2 < _NCH:
            g[(c + 2) % 3] = pltpu.async_copy(
                w_hbm.at[idx_v.at[c + 2]], bufs[(c + 2) % 3],
                gsems[(c + 2) % 3])
        pltpu.sync_copy(bufs[b],
                        rows_hbm.at[pl.ds(base + c * _CHUNK, _CHUNK)])
    del wsems


@functools.cache
def _make_sc_gather():
    return functools.partial(
        pl.kernel,
        mesh=plsc.VectorSubcoreMesh(core_axis_name="c",
                                    subcore_axis_name="s"),
        out_type=jax.ShapeDtypeStruct((_TOKENS, _WIDTH), jnp.float32),
        scratch_types=[
            pltpu.VMEM((_NCH, _CHUNK), jnp.int32),
            pltpu.VMEM((_CHUNK, _WIDTH), jnp.float32),
            pltpu.VMEM((_CHUNK, _WIDTH), jnp.float32),
            pltpu.VMEM((_CHUNK, _WIDTH), jnp.float32),
            pltpu.SemaphoreType.DMA,
            pltpu.SemaphoreType.DMA,
            pltpu.SemaphoreType.DMA,
            pltpu.SemaphoreType.DMA,
            pltpu.SemaphoreType.DMA,
            pltpu.SemaphoreType.DMA,
        ],
    )(_sc_gather_body)


def _gather_rows(w, idx):
    return _make_sc_gather()(w, idx)


def _dot_kernel(x_ref, rows_ref, n_ref, b_ref, act_ref, nnext_ref, *,
                level):
    x = x_ref[...]
    r = rows_ref[...]
    t = x.shape[0]
    start = 2 ** level - 1
    size = 2 ** level
    n = n_ref[...]
    local = n - start
    ids = lax.broadcasted_iota(jnp.int32, (t, size), 1)
    sel = ids == local
    brow = b_ref[level:level + 1, :size]
    bsum = jnp.sum(jnp.where(sel, jnp.broadcast_to(brow, (t, size)), 0.0),
                   axis=1, keepdims=True)
    logit = jnp.sum(x * r, axis=1, keepdims=True) + bsum
    act_ref[...] = _gelu(logit)
    nnext_ref[...] = 2 * n + 1 + (logit > 0.0).astype(jnp.int32)


_COL_LEVEL = np.zeros((_N_NODES + 1,), np.int32)
for _d in range(_NLEVELS):
    _COL_LEVEL[2 ** _d - 1: 2 ** (_d + 1) - 1] = _d
_COL_LEVEL[_N_NODES] = 15
_SHIFT_TAB = np.zeros((8, _N_NODES + 1), np.int32)
_SHIFT_TAB[0, :] = _DEPTH - _COL_LEVEL
_SHIFT_TAB[0, _N_NODES] = 0
_LVLMAP = np.zeros((16, _N_NODES + 1), np.float32)
_LVLMAP[_COL_LEVEL, np.arange(_N_NODES + 1)] = 1.0
_LVLMAP[15, _N_NODES] = 0.0


def _out_kernel(leaf_ref, acts_ref, shift_ref, lvlmap_ref, wout_ref,
                out_ref):
    leaf1 = leaf_ref[...] + 1
    t = leaf1.shape[0]
    cols1 = lax.broadcasted_iota(jnp.int32, (t, _N_NODES + 1), 1) + 1
    shift = shift_ref[0:1, :]
    cond = jnp.right_shift(leaf1, shift) == cols1
    actsel = lax.dot_general(
        acts_ref[...].astype(jnp.bfloat16), lvlmap_ref[...],
        (((1,), (0,)), ((), ())),
        preferred_element_type=jnp.float32)
    a = jnp.where(cond, actsel, 0.0).astype(jnp.bfloat16)
    out_ref[...] = lax.dot_general(
        a, wout_ref[...],
        (((1,), (0,)), ((), ())),
        preferred_element_type=jnp.float32)


def kernel(input, in_weight, in_bias, out_weight):
    orig_shape = input.shape
    x = input.reshape(-1, _WIDTH)

    mask = jnp.int32(-65536)

    def _trunc(v):
        bits = lax.bitcast_convert_type(v, jnp.int32)
        return lax.bitcast_convert_type(bits & mask, jnp.float32)

    def _split3(w):
        w0f = _trunc(w)
        r1 = w - w0f
        w1f = _trunc(r1)
        r2 = r1 - w1f
        return (w0f.astype(jnp.bfloat16), w1f.astype(jnp.bfloat16),
                r2.astype(jnp.bfloat16))

    ta = _split3(in_weight[:256])
    tb = _split3(in_weight[255:511])
    tc = _split3(in_weight[511:1023])
    bias_a = jnp.zeros((8, 256), jnp.float32)
    bias_a = bias_a.at[0, :255].set(in_bias[:255])
    bias_b = jnp.zeros((8, 256), jnp.float32)
    bias_b = bias_b.at[0, :].set(in_bias[255:511])
    bias_c = jnp.zeros((8, 512), jnp.float32)
    bias_c = bias_c.at[0, :].set(in_bias[511:1023])
    bias_lvl = jnp.zeros((_NLEVELS + 4, _WIDTH), jnp.float32)
    for d in range(_SHALLOW, _NLEVELS):
        row = jnp.zeros((_WIDTH,), jnp.float32)
        row = lax.dynamic_update_slice(
            row, in_bias[2 ** d - 1: 2 ** (d + 1) - 1], (0,))
        bias_lvl = bias_lvl.at[d].set(row)
    wout_p = jnp.pad(out_weight.astype(jnp.bfloat16), ((0, 1), (0, 0)))

    acts_sh, n10 = pl.pallas_call(
        _shallow_kernel,
        grid=(_NTILES,),
        in_specs=[
            pl.BlockSpec((_TILE, _WIDTH), lambda i: (i, 0)),
            pl.BlockSpec((256, _WIDTH), lambda i: (0, 0)),
            pl.BlockSpec((256, _WIDTH), lambda i: (0, 0)),
            pl.BlockSpec((256, _WIDTH), lambda i: (0, 0)),
            pl.BlockSpec((256, _WIDTH), lambda i: (0, 0)),
            pl.BlockSpec((256, _WIDTH), lambda i: (0, 0)),
            pl.BlockSpec((256, _WIDTH), lambda i: (0, 0)),
            pl.BlockSpec((512, _WIDTH), lambda i: (0, 0)),
            pl.BlockSpec((512, _WIDTH), lambda i: (0, 0)),
            pl.BlockSpec((512, _WIDTH), lambda i: (0, 0)),
            pl.BlockSpec((8, 256), lambda i: (0, 0)),
            pl.BlockSpec((8, 256), lambda i: (0, 0)),
            pl.BlockSpec((8, 512), lambda i: (0, 0)),
        ],
        out_specs=[
            pl.BlockSpec((_TILE, 16), lambda i: (i, 0)),
            pl.BlockSpec((_TILE, 1), lambda i: (i, 0)),
        ],
        out_shape=[
            jax.ShapeDtypeStruct((_TOKENS, 16), jnp.float32),
            jax.ShapeDtypeStruct((_TOKENS, 1), jnp.int32),
        ],
    )(x, *ta, *tb, *tc, bias_a, bias_b, bias_c)

    n = n10
    acts_deep = []
    leaf = None
    for d in range(_SHALLOW, _NLEVELS):
        idx = n.reshape(_NW, _NCH, _CHUNK)
        rows = _gather_rows(in_weight, idx)
        if d == _DEPTH:
            leaf = n
        act_d, nnext = pl.pallas_call(
            functools.partial(_dot_kernel, level=d),
            grid=(_NTILES,),
            in_specs=[
                pl.BlockSpec((_TILE, _WIDTH), lambda i: (i, 0)),
                pl.BlockSpec((_TILE, _WIDTH), lambda i: (i, 0)),
                pl.BlockSpec((_TILE, 1), lambda i: (i, 0)),
                pl.BlockSpec((_NLEVELS + 4, _WIDTH), lambda i: (0, 0)),
            ],
            out_specs=[
                pl.BlockSpec((_TILE, 1), lambda i: (i, 0)),
                pl.BlockSpec((_TILE, 1), lambda i: (i, 0)),
            ],
            out_shape=[
                jax.ShapeDtypeStruct((_TOKENS, 1), jnp.float32),
                jax.ShapeDtypeStruct((_TOKENS, 1), jnp.int32),
            ],
        )(x, rows, n, bias_lvl)
        acts_deep.append(act_d)
        n = nnext

    acts16 = jnp.concatenate(
        [lax.slice(acts_sh, (0, 0), (_TOKENS, _SHALLOW))] + acts_deep
        + [jnp.zeros((_TOKENS, 16 - _NLEVELS), jnp.float32)],
        axis=1)
    shift_tab = jnp.asarray(_SHIFT_TAB)
    lvlmap = jnp.asarray(_LVLMAP).astype(jnp.bfloat16)
    out = pl.pallas_call(
        _out_kernel,
        grid=(_NTILES,),
        in_specs=[
            pl.BlockSpec((_TILE, 1), lambda i: (i, 0)),
            pl.BlockSpec((_TILE, 16), lambda i: (i, 0)),
            pl.BlockSpec((8, _N_NODES + 1), lambda i: (0, 0)),
            pl.BlockSpec((16, _N_NODES + 1), lambda i: (0, 0)),
            pl.BlockSpec((_N_NODES + 1, _WIDTH), lambda i: (0, 0)),
        ],
        out_specs=pl.BlockSpec((_TILE, _WIDTH), lambda i: (i, 0)),
        out_shape=jax.ShapeDtypeStruct((_TOKENS, _WIDTH), jnp.float32),
    )(leaf, acts16, shift_tab, lvlmap, wout_p)
    return out.reshape(orig_shape)

# --- scband reference (transcript-rebuilt; emitter-appended) ---
"""Pipeline reference for scband-ffflayer-16673063043521 (READ-ONLY COPY).

The authoritative reference and input builder live on the scoring server;
editing this copy changes nothing except your own understanding.
"""

import jax, jax.numpy as jnp
import numpy as np
import math

DEPTH = 11
PARALLEL = 1
N_NODES = 2 ** (DEPTH + 1) - 1  # 4095
WIDTH = 2048
OUT_WIDTH = 2048
BATCH = 4
SEQ = 2048


def setup_inputs(seed: int = 0) -> dict:
    key = jax.random.key(seed)
    k1, k2, k3, k4 = jax.random.split(key, 4)
    init_k = math.sqrt(1.0 / WIDTH)
    init_k2 = math.sqrt(1.0 / ((DEPTH + 1) * PARALLEL))
    x = jax.random.normal(k1, (BATCH, SEQ, WIDTH), dtype=jnp.float32)
    in_weight = jax.random.uniform(k2, (PARALLEL * N_NODES, WIDTH), dtype=jnp.float32, minval=-init_k, maxval=init_k)
    in_bias = jax.random.uniform(k3, (PARALLEL * N_NODES,), dtype=jnp.float32, minval=-init_k, maxval=init_k)
    out_weight = jax.random.uniform(k4, (PARALLEL * N_NODES, OUT_WIDTH), dtype=jnp.float32, minval=-init_k2, maxval=init_k2)
    return {"input": x, "in_weight": in_weight, "in_bias": in_bias, "out_weight": out_weight}


def _fff_forward(x, in_weight, in_bias, out_weight):
    # Fast FeedForward: each token traverses a binary tree of depth DEPTH.
    # At each visited node: logit = <x, w_in[node]> + b[node]; out += GELU(logit) * w_out[node];
    # branch: next = 2*node + 1 + (logit > 0).
    orig_shape = x.shape
    xf = x.reshape(-1, WIDTH)
    T = xf.shape[0]
    current = jnp.zeros((T, PARALLEL), dtype=jnp.int32)
    offsets = (jnp.arange(PARALLEL, dtype=jnp.int32) * N_NODES)[None, :]  # [1, P]
    out = jnp.zeros((T, OUT_WIDTH), dtype=xf.dtype)
    for _ in range(DEPTH + 1):
        idx = current + offsets                      # [T, P] node indices (gather)
        w_in = jnp.take(in_weight, idx, axis=0)      # [T, P, WIDTH]
        logits = jnp.einsum('tw,tpw->tp', xf, w_in) + jnp.take(in_bias, idx, axis=0)  # [T, P]
        act = jax.nn.gelu(logits, approximate=False)
        w_out = jnp.take(out_weight, idx, axis=0)    # [T, P, OUT_WIDTH]
        out = out + jnp.einsum('tp,tpo->to', act, w_out)
        current = 2 * current + 1 + (logits > 0).astype(jnp.int32)
    return out.reshape(orig_shape)


def reference(input, in_weight, in_bias, out_weight):
    return _fff_forward(input, in_weight, in_bias, out_weight)

if __name__ == "__main__":
    import jax
    _d = setup_inputs()
    print(jax.jit(kernel)(*tuple(_d.values())))

</pallas_src>

<mosaic_0001>
#map = affine_map<(d0, d1) -> (0, 0)>
#map1 = affine_map<(d0, d1) -> (0, 0, 0)>
module attributes {stable_mosaic.version = 14 : i64} {
  func.func @_sc_gather_body(%arg0: i32, %arg1: i32, %arg2: memref<4095x2048xf32, #tpu.memory_space<hbm>>, %arg3: memref<32x16x16xi32, #tpu.memory_space<hbm>>, %arg4: memref<8192x2048xf32, #tpu.memory_space<hbm>>, %arg5: memref<16x16xi32, #tpu.memory_space<vmem>>, %arg6: memref<16x2048xf32, #tpu.memory_space<vmem>>, %arg7: memref<16x2048xf32, #tpu.memory_space<vmem>>, %arg8: memref<16x2048xf32, #tpu.memory_space<vmem>>, %arg9: memref<!tpu.dma_semaphore, #tpu.memory_space<semaphore_mem>>, %arg10: memref<!tpu.dma_semaphore, #tpu.memory_space<semaphore_mem>>, %arg11: memref<!tpu.dma_semaphore, #tpu.memory_space<semaphore_mem>>, %arg12: memref<!tpu.dma_semaphore, #tpu.memory_space<semaphore_mem>>, %arg13: memref<!tpu.dma_semaphore, #tpu.memory_space<semaphore_mem>>, %arg14: memref<!tpu.dma_semaphore, #tpu.memory_space<semaphore_mem>>) attributes {dimension_semantics = [#tpu.dimension_semantics<core_parallel>, #tpu.dimension_semantics<subcore_parallel>], iteration_bounds = array<i64: 2, 16>, scalar_prefetch = 0 : i64, scratch_operands = 10 : i64, tpu.core_type = #tpu.core_type<sc_vector_subcore>, window_params = [{transform_indices = #map}, {transform_indices = #map1}, {transform_indices = #map}]} {
    %mul3A = arith.constant 2 : i32
    %mul3A_0 = arith.muli %arg1, %mul3A : i32
    %add3A = arith.addi %mul3A_0, %arg0 : i32
    %mul3A_1 = arith.constant 256 : i32
    %mul3A_2 = arith.muli %add3A, %mul3A_1 : i32
    "tpu.region"() ({
      %run_scoped3A = tpu.sem_alloc : memref<!tpu.dma_semaphore, #tpu.memory_space<semaphore_mem>>
      %dma_start3A_257 = arith.constant 0 : i32
      %dma_start3A_258 = arith.constant 0 : i32
      %dma_start3A_259 = tpu.memref_slice %arg3[%add3A, %dma_start3A_257, %dma_start3A_258] : memref<32x16x16xi32, #tpu.memory_space<hbm>> -> memref<1x16x16xi32, #tpu.memory_space<hbm>>
      %dma_start3A_260 = tpu.memref_squeeze %dma_start3A_259 : memref<1x16x16xi32, #tpu.memory_space<hbm>> -> memref<16x16xi32, #tpu.memory_space<hbm>>
      %dma_start3A_261 = arith.constant 0 : i32
      %dma_start3A_262 = arith.constant 0 : i32
      %dma_start3A_263 = tpu.memref_slice %arg3[%add3A, %dma_start3A_261, %dma_start3A_262] : memref<32x16x16xi32, #tpu.memory_space<hbm>> -> memref<1x16x16xi32, #tpu.memory_space<hbm>>
      %dma_start3A_264 = tpu.memref_squeeze %dma_start3A_263 : memref<1x16x16xi32, #tpu.memory_space<hbm>> -> memref<16x16xi32, #tpu.memory_space<hbm>>
      tpu.enqueue_dma source(%dma_start3A_264 : memref<16x16xi32, #tpu.memory_space<hbm>>) target(%arg5 : memref<16x16xi32, #tpu.memory_space<vmem>>) target_semaphore(%run_scoped3A : memref<!tpu.dma_semaphore, #tpu.memory_space<semaphore_mem>>)
      %dma_wait3A_265 = arith.constant 0 : i32
      %dma_wait3A_266 = arith.constant 0 : i32
      %dma_wait3A_267 = tpu.memref_slice %arg3[%add3A, %dma_wait3A_265, %dma_wait3A_266] : memref<32x16x16xi32, #tpu.memory_space<hbm>> -> memref<1x16x16xi32, #tpu.memory_space<hbm>>
      %dma_wait3A_268 = tpu.memref_squeeze %dma_wait3A_267 : memref<1x16x16xi32, #tpu.memory_space<hbm>> -> memref<16x16xi32, #tpu.memory_space<hbm>>
      %dma_wait3A_269 = arith.constant 0 : i32
      %dma_wait3A_270 = arith.constant 0 : i32
      %dma_wait3A_271 = tpu.memref_slice %arg3[%add3A, %dma_wait3A_269, %dma_wait3A_270] : memref<32x16x16xi32, #tpu.memory_space<hbm>> -> memref<1x16x16xi32, #tpu.memory_space<hbm>>
      %dma_wait3A_272 = tpu.memref_squeeze %dma_wait3A_271 : memref<1x16x16xi32, #tpu.memory_space<hbm>> -> memref<16x16xi32, #tpu.memory_space<hbm>>
      tpu.wait_dma2 semaphore(%run_scoped3A : memref<!tpu.dma_semaphore, #tpu.memory_space<semaphore_mem>>) src(%dma_wait3A_272 : memref<16x16xi32, #tpu.memory_space<hbm>>) dst(%arg5 : memref<16x16xi32, #tpu.memory_space<vmem>>)
      tpu.yield
    }) : () -> ()
    %dma_start3A = arith.constant 0 : i32
    %dma_start3A_3 = arith.constant 0 : i32
    %dma_start3A_4 = tpu.memref_slice %arg5[%dma_start3A, %dma_start3A_3] : memref<16x16xi32, #tpu.memory_space<vmem>> -> memref<1x16xi32, #tpu.memory_space<vmem>>
    %dma_start3A_5 = tpu.memref_squeeze %dma_start3A_4 : memref<1x16xi32, #tpu.memory_space<vmem>> -> memref<16xi32, #tpu.memory_space<vmem>>
    %dma_start3A_6 = arith.constant 0 : i32
    %dma_start3A_7 = arith.constant 0 : i32
    %dma_start3A_8 = tpu.memref_slice %arg2[%dma_start3A_6, %dma_start3A_7] : memref<4095x2048xf32, #tpu.memory_space<hbm>> -> memref<4095x2048xf32, #tpu.memory_space<hbm>>
    tpu.enqueue_indirect_dma source(%dma_start3A_8 : memref<4095x2048xf32, #tpu.memory_space<hbm>>) target(%arg6 : memref<16x2048xf32, #tpu.memory_space<vmem>>) offsets(%dma_start3A_5 : memref<16xi32, #tpu.memory_space<vmem>>) semaphore(%arg9 : memref<!tpu.dma_semaphore, #tpu.memory_space<semaphore_mem>>)
    %dma_start3A_9 = arith.constant 1 : i32
    %dma_start3A_10 = arith.constant 0 : i32
    %dma_start3A_11 = tpu.memref_slice %arg5[%dma_start3A_9, %dma_start3A_10] : memref<16x16xi32, #tpu.memory_space<vmem>> -> memref<1x16xi32, #tpu.memory_space<vmem>>
    %dma_start3A_12 = tpu.memref_squeeze %dma_start3A_11 : memref<1x16xi32, #tpu.memory_space<vmem>> -> memref<16xi32, #tpu.memory_space<vmem>>
    %dma_start3A_13 = arith.constant 0 : i32
    %dma_start3A_14 = arith.constant 0 : i32
    %dma_start3A_15 = tpu.memref_slice %arg2[%dma_start3A_13, %dma_start3A_14] : memref<4095x2048xf32, #tpu.memory_space<hbm>> -> memref<4095x2048xf32, #tpu.memory_space<hbm>>
    tpu.enqueue_indirect_dma source(%dma_start3A_15 : memref<4095x2048xf32, #tpu.memory_space<hbm>>) target(%arg7 : memref<16x2048xf32, #tpu.memory_space<vmem>>) offsets(%dma_start3A_12 : memref<16xi32, #tpu.memory_space<vmem>>) semaphore(%arg10 : memref<!tpu.dma_semaphore, #tpu.memory_space<semaphore_mem>>)
    %dma_wait3A = arith.constant 0 : i32
    %dma_wait3A_16 = arith.constant 0 : i32
    %dma_wait3A_17 = tpu.memref_slice %arg5[%dma_wait3A, %dma_wait3A_16] : memref<16x16xi32, #tpu.memory_space<vmem>> -> memref<1x16xi32, #tpu.memory_space<vmem>>
    %dma_wait3A_18 = tpu.memref_squeeze %dma_wait3A_17 : memref<1x16xi32, #tpu.memory_space<vmem>> -> memref<16xi32, #tpu.memory_space<vmem>>
    %dma_wait3A_19 = arith.constant 0 : i32
    %dma_wait3A_20 = arith.constant 0 : i32
    %dma_wait3A_21 = tpu.memref_slice %arg2[%dma_wait3A_19, %dma_wait3A_20] : memref<4095x2048xf32, #tpu.memory_space<hbm>> -> memref<4095x2048xf32, #tpu.memory_space<hbm>>
    tpu.wait_indirect_dma semaphore(%arg9 : memref<!tpu.dma_semaphore, #tpu.memory_space<semaphore_mem>>) src(%dma_wait3A_21 : memref<4095x2048xf32, #tpu.memory_space<hbm>>) dst(%arg6 : memref<16x2048xf32, #tpu.memory_space<vmem>>)
    %dma_start3A_22 = arith.constant 2 : i32
    %dma_start3A_23 = arith.constant 0 : i32
    %dma_start3A_24 = tpu.memref_slice %arg5[%dma_start3A_22, %dma_start3A_23] : memref<16x16xi32, #tpu.memory_space<vmem>> -> memref<1x16xi32, #tpu.memory_space<vmem>>
    %dma_start3A_25 = tpu.memref_squeeze %dma_start3A_24 : memref<1x16xi32, #tpu.memory_space<vmem>> -> memref<16xi32, #tpu.memory_space<vmem>>
    %dma_start3A_26 = arith.constant 0 : i32
    %dma_start3A_27 = arith.constant 0 : i32
    %dma_start3A_28 = tpu.memref_slice %arg2[%dma_start3A_26, %dma_start3A_27] : memref<4095x2048xf32, #tpu.memory_space<hbm>> -> memref<4095x2048xf32, #tpu.memory_space<hbm>>
    tpu.enqueue_indirect_dma source(%dma_start3A_28 : memref<4095x2048xf32, #tpu.memory_space<hbm>>) target(%arg8 : memref<16x2048xf32, #tpu.memory_space<vmem>>) offsets(%dma_start3A_25 : memref<16xi32, #tpu.memory_space<vmem>>) semaphore(%arg11 : memref<!tpu.dma_semaphore, #tpu.memory_space<semaphore_mem>>)
    %add3A_29 = arith.constant 0 : i32
    %add3A_30 = arith.addi %mul3A_2, %add3A_29 : i32
    "tpu.region"() ({
      %run_scoped3A = tpu.sem_alloc : memref<!tpu.dma_semaphore, #tpu.memory_space<semaphore_mem>>
      %dma_start3A_257 = arith.constant 0 : i32
      %dma_start3A_258 = tpu.memref_slice %arg4[%add3A_30, %dma_start3A_257] : memref<8192x2048xf32, #tpu.memory_space<hbm>> -> memref<16x2048xf32, #tpu.memory_space<hbm>>
      %dma_start3A_259 = arith.constant 0 : i32
      %dma_start3A_260 = tpu.memref_slice %arg4[%add3A_30, %dma_start3A_259] : memref<8192x2048xf32, #tpu.memory_space<hbm>> -> memref<16x2048xf32, #tpu.memory_space<hbm>>
      tpu.enqueue_dma source(%arg6 : memref<16x2048xf32, #tpu.memory_space<vmem>>) target(%dma_start3A_260 : memref<16x2048xf32, #tpu.memory_space<hbm>>) target_semaphore(%run_scoped3A : memref<!tpu.dma_semaphore, #tpu.memory_space<semaphore_mem>>)
      %dma_wait3A_261 = arith.constant 0 : i32
      %dma_wait3A_262 = tpu.memref_slice %arg4[%add3A_30, %dma_wait3A_261] : memref<8192x2048xf32, #tpu.memory_space<hbm>> -> memref<16x2048xf32, #tpu.memory_space<hbm>>
      %dma_wait3A_263 = arith.constant 0 : i32
      %dma_wait3A_264 = tpu.memref_slice %arg4[%add3A_30, %dma_wait3A_263] : memref<8192x2048xf32, #tpu.memory_space<hbm>> -> memref<16x2048xf32, #tpu.memory_space<hbm>>
      tpu.wait_dma2 semaphore(%run_scoped3A : memref<!tpu.dma_semaphore, #tpu.memory_space<semaphore_mem>>) src(%arg6 : memref<16x2048xf32, #tpu.memory_space<vmem>>) dst(%dma_wait3A_264 : memref<16x2048xf32, #tpu.memory_space<hbm>>)
      tpu.yield
    }) : () -> ()
    %dma_wait3A_31 = arith.constant 1 : i32
    %dma_wait3A_32 = arith.constant 0 : i32
    %dma_wait3A_33 = tpu.memref_slice %arg5[%dma_wait3A_31, %dma_wait3A_32] : memref<16x16xi32, #tpu.memory_space<vmem>> -> memref<1x16xi32, #tpu.memory_space<vmem>>
    %dma_wait3A_34 = tpu.memref_squeeze %dma_wait3A_33 : memref<1x16xi32, #tpu.memory_space<vmem>> -> memref<16xi32, #tpu.memory_space<vmem>>
    %dma_wait3A_35 = arith.constant 0 : i32
    %dma_wait3A_36 = arith.constant 0 : i32
    %dma_wait3A_37 = tpu.memref_slice %arg2[%dma_wait3A_35, %dma_wait3A_36] : memref<4095x2048xf32, #tpu.memory_space<hbm>> -> memref<4095x2048xf32, #tpu.memory_space<hbm>>
    tpu.wait_indirect_dma semaphore(%arg10 : memref<!tpu.dma_semaphore, #tpu.memory_space<semaphore_mem>>) src(%dma_wait3A_37 : memref<4095x2048xf32, #tpu.memory_space<hbm>>) dst(%arg7 : memref<16x2048xf32, #tpu.memory_space<vmem>>)
    %dma_start3A_38 = arith.constant 3 : i32
    %dma_start3A_39 = arith.constant 0 : i32
    %dma_start3A_40 = tpu.memref_slice %arg5[%dma_start3A_38, %dma_start3A_39] : memref<16x16xi32, #tpu.memory_space<vmem>> -> memref<1x16xi32, #tpu.memory_space<vmem>>
    %dma_start3A_41 = tpu.memref_squeeze %dma_start3A_40 : memref<1x16xi32, #tpu.memory_space<vmem>> -> memref<16xi32, #tpu.memory_space<vmem>>
    %dma_start3A_42 = arith.constant 0 : i32
    %dma_start3A_43 = arith.constant 0 : i32
    %dma_start3A_44 = tpu.memref_slice %arg2[%dma_start3A_42, %dma_start3A_43] : memref<4095x2048xf32, #tpu.memory_space<hbm>> -> memref<4095x2048xf32, #tpu.memory_space<hbm>>
    tpu.enqueue_indirect_dma source(%dma_start3A_44 : memref<4095x2048xf32, #tpu.memory_space<hbm>>) target(%arg6 : memref<16x2048xf32, #tpu.memory_space<vmem>>) offsets(%dma_start3A_41 : memref<16xi32, #tpu.memory_space<vmem>>) semaphore(%arg9 : memref<!tpu.dma_semaphore, #tpu.memory_space<semaphore_mem>>)
    %add3A_45 = arith.constant 16 : i32
    %add3A_46 = arith.addi %mul3A_2, %add3A_45 : i32
    "tpu.region"() ({
      %run_scoped3A = tpu.sem_alloc : memref<!tpu.dma_semaphore, #tpu.memory_space<semaphore_mem>>
      %dma_start3A_257 = arith.constant 0 : i32
      %dma_start3A_258 = tpu.memref_slice %arg4[%add3A_46, %dma_start3A_257] : memref<8192x2048xf32, #tpu.memory_space<hbm>> -> memref<16x2048xf32, #tpu.memory_space<hbm>>
      %dma_start3A_259 = arith.constant 0 : i32
      %dma_start3A_260 = tpu.memref_slice %arg4[%add3A_46, %dma_start3A_259] : memref<8192x2048xf32, #tpu.memory_space<hbm>> -> memref<16x2048xf32, #tpu.memory_space<hbm>>
      tpu.enqueue_dma source(%arg7 : memref<16x2048xf32, #tpu.memory_space<vmem>>) target(%dma_start3A_260 : memref<16x2048xf32, #tpu.memory_space<hbm>>) target_semaphore(%run_scoped3A : memref<!tpu.dma_semaphore, #tpu.memory_space<semaphore_mem>>)
      %dma_wait3A_261 = arith.constant 0 : i32
      %dma_wait3A_262 = tpu.memref_slice %arg4[%add3A_46, %dma_wait3A_261] : memref<8192x2048xf32, #tpu.memory_space<hbm>> -> memref<16x2048xf32, #tpu.memory_space<hbm>>
      %dma_wait3A_263 = arith.constant 0 : i32
      %dma_wait3A_264 = tpu.memref_slice %arg4[%add3A_46, %dma_wait3A_263] : memref<8192x2048xf32, #tpu.memory_space<hbm>> -> memref<16x2048xf32, #tpu.memory_space<hbm>>
      tpu.wait_dma2 semaphore(%run_scoped3A : memref<!tpu.dma_semaphore, #tpu.memory_space<semaphore_mem>>) src(%arg7 : memref<16x2048xf32, #tpu.memory_space<vmem>>) dst(%dma_wait3A_264 : memref<16x2048xf32, #tpu.memory_space<hbm>>)
      tpu.yield
    }) : () -> ()
    %dma_wait3A_47 = arith.constant 2 : i32
    %dma_wait3A_48 = arith.constant 0 : i32
    %dma_wait3A_49 = tpu.memref_slice %arg5[%dma_wait3A_47, %dma_wait3A_48] : memref<16x16xi32, #tpu.memory_space<vmem>> -> memref<1x16xi32, #tpu.memory_space<vmem>>
    %dma_wait3A_50 = tpu.memref_squeeze %dma_wait3A_49 : memref<1x16xi32, #tpu.memory_space<vmem>> -> memref<16xi32, #tpu.memory_space<vmem>>
    %dma_wait3A_51 = arith.constant 0 : i32
    %dma_wait3A_52 = arith.constant 0 : i32
    %dma_wait3A_53 = tpu.memref_slice %arg2[%dma_wait3A_51, %dma_wait3A_52] : memref<4095x2048xf32, #tpu.memory_space<hbm>> -> memref<4095x2048xf32, #tpu.memory_space<hbm>>
    tpu.wait_indirect_dma semaphore(%arg11 : memref<!tpu.dma_semaphore, #tpu.memory_space<semaphore_mem>>) src(%dma_wait3A_53 : memref<4095x2048xf32, #tpu.memory_space<hbm>>) dst(%arg8 : memref<16x2048xf32, #tpu.memory_space<vmem>>)
    %dma_start3A_54 = arith.constant 4 : i32
    %dma_start3A_55 = arith.constant 0 : i32
    %dma_start3A_56 = tpu.memref_slice %arg5[%dma_start3A_54, %dma_start3A_55] : memref<16x16xi32, #tpu.memory_space<vmem>> -> memref<1x16xi32, #tpu.memory_space<vmem>>
    %dma_start3A_57 = tpu.memref_squeeze %dma_start3A_56 : memref<1x16xi32, #tpu.memory_space<vmem>> -> memref<16xi32, #tpu.memory_space<vmem>>
    %dma_start3A_58 = arith.constant 0 : i32
    %dma_start3A_59 = arith.constant 0 : i32
    %dma_start3A_60 = tpu.memref_slice %arg2[%dma_start3A_58, %dma_start3A_59] : memref<4095x2048xf32, #tpu.memory_space<hbm>> -> memref<4095x2048xf32, #tpu.memory_space<hbm>>
    tpu.enqueue_indirect_dma source(%dma_start3A_60 : memref<4095x2048xf32, #tpu.memory_space<hbm>>) target(%arg7 : memref<16x2048xf32, #tpu.memory_space<vmem>>) offsets(%dma_start3A_57 : memref<16xi32, #tpu.memory_space<vmem>>) semaphore(%arg10 : memref<!tpu.dma_semaphore, #tpu.memory_space<semaphore_mem>>)
    %add3A_61 = arith.constant 32 : i32
    %add3A_62 = arith.addi %mul3A_2, %add3A_61 : i32
    "tpu.region"() ({
      %run_scoped3A = tpu.sem_alloc : memref<!tpu.dma_semaphore, #tpu.memory_space<semaphore_mem>>
      %dma_start3A_257 = arith.constant 0 : i32
      %dma_start3A_258 = tpu.memref_slice %arg4[%add3A_62, %dma_start3A_257] : memref<8192x2048xf32, #tpu.memory_space<hbm>> -> memref<16x2048xf32, #tpu.memory_space<hbm>>
      %dma_start3A_259 = arith.constant 0 : i32
      %dma_start3A_260 = tpu.memref_slice %arg4[%add3A_62, %dma_start3A_259] : memref<8192x2048xf32, #tpu.memory_space<hbm>> -> memref<16x2048xf32, #tpu.memory_space<hbm>>
      tpu.enqueue_dma source(%arg8 : memref<16x2048xf32, #tpu.memory_space<vmem>>) target(%dma_start3A_260 : memref<16x2048xf32, #tpu.memory_space<hbm>>) target_semaphore(%run_scoped3A : memref<!tpu.dma_semaphore, #tpu.memory_space<semaphore_mem>>)
      %dma_wait3A_261 = arith.constant 0 : i32
      %dma_wait3A_262 = tpu.memref_slice %arg4[%add3A_62, %dma_wait3A_261] : memref<8192x2048xf32, #tpu.memory_space<hbm>> -> memref<16x2048xf32, #tpu.memory_space<hbm>>
      %dma_wait3A_263 = arith.constant 0 : i32
      %dma_wait3A_264 = tpu.memref_slice %arg4[%add3A_62, %dma_wait3A_263] : memref<8192x2048xf32, #tpu.memory_space<hbm>> -> memref<16x2048xf32, #tpu.memory_space<hbm>>
      tpu.wait_dma2 semaphore(%run_scoped3A : memref<!tpu.dma_semaphore, #tpu.memory_space<semaphore_mem>>) src(%arg8 : memref<16x2048xf32, #tpu.memory_space<vmem>>) dst(%dma_wait3A_264 : memref<16x2048xf32, #tpu.memory_space<hbm>>)
      tpu.yield
    }) : () -> ()
    %dma_wait3A_63 = arith.constant 3 : i32
    %dma_wait3A_64 = arith.constant 0 : i32
    %dma_wait3A_65 = tpu.memref_slice %arg5[%dma_wait3A_63, %dma_wait3A_64] : memref<16x16xi32, #tpu.memory_space<vmem>> -> memref<1x16xi32, #tpu.memory_space<vmem>>
    %dma_wait3A_66 = tpu.memref_squeeze %dma_wait3A_65 : memref<1x16xi32, #tpu.memory_space<vmem>> -> memref<16xi32, #tpu.memory_space<vmem>>
    %dma_wait3A_67 = arith.constant 0 : i32
    %dma_wait3A_68 = arith.constant 0 : i32
    %dma_wait3A_69 = tpu.memref_slice %arg2[%dma_wait3A_67, %dma_wait3A_68] : memref<4095x2048xf32, #tpu.memory_space<hbm>> -> memref<4095x2048xf32, #tpu.memory_space<hbm>>
    tpu.wait_indirect_dma semaphore(%arg9 : memref<!tpu.dma_semaphore, #tpu.memory_space<semaphore_mem>>) src(%dma_wait3A_69 : memref<4095x2048xf32, #tpu.memory_space<hbm>>) dst(%arg6 : memref<16x2048xf32, #tpu.memory_space<vmem>>)
    %dma_start3A_70 = arith.constant 5 : i32
    %dma_start3A_71 = arith.constant 0 : i32
    %dma_start3A_72 = tpu.memref_slice %arg5[%dma_start3A_70, %dma_start3A_71] : memref<16x16xi32, #tpu.memory_space<vmem>> -> memref<1x16xi32, #tpu.memory_space<vmem>>
    %dma_start3A_73 = tpu.memref_squeeze %dma_start3A_72 : memref<1x16xi32, #tpu.memory_space<vmem>> -> memref<16xi32, #tpu.memory_space<vmem>>
    %dma_start3A_74 = arith.constant 0 : i32
    %dma_start3A_75 = arith.constant 0 : i32
    %dma_start3A_76 = tpu.memref_slice %arg2[%dma_start3A_74, %dma_start3A_75] : memref<4095x2048xf32, #tpu.memory_space<hbm>> -> memref<4095x2048xf32, #tpu.memory_space<hbm>>
    tpu.enqueue_indirect_dma source(%dma_start3A_76 : memref<4095x2048xf32, #tpu.memory_space<hbm>>) target(%arg8 : memref<16x2048xf32, #tpu.memory_space<vmem>>) offsets(%dma_start3A_73 : memref<16xi32, #tpu.memory_space<vmem>>) semaphore(%arg11 : memref<!tpu.dma_semaphore, #tpu.memory_space<semaphore_mem>>)
    %add3A_77 = arith.constant 48 : i32
    %add3A_78 = arith.addi %mul3A_2, %add3A_77 : i32
    "tpu.region"() ({
      %run_scoped3A = tpu.sem_alloc : memref<!tpu.dma_semaphore, #tpu.memory_space<semaphore_mem>>
      %dma_start3A_257 = arith.constant 0 : i32
      %dma_start3A_258 = tpu.memref_slice %arg4[%add3A_78, %dma_start3A_257] : memref<8192x2048xf32, #tpu.memory_space<hbm>> -> memref<16x2048xf32, #tpu.memory_space<hbm>>
      %dma_start3A_259 = arith.constant 0 : i32
      %dma_start3A_260 = tpu.memref_slice %arg4[%add3A_78, %dma_start3A_259] : memref<8192x2048xf32, #tpu.memory_space<hbm>> -> memref<16x2048xf32, #tpu.memory_space<hbm>>
      tpu.enqueue_dma source(%arg6 : memref<16x2048xf32, #tpu.memory_space<vmem>>) target(%dma_start3A_260 : memref<16x2048xf32, #tpu.memory_space<hbm>>) target_semaphore(%run_scoped3A : memref<!tpu.dma_semaphore, #tpu.memory_space<semaphore_mem>>)
      %dma_wait3A_261 = arith.constant 0 : i32
      %dma_wait3A_262 = tpu.memref_slice %arg4[%add3A_78, %dma_wait3A_261] : memref<8192x2048xf32, #tpu.memory_space<hbm>> -> memref<16x2048xf32, #tpu.memory_space<hbm>>
      %dma_wait3A_263 = arith.constant 0 : i32
      %dma_wait3A_264 = tpu.memref_slice %arg4[%add3A_78, %dma_wait3A_263] : memref<8192x2048xf32, #tpu.memory_space<hbm>> -> memref<16x2048xf32, #tpu.memory_space<hbm>>
      tpu.wait_dma2 semaphore(%run_scoped3A : memref<!tpu.dma_semaphore, #tpu.memory_space<semaphore_mem>>) src(%arg6 : memref<16x2048xf32, #tpu.memory_space<vmem>>) dst(%dma_wait3A_264 : memref<16x2048xf32, #tpu.memory_space<hbm>>)
      tpu.yield
    }) : () -> ()
    %dma_wait3A_79 = arith.constant 4 : i32
    %dma_wait3A_80 = arith.constant 0 : i32
    %dma_wait3A_81 = tpu.memref_slice %arg5[%dma_wait3A_79, %dma_wait3A_80] : memref<16x16xi32, #tpu.memory_space<vmem>> -> memref<1x16xi32, #tpu.memory_space<vmem>>
    %dma_wait3A_82 = tpu.memref_squeeze %dma_wait3A_81 : memref<1x16xi32, #tpu.memory_space<vmem>> -> memref<16xi32, #tpu.memory_space<vmem>>
    %dma_wait3A_83 = arith.constant 0 : i32
    %dma_wait3A_84 = arith.constant 0 : i32
    %dma_wait3A_85 = tpu.memref_slice %arg2[%dma_wait3A_83, %dma_wait3A_84] : memref<4095x2048xf32, #tpu.memory_space<hbm>> -> memref<4095x2048xf32, #tpu.memory_space<hbm>>
    tpu.wait_indirect_dma semaphore(%arg10 : memref<!tpu.dma_semaphore, #tpu.memory_space<semaphore_mem>>) src(%dma_wait3A_85 : memref<4095x2048xf32, #tpu.memory_space<hbm>>) dst(%arg7 : memref<16x2048xf32, #tpu.memory_space<vmem>>)
    %dma_start3A_86 = arith.constant 6 : i32
    %dma_start3A_87 = arith.constant 0 : i32
    %dma_start3A_88 = tpu.memref_slice %arg5[%dma_start3A_86, %dma_start3A_87] : memref<16x16xi32, #tpu.memory_space<vmem>> -> memref<1x16xi32, #tpu.memory_space<vmem>>
    %dma_start3A_89 = tpu.memref_squeeze %dma_start3A_88 : memref<1x16xi32, #tpu.memory_space<vmem>> -> memref<16xi32, #tpu.memory_space<vmem>>
    %dma_start3A_90 = arith.constant 0 : i32
    %dma_start3A_91 = arith.constant 0 : i32
    %dma_start3A_92 = tpu.memref_slice %arg2[%dma_start3A_90, %dma_start3A_91] : memref<4095x2048xf32, #tpu.memory_space<hbm>> -> memref<4095x2048xf32, #tpu.memory_space<hbm>>
    tpu.enqueue_indirect_dma source(%dma_start3A_92 : memref<4095x2048xf32, #tpu.memory_space<hbm>>) target(%arg6 : memref<16x2048xf32, #tpu.memory_space<vmem>>) offsets(%dma_start3A_89 : memref<16xi32, #tpu.memory_space<vmem>>) semaphore(%arg9 : memref<!tpu.dma_semaphore, #tpu.memory_space<semaphore_mem>>)
    %add3A_93 = arith.constant 64 : i32
    %add3A_94 = arith.addi %mul3A_2, %add3A_93 : i32
    "tpu.region"() ({
      %run_scoped3A = tpu.sem_alloc : memref<!tpu.dma_semaphore, #tpu.memory_space<semaphore_mem>>
      %dma_start3A_257 = arith.constant 0 : i32
      %dma_start3A_258 = tpu.memref_slice %arg4[%add3A_94, %dma_start3A_257] : memref<8192x2048xf32, #tpu.memory_space<hbm>> -> memref<16x2048xf32, #tpu.memory_space<hbm>>
      %dma_start3A_259 = arith.constant 0 : i32
      %dma_start3A_260 = tpu.memref_slice %arg4[%add3A_94, %dma_start3A_259] : memref<8192x2048xf32, #tpu.memory_space<hbm>> -> memref<16x2048xf32, #tpu.memory_space<hbm>>
      tpu.enqueue_dma source(%arg7 : memref<16x2048xf32, #tpu.memory_space<vmem>>) target(%dma_start3A_260 : memref<16x2048xf32, #tpu.memory_space<hbm>>) target_semaphore(%run_scoped3A : memref<!tpu.dma_semaphore, #tpu.memory_space<semaphore_mem>>)
      %dma_wait3A_261 = arith.constant 0 : i32
      %dma_wait3A_262 = tpu.memref_slice %arg4[%add3A_94, %dma_wait3A_261] : memref<8192x2048xf32, #tpu.memory_space<hbm>> -> memref<16x2048xf32, #tpu.memory_space<hbm>>
      %dma_wait3A_263 = arith.constant 0 : i32
      %dma_wait3A_264 = tpu.memref_slice %arg4[%add3A_94, %dma_wait3A_263] : memref<8192x2048xf32, #tpu.memory_space<hbm>> -> memref<16x2048xf32, #tpu.memory_space<hbm>>
      tpu.wait_dma2 semaphore(%run_scoped3A : memref<!tpu.dma_semaphore, #tpu.memory_space<semaphore_mem>>) src(%arg7 : memref<16x2048xf32, #tpu.memory_space<vmem>>) dst(%dma_wait3A_264 : memref<16x2048xf32, #tpu.memory_space<hbm>>)
      tpu.yield
    }) : () -> ()
    %dma_wait3A_95 = arith.constant 5 : i32
    %dma_wait3A_96 = arith.constant 0 : i32
    %dma_wait3A_97 = tpu.memref_slice %arg5[%dma_wait3A_95, %dma_wait3A_96] : memref<16x16xi32, #tpu.memory_space<vmem>> -> memref<1x16xi32, #tpu.memory_space<vmem>>
    %dma_wait3A_98 = tpu.memref_squeeze %dma_wait3A_97 : memref<1x16xi32, #tpu.memory_space<vmem>> -> memref<16xi32, #tpu.memory_space<vmem>>
    %dma_wait3A_99 = arith.constant 0 : i32
    %dma_wait3A_100 = arith.constant 0 : i32
    %dma_wait3A_101 = tpu.memref_slice %arg2[%dma_wait3A_99, %dma_wait3A_100] : memref<4095x2048xf32, #tpu.memory_space<hbm>> -> memref<4095x2048xf32, #tpu.memory_space<hbm>>
    tpu.wait_indirect_dma semaphore(%arg11 : memref<!tpu.dma_semaphore, #tpu.memory_space<semaphore_mem>>) src(%dma_wait3A_101 : memref<4095x2048xf32, #tpu.memory_space<hbm>>) dst(%arg8 : memref<16x2048xf32, #tpu.memory_space<vmem>>)
    %dma_start3A_102 = arith.constant 7 : i32
    %dma_start3A_103 = arith.constant 0 : i32
    %dma_start3A_104 = tpu.memref_slice %arg5[%dma_start3A_102, %dma_start3A_103] : memref<16x16xi32, #tpu.memory_space<vmem>> -> memref<1x16xi32, #tpu.memory_space<vmem>>
    %dma_start3A_105 = tpu.memref_squeeze %dma_start3A_104 : memref<1x16xi32, #tpu.memory_space<vmem>> -> memref<16xi32, #tpu.memory_space<vmem>>
    %dma_start3A_106 = arith.constant 0 : i32
    %dma_start3A_107 = arith.constant 0 : i32
    %dma_start3A_108 = tpu.memref_slice %arg2[%dma_start3A_106, %dma_start3A_107] : memref<4095x2048xf32, #tpu.memory_space<hbm>> -> memref<4095x2048xf32, #tpu.memory_space<hbm>>
    tpu.enqueue_indirect_dma source(%dma_start3A_108 : memref<4095x2048xf32, #tpu.memory_space<hbm>>) target(%arg7 : memref<16x2048xf32, #tpu.memory_space<vmem>>) offsets(%dma_start3A_105 : memref<16xi32, #tpu.memory_space<vmem>>) semaphore(%arg10 : memref<!tpu.dma_semaphore, #tpu.memory_space<semaphore_mem>>)
    %add3A_109 = arith.constant 80 : i32
    %add3A_110 = arith.addi %mul3A_2, %add3A_109 : i32
    "tpu.region"() ({
      %run_scoped3A = tpu.sem_alloc : memref<!tpu.dma_semaphore, #tpu.memory_space<semaphore_mem>>
      %dma_start3A_257 = arith.constant 0 : i32
      %dma_start3A_258 = tpu.memref_slice %arg4[%add3A_110, %dma_start3A_257] : memref<8192x2048xf32, #tpu.memory_space<hbm>> -> memref<16x2048xf32, #tpu.memory_space<hbm>>
      %dma_start3A_259 = arith.constant 0 : i32
      %dma_start3A_260 = tpu.memref_slice %arg4[%add3A_110, %dma_start3A_259] : memref<8192x2048xf32, #tpu.memory_space<hbm>> -> memref<16x2048xf32, #tpu.memory_space<hbm>>
      tpu.enqueue_dma source(%arg8 : memref<16x2048xf32, #tpu.memory_space<vmem>>) target(%dma_start3A_260 : memref<16x2048xf32, #tpu.memory_space<hbm>>) target_semaphore(%run_scoped3A : memref<!tpu.dma_semaphore, #tpu.memory_space<semaphore_mem>>)
      %dma_wait3A_261 = arith.constant 0 : i32
      %dma_wait3A_262 = tpu.memref_slice %arg4[%add3A_110, %dma_wait3A_261] : memref<8192x2048xf32, #tpu.memory_space<hbm>> -> memref<16x2048xf32, #tpu.memory_space<hbm>>
      %dma_wait3A_263 = arith.constant 0 : i32
      %dma_wait3A_264 = tpu.memref_slice %arg4[%add3A_110, %dma_wait3A_263] : memref<8192x2048xf32, #tpu.memory_space<hbm>> -> memref<16x2048xf32, #tpu.memory_space<hbm>>
      tpu.wait_dma2 semaphore(%run_scoped3A : memref<!tpu.dma_semaphore, #tpu.memory_space<semaphore_mem>>) src(%arg8 : memref<16x2048xf32, #tpu.memory_space<vmem>>) dst(%dma_wait3A_264 : memref<16x2048xf32, #tpu.memory_space<hbm>>)
      tpu.yield
    }) : () -> ()
    %dma_wait3A_111 = arith.constant 6 : i32
    %dma_wait3A_112 = arith.constant 0 : i32
    %dma_wait3A_113 = tpu.memref_slice %arg5[%dma_wait3A_111, %dma_wait3A_112] : memref<16x16xi32, #tpu.memory_space<vmem>> -> memref<1x16xi32, #tpu.memory_space<vmem>>
    %dma_wait3A_114 = tpu.memref_squeeze %dma_wait3A_113 : memref<1x16xi32, #tpu.memory_space<vmem>> -> memref<16xi32, #tpu.memory_space<vmem>>
    %dma_wait3A_115 = arith.constant 0 : i32
    %dma_wait3A_116 = arith.constant 0 : i32
    %dma_wait3A_117 = tpu.memref_slice %arg2[%dma_wait3A_115, %dma_wait3A_116] : memref<4095x2048xf32, #tpu.memory_space<hbm>> -> memref<4095x2048xf32, #tpu.memory_space<hbm>>
    tpu.wait_indirect_dma semaphore(%arg9 : memref<!tpu.dma_semaphore, #tpu.memory_space<semaphore_mem>>) src(%dma_wait3A_117 : memref<4095x2048xf32, #tpu.memory_space<hbm>>) dst(%arg6 : memref<16x2048xf32, #tpu.memory_space<vmem>>)
    %dma_start3A_118 = arith.constant 8 : i32
    %dma_start3A_119 = arith.constant 0 : i32
    %dma_start3A_120 = tpu.memref_slice %arg5[%dma_start3A_118, %dma_start3A_119] : memref<16x16xi32, #tpu.memory_space<vmem>> -> memref<1x16xi32, #tpu.memory_space<vmem>>
    %dma_start3A_121 = tpu.memref_squeeze %dma_start3A_120 : memref<1x16xi32, #tpu.memory_space<vmem>> -> memref<16xi32, #tpu.memory_space<vmem>>
    %dma_start3A_122 = arith.constant 0 : i32
    %dma_start3A_123 = arith.constant 0 : i32
    %dma_start3A_124 = tpu.memref_slice %arg2[%dma_start3A_122, %dma_start3A_123] : memref<4095x2048xf32, #tpu.memory_space<hbm>> -> memref<4095x2048xf32, #tpu.memory_space<hbm>>
    tpu.enqueue_indirect_dma source(%dma_start3A_124 : memref<4095x2048xf32, #tpu.memory_space<hbm>>) target(%arg8 : memref<16x2048xf32, #tpu.memory_space<vmem>>) offsets(%dma_start3A_121 : memref<16xi32, #tpu.memory_space<vmem>>) semaphore(%arg11 : memref<!tpu.dma_semaphore, #tpu.memory_space<semaphore_mem>>)
    %add3A_125 = arith.constant 96 : i32
    %add3A_126 = arith.addi %mul3A_2, %add3A_125 : i32
    "tpu.region"() ({
      %run_scoped3A = tpu.sem_alloc : memref<!tpu.dma_semaphore, #tpu.memory_space<semaphore_mem>>
      %dma_start3A_257 = arith.constant 0 : i32
      %dma_start3A_258 = tpu.memref_slice %arg4[%add3A_126, %dma_start3A_257] : memref<8192x2048xf32, #tpu.memory_space<hbm>> -> memref<16x2048xf32, #tpu.memory_space<hbm>>
      %dma_start3A_259 = arith.constant 0 : i32
      %dma_start3A_260 = tpu.memref_slice %arg4[%add3A_126, %dma_start3A_259] : memref<8192x2048xf32, #tpu.memory_space<hbm>> -> memref<16x2048xf32, #tpu.memory_space<hbm>>
      tpu.enqueue_dma source(%arg6 : memref<16x2048xf32, #tpu.memory_space<vmem>>) target(%dma_start3A_260 : memref<16x2048xf32, #tpu.memory_space<hbm>>) target_semaphore(%run_scoped3A : memref<!tpu.dma_semaphore, #tpu.memory_space<semaphore_mem>>)
      %dma_wait3A_261 = arith.constant 0 : i32
      %dma_wait3A_262 = tpu.memref_slice %arg4[%add3A_126, %dma_wait3A_261] : memref<8192x2048xf32, #tpu.memory_space<hbm>> -> memref<16x2048xf32, #tpu.memory_space<hbm>>
      %dma_wait3A_263 = arith.constant 0 : i32
      %dma_wait3A_264 = tpu.memref_slice %arg4[%add3A_126, %dma_wait3A_263] : memref<8192x2048xf32, #tpu.memory_space<hbm>> -> memref<16x2048xf32, #tpu.memory_space<hbm>>
      tpu.wait_dma2 semaphore(%run_scoped3A : memref<!tpu.dma_semaphore, #tpu.memory_space<semaphore_mem>>) src(%arg6 : memref<16x2048xf32, #tpu.memory_space<vmem>>) dst(%dma_wait3A_264 : memref<16x2048xf32, #tpu.memory_space<hbm>>)
      tpu.yield
    }) : () -> ()
    %dma_wait3A_127 = arith.constant 7 : i32
    %dma_wait3A_128 = arith.constant 0 : i32
    %dma_wait3A_129 = tpu.memref_slice %arg5[%dma_wait3A_127, %dma_wait3A_128] : memref<16x16xi32, #tpu.memory_space<vmem>> -> memref<1x16xi32, #tpu.memory_space<vmem>>
    %dma_wait3A_130 = tpu.memref_squeeze %dma_wait3A_129 : memref<1x16xi32, #tpu.memory_space<vmem>> -> memref<16xi32, #tpu.memory_space<vmem>>
    %dma_wait3A_131 = arith.constant 0 : i32
    %dma_wait3A_132 = arith.constant 0 : i32
    %dma_wait3A_133 = tpu.memref_slice %arg2[%dma_wait3A_131, %dma_wait3A_132] : memref<4095x2048xf32, #tpu.memory_space<hbm>> -> memref<4095x2048xf32, #tpu.memory_space<hbm>>
    tpu.wait_indirect_dma semaphore(%arg10 : memref<!tpu.dma_semaphore, #tpu.memory_space<semaphore_mem>>) src(%dma_wait3A_133 : memref<4095x2048xf32, #tpu.memory_space<hbm>>) dst(%arg7 : memref<16x2048xf32, #tpu.memory_space<vmem>>)
    %dma_start3A_134 = arith.constant 9 : i32
    %dma_start3A_135 = arith.constant 0 : i32
    %dma_start3A_136 = tpu.memref_slice %arg5[%dma_start3A_134, %dma_start3A_135] : memref<16x16xi32, #tpu.memory_space<vmem>> -> memref<1x16xi32, #tpu.memory_space<vmem>>
    %dma_start3A_137 = tpu.memref_squeeze %dma_start3A_136 : memref<1x16xi32, #tpu.memory_space<vmem>> -> memref<16xi32, #tpu.memory_space<vmem>>
    %dma_start3A_138 = arith.constant 0 : i32
    %dma_start3A_139 = arith.constant 0 : i32
    %dma_start3A_140 = tpu.memref_slice %arg2[%dma_start3A_138, %dma_start3A_139] : memref<4095x2048xf32, #tpu.memory_space<hbm>> -> memref<4095x2048xf32, #tpu.memory_space<hbm>>
    tpu.enqueue_indirect_dma source(%dma_start3A_140 : memref<4095x2048xf32, #tpu.memory_space<hbm>>) target(%arg6 : memref<16x2048xf32, #tpu.memory_space<vmem>>) offsets(%dma_start3A_137 : memref<16xi32, #tpu.memory_space<vmem>>) semaphore(%arg9 : memref<!tpu.dma_semaphore, #tpu.memory_space<semaphore_mem>>)
    %add3A_141 = arith.constant 112 : i32
    %add3A_142 = arith.addi %mul3A_2, %add3A_141 : i32
    "tpu.region"() ({
      %run_scoped3A = tpu.sem_alloc : memref<!tpu.dma_semaphore, #tpu.memory_space<semaphore_mem>>
      %dma_start3A_257 = arith.constant 0 : i32
      %dma_start3A_258 = tpu.memref_slice %arg4[%add3A_142, %dma_start3A_257] : memref<8192x2048xf32, #tpu.memory_space<hbm>> -> memref<16x2048xf32, #tpu.memory_space<hbm>>
      %dma_start3A_259 = arith.constant 0 : i32
      %dma_start3A_260 = tpu.memref_slice %arg4[%add3A_142, %dma_start3A_259] : memref<8192x2048xf32, #tpu.memory_space<hbm>> -> memref<16x2048xf32, #tpu.memory_space<hbm>>
      tpu.enqueue_dma source(%arg7 : memref<16x2048xf32, #tpu.memory_space<vmem>>) target(%dma_start3A_260 : memref<16x2048xf32, #tpu.memory_space<hbm>>) target_semaphore(%run_scoped3A : memref<!tpu.dma_semaphore, #tpu.memory_space<semaphore_mem>>)
      %dma_wait3A_261 = arith.constant 0 : i32
      %dma_wait3A_262 = tpu.memref_slice %arg4[%add3A_142, %dma_wait3A_261] : memref<8192x2048xf32, #tpu.memory_space<hbm>> -> memref<16x2048xf32, #tpu.memory_space<hbm>>
      %dma_wait3A_263 = arith.constant 0 : i32
      %dma_wait3A_264 = tpu.memref_slice %arg4[%add3A_142, %dma_wait3A_263] : memref<8192x2048xf32, #tpu.memory_space<hbm>> -> memref<16x2048xf32, #tpu.memory_space<hbm>>
      tpu.wait_dma2 semaphore(%run_scoped3A : memref<!tpu.dma_semaphore, #tpu.memory_space<semaphore_mem>>) src(%arg7 : memref<16x2048xf32, #tpu.memory_space<vmem>>) dst(%dma_wait3A_264 : memref<16x2048xf32, #tpu.memory_space<hbm>>)
      tpu.yield
    }) : () -> ()
    %dma_wait3A_143 = arith.constant 8 : i32
    %dma_wait3A_144 = arith.constant 0 : i32
    %dma_wait3A_145 = tpu.memref_slice %arg5[%dma_wait3A_143, %dma_wait3A_144] : memref<16x16xi32, #tpu.memory_space<vmem>> -> memref<1x16xi32, #tpu.memory_space<vmem>>
    %dma_wait3A_146 = tpu.memref_squeeze %dma_wait3A_145 : memref<1x16xi32, #tpu.memory_space<vmem>> -> memref<16xi32, #tpu.memory_space<vmem>>
    %dma_wait3A_147 = arith.constant 0 : i32
    %dma_wait3A_148 = arith.constant 0 : i32
    %dma_wait3A_149 = tpu.memref_slice %arg2[%dma_wait3A_147, %dma_wait3A_148] : memref<4095x2048xf32, #tpu.memory_space<hbm>> -> memref<4095x2048xf32, #tpu.memory_space<hbm>>
    tpu.wait_indirect_dma semaphore(%arg11 : memref<!tpu.dma_semaphore, #tpu.memory_space<semaphore_mem>>) src(%dma_wait3A_149 : memref<4095x2048xf32, #tpu.memory_space<hbm>>) dst(%arg8 : memref<16x2048xf32, #tpu.memory_space<vmem>>)
    %dma_start3A_150 = arith.constant 10 : i32
    %dma_start3A_151 = arith.constant 0 : i32
    %dma_start3A_152 = tpu.memref_slice %arg5[%dma_start3A_150, %dma_start3A_151] : memref<16x16xi32, #tpu.memory_space<vmem>> -> memref<1x16xi32, #tpu.memory_space<vmem>>
    %dma_start3A_153 = tpu.memref_squeeze %dma_start3A_152 : memref<1x16xi32, #tpu.memory_space<vmem>> -> memref<16xi32, #tpu.memory_space<vmem>>
    %dma_start3A_154 = arith.constant 0 : i32
    %dma_start3A_155 = arith.constant 0 : i32
    %dma_start3A_156 = tpu.memref_slice %arg2[%dma_start3A_154, %dma_start3A_155] : memref<4095x2048xf32, #tpu.memory_space<hbm>> -> memref<4095x2048xf32, #tpu.memory_space<hbm>>
    tpu.enqueue_indirect_dma source(%dma_start3A_156 : memref<4095x2048xf32, #tpu.memory_space<hbm>>) target(%arg7 : memref<16x2048xf32, #tpu.memory_space<vmem>>) offsets(%dma_start3A_153 : memref<16xi32, #tpu.memory_space<vmem>>) semaphore(%arg10 : memref<!tpu.dma_semaphore, #tpu.memory_space<semaphore_mem>>)
    %add3A_157 = arith.constant 128 : i32
    %add3A_158 = arith.addi %mul3A_2, %add3A_157 : i32
    "tpu.region"() ({
      %run_scoped3A = tpu.sem_alloc : memref<!tpu.dma_semaphore, #tpu.memory_space<semaphore_mem>>
      %dma_start3A_257 = arith.constant 0 : i32
      %dma_start3A_258 = tpu.memref_slice %arg4[%add3A_158, %dma_start3A_257] : memref<8192x2048xf32, #tpu.memory_space<hbm>> -> memref<16x2048xf32, #tpu.memory_space<hbm>>
      %dma_start3A_259 = arith.constant 0 : i32
      %dma_start3A_260 = tpu.memref_slice %arg4[%add3A_158, %dma_start3A_259] : memref<8192x2048xf32, #tpu.memory_space<hbm>> -> memref<16x2048xf32, #tpu.memory_space<hbm>>
      tpu.enqueue_dma source(%arg8 : memref<16x2048xf32, #tpu.memory_space<vmem>>) target(%dma_start3A_260 : memref<16x2048xf32, #tpu.memory_space<hbm>>) target_semaphore(%run_scoped3A : memref<!tpu.dma_semaphore, #tpu.memory_space<semaphore_mem>>)
      %dma_wait3A_261 = arith.constant 0 : i32
      %dma_wait3A_262 = tpu.memref_slice %arg4[%add3A_158, %dma_wait3A_261] : memref<8192x2048xf32, #tpu.memory_space<hbm>> -> memref<16x2048xf32, #tpu.memory_space<hbm>>
      %dma_wait3A_263 = arith.constant 0 : i32
      %dma_wait3A_264 = tpu.memref_slice %arg4[%add3A_158, %dma_wait3A_263] : memref<8192x2048xf32, #tpu.memory_space<hbm>> -> memref<16x2048xf32, #tpu.memory_space<hbm>>
      tpu.wait_dma2 semaphore(%run_scoped3A : memref<!tpu.dma_semaphore, #tpu.memory_space<semaphore_mem>>) src(%arg8 : memref<16x2048xf32, #tpu.memory_space<vmem>>) dst(%dma_wait3A_264 : memref<16x2048xf32, #tpu.memory_space<hbm>>)
      tpu.yield
    }) : () -> ()
    %dma_wait3A_159 = arith.constant 9 : i32
    %dma_wait3A_160 = arith.constant 0 : i32
    %dma_wait3A_161 = tpu.memref_slice %arg5[%dma_wait3A_159, %dma_wait3A_160] : memref<16x16xi32, #tpu.memory_space<vmem>> -> memref<1x16xi32, #tpu.memory_space<vmem>>
    %dma_wait3A_162 = tpu.memref_squeeze %dma_wait3A_161 : memref<1x16xi32, #tpu.memory_space<vmem>> -> memref<16xi32, #tpu.memory_space<vmem>>
    %dma_wait3A_163 = arith.constant 0 : i32
    %dma_wait3A_164 = arith.constant 0 : i32
    %dma_wait3A_165 = tpu.memref_slice %arg2[%dma_wait3A_163, %dma_wait3A_164] : memref<4095x2048xf32, #tpu.memory_space<hbm>> -> memref<4095x2048xf32, #tpu.memory_space<hbm>>
    tpu.wait_indirect_dma semaphore(%arg9 : memref<!tpu.dma_semaphore, #tpu.memory_space<semaphore_mem>>) src(%dma_wait3A_165 : memref<4095x2048xf32, #tpu.memory_space<hbm>>) dst(%arg6 : memref<16x2048xf32, #tpu.memory_space<vmem>>)
    %dma_start3A_166 = arith.constant 11 : i32
    %dma_start3A_167 = arith.constant 0 : i32
    %dma_start3A_168 = tpu.memref_slice %arg5[%dma_start3A_166, %dma_start3A_167] : memref<16x16xi32, #tpu.memory_space<vmem>> -> memref<1x16xi32, #tpu.memory_space<vmem>>
    %dma_start3A_169 = tpu.memref_squeeze %dma_start3A_168 : memref<1x16xi32, #tpu.memory_space<vmem>> -> memref<16xi32, #tpu.memory_space<vmem>>
    %dma_start3A_170 = arith.constant 0 : i32
    %dma_start3A_171 = arith.constant 0 : i32
    %dma_start3A_172 = tpu.memref_slice %arg2[%dma_start3A_170, %dma_start3A_171] : memref<4095x2048xf32, #tpu.memory_space<hbm>> -> memref<4095x2048xf32, #tpu.memory_space<hbm>>
    tpu.enqueue_indirect_dma source(%dma_start3A_172 : memref<4095x2048xf32, #tpu.memory_space<hbm>>) target(%arg8 : memref<16x2048xf32, #tpu.memory_space<vmem>>) offsets(%dma_start3A_169 : memref<16xi32, #tpu.memory_space<vmem>>) semaphore(%arg11 : memref<!tpu.dma_semaphore, #tpu.memory_space<semaphore_mem>>)
    %add3A_173 = arith.constant 144 : i32
    %add3A_174 = arith.addi %mul3A_2, %add3A_173 : i32
    "tpu.region"() ({
      %run_scoped3A = tpu.sem_alloc : memref<!tpu.dma_semaphore, #tpu.memory_space<semaphore_mem>>
      %dma_start3A_257 = arith.constant 0 : i32
      %dma_start3A_258 = tpu.memref_slice %arg4[%add3A_174, %dma_start3A_257] : memref<8192x2048xf32, #tpu.memory_space<hbm>> -> memref<16x2048xf32, #tpu.memory_space<hbm>>
      %dma_start3A_259 = arith.constant 0 : i32
      %dma_start3A_260 = tpu.memref_slice %arg4[%add3A_174, %dma_start3A_259] : memref<8192x2048xf32, #tpu.memory_space<hbm>> -> memref<16x2048xf32, #tpu.memory_space<hbm>>
      tpu.enqueue_dma source(%arg6 : memref<16x2048xf32, #tpu.memory_space<vmem>>) target(%dma_start3A_260 : memref<16x2048xf32, #tpu.memory_space<hbm>>) target_semaphore(%run_scoped3A : memref<!tpu.dma_semaphore, #tpu.memory_space<semaphore_mem>>)
      %dma_wait3A_261 = arith.constant 0 : i32
      %dma_wait3A_262 = tpu.memref_slice %arg4[%add3A_174, %dma_wait3A_261] : memref<8192x2048xf32, #tpu.memory_space<hbm>> -> memref<16x2048xf32, #tpu.memory_space<hbm>>
      %dma_wait3A_263 = arith.constant 0 : i32
      %dma_wait3A_264 = tpu.memref_slice %arg4[%add3A_174, %dma_wait3A_263] : memref<8192x2048xf32, #tpu.memory_space<hbm>> -> memref<16x2048xf32, #tpu.memory_space<hbm>>
      tpu.wait_dma2 semaphore(%run_scoped3A : memref<!tpu.dma_semaphore, #tpu.memory_space<semaphore_mem>>) src(%arg6 : memref<16x2048xf32, #tpu.memory_space<vmem>>) dst(%dma_wait3A_264 : memref<16x2048xf32, #tpu.memory_space<hbm>>)
      tpu.yield
    }) : () -> ()
    %dma_wait3A_175 = arith.constant 10 : i32
    %dma_wait3A_176 = arith.constant 0 : i32
    %dma_wait3A_177 = tpu.memref_slice %arg5[%dma_wait3A_175, %dma_wait3A_176] : memref<16x16xi32, #tpu.memory_space<vmem>> -> memref<1x16xi32, #tpu.memory_space<vmem>>
    %dma_wait3A_178 = tpu.memref_squeeze %dma_wait3A_177 : memref<1x16xi32, #tpu.memory_space<vmem>> -> memref<16xi32, #tpu.memory_space<vmem>>
    %dma_wait3A_179 = arith.constant 0 : i32
    %dma_wait3A_180 = arith.constant 0 : i32
    %dma_wait3A_181 = tpu.memref_slice %arg2[%dma_wait3A_179, %dma_wait3A_180] : memref<4095x2048xf32, #tpu.memory_space<hbm>> -> memref<4095x2048xf32, #tpu.memory_space<hbm>>
    tpu.wait_indirect_dma semaphore(%arg10 : memref<!tpu.dma_semaphore, #tpu.memory_space<semaphore_mem>>) src(%dma_wait3A_181 : memref<4095x2048xf32, #tpu.memory_space<hbm>>) dst(%arg7 : memref<16x2048xf32, #tpu.memory_space<vmem>>)
    %dma_start3A_182 = arith.constant 12 : i32
    %dma_start3A_183 = arith.constant 0 : i32
    %dma_start3A_184 = tpu.memref_slice %arg5[%dma_start3A_182, %dma_start3A_183] : memref<16x16xi32, #tpu.memory_space<vmem>> -> memref<1x16xi32, #tpu.memory_space<vmem>>
    %dma_start3A_185 = tpu.memref_squeeze %dma_start3A_184 : memref<1x16xi32, #tpu.memory_space<vmem>> -> memref<16xi32, #tpu.memory_space<vmem>>
    %dma_start3A_186 = arith.constant 0 : i32
    %dma_start3A_187 = arith.constant 0 : i32
    %dma_start3A_188 = tpu.memref_slice %arg2[%dma_start3A_186, %dma_start3A_187] : memref<4095x2048xf32, #tpu.memory_space<hbm>> -> memref<4095x2048xf32, #tpu.memory_space<hbm>>
    tpu.enqueue_indirect_dma source(%dma_start3A_188 : memref<4095x2048xf32, #tpu.memory_space<hbm>>) target(%arg6 : memref<16x2048xf32, #tpu.memory_space<vmem>>) offsets(%dma_start3A_185 : memref<16xi32, #tpu.memory_space<vmem>>) semaphore(%arg9 : memref<!tpu.dma_semaphore, #tpu.memory_space<semaphore_mem>>)
    %add3A_189 = arith.constant 160 : i32
    %add3A_190 = arith.addi %mul3A_2, %add3A_189 : i32
    "tpu.region"() ({
      %run_scoped3A = tpu.sem_alloc : memref<!tpu.dma_semaphore, #tpu.memory_space<semaphore_mem>>
      %dma_start3A_257 = arith.constant 0 : i32
      %dma_start3A_258 = tpu.memref_slice %arg4[%add3A_190, %dma_start3A_257] : memref<8192x2048xf32, #tpu.memory_space<hbm>> -> memref<16x2048xf32, #tpu.memory_space<hbm>>
      %dma_start3A_259 = arith.constant 0 : i32
      %dma_start3A_260 = tpu.memref_slice %arg4[%add3A_190, %dma_start3A_259] : memref<8192x2048xf32, #tpu.memory_space<hbm>> -> memref<16x2048xf32, #tpu.memory_space<hbm>>
      tpu.enqueue_dma source(%arg7 : memref<16x2048xf32, #tpu.memory_space<vmem>>) target(%dma_start3A_260 : memref<16x2048xf32, #tpu.memory_space<hbm>>) target_semaphore(%run_scoped3A : memref<!tpu.dma_semaphore, #tpu.memory_space<semaphore_mem>>)
      %dma_wait3A_261 = arith.constant 0 : i32
      %dma_wait3A_262 = tpu.memref_slice %arg4[%add3A_190, %dma_wait3A_261] : memref<8192x2048xf32, #tpu.memory_space<hbm>> -> memref<16x2048xf32, #tpu.memory_space<hbm>>
      %dma_wait3A_263 = arith.constant 0 : i32
      %dma_wait3A_264 = tpu.memref_slice %arg4[%add3A_190, %dma_wait3A_263] : memref<8192x2048xf32, #tpu.memory_space<hbm>> -> memref<16x2048xf32, #tpu.memory_space<hbm>>
      tpu.wait_dma2 semaphore(%run_scoped3A : memref<!tpu.dma_semaphore, #tpu.memory_space<semaphore_mem>>) src(%arg7 : memref<16x2048xf32, #tpu.memory_space<vmem>>) dst(%dma_wait3A_264 : memref<16x2048xf32, #tpu.memory_space<hbm>>)
      tpu.yield
    }) : () -> ()
    %dma_wait3A_191 = arith.constant 11 : i32
    %dma_wait3A_192 = arith.constant 0 : i32
    %dma_wait3A_193 = tpu.memref_slice %arg5[%dma_wait3A_191, %dma_wait3A_192] : memref<16x16xi32, #tpu.memory_space<vmem>> -> memref<1x16xi32, #tpu.memory_space<vmem>>
    %dma_wait3A_194 = tpu.memref_squeeze %dma_wait3A_193 : memref<1x16xi32, #tpu.memory_space<vmem>> -> memref<16xi32, #tpu.memory_space<vmem>>
    %dma_wait3A_195 = arith.constant 0 : i32
    %dma_wait3A_196 = arith.constant 0 : i32
    %dma_wait3A_197 = tpu.memref_slice %arg2[%dma_wait3A_195, %dma_wait3A_196] : memref<4095x2048xf32, #tpu.memory_space<hbm>> -> memref<4095x2048xf32, #tpu.memory_space<hbm>>
    tpu.wait_indirect_dma semaphore(%arg11 : memref<!tpu.dma_semaphore, #tpu.memory_space<semaphore_mem>>) src(%dma_wait3A_197 : memref<4095x2048xf32, #tpu.memory_space<hbm>>) dst(%arg8 : memref<16x2048xf32, #tpu.memory_space<vmem>>)
    %dma_start3A_198 = arith.constant 13 : i32
    %dma_start3A_199 = arith.constant 0 : i32
    %dma_start3A_200 = tpu.memref_slice %arg5[%dma_start3A_198, %dma_start3A_199] : memref<16x16xi32, #tpu.memory_space<vmem>> -> memref<1x16xi32, #tpu.memory_space<vmem>>
    %dma_start3A_201 = tpu.memref_squeeze %dma_start3A_200 : memref<1x16xi32, #tpu.memory_space<vmem>> -> memref<16xi32, #tpu.memory_space<vmem>>
    %dma_start3A_202 = arith.constant 0 : i32
    %dma_start3A_203 = arith.constant 0 : i32
    %dma_start3A_204 = tpu.memref_slice %arg2[%dma_start3A_202, %dma_start3A_203] : memref<4095x2048xf32, #tpu.memory_space<hbm>> -> memref<4095x2048xf32, #tpu.memory_space<hbm>>
    tpu.enqueue_indirect_dma source(%dma_start3A_204 : memref<4095x2048xf32, #tpu.memory_space<hbm>>) target(%arg7 : memref<16x2048xf32, #tpu.memory_space<vmem>>) offsets(%dma_start3A_201 : memref<16xi32, #tpu.memory_space<vmem>>) semaphore(%arg10 : memref<!tpu.dma_semaphore, #tpu.memory_space<semaphore_mem>>)
    %add3A_205 = arith.constant 176 : i32
    %add3A_206 = arith.addi %mul3A_2, %add3A_205 : i32
    "tpu.region"() ({
      %run_scoped3A = tpu.sem_alloc : memref<!tpu.dma_semaphore, #tpu.memory_space<semaphore_mem>>
      %dma_start3A_257 = arith.constant 0 : i32
      %dma_start3A_258 = tpu.memref_slice %arg4[%add3A_206, %dma_start3A_257] : memref<8192x2048xf32, #tpu.memory_space<hbm>> -> memref<16x2048xf32, #tpu.memory_space<hbm>>
      %dma_start3A_259 = arith.constant 0 : i32
      %dma_start3A_260 = tpu.memref_slice %arg4[%add3A_206, %dma_start3A_259] : memref<8192x2048xf32, #tpu.memory_space<hbm>> -> memref<16x2048xf32, #tpu.memory_space<hbm>>
      tpu.enqueue_dma source(%arg8 : memref<16x2048xf32, #tpu.memory_space<vmem>>) target(%dma_start3A_260 : memref<16x2048xf32, #tpu.memory_space<hbm>>) target_semaphore(%run_scoped3A : memref<!tpu.dma_semaphore, #tpu.memory_space<semaphore_mem>>)
      %dma_wait3A_261 = arith.constant 0 : i32
      %dma_wait3A_262 = tpu.memref_slice %arg4[%add3A_206, %dma_wait3A_261] : memref<8192x2048xf32, #tpu.memory_space<hbm>> -> memref<16x2048xf32, #tpu.memory_space<hbm>>
      %dma_wait3A_263 = arith.constant 0 : i32
      %dma_wait3A_264 = tpu.memref_slice %arg4[%add3A_206, %dma_wait3A_263] : memref<8192x2048xf32, #tpu.memory_space<hbm>> -> memref<16x2048xf32, #tpu.memory_space<hbm>>
      tpu.wait_dma2 semaphore(%run_scoped3A : memref<!tpu.dma_semaphore, #tpu.memory_space<semaphore_mem>>) src(%arg8 : memref<16x2048xf32, #tpu.memory_space<vmem>>) dst(%dma_wait3A_264 : memref<16x2048xf32, #tpu.memory_space<hbm>>)
      tpu.yield
    }) : () -> ()
    %dma_wait3A_207 = arith.constant 12 : i32
    %dma_wait3A_208 = arith.constant 0 : i32
    %dma_wait3A_209 = tpu.memref_slice %arg5[%dma_wait3A_207, %dma_wait3A_208] : memref<16x16xi32, #tpu.memory_space<vmem>> -> memref<1x16xi32, #tpu.memory_space<vmem>>
    %dma_wait3A_210 = tpu.memref_squeeze %dma_wait3A_209 : memref<1x16xi32, #tpu.memory_space<vmem>> -> memref<16xi32, #tpu.memory_space<vmem>>
    %dma_wait3A_211 = arith.constant 0 : i32
    %dma_wait3A_212 = arith.constant 0 : i32
    %dma_wait3A_213 = tpu.memref_slice %arg2[%dma_wait3A_211, %dma_wait3A_212] : memref<4095x2048xf32, #tpu.memory_space<hbm>> -> memref<4095x2048xf32, #tpu.memory_space<hbm>>
    tpu.wait_indirect_dma semaphore(%arg9 : memref<!tpu.dma_semaphore, #tpu.memory_space<semaphore_mem>>) src(%dma_wait3A_213 : memref<4095x2048xf32, #tpu.memory_space<hbm>>) dst(%arg6 : memref<16x2048xf32, #tpu.memory_space<vmem>>)
    %dma_start3A_214 = arith.constant 14 : i32
    %dma_start3A_215 = arith.constant 0 : i32
    %dma_start3A_216 = tpu.memref_slice %arg5[%dma_start3A_214, %dma_start3A_215] : memref<16x16xi32, #tpu.memory_space<vmem>> -> memref<1x16xi32, #tpu.memory_space<vmem>>
    %dma_start3A_217 = tpu.memref_squeeze %dma_start3A_216 : memref<1x16xi32, #tpu.memory_space<vmem>> -> memref<16xi32, #tpu.memory_space<vmem>>
    %dma_start3A_218 = arith.constant 0 : i32
    %dma_start3A_219 = arith.constant 0 : i32
    %dma_start3A_220 = tpu.memref_slice %arg2[%dma_start3A_218, %dma_start3A_219] : memref<4095x2048xf32, #tpu.memory_space<hbm>> -> memref<4095x2048xf32, #tpu.memory_space<hbm>>
    tpu.enqueue_indirect_dma source(%dma_start3A_220 : memref<4095x2048xf32, #tpu.memory_space<hbm>>) target(%arg8 : memref<16x2048xf32, #tpu.memory_space<vmem>>) offsets(%dma_start3A_217 : memref<16xi32, #tpu.memory_space<vmem>>) semaphore(%arg11 : memref<!tpu.dma_semaphore, #tpu.memory_space<semaphore_mem>>)
    %add3A_221 = arith.constant 192 : i32
    %add3A_222 = arith.addi %mul3A_2, %add3A_221 : i32
    "tpu.region"() ({
      %run_scoped3A = tpu.sem_alloc : memref<!tpu.dma_semaphore, #tpu.memory_space<semaphore_mem>>
      %dma_start3A_257 = arith.constant 0 : i32
      %dma_start3A_258 = tpu.memref_slice %arg4[%add3A_222, %dma_start3A_257] : memref<8192x2048xf32, #tpu.memory_space<hbm>> -> memref<16x2048xf32, #tpu.memory_space<hbm>>
      %dma_start3A_259 = arith.constant 0 : i32
      %dma_start3A_260 = tpu.memref_slice %arg4[%add3A_222, %dma_start3A_259] : memref<8192x2048xf32, #tpu.memory_space<hbm>> -> memref<16x2048xf32, #tpu.memory_space<hbm>>
      tpu.enqueue_dma source(%arg6 : memref<16x2048xf32, #tpu.memory_space<vmem>>) target(%dma_start3A_260 : memref<16x2048xf32, #tpu.memory_space<hbm>>) target_semaphore(%run_scoped3A : memref<!tpu.dma_semaphore, #tpu.memory_space<semaphore_mem>>)
      %dma_wait3A_261 = arith.constant 0 : i32
      %dma_wait3A_262 = tpu.memref_slice %arg4[%add3A_222, %dma_wait3A_261] : memref<8192x2048xf32, #tpu.memory_space<hbm>> -> memref<16x2048xf32, #tpu.memory_space<hbm>>
      %dma_wait3A_263 = arith.constant 0 : i32
      %dma_wait3A_264 = tpu.memref_slice %arg4[%add3A_222, %dma_wait3A_263] : memref<8192x2048xf32, #tpu.memory_space<hbm>> -> memref<16x2048xf32, #tpu.memory_space<hbm>>
      tpu.wait_dma2 semaphore(%run_scoped3A : memref<!tpu.dma_semaphore, #tpu.memory_space<semaphore_mem>>) src(%arg6 : memref<16x2048xf32, #tpu.memory_space<vmem>>) dst(%dma_wait3A_264 : memref<16x2048xf32, #tpu.memory_space<hbm>>)
      tpu.yield
    }) : () -> ()
    %dma_wait3A_223 = arith.constant 13 : i32
    %dma_wait3A_224 = arith.constant 0 : i32
    %dma_wait3A_225 = tpu.memref_slice %arg5[%dma_wait3A_223, %dma_wait3A_224] : memref<16x16xi32, #tpu.memory_space<vmem>> -> memref<1x16xi32, #tpu.memory_space<vmem>>
    %dma_wait3A_226 = tpu.memref_squeeze %dma_wait3A_225 : memref<1x16xi32, #tpu.memory_space<vmem>> -> memref<16xi32, #tpu.memory_space<vmem>>
    %dma_wait3A_227 = arith.constant 0 : i32
    %dma_wait3A_228 = arith.constant 0 : i32
    %dma_wait3A_229 = tpu.memref_slice %arg2[%dma_wait3A_227, %dma_wait3A_228] : memref<4095x2048xf32, #tpu.memory_space<hbm>> -> memref<4095x2048xf32, #tpu.memory_space<hbm>>
    tpu.wait_indirect_dma semaphore(%arg10 : memref<!tpu.dma_semaphore, #tpu.memory_space<semaphore_mem>>) src(%dma_wait3A_229 : memref<4095x2048xf32, #tpu.memory_space<hbm>>) dst(%arg7 : memref<16x2048xf32, #tpu.memory_space<vmem>>)
    %dma_start3A_230 = arith.constant 15 : i32
    %dma_start3A_231 = arith.constant 0 : i32
    %dma_start3A_232 = tpu.memref_slice %arg5[%dma_start3A_230, %dma_start3A_231] : memref<16x16xi32, #tpu.memory_space<vmem>> -> memref<1x16xi32, #tpu.memory_space<vmem>>
    %dma_start3A_233 = tpu.memref_squeeze %dma_start3A_232 : memref<1x16xi32, #tpu.memory_space<vmem>> -> memref<16xi32, #tpu.memory_space<vmem>>
    %dma_start3A_234 = arith.constant 0 : i32
    %dma_start3A_235 = arith.constant 0 : i32
    %dma_start3A_236 = tpu.memref_slice %arg2[%dma_start3A_234, %dma_start3A_235] : memref<4095x2048xf32, #tpu.memory_space<hbm>> -> memref<4095x2048xf32, #tpu.memory_space<hbm>>
    tpu.enqueue_indirect_dma source(%dma_start3A_236 : memref<4095x2048xf32, #tpu.memory_space<hbm>>) target(%arg6 : memref<16x2048xf32, #tpu.memory_space<vmem>>) offsets(%dma_start3A_233 : memref<16xi32, #tpu.memory_space<vmem>>) semaphore(%arg9 : memref<!tpu.dma_semaphore, #tpu.memory_space<semaphore_mem>>)
    %add3A_237 = arith.constant 208 : i32
    %add3A_238 = arith.addi %mul3A_2, %add3A_237 : i32
    "tpu.region"() ({
      %run_scoped3A = tpu.sem_alloc : memref<!tpu.dma_semaphore, #tpu.memory_space<semaphore_mem>>
      %dma_start3A_257 = arith.constant 0 : i32
      %dma_start3A_258 = tpu.memref_slice %arg4[%add3A_238, %dma_start3A_257] : memref<8192x2048xf32, #tpu.memory_space<hbm>> -> memref<16x2048xf32, #tpu.memory_space<hbm>>
      %dma_start3A_259 = arith.constant 0 : i32
      %dma_start3A_260 = tpu.memref_slice %arg4[%add3A_238, %dma_start3A_259] : memref<8192x2048xf32, #tpu.memory_space<hbm>> -> memref<16x2048xf32, #tpu.memory_space<hbm>>
      tpu.enqueue_dma source(%arg7 : memref<16x2048xf32, #tpu.memory_space<vmem>>) target(%dma_start3A_260 : memref<16x2048xf32, #tpu.memory_space<hbm>>) target_semaphore(%run_scoped3A : memref<!tpu.dma_semaphore, #tpu.memory_space<semaphore_mem>>)
      %dma_wait3A_261 = arith.constant 0 : i32
      %dma_wait3A_262 = tpu.memref_slice %arg4[%add3A_238, %dma_wait3A_261] : memref<8192x2048xf32, #tpu.memory_space<hbm>> -> memref<16x2048xf32, #tpu.memory_space<hbm>>
      %dma_wait3A_263 = arith.constant 0 : i32
      %dma_wait3A_264 = tpu.memref_slice %arg4[%add3A_238, %dma_wait3A_263] : memref<8192x2048xf32, #tpu.memory_space<hbm>> -> memref<16x2048xf32, #tpu.memory_space<hbm>>
      tpu.wait_dma2 semaphore(%run_scoped3A : memref<!tpu.dma_semaphore, #tpu.memory_space<semaphore_mem>>) src(%arg7 : memref<16x2048xf32, #tpu.memory_space<vmem>>) dst(%dma_wait3A_264 : memref<16x2048xf32, #tpu.memory_space<hbm>>)
      tpu.yield
    }) : () -> ()
    %dma_wait3A_239 = arith.constant 14 : i32
    %dma_wait3A_240 = arith.constant 0 : i32
    %dma_wait3A_241 = tpu.memref_slice %arg5[%dma_wait3A_239, %dma_wait3A_240] : memref<16x16xi32, #tpu.memory_space<vmem>> -> memref<1x16xi32, #tpu.memory_space<vmem>>
    %dma_wait3A_242 = tpu.memref_squeeze %dma_wait3A_241 : memref<1x16xi32, #tpu.memory_space<vmem>> -> memref<16xi32, #tpu.memory_space<vmem>>
    %dma_wait3A_243 = arith.constant 0 : i32
    %dma_wait3A_244 = arith.constant 0 : i32
    %dma_wait3A_245 = tpu.memref_slice %arg2[%dma_wait3A_243, %dma_wait3A_244] : memref<4095x2048xf32, #tpu.memory_space<hbm>> -> memref<4095x2048xf32, #tpu.memory_space<hbm>>
    tpu.wait_indirect_dma semaphore(%arg11 : memref<!tpu.dma_semaphore, #tpu.memory_space<semaphore_mem>>) src(%dma_wait3A_245 : memref<4095x2048xf32, #tpu.memory_space<hbm>>) dst(%arg8 : memref<16x2048xf32, #tpu.memory_space<vmem>>)
    %add3A_246 = arith.constant 224 : i32
    %add3A_247 = arith.addi %mul3A_2, %add3A_246 : i32
    "tpu.region"() ({
      %run_scoped3A = tpu.sem_alloc : memref<!tpu.dma_semaphore, #tpu.memory_space<semaphore_mem>>
      %dma_start3A_257 = arith.constant 0 : i32
      %dma_start3A_258 = tpu.memref_slice %arg4[%add3A_247, %dma_start3A_257] : memref<8192x2048xf32, #tpu.memory_space<hbm>> -> memref<16x2048xf32, #tpu.memory_space<hbm>>
      %dma_start3A_259 = arith.constant 0 : i32
      %dma_start3A_260 = tpu.memref_slice %arg4[%add3A_247, %dma_start3A_259] : memref<8192x2048xf32, #tpu.memory_space<hbm>> -> memref<16x2048xf32, #tpu.memory_space<hbm>>
      tpu.enqueue_dma source(%arg8 : memref<16x2048xf32, #tpu.memory_space<vmem>>) target(%dma_start3A_260 : memref<16x2048xf32, #tpu.memory_space<hbm>>) target_semaphore(%run_scoped3A : memref<!tpu.dma_semaphore, #tpu.memory_space<semaphore_mem>>)
      %dma_wait3A_261 = arith.constant 0 : i32
      %dma_wait3A_262 = tpu.memref_slice %arg4[%add3A_247, %dma_wait3A_261] : memref<8192x2048xf32, #tpu.memory_space<hbm>> -> memref<16x2048xf32, #tpu.memory_space<hbm>>
      %dma_wait3A_263 = arith.constant 0 : i32
      %dma_wait3A_264 = tpu.memref_slice %arg4[%add3A_247, %dma_wait3A_263] : memref<8192x2048xf32, #tpu.memory_space<hbm>> -> memref<16x2048xf32, #tpu.memory_space<hbm>>
      tpu.wait_dma2 semaphore(%run_scoped3A : memref<!tpu.dma_semaphore, #tpu.memory_space<semaphore_mem>>) src(%arg8 : memref<16x2048xf32, #tpu.memory_space<vmem>>) dst(%dma_wait3A_264 : memref<16x2048xf32, #tpu.memory_space<hbm>>)
      tpu.yield
    }) : () -> ()
    %dma_wait3A_248 = arith.constant 15 : i32
    %dma_wait3A_249 = arith.constant 0 : i32
    %dma_wait3A_250 = tpu.memref_slice %arg5[%dma_wait3A_248, %dma_wait3A_249] : memref<16x16xi32, #tpu.memory_space<vmem>> -> memref<1x16xi32, #tpu.memory_space<vmem>>
    %dma_wait3A_251 = tpu.memref_squeeze %dma_wait3A_250 : memref<1x16xi32, #tpu.memory_space<vmem>> -> memref<16xi32, #tpu.memory_space<vmem>>
    %dma_wait3A_252 = arith.constant 0 : i32
    %dma_wait3A_253 = arith.constant 0 : i32
    %dma_wait3A_254 = tpu.memref_slice %arg2[%dma_wait3A_252, %dma_wait3A_253] : memref<4095x2048xf32, #tpu.memory_space<hbm>> -> memref<4095x2048xf32, #tpu.memory_space<hbm>>
    tpu.wait_indirect_dma semaphore(%arg9 : memref<!tpu.dma_semaphore, #tpu.memory_space<semaphore_mem>>) src(%dma_wait3A_254 : memref<4095x2048xf32, #tpu.memory_space<hbm>>) dst(%arg6 : memref<16x2048xf32, #tpu.memory_space<vmem>>)
    %add3A_255 = arith.constant 240 : i32
    %add3A_256 = arith.addi %mul3A_2, %add3A_255 : i32
    "tpu.region"() ({
      %run_scoped3A = tpu.sem_alloc : memref<!tpu.dma_semaphore, #tpu.memory_space<semaphore_mem>>
      %dma_start3A_257 = arith.constant 0 : i32
      %dma_start3A_258 = tpu.memref_slice %arg4[%add3A_256, %dma_start3A_257] : memref<8192x2048xf32, #tpu.memory_space<hbm>> -> memref<16x2048xf32, #tpu.memory_space<hbm>>
      %dma_start3A_259 = arith.constant 0 : i32
      %dma_start3A_260 = tpu.memref_slice %arg4[%add3A_256, %dma_start3A_259] : memref<8192x2048xf32, #tpu.memory_space<hbm>> -> memref<16x2048xf32, #tpu.memory_space<hbm>>
      tpu.enqueue_dma source(%arg6 : memref<16x2048xf32, #tpu.memory_space<vmem>>) target(%dma_start3A_260 : memref<16x2048xf32, #tpu.memory_space<hbm>>) target_semaphore(%run_scoped3A : memref<!tpu.dma_semaphore, #tpu.memory_space<semaphore_mem>>)
      %dma_wait3A_261 = arith.constant 0 : i32
      %dma_wait3A_262 = tpu.memref_slice %arg4[%add3A_256, %dma_wait3A_261] : memref<8192x2048xf32, #tpu.memory_space<hbm>> -> memref<16x2048xf32, #tpu.memory_space<hbm>>
      %dma_wait3A_263 = arith.constant 0 : i32
      %dma_wait3A_264 = tpu.memref_slice %arg4[%add3A_256, %dma_wait3A_263] : memref<8192x2048xf32, #tpu.memory_space<hbm>> -> memref<16x2048xf32, #tpu.memory_space<hbm>>
      tpu.wait_dma2 semaphore(%run_scoped3A : memref<!tpu.dma_semaphore, #tpu.memory_space<semaphore_mem>>) src(%arg6 : memref<16x2048xf32, #tpu.memory_space<vmem>>) dst(%dma_wait3A_264 : memref<16x2048xf32, #tpu.memory_space<hbm>>)
      tpu.yield
    }) : () -> ()
    return
  }
}

#map = affine_map<(d0, d1) -> (0, 0)>
#map1 = affine_map<(d0, d1) -> (0, 0, 0)>
module attributes {stable_mosaic.version = 14 : i64} {
  func.func @_sc_gather_body(%arg0: i32, %arg1: i32, %arg2: memref<4095x2048xf32, #tpu.memory_space<hbm>>, %arg3: memref<32x16x16xi32, #tpu.memory_space<hbm>>, %arg4: memref<8192x2048xf32, #tpu.memory_space<hbm>>, %arg5: memref<16x16xi32, #tpu.memory_space<vmem>>, %arg6: memref<16x2048xf32, #tpu.memory_space<vmem>>, %arg7: memref<16x2048xf32, #tpu.memory_space<vmem>>, %arg8: memref<16x2048xf32, #tpu.memory_space<vmem>>, %arg9: memref<!tpu.dma_semaphore, #tpu.memory_space<semaphore_mem>>, %arg10: memref<!tpu.dma_semaphore, #tpu.memory_space<semaphore_mem>>, %arg11: memref<!tpu.dma_semaphore, #tpu.memory_space<semaphore_mem>>, %arg12: memref<!tpu.dma_semaphore, #tpu.memory_space<semaphore_mem>>, %arg13: memref<!tpu.dma_semaphore, #tpu.memory_space<semaphore_mem>>, %arg14: memref<!tpu.dma_semaphore, #tpu.memory_space<semaphore_mem>>) attributes {dimension_semantics = [#tpu.dimension_semantics<core_parallel>, #tpu.dimension_semantics<subcore_parallel>], iteration_bounds = array<i64: 2, 16>, scalar_prefetch = 0 : i64, scratch_operands = 10 : i64, tpu.core_type = #tpu.core_type<sc_vector_subcore>, window_params = [{transform_indices = #map}, {transform_indices = #map1}, {transform_indices = #map}]} {
    %mul3A = arith.constant 2 : i32
    %mul3A_0 = arith.muli %arg1, %mul3A : i32
    %add3A = arith.addi %mul3A_0, %arg0 : i32
    %mul3A_1 = arith.constant 256 : i32
    %mul3A_2 = arith.muli %add3A, %mul3A_1 : i32
    "tpu.region"() ({
      %run_scoped3A = tpu.sem_alloc : memref<!tpu.dma_semaphore, #tpu.memory_space<semaphore_mem>>
      %dma_start3A_257 = arith.constant 0 : i32
      %dma_start3A_258 = arith.constant 0 : i32
      %dma_start3A_259 = tpu.memref_slice %arg3[%add3A, %dma_start3A_257, %dma_start3A_258] : memref<32x16x16xi32, #tpu.memory_space<hbm>> -> memref<1x16x16xi32, #tpu.memory_space<hbm>>
      %dma_start3A_260 = tpu.memref_squeeze %dma_start3A_259 : memref<1x16x16xi32, #tpu.memory_space<hbm>> -> memref<16x16xi32, #tpu.memory_space<hbm>>
      %dma_start3A_261 = arith.constant 0 : i32
      %dma_start3A_262 = arith.constant 0 : i32
      %dma_start3A_263 = tpu.memref_slice %arg3[%add3A, %dma_start3A_261, %dma_start3A_262] : memref<32x16x16xi32, #tpu.memory_space<hbm>> -> memref<1x16x16xi32, #tpu.memory_space<hbm>>
      %dma_start3A_264 = tpu.memref_squeeze %dma_start3A_263 : memref<1x16x16xi32, #tpu.memory_space<hbm>> -> memref<16x16xi32, #tpu.memory_space<hbm>>
      tpu.enqueue_dma source(%dma_start3A_264 : memref<16x16xi32, #tpu.memory_space<hbm>>) target(%arg5 : memref<16x16xi32, #tpu.memory_space<vmem>>) target_semaphore(%run_scoped3A : memref<!tpu.dma_semaphore, #tpu.memory_space<semaphore_mem>>)
      %dma_wait3A_265 = arith.constant 0 : i32
      %dma_wait3A_266 = arith.constant 0 : i32
      %dma_wait3A_267 = tpu.memref_slice %arg3[%add3A, %dma_wait3A_265, %dma_wait3A_266] : memref<32x16x16xi32, #tpu.memory_space<hbm>> -> memref<1x16x16xi32, #tpu.memory_space<hbm>>
      %dma_wait3A_268 = tpu.memref_squeeze %dma_wait3A_267 : memref<1x16x16xi32, #tpu.memory_space<hbm>> -> memref<16x16xi32, #tpu.memory_space<hbm>>
      %dma_wait3A_269 = arith.constant 0 : i32
      %dma_wait3A_270 = arith.constant 0 : i32
      %dma_wait3A_271 = tpu.memref_slice %arg3[%add3A, %dma_wait3A_269, %dma_wait3A_270] : memref<32x16x16xi32, #tpu.memory_space<hbm>> -> memref<1x16x16xi32, #tpu.memory_space<hbm>>
      %dma_wait3A_272 = tpu.memref_squeeze %dma_wait3A_271 : memref<1x16x16xi32, #tpu.memory_space<hbm>> -> memref<16x16xi32, #tpu.memory_space<hbm>>
      tpu.wait_dma2 semaphore(%run_scoped3A : memref<!tpu.dma_semaphore, #tpu.memory_space<semaphore_mem>>) src(%dma_wait3A_272 : memref<16x16xi32, #tpu.memory_space<hbm>>) dst(%arg5 : memref<16x16xi32, #tpu.memory_space<vmem>>)
      tpu.yield
    }) : () -> ()
    %dma_start3A = arith.constant 0 : i32
    %dma_start3A_3 = arith.constant 0 : i32
    %dma_start3A_4 = tpu.memref_slice %arg5[%dma_start3A, %dma_start3A_3] : memref<16x16xi32, #tpu.memory_space<vmem>> -> memref<1x16xi32, #tpu.memory_space<vmem>>
    %dma_start3A_5 = tpu.memref_squeeze %dma_start3A_4 : memref<1x16xi32, #tpu.memory_space<vmem>> -> memref<16xi32, #tpu.memory_space<vmem>>
    %dma_start3A_6 = arith.constant 0 : i32
    %dma_start3A_7 = arith.constant 0 : i32
    %dma_start3A_8 = tpu.memref_slice %arg2[%dma_start3A_6, %dma_start3A_7] : memref<4095x2048xf32, #tpu.memory_space<hbm>> -> memref<4095x2048xf32, #tpu.memory_space<hbm>>
    tpu.enqueue_indirect_dma source(%dma_start3A_8 : memref<4095x2048xf32, #tpu.memory_space<hbm>>) target(%arg6 : memref<16x2048xf32, #tpu.memory_space<vmem>>) offsets(%dma_start3A_5 : memref<16xi32, #tpu.memory_space<vmem>>) semaphore(%arg9 : memref<!tpu.dma_semaphore, #tpu.memory_space<semaphore_mem>>)
    %dma_start3A_9 = arith.constant 1 : i32
    %dma_start3A_10 = arith.constant 0 : i32
    %dma_start3A_11 = tpu.memref_slice %arg5[%dma_start3A_9, %dma_start3A_10] : memref<16x16xi32, #tpu.memory_space<vmem>> -> memref<1x16xi32, #tpu.memory_space<vmem>>
    %dma_start3A_12 = tpu.memref_squeeze %dma_start3A_11 : memref<1x16xi32, #tpu.memory_space<vmem>> -> memref<16xi32, #tpu.memory_space<vmem>>
    %dma_start3A_13 = arith.constant 0 : i32
    %dma_start3A_14 = arith.constant 0 : i32
    %dma_start3A_15 = tpu.memref_slice %arg2[%dma_start3A_13, %dma_start3A_14] : memref<4095x2048xf32, #tpu.memory_space<hbm>> -> memref<4095x2048xf32, #tpu.memory_space<hbm>>
    tpu.enqueue_indirect_dma source(%dma_start3A_15 : memref<4095x2048xf32, #tpu.memory_space<hbm>>) target(%arg7 : memref<16x2048xf32, #tpu.memory_space<vmem>>) offsets(%dma_start3A_12 : memref<16xi32, #tpu.memory_space<vmem>>) semaphore(%arg10 : memref<!tpu.dma_semaphore, #tpu.memory_space<semaphore_mem>>)
    %dma_wait3A = arith.constant 0 : i32
    %dma_wait3A_16 = arith.constant 0 : i32
    %dma_wait3A_17 = tpu.memref_slice %arg5[%dma_wait3A, %dma_wait3A_16] : memref<16x16xi32, #tpu.memory_space<vmem>> -> memref<1x16xi32, #tpu.memory_space<vmem>>
    %dma_wait3A_18 = tpu.memref_squeeze %dma_wait3A_17 : memref<1x16xi32, #tpu.memory_space<vmem>> -> memref<16xi32, #tpu.memory_space<vmem>>
    %dma_wait3A_19 = arith.constant 0 : i32
    %dma_wait3A_20 = arith.constant 0 : i32
    %dma_wait3A_21 = tpu.memref_slice %arg2[%dma_wait3A_19, %dma_wait3A_20] : memref<4095x2048xf32, #tpu.memory_space<hbm>> -> memref<4095x2048xf32, #tpu.memory_space<hbm>>
    tpu.wait_indirect_dma semaphore(%arg9 : memref<!tpu.dma_semaphore, #tpu.memory_space<semaphore_mem>>) src(%dma_wait3A_21 : memref<4095x2048xf32, #tpu.memory_space<hbm>>) dst(%arg6 : memref<16x2048xf32, #tpu.memory_space<vmem>>)
    %dma_start3A_22 = arith.constant 2 : i32
    %dma_start3A_23 = arith.constant 0 : i32
    %dma_start3A_24 = tpu.memref_slice %arg5[%dma_start3A_22, %dma_start3A_23] : memref<16x16xi32, #tpu.memory_space<vmem>> -> memref<1x16xi32, #tpu.memory_space<vmem>>
    %dma_start3A_25 = tpu.memref_squeeze %dma_start3A_24 : memref<1x16xi32, #tpu.memory_space<vmem>> -> memref<16xi32, #tpu.memory_space<vmem>>
    %dma_start3A_26 = arith.constant 0 : i32
    %dma_start3A_27 = arith.constant 0 : i32
    %dma_start3A_28 = tpu.memref_slice %arg2[%dma_start3A_26, %dma_start3A_27] : memref<4095x2048xf32, #tpu.memory_space<hbm>> -> memref<4095x2048xf32, #tpu.memory_space<hbm>>
    tpu.enqueue_indirect_dma source(%dma_start3A_28 : memref<4095x2048xf32, #tpu.memory_space<hbm>>) target(%arg8 : memref<16x2048xf32, #tpu.memory_space<vmem>>) offsets(%dma_start3A_25 : memref<16xi32, #tpu.memory_space<vmem>>) semaphore(%arg11 : memref<!tpu.dma_semaphore, #tpu.memory_space<semaphore_mem>>)
    %add3A_29 = arith.constant 0 : i32
    %add3A_30 = arith.addi %mul3A_2, %add3A_29 : i32
    "tpu.region"() ({
      %run_scoped3A = tpu.sem_alloc : memref<!tpu.dma_semaphore, #tpu.memory_space<semaphore_mem>>
      %dma_start3A_257 = arith.constant 0 : i32
      %dma_start3A_258 = tpu.memref_slice %arg4[%add3A_30, %dma_start3A_257] : memref<8192x2048xf32, #tpu.memory_space<hbm>> -> memref<16x2048xf32, #tpu.memory_space<hbm>>
      %dma_start3A_259 = arith.constant 0 : i32
      %dma_start3A_260 = tpu.memref_slice %arg4[%add3A_30, %dma_start3A_259] : memref<8192x2048xf32, #tpu.memory_space<hbm>> -> memref<16x2048xf32, #tpu.memory_space<hbm>>
      tpu.enqueue_dma source(%arg6 : memref<16x2048xf32, #tpu.memory_space<vmem>>) target(%dma_start3A_260 : memref<16x2048xf32, #tpu.memory_space<hbm>>) target_semaphore(%run_scoped3A : memref<!tpu.dma_semaphore, #tpu.memory_space<semaphore_mem>>)
      %dma_wait3A_261 = arith.constant 0 : i32
      %dma_wait3A_262 = tpu.memref_slice %arg4[%add3A_30, %dma_wait3A_261] : memref<8192x2048xf32, #tpu.memory_space<hbm>> -> memref<16x2048xf32, #tpu.memory_space<hbm>>
      %dma_wait3A_263 = arith.constant 0 : i32
      %dma_wait3A_264 = tpu.memref_slice %arg4[%add3A_30, %dma_wait3A_263] : memref<8192x2048xf32, #tpu.memory_space<hbm>> -> memref<16x2048xf32, #tpu.memory_space<hbm>>
      tpu.wait_dma2 semaphore(%run_scoped3A : memref<!tpu.dma_semaphore, #tpu.memory_space<semaphore_mem>>) src(%arg6 : memref<16x2048xf32, #tpu.memory_space<vmem>>) dst(%dma_wait3A_264 : memref<16x2048xf32, #tpu.memory_space<hbm>>)
      tpu.yield
    }) : () -> ()
    %dma_wait3A_31 = arith.constant 1 : i32
    %dma_wait3A_32 = arith.constant 0 : i32
    %dma_wait3A_33 = tpu.memref_slice %arg5[%dma_wait3A_31, %dma_wait3A_32] : memref<16x16xi32, #tpu.memory_space<vmem>> -> memref<1x16xi32, #tpu.memory_space<vmem>>
    %dma_wait3A_34 = tpu.memref_squeeze %dma_wait3A_33 : memref<1x16xi32, #tpu.memory_space<vmem>> -> memref<16xi32, #tpu.memory_space<vmem>>
    %dma_wait3A_35 = arith.constant 0 : i32
    %dma_wait3A_36 = arith.constant 0 : i32
    %dma_wait3A_37 = tpu.memref_slice %arg2[%dma_wait3A_35, %dma_wait3A_36] : memref<4095x2048xf32, #tpu.memory_space<hbm>> -> memref<4095x2048xf32, #tpu.memory_space<hbm>>
    tpu.wait_indirect_dma semaphore(%arg10 : memref<!tpu.dma_semaphore, #tpu.memory_space<semaphore_mem>>) src(%dma_wait3A_37 : memref<4095x2048xf32, #tpu.memory_space<hbm>>) dst(%arg7 : memref<16x2048xf32, #tpu.memory_space<vmem>>)
    %dma_start3A_38 = arith.constant 3 : i32
    %dma_start3A_39 = arith.constant 0 : i32
    %dma_start3A_40 = tpu.memref_slice %arg5[%dma_start3A_38, %dma_start3A_39] : memref<16x16xi32, #tpu.memory_space<vmem>> -> memref<1x16xi32, #tpu.memory_space<vmem>>
    %dma_start3A_41 = tpu.memref_squeeze %dma_start3A_40 : memref<1x16xi32, #tpu.memory_space<vmem>> -> memref<16xi32, #tpu.memory_space<vmem>>
    %dma_start3A_42 = arith.constant 0 : i32
    %dma_start3A_43 = arith.constant 0 : i32
    %dma_start3A_44 = tpu.memref_slice %arg2[%dma_start3A_42, %dma_start3A_43] : memref<4095x2048xf32, #tpu.memory_space<hbm>> -> memref<4095x2048xf32, #tpu.memory_space<hbm>>
    tpu.enqueue_indirect_dma source(%dma_start3A_44 : memref<4095x2048xf32, #tpu.memory_space<hbm>>) target(%arg6 : memref<16x2048xf32, #tpu.memory_space<vmem>>) offsets(%dma_start3A_41 : memref<16xi32, #tpu.memory_space<vmem>>) semaphore(%arg9 : memref<!tpu.dma_semaphore, #tpu.memory_space<semaphore_mem>>)
    %add3A_45 = arith.constant 16 : i32
    %add3A_46 = arith.addi %mul3A_2, %add3A_45 : i32
    "tpu.region"() ({
      %run_scoped3A = tpu.sem_alloc : memref<!tpu.dma_semaphore, #tpu.memory_space<semaphore_mem>>
      %dma_start3A_257 = arith.constant 0 : i32
      %dma_start3A_258 = tpu.memref_slice %arg4[%add3A_46, %dma_start3A_257] : memref<8192x2048xf32, #tpu.memory_space<hbm>> -> memref<16x2048xf32, #tpu.memory_space<hbm>>
      %dma_start3A_259 = arith.constant 0 : i32
      %dma_start3A_260 = tpu.memref_slice %arg4[%add3A_46, %dma_start3A_259] : memref<8192x2048xf32, #tpu.memory_space<hbm>> -> memref<16x2048xf32, #tpu.memory_space<hbm>>
      tpu.enqueue_dma source(%arg7 : memref<16x2048xf32, #tpu.memory_space<vmem>>) target(%dma_start3A_260 : memref<16x2048xf32, #tpu.memory_space<hbm>>) target_semaphore(%run_scoped3A : memref<!tpu.dma_semaphore, #tpu.memory_space<semaphore_mem>>)
      %dma_wait3A_261 = arith.constant 0 : i32
      %dma_wait3A_262 = tpu.memref_slice %arg4[%add3A_46, %dma_wait3A_261] : memref<8192x2048xf32, #tpu.memory_space<hbm>> -> memref<16x2048xf32, #tpu.memory_space<hbm>>
      %dma_wait3A_263 = arith.constant 0 : i32
      %dma_wait3A_264 = tpu.memref_slice %arg4[%add3A_46, %dma_wait3A_263] : memref<8192x2048xf32, #tpu.memory_space<hbm>> -> memref<16x2048xf32, #tpu.memory_space<hbm>>
      tpu.wait_dma2 semaphore(%run_scoped3A : memref<!tpu.dma_semaphore, #tpu.memory_space<semaphore_mem>>) src(%arg7 : memref<16x2048xf32, #tpu.memory_space<vmem>>) dst(%dma_wait3A_264 : memref<16x2048xf32, #tpu.memory_space<hbm>>)
      tpu.yield
    }) : () -> ()
    %dma_wait3A_47 = arith.constant 2 : i32
    %dma_wait3A_48 = arith.constant 0 : i32
    %dma_wait3A_49 = tpu.memref_slice %arg5[%dma_wait3A_47, %dma_wait3A_48] : memref<16x16xi32, #tpu.memory_space<vmem>> -> memref<1x16xi32, #tpu.memory_space<vmem>>
    %dma_wait3A_50 = tpu.memref_squeeze %dma_wait3A_49 : memref<1x16xi32, #tpu.memory_space<vmem>> -> memref<16xi32, #tpu.memory_space<vmem>>
    %dma_wait3A_51 = arith.constant 0 : i32
    %dma_wait3A_52 = arith.constant 0 : i32
    %dma_wait3A_53 = tpu.memref_slice %arg2[%dma_wait3A_51, %dma_wait3A_52] : memref<4095x2048xf32, #tpu.memory_space<hbm>> -> memref<4095x2048xf32, #tpu.memory_space<hbm>>
    tpu.wait_indirect_dma semaphore(%arg11 : memref<!tpu.dma_semaphore, #tpu.memory_space<semaphore_mem>>) src(%dma_wait3A_53 : memref<4095x2048xf32, #tpu.memory_space<hbm>>) dst(%arg8 : memref<16x2048xf32, #tpu.memory_space<vmem>>)
    %dma_start3A_54 = arith.constant 4 : i32
    %dma_start3A_55 = arith.constant 0 : i32
    %dma_start3A_56 = tpu.memref_slice %arg5[%dma_start3A_54, %dma_start3A_55] : memref<16x16xi32, #tpu.memory_space<vmem>> -> memref<1x16xi32, #tpu.memory_space<vmem>>
    %dma_start3A_57 = tpu.memref_squeeze %dma_start3A_56 : memref<1x16xi32, #tpu.memory_space<vmem>> -> memref<16xi32, #tpu.memory_space<vmem>>
    %dma_start3A_58 = arith.constant 0 : i32
    %dma_start3A_59 = arith.constant 0 : i32
    %dma_start3A_60 = tpu.memref_slice %arg2[%dma_start3A_58, %dma_start3A_59] : memref<4095x2048xf32, #tpu.memory_space<hbm>> -> memref<4095x2048xf32, #tpu.memory_space<hbm>>
    tpu.enqueue_indirect_dma source(%dma_start3A_60 : memref<4095x2048xf32, #tpu.memory_space<hbm>>) target(%arg7 : memref<16x2048xf32, #tpu.memory_space<vmem>>) offsets(%dma_start3A_57 : memref<16xi32, #tpu.memory_space<vmem>>) semaphore(%arg10 : memref<!tpu.dma_semaphore, #tpu.memory_space<semaphore_mem>>)
    %add3A_61 = arith.constant 32 : i32
    %add3A_62 = arith.addi %mul3A_2, %add3A_61 : i32
    "tpu.region"() ({
      %run_scoped3A = tpu.sem_alloc : memref<!tpu.dma_semaphore, #tpu.memory_space<semaphore_mem>>
      %dma_start3A_257 = arith.constant 0 : i32
      %dma_start3A_258 = tpu.memref_slice %arg4[%add3A_62, %dma_start3A_257] : memref<8192x2048xf32, #tpu.memory_space<hbm>> -> memref<16x2048xf32, #tpu.memory_space<hbm>>
      %dma_start3A_259 = arith.constant 0 : i32
      %dma_start3A_260 = tpu.memref_slice %arg4[%add3A_62, %dma_start3A_259] : memref<8192x2048xf32, #tpu.memory_space<hbm>> -> memref<16x2048xf32, #tpu.memory_space<hbm>>
      tpu.enqueue_dma source(%arg8 : memref<16x2048xf32, #tpu.memory_space<vmem>>) target(%dma_start3A_260 : memref<16x2048xf32, #tpu.memory_space<hbm>>) target_semaphore(%run_scoped3A : memref<!tpu.dma_semaphore, #tpu.memory_space<semaphore_mem>>)
      %dma_wait3A_261 = arith.constant 0 : i32
      %dma_wait3A_262 = tpu.memref_slice %arg4[%add3A_62, %dma_wait3A_261] : memref<8192x2048xf32, #tpu.memory_space<hbm>> -> memref<16x2048xf32, #tpu.memory_space<hbm>>
      %dma_wait3A_263 = arith.constant 0 : i32
      %dma_wait3A_264 = tpu.memref_slice %arg4[%add3A_62, %dma_wait3A_263] : memref<8192x2048xf32, #tpu.memory_space<hbm>> -> memref<16x2048xf32, #tpu.memory_space<hbm>>
      tpu.wait_dma2 semaphore(%run_scoped3A : memref<!tpu.dma_semaphore, #tpu.memory_space<semaphore_mem>>) src(%arg8 : memref<16x2048xf32, #tpu.memory_space<vmem>>) dst(%dma_wait3A_264 : memref<16x2048xf32, #tpu.memory_space<hbm>>)
      tpu.yield
    }) : () -> ()
    %dma_wait3A_63 = arith.constant 3 : i32
    %dma_wait3A_64 = arith.constant 0 : i32
    %dma_wait3A_65 = tpu.memref_slice %arg5[%dma_wait3A_63, %dma_wait3A_64] : memref<16x16xi32, #tpu.memory_space<vmem>> -> memref<1x16xi32, #tpu.memory_space<vmem>>
    %dma_wait3A_66 = tpu.memref_squeeze %dma_wait3A_65 : memref<1x16xi32, #tpu.memory_space<vmem>> -> memref<16xi32, #tpu.memory_space<vmem>>
    %dma_wait3A_67 = arith.constant 0 : i32
    %dma_wait3A_68 = arith.constant 0 : i32
    %dma_wait3A_69 = tpu.memref_slice %arg2[%dma_wait3A_67, %dma_wait3A_68] : memref<4095x2048xf32, #tpu.memory_space<hbm>> -> memref<4095x2048xf32, #tpu.memory_space<hbm>>
    tpu.wait_indirect_dma semaphore(%arg9 : memref<!tpu.dma_semaphore, #tpu.memory_space<semaphore_mem>>) src(%dma_wait3A_69 : memref<4095x2048xf32, #tpu.memory_space<hbm>>) dst(%arg6 : memref<16x2048xf32, #tpu.memory_space<vmem>>)
    %dma_start3A_70 = arith.constant 5 : i32
    %dma_start3A_71 = arith.constant 0 : i32
    %dma_start3A_72 = tpu.memref_slice %arg5[%dma_start3A_70, %dma_start3A_71] : memref<16x16xi32, #tpu.memory_space<vmem>> -> memref<1x16xi32, #tpu.memory_space<vmem>>
    %dma_start3A_73 = tpu.memref_squeeze %dma_start3A_72 : memref<1x16xi32, #tpu.memory_space<vmem>> -> memref<16xi32, #tpu.memory_space<vmem>>
    %dma_start3A_74 = arith.constant 0 : i32
    %dma_start3A_75 = arith.constant 0 : i32
    %dma_start3A_76 = tpu.memref_slice %arg2[%dma_start3A_74, %dma_start3A_75] : memref<4095x2048xf32, #tpu.memory_space<hbm>> -> memref<4095x2048xf32, #tpu.memory_space<hbm>>
    tpu.enqueue_indirect_dma source(%dma_start3A_76 : memref<4095x2048xf32, #tpu.memory_space<hbm>>) target(%arg8 : memref<16x2048xf32, #tpu.memory_space<vmem>>) offsets(%dma_start3A_73 : memref<16xi32, #tpu.memory_space<vmem>>) semaphore(%arg11 : memref<!tpu.dma_semaphore, #tpu.memory_space<semaphore_mem>>)
    %add3A_77 = arith.constant 48 : i32
    %add3A_78 = arith.addi %mul3A_2, %add3A_77 : i32
    "tpu.region"() ({
      %run_scoped3A = tpu.sem_alloc : memref<!tpu.dma_semaphore, #tpu.memory_space<semaphore_mem>>
      %dma_start3A_257 = arith.constant 0 : i32
      %dma_start3A_258 = tpu.memref_slice %arg4[%add3A_78, %dma_start3A_257] : memref<8192x2048xf32, #tpu.memory_space<hbm>> -> memref<16x2048xf32, #tpu.memory_space<hbm>>
      %dma_start3A_259 = arith.constant 0 : i32
      %dma_start3A_260 = tpu.memref_slice %arg4[%add3A_78, %dma_start3A_259] : memref<8192x2048xf32, #tpu.memory_space<hbm>> -> memref<16x2048xf32, #tpu.memory_space<hbm>>
      tpu.enqueue_dma source(%arg6 : memref<16x2048xf32, #tpu.memory_space<vmem>>) target(%dma_start3A_260 : memref<16x2048xf32, #tpu.memory_space<hbm>>) target_semaphore(%run_scoped3A : memref<!tpu.dma_semaphore, #tpu.memory_space<semaphore_mem>>)
      %dma_wait3A_261 = arith.constant 0 : i32
      %dma_wait3A_262 = tpu.memref_slice %arg4[%add3A_78, %dma_wait3A_261] : memref<8192x2048xf32, #tpu.memory_space<hbm>> -> memref<16x2048xf32, #tpu.memory_space<hbm>>
      %dma_wait3A_263 = arith.constant 0 : i32
      %dma_wait3A_264 = tpu.memref_slice %arg4[%add3A_78, %dma_wait3A_263] : memref<8192x2048xf32, #tpu.memory_space<hbm>> -> memref<16x2048xf32, #tpu.memory_space<hbm>>
      tpu.wait_dma2 semaphore(%run_scoped3A : memref<!tpu.dma_semaphore, #tpu.memory_space<semaphore_mem>>) src(%arg6 : memref<16x2048xf32, #tpu.memory_space<vmem>>) dst(%dma_wait3A_264 : memref<16x2048xf32, #tpu.memory_space<hbm>>)
      tpu.yield
    }) : () -> ()
    %dma_wait3A_79 = arith.constant 4 : i32
    %dma_wait3A_80 = arith.constant 0 : i32
    %dma_wait3A_81 = tpu.memref_slice %arg5[%dma_wait3A_79, %dma_wait3A_80] : memref<16x16xi32, #tpu.memory_space<vmem>> -> memref<1x16xi32, #tpu.memory_space<vmem>>
    %dma_wait3A_82 = tpu.memref_squeeze %dma_wait3A_81 : memref<1x16xi32, #tpu.memory_space<vmem>> -> memref<16xi32, #tpu.memory_space<vmem>>
    %dma_wait3A_83 = arith.constant 0 : i32
    %dma_wait3A_84 = arith.constant 0 : i32
    %dma_wait3A_85 = tpu.memref_slice %arg2[%dma_wait3A_83, %dma_wait3A_84] : memref<4095x2048xf32, #tpu.memory_space<hbm>> -> memref<4095x2048xf32, #tpu.memory_space<hbm>>
    tpu.wait_indirect_dma semaphore(%arg10 : memref<!tpu.dma_semaphore, #tpu.memory_space<semaphore_mem>>) src(%dma_wait3A_85 : memref<4095x2048xf32, #tpu.memory_space<hbm>>) dst(%arg7 : memref<16x2048xf32, #tpu.memory_space<vmem>>)
    %dma_start3A_86 = arith.constant 6 : i32
    %dma_start3A_87 = arith.constant 0 : i32
    %dma_start3A_88 = tpu.memref_slice %arg5[%dma_start3A_86, %dma_start3A_87] : memref<16x16xi32, #tpu.memory_space<vmem>> -> memref<1x16xi32, #tpu.memory_space<vmem>>
    %dma_start3A_89 = tpu.memref_squeeze %dma_start3A_88 : memref<1x16xi32, #tpu.memory_space<vmem>> -> memref<16xi32, #tpu.memory_space<vmem>>
    %dma_start3A_90 = arith.constant 0 : i32
    %dma_start3A_91 = arith.constant 0 : i32
    %dma_start3A_92 = tpu.memref_slice %arg2[%dma_start3A_90, %dma_start3A_91] : memref<4095x2048xf32, #tpu.memory_space<hbm>> -> memref<4095x2048xf32, #tpu.memory_space<hbm>>
    tpu.enqueue_indirect_dma source(%dma_start3A_92 : memref<4095x2048xf32, #tpu.memory_space<hbm>>) target(%arg6 : memref<16x2048xf32, #tpu.memory_space<vmem>>) offsets(%dma_start3A_89 : memref<16xi32, #tpu.memory_space<vmem>>) semaphore(%arg9 : memref<!tpu.dma_semaphore, #tpu.memory_space<semaphore_mem>>)
    %add3A_93 = arith.constant 64 : i32
    %add3A_94 = arith.addi %mul3A_2, %add3A_93 : i32
    "tpu.region"() ({
      %run_scoped3A = tpu.sem_alloc : memref<!tpu.dma_semaphore, #tpu.memory_space<semaphore_mem>>
      %dma_start3A_257 = arith.constant 0 : i32
      %dma_start3A_258 = tpu.memref_slice %arg4[%add3A_94, %dma_start3A_257] : memref<8192x2048xf32, #tpu.memory_space<hbm>> -> memref<16x2048xf32, #tpu.memory_space<hbm>>
      %dma_start3A_259 = arith.constant 0 : i32
      %dma_start3A_260 = tpu.memref_slice %arg4[%add3A_94, %dma_start3A_259] : memref<8192x2048xf32, #tpu.memory_space<hbm>> -> memref<16x2048xf32, #tpu.memory_space<hbm>>
      tpu.enqueue_dma source(%arg7 : memref<16x2048xf32, #tpu.memory_space<vmem>>) target(%dma_start3A_260 : memref<16x2048xf32, #tpu.memory_space<hbm>>) target_semaphore(%run_scoped3A : memref<!tpu.dma_semaphore, #tpu.memory_space<semaphore_mem>>)
      %dma_wait3A_261 = arith.constant 0 : i32
      %dma_wait3A_262 = tpu.memref_slice %arg4[%add3A_94, %dma_wait3A_261] : memref<8192x2048xf32, #tpu.memory_space<hbm>> -> memref<16x2048xf32, #tpu.memory_space<hbm>>
      %dma_wait3A_263 = arith.constant 0 : i32
      %dma_wait3A_264 = tpu.memref_slice %arg4[%add3A_94, %dma_wait3A_263] : memref<8192x2048xf32, #tpu.memory_space<hbm>> -> memref<16x2048xf32, #tpu.memory_space<hbm>>
      tpu.wait_dma2 semaphore(%run_scoped3A : memref<!tpu.dma_semaphore, #tpu.memory_space<semaphore_mem>>) src(%arg7 : memref<16x2048xf32, #tpu.memory_space<vmem>>) dst(%dma_wait3A_264 : memref<16x2048xf32, #tpu.memory_space<hbm>>)
      tpu.yield
    }) : () -> ()
    %dma_wait3A_95 = arith.constant 5 : i32
    %dma_wait3A_96 = arith.constant 0 : i32
    %dma_wait3A_97 = tpu.memref_slice %arg5[%dma_wait3A_95, %dma_wait3A_96] : memref<16x16xi32, #tpu.memory_space<vmem>> -> memref<1x16xi32, #tpu.memory_space<vmem>>
    %dma_wait3A_98 = tpu.memref_squeeze %dma_wait3A_97 : memref<1x16xi32, #tpu.memory_space<vmem>> -> memref<16xi32, #tpu.memory_space<vmem>>
    %dma_wait3A_99 = arith.constant 0 : i32
    %dma_wait3A_100 = arith.constant 0 : i32
    %dma_wait3A_101 = tpu.memref_slice %arg2[%dma_wait3A_99, %dma_wait3A_100] : memref<4095x2048xf32, #tpu.memory_space<hbm>> -> memref<4095x2048xf32, #tpu.memory_space<hbm>>
    tpu.wait_indirect_dma semaphore(%arg11 : memref<!tpu.dma_semaphore, #tpu.memory_space<semaphore_mem>>) src(%dma_wait3A_101 : memref<4095x2048xf32, #tpu.memory_space<hbm>>) dst(%arg8 : memref<16x2048xf32, #tpu.memory_space<vmem>>)
    %dma_start3A_102 = arith.constant 7 : i32
    %dma_start3A_103 = arith.constant 0 : i32
    %dma_start3A_104 = tpu.memref_slice %arg5[%dma_start3A_102, %dma_start3A_103] : memref<16x16xi32, #tpu.memory_space<vmem>> -> memref<1x16xi32, #tpu.memory_space<vmem>>
    %dma_start3A_105 = tpu.memref_squeeze %dma_start3A_104 : memref<1x16xi32, #tpu.memory_space<vmem>> -> memref<16xi32, #tpu.memory_space<vmem>>
    %dma_start3A_106 = arith.constant 0 : i32
    %dma_start3A_107 = arith.constant 0 : i32
    %dma_start3A_108 = tpu.memref_slice %arg2[%dma_start3A_106, %dma_start3A_107] : memref<4095x2048xf32, #tpu.memory_space<hbm>> -> memref<4095x2048xf32, #tpu.memory_space<hbm>>
    tpu.enqueue_indirect_dma source(%dma_start3A_108 : memref<4095x2048xf32, #tpu.memory_space<hbm>>) target(%arg7 : memref<16x2048xf32, #tpu.memory_space<vmem>>) offsets(%dma_start3A_105 : memref<16xi32, #tpu.memory_space<vmem>>) semaphore(%arg10 : memref<!tpu.dma_semaphore, #tpu.memory_space<semaphore_mem>>)
    %add3A_109 = arith.constant 80 : i32
    %add3A_110 = arith.addi %mul3A_2, %add3A_109 : i32
    "tpu.region"() ({
      %run_scoped3A = tpu.sem_alloc : memref<!tpu.dma_semaphore, #tpu.memory_space<semaphore_mem>>
      %dma_start3A_257 = arith.constant 0 : i32
      %dma_start3A_258 = tpu.memref_slice %arg4[%add3A_110, %dma_start3A_257] : memref<8192x2048xf32, #tpu.memory_space<hbm>> -> memref<16x2048xf32, #tpu.memory_space<hbm>>
      %dma_start3A_259 = arith.constant 0 : i32
      %dma_start3A_260 = tpu.memref_slice %arg4[%add3A_110, %dma_start3A_259] : memref<8192x2048xf32, #tpu.memory_space<hbm>> -> memref<16x2048xf32, #tpu.memory_space<hbm>>
      tpu.enqueue_dma source(%arg8 : memref<16x2048xf32, #tpu.memory_space<vmem>>) target(%dma_start3A_260 : memref<16x2048xf32, #tpu.memory_space<hbm>>) target_semaphore(%run_scoped3A : memref<!tpu.dma_semaphore, #tpu.memory_space<semaphore_mem>>)
      %dma_wait3A_261 = arith.constant 0 : i32
      %dma_wait3A_262 = tpu.memref_slice %arg4[%add3A_110, %dma_wait3A_261] : memref<8192x2048xf32, #tpu.memory_space<hbm>> -> memref<16x2048xf32, #tpu.memory_space<hbm>>
      %dma_wait3A_263 = arith.constant 0 : i32
      %dma_wait3A_264 = tpu.memref_slice %arg4[%add3A_110, %dma_wait3A_263] : memref<8192x2048xf32, #tpu.memory_space<hbm>> -> memref<16x2048xf32, #tpu.memory_space<hbm>>
      tpu.wait_dma2 semaphore(%run_scoped3A : memref<!tpu.dma_semaphore, #tpu.memory_space<semaphore_mem>>) src(%arg8 : memref<16x2048xf32, #tpu.memory_space<vmem>>) dst(%dma_wait3A_264 : memref<16x2048xf32, #tpu.memory_space<hbm>>)
      tpu.yield
    }) : () -> ()
    %dma_wait3A_111 = arith.constant 6 : i32
    %dma_wait3A_112 = arith.constant 0 : i32
    %dma_wait3A_113 = tpu.memref_slice %arg5[%dma_wait3A_111, %dma_wait3A_112] : memref<16x16xi32, #tpu.memory_space<vmem>> -> memref<1x16xi32, #tpu.memory_space<vmem>>
    %dma_wait3A_114 = tpu.memref_squeeze %dma_wait3A_113 : memref<1x16xi32, #tpu.memory_space<vmem>> -> memref<16xi32, #tpu.memory_space<vmem>>
    %dma_wait3A_115 = arith.constant 0 : i32
    %dma_wait3A_116 = arith.constant 0 : i32
    %dma_wait3A_117 = tpu.memref_slice %arg2[%dma_wait3A_115, %dma_wait3A_116] : memref<4095x2048xf32, #tpu.memory_space<hbm>> -> memref<4095x2048xf32, #tpu.memory_space<hbm>>
    tpu.wait_indirect_dma semaphore(%arg9 : memref<!tpu.dma_semaphore, #tpu.memory_space<semaphore_mem>>) src(%dma_wait3A_117 : memref<4095x2048xf32, #tpu.memory_space<hbm>>) dst(%arg6 : memref<16x2048xf32, #tpu.memory_space<vmem>>)
    %dma_start3A_118 = arith.constant 8 : i32
    %dma_start3A_119 = arith.constant 0 : i32
    %dma_start3A_120 = tpu.memref_slice %arg5[%dma_start3A_118, %dma_start3A_119] : memref<16x16xi32, #tpu.memory_space<vmem>> -> memref<1x16xi32, #tpu.memory_space<vmem>>
    %dma_start3A_121 = tpu.memref_squeeze %dma_start3A_120 : memref<1x16xi32, #tpu.memory_space<vmem>> -> memref<16xi32, #tpu.memory_space<vmem>>
    %dma_start3A_122 = arith.constant 0 : i32
    %dma_start3A_123 = arith.constant 0 : i32
    %dma_start3A_124 = tpu.memref_slice %arg2[%dma_start3A_122, %dma_start3A_123] : memref<4095x2048xf32, #tpu.memory_space<hbm>> -> memref<4095x2048xf32, #tpu.memory_space<hbm>>
    tpu.enqueue_indirect_dma source(%dma_start3A_124 : memref<4095x2048xf32, #tpu.memory_space<hbm>>) target(%arg8 : memref<16x2048xf32, #tpu.memory_space<vmem>>) offsets(%dma_start3A_121 : memref<16xi32, #tpu.memory_space<vmem>>) semaphore(%arg11 : memref<!tpu.dma_semaphore, #tpu.memory_space<semaphore_mem>>)
    %add3A_125 = arith.constant 96 : i32
    %add3A_126 = arith.addi %mul3A_2, %add3A_125 : i32
    "tpu.region"() ({
      %run_scoped3A = tpu.sem_alloc : memref<!tpu.dma_semaphore, #tpu.memory_space<semaphore_mem>>
      %dma_start3A_257 = arith.constant 0 : i32
      %dma_start3A_258 = tpu.memref_slice %arg4[%add3A_126, %dma_start3A_257] : memref<8192x2048xf32, #tpu.memory_space<hbm>> -> memref<16x2048xf32, #tpu.memory_space<hbm>>
      %dma_start3A_259 = arith.constant 0 : i32
      %dma_start3A_260 = tpu.memref_slice %arg4[%add3A_126, %dma_start3A_259] : memref<8192x2048xf32, #tpu.memory_space<hbm>> -> memref<16x2048xf32, #tpu.memory_space<hbm>>
      tpu.enqueue_dma source(%arg6 : memref<16x2048xf32, #tpu.memory_space<vmem>>) target(%dma_start3A_260 : memref<16x2048xf32, #tpu.memory_space<hbm>>) target_semaphore(%run_scoped3A : memref<!tpu.dma_semaphore, #tpu.memory_space<semaphore_mem>>)
      %dma_wait3A_261 = arith.constant 0 : i32
      %dma_wait3A_262 = tpu.memref_slice %arg4[%add3A_126, %dma_wait3A_261] : memref<8192x2048xf32, #tpu.memory_space<hbm>> -> memref<16x2048xf32, #tpu.memory_space<hbm>>
      %dma_wait3A_263 = arith.constant 0 : i32
      %dma_wait3A_264 = tpu.memref_slice %arg4[%add3A_126, %dma_wait3A_263] : memref<8192x2048xf32, #tpu.memory_space<hbm>> -> memref<16x2048xf32, #tpu.memory_space<hbm>>
      tpu.wait_dma2 semaphore(%run_scoped3A : memref<!tpu.dma_semaphore, #tpu.memory_space<semaphore_mem>>) src(%arg6 : memref<16x2048xf32, #tpu.memory_space<vmem>>) dst(%dma_wait3A_264 : memref<16x2048xf32, #tpu.memory_space<hbm>>)
      tpu.yield
    }) : () -> ()
    %dma_wait3A_127 = arith.constant 7 : i32
    %dma_wait3A_128 = arith.constant 0 : i32
    %dma_wait3A_129 = tpu.memref_slice %arg5[%dma_wait3A_127, %dma_wait3A_128] : memref<16x16xi32, #tpu.memory_space<vmem>> -> memref<1x16xi32, #tpu.memory_space<vmem>>
    %dma_wait3A_130 = tpu.memref_squeeze %dma_wait3A_129 : memref<1x16xi32, #tpu.memory_space<vmem>> -> memref<16xi32, #tpu.memory_space<vmem>>
    %dma_wait3A_131 = arith.constant 0 : i32
    %dma_wait3A_132 = arith.constant 0 : i32
    %dma_wait3A_133 = tpu.memref_slice %arg2[%dma_wait3A_131, %dma_wait3A_132] : memref<4095x2048xf32, #tpu.memory_space<hbm>> -> memref<4095x2048xf32, #tpu.memory_space<hbm>>
    tpu.wait_indirect_dma semaphore(%arg10 : memref<!tpu.dma_semaphore, #tpu.memory_space<semaphore_mem>>) src(%dma_wait3A_133 : memref<4095x2048xf32, #tpu.memory_space<hbm>>) dst(%arg7 : memref<16x2048xf32, #tpu.memory_space<vmem>>)
    %dma_start3A_134 = arith.constant 9 : i32
    %dma_start3A_135 = arith.constant 0 : i32
    %dma_start3A_136 = tpu.memref_slice %arg5[%dma_start3A_134, %dma_start3A_135] : memref<16x16xi32, #tpu.memory_space<vmem>> -> memref<1x16xi32, #tpu.memory_space<vmem>>
    %dma_start3A_137 = tpu.memref_squeeze %dma_start3A_136 : memref<1x16xi32, #tpu.memory_space<vmem>> -> memref<16xi32, #tpu.memory_space<vmem>>
    %dma_start3A_138 = arith.constant 0 : i32
    %dma_start3A_139 = arith.constant 0 : i32
    %dma_start3A_140 = tpu.memref_slice %arg2[%dma_start3A_138, %dma_start3A_139] : memref<4095x2048xf32, #tpu.memory_space<hbm>> -> memref<4095x2048xf32, #tpu.memory_space<hbm>>
    tpu.enqueue_indirect_dma source(%dma_start3A_140 : memref<4095x2048xf32, #tpu.memory_space<hbm>>) target(%arg6 : memref<16x2048xf32, #tpu.memory_space<vmem>>) offsets(%dma_start3A_137 : memref<16xi32, #tpu.memory_space<vmem>>) semaphore(%arg9 : memref<!tpu.dma_semaphore, #tpu.memory_space<semaphore_mem>>)
    %add3A_141 = arith.constant 112 : i32
    %add3A_142 = arith.addi %mul3A_2, %add3A_141 : i32
    "tpu.region"() ({
      %run_scoped3A = tpu.sem_alloc : memref<!tpu.dma_semaphore, #tpu.memory_space<semaphore_mem>>
      %dma_start3A_257 = arith.constant 0 : i32
      %dma_start3A_258 = tpu.memref_slice %arg4[%add3A_142, %dma_start3A_257] : memref<8192x2048xf32, #tpu.memory_space<hbm>> -> memref<16x2048xf32, #tpu.memory_space<hbm>>
      %dma_start3A_259 = arith.constant 0 : i32
      %dma_start3A_260 = tpu.memref_slice %arg4[%add3A_142, %dma_start3A_259] : memref<8192x2048xf32, #tpu.memory_space<hbm>> -> memref<16x2048xf32, #tpu.memory_space<hbm>>
      tpu.enqueue_dma source(%arg7 : memref<16x2048xf32, #tpu.memory_space<vmem>>) target(%dma_start3A_260 : memref<16x2048xf32, #tpu.memory_space<hbm>>) target_semaphore(%run_scoped3A : memref<!tpu.dma_semaphore, #tpu.memory_space<semaphore_mem>>)
      %dma_wait3A_261 = arith.constant 0 : i32
      %dma_wait3A_262 = tpu.memref_slice %arg4[%add3A_142, %dma_wait3A_261] : memref<8192x2048xf32, #tpu.memory_space<hbm>> -> memref<16x2048xf32, #tpu.memory_space<hbm>>
      %dma_wait3A_263 = arith.constant 0 : i32
      %dma_wait3A_264 = tpu.memref_slice %arg4[%add3A_142, %dma_wait3A_263] : memref<8192x2048xf32, #tpu.memory_space<hbm>> -> memref<16x2048xf32, #tpu.memory_space<hbm>>
      tpu.wait_dma2 semaphore(%run_scoped3A : memref<!tpu.dma_semaphore, #tpu.memory_space<semaphore_mem>>) src(%arg7 : memref<16x2048xf32, #tpu.memory_space<vmem>>) dst(%dma_wait3A_264 : memref<16x2048xf32, #tpu.memory_space<hbm>>)
      tpu.yield
    }) : () -> ()
    %dma_wait3A_143 = arith.constant 8 : i32
    %dma_wait3A_144 = arith.constant 0 : i32
    %dma_wait3A_145 = tpu.memref_slice %arg5[%dma_wait3A_143, %dma_wait3A_144] : memref<16x16xi32, #tpu.memory_space<vmem>> -> memref<1x16xi32, #tpu.memory_space<vmem>>
    %dma_wait3A_146 = tpu.memref_squeeze %dma_wait3A_145 : memref<1x16xi32, #tpu.memory_space<vmem>> -> memref<16xi32, #tpu.memory_space<vmem>>
    %dma_wait3A_147 = arith.constant 0 : i32
    %dma_wait3A_148 = arith.constant 0 : i32
    %dma_wait3A_149 = tpu.memref_slice %arg2[%dma_wait3A_147, %dma_wait3A_148] : memref<4095x2048xf32, #tpu.memory_space<hbm>> -> memref<4095x2048xf32, #tpu.memory_space<hbm>>
    tpu.wait_indirect_dma semaphore(%arg11 : memref<!tpu.dma_semaphore, #tpu.memory_space<semaphore_mem>>) src(%dma_wait3A_149 : memref<4095x2048xf32, #tpu.memory_space<hbm>>) dst(%arg8 : memref<16x2048xf32, #tpu.memory_space<vmem>>)
    %dma_start3A_150 = arith.constant 10 : i32
    %dma_start3A_151 = arith.constant 0 : i32
    %dma_start3A_152 = tpu.memref_slice %arg5[%dma_start3A_150, %dma_start3A_151] : memref<16x16xi32, #tpu.memory_space<vmem>> -> memref<1x16xi32, #tpu.memory_space<vmem>>
    %dma_start3A_153 = tpu.memref_squeeze %dma_start3A_152 : memref<1x16xi32, #tpu.memory_space<vmem>> -> memref<16xi32, #tpu.memory_space<vmem>>
    %dma_start3A_154 = arith.constant 0 : i32
    %dma_start3A_155 = arith.constant 0 : i32
    %dma_start3A_156 = tpu.memref_slice %arg2[%dma_start3A_154, %dma_start3A_155] : memref<4095x2048xf32, #tpu.memory_space<hbm>> -> memref<4095x2048xf32, #tpu.memory_space<hbm>>
    tpu.enqueue_indirect_dma source(%dma_start3A_156 : memref<4095x2048xf32, #tpu.memory_space<hbm>>) target(%arg7 : memref<16x2048xf32, #tpu.memory_space<vmem>>) offsets(%dma_start3A_153 : memref<16xi32, #tpu.memory_space<vmem>>) semaphore(%arg10 : memref<!tpu.dma_semaphore, #tpu.memory_space<semaphore_mem>>)
    %add3A_157 = arith.constant 128 : i32
    %add3A_158 = arith.addi %mul3A_2, %add3A_157 : i32
    "tpu.region"() ({
      %run_scoped3A = tpu.sem_alloc : memref<!tpu.dma_semaphore, #tpu.memory_space<semaphore_mem>>
      %dma_start3A_257 = arith.constant 0 : i32
      %dma_start3A_258 = tpu.memref_slice %arg4[%add3A_158, %dma_start3A_257] : memref<8192x2048xf32, #tpu.memory_space<hbm>> -> memref<16x2048xf32, #tpu.memory_space<hbm>>
      %dma_start3A_259 = arith.constant 0 : i32
      %dma_start3A_260 = tpu.memref_slice %arg4[%add3A_158, %dma_start3A_259] : memref<8192x2048xf32, #tpu.memory_space<hbm>> -> memref<16x2048xf32, #tpu.memory_space<hbm>>
      tpu.enqueue_dma source(%arg8 : memref<16x2048xf32, #tpu.memory_space<vmem>>) target(%dma_start3A_260 : memref<16x2048xf32, #tpu.memory_space<hbm>>) target_semaphore(%run_scoped3A : memref<!tpu.dma_semaphore, #tpu.memory_space<semaphore_mem>>)
      %dma_wait3A_261 = arith.constant 0 : i32
      %dma_wait3A_262 = tpu.memref_slice %arg4[%add3A_158, %dma_wait3A_261] : memref<8192x2048xf32, #tpu.memory_space<hbm>> -> memref<16x2048xf32, #tpu.memory_space<hbm>>
      %dma_wait3A_263 = arith.constant 0 : i32
      %dma_wait3A_264 = tpu.memref_slice %arg4[%add3A_158, %dma_wait3A_263] : memref<8192x2048xf32, #tpu.memory_space<hbm>> -> memref<16x2048xf32, #tpu.memory_space<hbm>>
      tpu.wait_dma2 semaphore(%run_scoped3A : memref<!tpu.dma_semaphore, #tpu.memory_space<semaphore_mem>>) src(%arg8 : memref<16x2048xf32, #tpu.memory_space<vmem>>) dst(%dma_wait3A_264 : memref<16x2048xf32, #tpu.memory_space<hbm>>)
      tpu.yield
    }) : () -> ()
    %dma_wait3A_159 = arith.constant 9 : i32
    %dma_wait3A_160 = arith.constant 0 : i32
    %dma_wait3A_161 = tpu.memref_slice %arg5[%dma_wait3A_159, %dma_wait3A_160] : memref<16x16xi32, #tpu.memory_space<vmem>> -> memref<1x16xi32, #tpu.memory_space<vmem>>
    %dma_wait3A_162 = tpu.memref_squeeze %dma_wait3A_161 : memref<1x16xi32, #tpu.memory_space<vmem>> -> memref<16xi32, #tpu.memory_space<vmem>>
    %dma_wait3A_163 = arith.constant 0 : i32
    %dma_wait3A_164 = arith.constant 0 : i32
    %dma_wait3A_165 = tpu.memref_slice %arg2[%dma_wait3A_163, %dma_wait3A_164] : memref<4095x2048xf32, #tpu.memory_space<hbm>> -> memref<4095x2048xf32, #tpu.memory_space<hbm>>
    tpu.wait_indirect_dma semaphore(%arg9 : memref<!tpu.dma_semaphore, #tpu.memory_space<semaphore_mem>>) src(%dma_wait3A_165 : memref<4095x2048xf32, #tpu.memory_space<hbm>>) dst(%arg6 : memref<16x2048xf32, #tpu.memory_space<vmem>>)
    %dma_start3A_166 = arith.constant 11 : i32
    %dma_start3A_167 = arith.constant 0 : i32
    %dma_start3A_168 = tpu.memref_slice %arg5[%dma_start3A_166, %dma_start3A_167] : memref<16x16xi32, #tpu.memory_space<vmem>> -> memref<1x16xi32, #tpu.memory_space<vmem>>
    %dma_start3A_169 = tpu.memref_squeeze %dma_start3A_168 : memref<1x16xi32, #tpu.memory_space<vmem>> -> memref<16xi32, #tpu.memory_space<vmem>>
    %dma_start3A_170 = arith.constant 0 : i32
    %dma_start3A_171 = arith.constant 0 : i32
    %dma_start3A_172 = tpu.memref_slice %arg2[%dma_start3A_170, %dma_start3A_171] : memref<4095x2048xf32, #tpu.memory_space<hbm>> -> memref<4095x2048xf32, #tpu.memory_space<hbm>>
    tpu.enqueue_indirect_dma source(%dma_start3A_172 : memref<4095x2048xf32, #tpu.memory_space<hbm>>) target(%arg8 : memref<16x2048xf32, #tpu.memory_space<vmem>>) offsets(%dma_start3A_169 : memref<16xi32, #tpu.memory_space<vmem>>) semaphore(%arg11 : memref<!tpu.dma_semaphore, #tpu.memory_space<semaphore_mem>>)
    %add3A_173 = arith.constant 144 : i32
    %add3A_174 = arith.addi %mul3A_2, %add3A_173 : i32
    "tpu.region"() ({
      %run_scoped3A = tpu.sem_alloc : memref<!tpu.dma_semaphore, #tpu.memory_space<semaphore_mem>>
      %dma_start3A_257 = arith.constant 0 : i32
      %dma_start3A_258 = tpu.memref_slice %arg4[%add3A_174, %dma_start3A_257] : memref<8192x2048xf32, #tpu.memory_space<hbm>> -> memref<16x2048xf32, #tpu.memory_space<hbm>>
      %dma_start3A_259 = arith.constant 0 : i32
      %dma_start3A_260 = tpu.memref_slice %arg4[%add3A_174, %dma_start3A_259] : memref<8192x2048xf32, #tpu.memory_space<hbm>> -> memref<16x2048xf32, #tpu.memory_space<hbm>>
      tpu.enqueue_dma source(%arg6 : memref<16x2048xf32, #tpu.memory_space<vmem>>) target(%dma_start3A_260 : memref<16x2048xf32, #tpu.memory_space<hbm>>) target_semaphore(%run_scoped3A : memref<!tpu.dma_semaphore, #tpu.memory_space<semaphore_mem>>)
      %dma_wait3A_261 = arith.constant 0 : i32
      %dma_wait3A_262 = tpu.memref_slice %arg4[%add3A_174, %dma_wait3A_261] : memref<8192x2048xf32, #tpu.memory_space<hbm>> -> memref<16x2048xf32, #tpu.memory_space<hbm>>
      %dma_wait3A_263 = arith.constant 0 : i32
      %dma_wait3A_264 = tpu.memref_slice %arg4[%add3A_174, %dma_wait3A_263] : memref<8192x2048xf32, #tpu.memory_space<hbm>> -> memref<16x2048xf32, #tpu.memory_space<hbm>>
      tpu.wait_dma2 semaphore(%run_scoped3A : memref<!tpu.dma_semaphore, #tpu.memory_space<semaphore_mem>>) src(%arg6 : memref<16x2048xf32, #tpu.memory_space<vmem>>) dst(%dma_wait3A_264 : memref<16x2048xf32, #tpu.memory_space<hbm>>)
      tpu.yield
    }) : () -> ()
    %dma_wait3A_175 = arith.constant 10 : i32
    %dma_wait3A_176 = arith.constant 0 : i32
    %dma_wait3A_177 = tpu.memref_slice %arg5[%dma_wait3A_175, %dma_wait3A_176] : memref<16x16xi32, #tpu.memory_space<vmem>> -> memref<1x16xi32, #tpu.memory_space<vmem>>
    %dma_wait3A_178 = tpu.memref_squeeze %dma_wait3A_177 : memref<1x16xi32, #tpu.memory_space<vmem>> -> memref<16xi32, #tpu.memory_space<vmem>>
    %dma_wait3A_179 = arith.constant 0 : i32
    %dma_wait3A_180 = arith.constant 0 : i32
    %dma_wait3A_181 = tpu.memref_slice %arg2[%dma_wait3A_179, %dma_wait3A_180] : memref<4095x2048xf32, #tpu.memory_space<hbm>> -> memref<4095x2048xf32, #tpu.memory_space<hbm>>
    tpu.wait_indirect_dma semaphore(%arg10 : memref<!tpu.dma_semaphore, #tpu.memory_space<semaphore_mem>>) src(%dma_wait3A_181 : memref<4095x2048xf32, #tpu.memory_space<hbm>>) dst(%arg7 : memref<16x2048xf32, #tpu.memory_space<vmem>>)
    %dma_start3A_182 = arith.constant 12 : i32
    %dma_start3A_183 = arith.constant 0 : i32
    %dma_start3A_184 = tpu.memref_slice %arg5[%dma_start3A_182, %dma_start3A_183] : memref<16x16xi32, #tpu.memory_space<vmem>> -> memref<1x16xi32, #tpu.memory_space<vmem>>
    %dma_start3A_185 = tpu.memref_squeeze %dma_start3A_184 : memref<1x16xi32, #tpu.memory_space<vmem>> -> memref<16xi32, #tpu.memory_space<vmem>>
    %dma_start3A_186 = arith.constant 0 : i32
    %dma_start3A_187 = arith.constant 0 : i32
    %dma_start3A_188 = tpu.memref_slice %arg2[%dma_start3A_186, %dma_start3A_187] : memref<4095x2048xf32, #tpu.memory_space<hbm>> -> memref<4095x2048xf32, #tpu.memory_space<hbm>>
    tpu.enqueue_indirect_dma source(%dma_start3A_188 : memref<4095x2048xf32, #tpu.memory_space<hbm>>) target(%arg6 : memref<16x2048xf32, #tpu.memory_space<vmem>>) offsets(%dma_start3A_185 : memref<16xi32, #tpu.memory_space<vmem>>) semaphore(%arg9 : memref<!tpu.dma_semaphore, #tpu.memory_space<semaphore_mem>>)
    %add3A_189 = arith.constant 160 : i32
    %add3A_190 = arith.addi %mul3A_2, %add3A_189 : i32
    "tpu.region"() ({
      %run_scoped3A = tpu.sem_alloc : memref<!tpu.dma_semaphore, #tpu.memory_space<semaphore_mem>>
      %dma_start3A_257 = arith.constant 0 : i32
      %dma_start3A_258 = tpu.memref_slice %arg4[%add3A_190, %dma_start3A_257] : memref<8192x2048xf32, #tpu.memory_space<hbm>> -> memref<16x2048xf32, #tpu.memory_space<hbm>>
      %dma_start3A_259 = arith.constant 0 : i32
      %dma_start3A_260 = tpu.memref_slice %arg4[%add3A_190, %dma_start3A_259] : memref<8192x2048xf32, #tpu.memory_space<hbm>> -> memref<16x2048xf32, #tpu.memory_space<hbm>>
      tpu.enqueue_dma source(%arg7 : memref<16x2048xf32, #tpu.memory_space<vmem>>) target(%dma_start3A_260 : memref<16x2048xf32, #tpu.memory_space<hbm>>) target_semaphore(%run_scoped3A : memref<!tpu.dma_semaphore, #tpu.memory_space<semaphore_mem>>)
      %dma_wait3A_261 = arith.constant 0 : i32
      %dma_wait3A_262 = tpu.memref_slice %arg4[%add3A_190, %dma_wait3A_261] : memref<8192x2048xf32, #tpu.memory_space<hbm>> -> memref<16x2048xf32, #tpu.memory_space<hbm>>
      %dma_wait3A_263 = arith.constant 0 : i32
      %dma_wait3A_264 = tpu.memref_slice %arg4[%add3A_190, %dma_wait3A_263] : memref<8192x2048xf32, #tpu.memory_space<hbm>> -> memref<16x2048xf32, #tpu.memory_space<hbm>>
      tpu.wait_dma2 semaphore(%run_scoped3A : memref<!tpu.dma_semaphore, #tpu.memory_space<semaphore_mem>>) src(%arg7 : memref<16x2048xf32, #tpu.memory_space<vmem>>) dst(%dma_wait3A_264 : memref<16x2048xf32, #tpu.memory_space<hbm>>)
      tpu.yield
    }) : () -> ()
    %dma_wait3A_191 = arith.constant 11 : i32
    %dma_wait3A_192 = arith.constant 0 : i32
    %dma_wait3A_193 = tpu.memref_slice %arg5[%dma_wait3A_191, %dma_wait3A_192] : memref<16x16xi32, #tpu.memory_space<vmem>> -> memref<1x16xi32, #tpu.memory_space<vmem>>
    %dma_wait3A_194 = tpu.memref_squeeze %dma_wait3A_193 : memref<1x16xi32, #tpu.memory_space<vmem>> -> memref<16xi32, #tpu.memory_space<vmem>>
    %dma_wait3A_195 = arith.constant 0 : i32
    %dma_wait3A_196 = arith.constant 0 : i32
    %dma_wait3A_197 = tpu.memref_slice %arg2[%dma_wait3A_195, %dma_wait3A_196] : memref<4095x2048xf32, #tpu.memory_space<hbm>> -> memref<4095x2048xf32, #tpu.memory_space<hbm>>
    tpu.wait_indirect_dma semaphore(%arg11 : memref<!tpu.dma_semaphore, #tpu.memory_space<semaphore_mem>>) src(%dma_wait3A_197 : memref<4095x2048xf32, #tpu.memory_space<hbm>>) dst(%arg8 : memref<16x2048xf32, #tpu.memory_space<vmem>>)
    %dma_start3A_198 = arith.constant 13 : i32
    %dma_start3A_199 = arith.constant 0 : i32
    %dma_start3A_200 = tpu.memref_slice %arg5[%dma_start3A_198, %dma_start3A_199] : memref<16x16xi32, #tpu.memory_space<vmem>> -> memref<1x16xi32, #tpu.memory_space<vmem>>
    %dma_start3A_201 = tpu.memref_squeeze %dma_start3A_200 : memref<1x16xi32, #tpu.memory_space<vmem>> -> memref<16xi32, #tpu.memory_space<vmem>>
    %dma_start3A_202 = arith.constant 0 : i32
    %dma_start3A_203 = arith.constant 0 : i32
    %dma_start3A_204 = tpu.memref_slice %arg2[%dma_start3A_202, %dma_start3A_203] : memref<4095x2048xf32, #tpu.memory_space<hbm>> -> memref<4095x2048xf32, #tpu.memory_space<hbm>>
    tpu.enqueue_indirect_dma source(%dma_start3A_204 : memref<4095x2048xf32, #tpu.memory_space<hbm>>) target(%arg7 : memref<16x2048xf32, #tpu.memory_space<vmem>>) offsets(%dma_start3A_201 : memref<16xi32, #tpu.memory_space<vmem>>) semaphore(%arg10 : memref<!tpu.dma_semaphore, #tpu.memory_space<semaphore_mem>>)
    %add3A_205 = arith.constant 176 : i32
    %add3A_206 = arith.addi %mul3A_2, %add3A_205 : i32
    "tpu.region"() ({
      %run_scoped3A = tpu.sem_alloc : memref<!tpu.dma_semaphore, #tpu.memory_space<semaphore_mem>>
      %dma_start3A_257 = arith.constant 0 : i32
      %dma_start3A_258 = tpu.memref_slice %arg4[%add3A_206, %dma_start3A_257] : memref<8192x2048xf32, #tpu.memory_space<hbm>> -> memref<16x2048xf32, #tpu.memory_space<hbm>>
      %dma_start3A_259 = arith.constant 0 : i32
      %dma_start3A_260 = tpu.memref_slice %arg4[%add3A_206, %dma_start3A_259] : memref<8192x2048xf32, #tpu.memory_space<hbm>> -> memref<16x2048xf32, #tpu.memory_space<hbm>>
      tpu.enqueue_dma source(%arg8 : memref<16x2048xf32, #tpu.memory_space<vmem>>) target(%dma_start3A_260 : memref<16x2048xf32, #tpu.memory_space<hbm>>) target_semaphore(%run_scoped3A : memref<!tpu.dma_semaphore, #tpu.memory_space<semaphore_mem>>)
      %dma_wait3A_261 = arith.constant 0 : i32
      %dma_wait3A_262 = tpu.memref_slice %arg4[%add3A_206, %dma_wait3A_261] : memref<8192x2048xf32, #tpu.memory_space<hbm>> -> memref<16x2048xf32, #tpu.memory_space<hbm>>
      %dma_wait3A_263 = arith.constant 0 : i32
      %dma_wait3A_264 = tpu.memref_slice %arg4[%add3A_206, %dma_wait3A_263] : memref<8192x2048xf32, #tpu.memory_space<hbm>> -> memref<16x2048xf32, #tpu.memory_space<hbm>>
      tpu.wait_dma2 semaphore(%run_scoped3A : memref<!tpu.dma_semaphore, #tpu.memory_space<semaphore_mem>>) src(%arg8 : memref<16x2048xf32, #tpu.memory_space<vmem>>) dst(%dma_wait3A_264 : memref<16x2048xf32, #tpu.memory_space<hbm>>)
      tpu.yield
    }) : () -> ()
    %dma_wait3A_207 = arith.constant 12 : i32
    %dma_wait3A_208 = arith.constant 0 : i32
    %dma_wait3A_209 = tpu.memref_slice %arg5[%dma_wait3A_207, %dma_wait3A_208] : memref<16x16xi32, #tpu.memory_space<vmem>> -> memref<1x16xi32, #tpu.memory_space<vmem>>
    %dma_wait3A_210 = tpu.memref_squeeze %dma_wait3A_209 : memref<1x16xi32, #tpu.memory_space<vmem>> -> memref<16xi32, #tpu.memory_space<vmem>>
    %dma_wait3A_211 = arith.constant 0 : i32
    %dma_wait3A_212 = arith.constant 0 : i32
    %dma_wait3A_213 = tpu.memref_slice %arg2[%dma_wait3A_211, %dma_wait3A_212] : memref<4095x2048xf32, #tpu.memory_space<hbm>> -> memref<4095x2048xf32, #tpu.memory_space<hbm>>
    tpu.wait_indirect_dma semaphore(%arg9 : memref<!tpu.dma_semaphore, #tpu.memory_space<semaphore_mem>>) src(%dma_wait3A_213 : memref<4095x2048xf32, #tpu.memory_space<hbm>>) dst(%arg6 : memref<16x2048xf32, #tpu.memory_space<vmem>>)
    %dma_start3A_214 = arith.constant 14 : i32
    %dma_start3A_215 = arith.constant 0 : i32
    %dma_start3A_216 = tpu.memref_slice %arg5[%dma_start3A_214, %dma_start3A_215] : memref<16x16xi32, #tpu.memory_space<vmem>> -> memref<1x16xi32, #tpu.memory_space<vmem>>
    %dma_start3A_217 = tpu.memref_squeeze %dma_start3A_216 : memref<1x16xi32, #tpu.memory_space<vmem>> -> memref<16xi32, #tpu.memory_space<vmem>>
    %dma_start3A_218 = arith.constant 0 : i32
    %dma_start3A_219 = arith.constant 0 : i32
    %dma_start3A_220 = tpu.memref_slice %arg2[%dma_start3A_218, %dma_start3A_219] : memref<4095x2048xf32, #tpu.memory_space<hbm>> -> memref<4095x2048xf32, #tpu.memory_space<hbm>>
    tpu.enqueue_indirect_dma source(%dma_start3A_220 : memref<4095x2048xf32, #tpu.memory_space<hbm>>) target(%arg8 : memref<16x2048xf32, #tpu.memory_space<vmem>>) offsets(%dma_start3A_217 : memref<16xi32, #tpu.memory_space<vmem>>) semaphore(%arg11 : memref<!tpu.dma_semaphore, #tpu.memory_space<semaphore_mem>>)
    %add3A_221 = arith.constant 192 : i32
    %add3A_222 = arith.addi %mul3A_2, %add3A_221 : i32
    "tpu.region"() ({
      %run_scoped3A = tpu.sem_alloc : memref<!tpu.dma_semaphore, #tpu.memory_space<semaphore_mem>>
      %dma_start3A_257 = arith.constant 0 : i32
      %dma_start3A_258 = tpu.memref_slice %arg4[%add3A_222, %dma_start3A_257] : memref<8192x2048xf32, #tpu.memory_space<hbm>> -> memref<16x2048xf32, #tpu.memory_space<hbm>>
      %dma_start3A_259 = arith.constant 0 : i32
      %dma_start3A_260 = tpu.memref_slice %arg4[%add3A_222, %dma_start3A_259] : memref<8192x2048xf32, #tpu.memory_space<hbm>> -> memref<16x2048xf32, #tpu.memory_space<hbm>>
      tpu.enqueue_dma source(%arg6 : memref<16x2048xf32, #tpu.memory_space<vmem>>) target(%dma_start3A_260 : memref<16x2048xf32, #tpu.memory_space<hbm>>) target_semaphore(%run_scoped3A : memref<!tpu.dma_semaphore, #tpu.memory_space<semaphore_mem>>)
      %dma_wait3A_261 = arith.constant 0 : i32
      %dma_wait3A_262 = tpu.memref_slice %arg4[%add3A_222, %dma_wait3A_261] : memref<8192x2048xf32, #tpu.memory_space<hbm>> -> memref<16x2048xf32, #tpu.memory_space<hbm>>
      %dma_wait3A_263 = arith.constant 0 : i32
      %dma_wait3A_264 = tpu.memref_slice %arg4[%add3A_222, %dma_wait3A_263] : memref<8192x2048xf32, #tpu.memory_space<hbm>> -> memref<16x2048xf32, #tpu.memory_space<hbm>>
      tpu.wait_dma2 semaphore(%run_scoped3A : memref<!tpu.dma_semaphore, #tpu.memory_space<semaphore_mem>>) src(%arg6 : memref<16x2048xf32, #tpu.memory_space<vmem>>) dst(%dma_wait3A_264 : memref<16x2048xf32, #tpu.memory_space<hbm>>)
      tpu.yield
    }) : () -> ()
    %dma_wait3A_223 = arith.constant 13 : i32
    %dma_wait3A_224 = arith.constant 0 : i32
    %dma_wait3A_225 = tpu.memref_slice %arg5[%dma_wait3A_223, %dma_wait3A_224] : memref<16x16xi32, #tpu.memory_space<vmem>> -> memref<1x16xi32, #tpu.memory_space<vmem>>
    %dma_wait3A_226 = tpu.memref_squeeze %dma_wait3A_225 : memref<1x16xi32, #tpu.memory_space<vmem>> -> memref<16xi32, #tpu.memory_space<vmem>>
    %dma_wait3A_227 = arith.constant 0 : i32
    %dma_wait3A_228 = arith.constant 0 : i32
    %dma_wait3A_229 = tpu.memref_slice %arg2[%dma_wait3A_227, %dma_wait3A_228] : memref<4095x2048xf32, #tpu.memory_space<hbm>> -> memref<4095x2048xf32, #tpu.memory_space<hbm>>
    tpu.wait_indirect_dma semaphore(%arg10 : memref<!tpu.dma_semaphore, #tpu.memory_space<semaphore_mem>>) src(%dma_wait3A_229 : memref<4095x2048xf32, #tpu.memory_space<hbm>>) dst(%arg7 : memref<16x2048xf32, #tpu.memory_space<vmem>>)
    %dma_start3A_230 = arith.constant 15 : i32
    %dma_start3A_231 = arith.constant 0 : i32
    %dma_start3A_232 = tpu.memref_slice %arg5[%dma_start3A_230, %dma_start3A_231] : memref<16x16xi32, #tpu.memory_space<vmem>> -> memref<1x16xi32, #tpu.memory_space<vmem>>
    %dma_start3A_233 = tpu.memref_squeeze %dma_start3A_232 : memref<1x16xi32, #tpu.memory_space<vmem>> -> memref<16xi32, #tpu.memory_space<vmem>>
    %dma_start3A_234 = arith.constant 0 : i32
    %dma_start3A_235 = arith.constant 0 : i32
    %dma_start3A_236 = tpu.memref_slice %arg2[%dma_start3A_234, %dma_start3A_235] : memref<4095x2048xf32, #tpu.memory_space<hbm>> -> memref<4095x2048xf32, #tpu.memory_space<hbm>>
    tpu.enqueue_indirect_dma source(%dma_start3A_236 : memref<4095x2048xf32, #tpu.memory_space<hbm>>) target(%arg6 : memref<16x2048xf32, #tpu.memory_space<vmem>>) offsets(%dma_start3A_233 : memref<16xi32, #tpu.memory_space<vmem>>) semaphore(%arg9 : memref<!tpu.dma_semaphore, #tpu.memory_space<semaphore_mem>>)
    %add3A_237 = arith.constant 208 : i32
    %add3A_238 = arith.addi %mul3A_2, %add3A_237 : i32
    "tpu.region"() ({
      %run_scoped3A = tpu.sem_alloc : memref<!tpu.dma_semaphore, #tpu.memory_space<semaphore_mem>>
      %dma_start3A_257 = arith.constant 0 : i32
      %dma_start3A_258 = tpu.memref_slice %arg4[%add3A_238, %dma_start3A_257] : memref<8192x2048xf32, #tpu.memory_space<hbm>> -> memref<16x2048xf32, #tpu.memory_space<hbm>>
      %dma_start3A_259 = arith.constant 0 : i32
      %dma_start3A_260 = tpu.memref_slice %arg4[%add3A_238, %dma_start3A_259] : memref<8192x2048xf32, #tpu.memory_space<hbm>> -> memref<16x2048xf32, #tpu.memory_space<hbm>>
      tpu.enqueue_dma source(%arg7 : memref<16x2048xf32, #tpu.memory_space<vmem>>) target(%dma_start3A_260 : memref<16x2048xf32, #tpu.memory_space<hbm>>) target_semaphore(%run_scoped3A : memref<!tpu.dma_semaphore, #tpu.memory_space<semaphore_mem>>)
      %dma_wait3A_261 = arith.constant 0 : i32
      %dma_wait3A_262 = tpu.memref_slice %arg4[%add3A_238, %dma_wait3A_261] : memref<8192x2048xf32, #tpu.memory_space<hbm>> -> memref<16x2048xf32, #tpu.memory_space<hbm>>
      %dma_wait3A_263 = arith.constant 0 : i32
      %dma_wait3A_264 = tpu.memref_slice %arg4[%add3A_238, %dma_wait3A_263] : memref<8192x2048xf32, #tpu.memory_space<hbm>> -> memref<16x2048xf32, #tpu.memory_space<hbm>>
      tpu.wait_dma2 semaphore(%run_scoped3A : memref<!tpu.dma_semaphore, #tpu.memory_space<semaphore_mem>>) src(%arg7 : memref<16x2048xf32, #tpu.memory_space<vmem>>) dst(%dma_wait3A_264 : memref<16x2048xf32, #tpu.memory_space<hbm>>)
      tpu.yield
    }) : () -> ()
    %dma_wait3A_239 = arith.constant 14 : i32
    %dma_wait3A_240 = arith.constant 0 : i32
    %dma_wait3A_241 = tpu.memref_slice %arg5[%dma_wait3A_239, %dma_wait3A_240] : memref<16x16xi32, #tpu.memory_space<vmem>> -> memref<1x16xi32, #tpu.memory_space<vmem>>
    %dma_wait3A_242 = tpu.memref_squeeze %dma_wait3A_241 : memref<1x16xi32, #tpu.memory_space<vmem>> -> memref<16xi32, #tpu.memory_space<vmem>>
    %dma_wait3A_243 = arith.constant 0 : i32
    %dma_wait3A_244 = arith.constant 0 : i32
    %dma_wait3A_245 = tpu.memref_slice %arg2[%dma_wait3A_243, %dma_wait3A_244] : memref<4095x2048xf32, #tpu.memory_space<hbm>> -> memref<4095x2048xf32, #tpu.memory_space<hbm>>
    tpu.wait_indirect_dma semaphore(%arg11 : memref<!tpu.dma_semaphore, #tpu.memory_space<semaphore_mem>>) src(%dma_wait3A_245 : memref<4095x2048xf32, #tpu.memory_space<hbm>>) dst(%arg8 : memref<16x2048xf32, #tpu.memory_space<vmem>>)
    %add3A_246 = arith.constant 224 : i32
    %add3A_247 = arith.addi %mul3A_2, %add3A_246 : i32
    "tpu.region"() ({
      %run_scoped3A = tpu.sem_alloc : memref<!tpu.dma_semaphore, #tpu.memory_space<semaphore_mem>>
      %dma_start3A_257 = arith.constant 0 : i32
      %dma_start3A_258 = tpu.memref_slice %arg4[%add3A_247, %dma_start3A_257] : memref<8192x2048xf32, #tpu.memory_space<hbm>> -> memref<16x2048xf32, #tpu.memory_space<hbm>>
      %dma_start3A_259 = arith.constant 0 : i32
      %dma_start3A_260 = tpu.memref_slice %arg4[%add3A_247, %dma_start3A_259] : memref<8192x2048xf32, #tpu.memory_space<hbm>> -> memref<16x2048xf32, #tpu.memory_space<hbm>>
      tpu.enqueue_dma source(%arg8 : memref<16x2048xf32, #tpu.memory_space<vmem>>) target(%dma_start3A_260 : memref<16x2048xf32, #tpu.memory_space<hbm>>) target_semaphore(%run_scoped3A : memref<!tpu.dma_semaphore, #tpu.memory_space<semaphore_mem>>)
      %dma_wait3A_261 = arith.constant 0 : i32
      %dma_wait3A_262 = tpu.memref_slice %arg4[%add3A_247, %dma_wait3A_261] : memref<8192x2048xf32, #tpu.memory_space<hbm>> -> memref<16x2048xf32, #tpu.memory_space<hbm>>
      %dma_wait3A_263 = arith.constant 0 : i32
      %dma_wait3A_264 = tpu.memref_slice %arg4[%add3A_247, %dma_wait3A_263] : memref<8192x2048xf32, #tpu.memory_space<hbm>> -> memref<16x2048xf32, #tpu.memory_space<hbm>>
      tpu.wait_dma2 semaphore(%run_scoped3A : memref<!tpu.dma_semaphore, #tpu.memory_space<semaphore_mem>>) src(%arg8 : memref<16x2048xf32, #tpu.memory_space<vmem>>) dst(%dma_wait3A_264 : memref<16x2048xf32, #tpu.memory_space<hbm>>)
      tpu.yield
    }) : () -> ()
    %dma_wait3A_248 = arith.constant 15 : i32
    %dma_wait3A_249 = arith.constant 0 : i32
    %dma_wait3A_250 = tpu.memref_slice %arg5[%dma_wait3A_248, %dma_wait3A_249] : memref<16x16xi32, #tpu.memory_space<vmem>> -> memref<1x16xi32, #tpu.memory_space<vmem>>
    %dma_wait3A_251 = tpu.memref_squeeze %dma_wait3A_250 : memref<1x16xi32, #tpu.memory_space<vmem>> -> memref<16xi32, #tpu.memory_space<vmem>>
    %dma_wait3A_252 = arith.constant 0 : i32
    %dma_wait3A_253 = arith.constant 0 : i32
    %dma_wait3A_254 = tpu.memref_slice %arg2[%dma_wait3A_252, %dma_wait3A_253] : memref<4095x2048xf32, #tpu.memory_space<hbm>> -> memref<4095x2048xf32, #tpu.memory_space<hbm>>
    tpu.wait_indirect_dma semaphore(%arg9 : memref<!tpu.dma_semaphore, #tpu.memory_space<semaphore_mem>>) src(%dma_wait3A_254 : memref<4095x2048xf32, #tpu.memory_space<hbm>>) dst(%arg6 : memref<16x2048xf32, #tpu.memory_space<vmem>>)
    %add3A_255 = arith.constant 240 : i32
    %add3A_256 = arith.addi %mul3A_2, %add3A_255 : i32
    "tpu.region"() ({
      %run_scoped3A = tpu.sem_alloc : memref<!tpu.dma_semaphore, #tpu.memory_space<semaphore_mem>>
      %dma_start3A_257 = arith.constant 0 : i32
      %dma_start3A_258 = tpu.memref_slice %arg4[%add3A_256, %dma_start3A_257] : memref<8192x2048xf32, #tpu.memory_space<hbm>> -> memref<16x2048xf32, #tpu.memory_space<hbm>>
      %dma_start3A_259 = arith.constant 0 : i32
      %dma_start3A_260 = tpu.memref_slice %arg4[%add3A_256, %dma_start3A_259] : memref<8192x2048xf32, #tpu.memory_space<hbm>> -> memref<16x2048xf32, #tpu.memory_space<hbm>>
      tpu.enqueue_dma source(%arg6 : memref<16x2048xf32, #tpu.memory_space<vmem>>) target(%dma_start3A_260 : memref<16x2048xf32, #tpu.memory_space<hbm>>) target_semaphore(%run_scoped3A : memref<!tpu.dma_semaphore, #tpu.memory_space<semaphore_mem>>)
      %dma_wait3A_261 = arith.constant 0 : i32
      %dma_wait3A_262 = tpu.memref_slice %arg4[%add3A_256, %dma_wait3A_261] : memref<8192x2048xf32, #tpu.memory_space<hbm>> -> memref<16x2048xf32, #tpu.memory_space<hbm>>
      %dma_wait3A_263 = arith.constant 0 : i32
      %dma_wait3A_264 = tpu.memref_slice %arg4[%add3A_256, %dma_wait3A_263] : memref<8192x2048xf32, #tpu.memory_space<hbm>> -> memref<16x2048xf32, #tpu.memory_space<hbm>>
      tpu.wait_dma2 semaphore(%run_scoped3A : memref<!tpu.dma_semaphore, #tpu.memory_space<semaphore_mem>>) src(%arg6 : memref<16x2048xf32, #tpu.memory_space<vmem>>) dst(%dma_wait3A_264 : memref<16x2048xf32, #tpu.memory_space<hbm>>)
      tpu.yield
    }) : () -> ()
    return
  }
}

module attributes {stable_mosaic.version = 14 : i64} {
  func.func @_shallow_kernel(%arg0: i32, %arg1: memref<256x2048xf32, #tpu.memory_space<vmem>>, %arg2: memref<256x2048xbf16, #tpu.memory_space<vmem>>, %arg3: memref<256x2048xbf16, #tpu.memory_space<vmem>>, %arg4: memref<256x2048xbf16, #tpu.memory_space<vmem>>, %arg5: memref<256x2048xbf16, #tpu.memory_space<vmem>>, %arg6: memref<256x2048xbf16, #tpu.memory_space<vmem>>, %arg7: memref<256x2048xbf16, #tpu.memory_space<vmem>>, %arg8: memref<512x2048xbf16, #tpu.memory_space<vmem>>, %arg9: memref<512x2048xbf16, #tpu.memory_space<vmem>>, %arg10: memref<512x2048xbf16, #tpu.memory_space<vmem>>, %arg11: memref<8x256xf32, #tpu.memory_space<vmem>>, %arg12: memref<8x256xf32, #tpu.memory_space<vmem>>, %arg13: memref<8x512xf32, #tpu.memory_space<vmem>>, %arg14: memref<256x16xf32, #tpu.memory_space<vmem>>, %arg15: memref<256x1xi32, #tpu.memory_space<vmem>>) attributes {dimension_semantics = [#tpu.dimension_semantics<arbitrary>], iteration_bounds = array<i64: 32>, scalar_prefetch = 0 : i64, scratch_operands = 0 : i64, tpu.core_type = #tpu.core_type<tc>, window_params = [{transform_indices = @transform_0, window_bounds = array<i64: 256, 2048>}, {pipeline_mode = #tpu.pipeline_mode<synchronous>, transform_indices = @transform_1, window_bounds = array<i64: 256, 2048>}, {pipeline_mode = #tpu.pipeline_mode<synchronous>, transform_indices = @transform_2, window_bounds = array<i64: 256, 2048>}, {pipeline_mode = #tpu.pipeline_mode<synchronous>, transform_indices = @transform_3, window_bounds = array<i64: 256, 2048>}, {pipeline_mode = #tpu.pipeline_mode<synchronous>, transform_indices = @transform_4, window_bounds = array<i64: 256, 2048>}, {pipeline_mode = #tpu.pipeline_mode<synchronous>, transform_indices = @transform_5, window_bounds = array<i64: 256, 2048>}, {pipeline_mode = #tpu.pipeline_mode<synchronous>, transform_indices = @transform_6, window_bounds = array<i64: 256, 2048>}, {pipeline_mode = #tpu.pipeline_mode<synchronous>, transform_indices = @transform_7, window_bounds = array<i64: 512, 2048>}, {pipeline_mode = #tpu.pipeline_mode<synchronous>, transform_indices = @transform_8, window_bounds = array<i64: 512, 2048>}, {pipeline_mode = #tpu.pipeline_mode<synchronous>, transform_indices = @transform_9, window_bounds = array<i64: 512, 2048>}, {pipeline_mode = #tpu.pipeline_mode<synchronous>, transform_indices = @transform_10, window_bounds = array<i64: 8, 256>}, {pipeline_mode = #tpu.pipeline_mode<synchronous>, transform_indices = @transform_11, window_bounds = array<i64: 8, 256>}, {pipeline_mode = #tpu.pipeline_mode<synchronous>, transform_indices = @transform_12, window_bounds = array<i64: 8, 512>}, {transform_indices = @transform_13, window_bounds = array<i64: 256, 16>}, {transform_indices = @transform_14, window_bounds = array<i64: 256, 1>}]} {
    %get3A = arith.constant 0 : index
    %get3A_0 = arith.constant 0 : index
    %get3A_1 = vector.load %arg1[%get3A, %get3A_0] : memref<256x2048xf32, #tpu.memory_space<vmem>>, vector<256x2048xf32>
    %iota3A = tpu.iota {dimensions = array<i32: 1>} : vector<256x256xi32>
    %iota3A_2 = tpu.iota {dimensions = array<i32: 1>} : vector<256x512xi32>
    %iota3A_3 = tpu.iota {dimensions = array<i32: 1>} : vector<256x16xi32>
    %broadcast_in_dim3A = arith.constant 0 : i32
    %broadcast_in_dim3A_4 = vector.broadcast %broadcast_in_dim3A : i32 to vector<256x1xi32>
    %broadcast_in_dim3A_5 = arith.constant 0.000000e+00 : f32
    %broadcast_in_dim3A_6 = vector.broadcast %broadcast_in_dim3A_5 : f32 to vector<256x16xf32>
    %eq3A = vector.broadcast %broadcast_in_dim3A_4 : vector<256x1xi32> to vector<256x256xi32>
    %eq3A_7 = arith.cmpi eq, %iota3A, %eq3A : vector<256x256xi32>
    %convert_element_type3A = arith.extui %eq3A_7 : vector<256x256xi1> to vector<256x256xi32>
    %convert_element_type3A_8 = arith.sitofp %convert_element_type3A : vector<256x256xi32> to vector<256x256xf32>
    %convert_element_type3A_9 = arith.truncf %convert_element_type3A_8 : vector<256x256xf32> to vector<256x256xbf16>
    %get3A_10 = arith.constant 0 : index
    %get3A_11 = arith.constant 0 : index
    %get3A_12 = vector.load %arg2[%get3A_10, %get3A_11] : memref<256x2048xbf16, #tpu.memory_space<vmem>>, vector<256x2048xbf16>
    %dot_general3A = arith.constant dense<0.000000e+00> : vector<256x2048xf32>
    %dot_general3A_13 = tpu.matmul %convert_element_type3A_9, %get3A_12, %dot_general3A {dimension_numbers = #tpu.dot_dimension_numbers<[1], [0], [0], [1], [0, 0, 1, 1], [], []>, transpose_lhs_hint = false} : vector<256x256xbf16>, vector<256x2048xbf16>, vector<256x2048xf32> -> vector<256x2048xf32>
    %get3A_14 = arith.constant 0 : index
    %get3A_15 = arith.constant 0 : index
    %get3A_16 = vector.load %arg3[%get3A_14, %get3A_15] : memref<256x2048xbf16, #tpu.memory_space<vmem>>, vector<256x2048xbf16>
    %dot_general3A_17 = arith.constant dense<0.000000e+00> : vector<256x2048xf32>
    %dot_general3A_18 = tpu.matmul %convert_element_type3A_9, %get3A_16, %dot_general3A_17 {dimension_numbers = #tpu.dot_dimension_numbers<[1], [0], [0], [1], [0, 0, 1, 1], [], []>, transpose_lhs_hint = false} : vector<256x256xbf16>, vector<256x2048xbf16>, vector<256x2048xf32> -> vector<256x2048xf32>
    %add3A = arith.addf %dot_general3A_13, %dot_general3A_18 : vector<256x2048xf32>
    %get3A_19 = arith.constant 0 : index
    %get3A_20 = arith.constant 0 : index
    %get3A_21 = vector.load %arg4[%get3A_19, %get3A_20] : memref<256x2048xbf16, #tpu.memory_space<vmem>>, vector<256x2048xbf16>
    %dot_general3A_22 = arith.constant dense<0.000000e+00> : vector<256x2048xf32>
    %dot_general3A_23 = tpu.matmul %convert_element_type3A_9, %get3A_21, %dot_general3A_22 {dimension_numbers = #tpu.dot_dimension_numbers<[1], [0], [0], [1], [0, 0, 1, 1], [], []>, transpose_lhs_hint = false} : vector<256x256xbf16>, vector<256x2048xbf16>, vector<256x2048xf32> -> vector<256x2048xf32>
    %add3A_24 = arith.addf %add3A, %dot_general3A_23 : vector<256x2048xf32>
    %get3A_25 = arith.constant 0 : index
    %get3A_26 = arith.constant 0 : index
    %get3A_27 = vector.load %arg11[%get3A_25, %get3A_26] : memref<8x256xf32, #tpu.memory_space<vmem>>, vector<1x256xf32>
    %broadcast_in_dim3A_28 = vector.shape_cast %get3A_27 : vector<1x256xf32> to vector<1x256xf32>
    %broadcast_in_dim3A_29 = vector.broadcast %broadcast_in_dim3A_28 : vector<1x256xf32> to vector<256x256xf32>
    %jit3A = arith.constant 0.000000e+00 : f32
    %broadcast_in_dim3A_30 = vector.broadcast %jit3A : f32 to vector<256x256xf32>
    %select_n3A = arith.select %eq3A_7, %broadcast_in_dim3A_29, %broadcast_in_dim3A_30 : vector<256x256xi1>, vector<256x256xf32>
    %reduce_sum3A = arith.constant dense<0.000000e+00> : vector<256xf32>
    %reduce_sum3A_31 = vector.multi_reduction <add>, %select_n3A, %reduce_sum3A [1] : vector<256x256xf32> to vector<256xf32>
    %broadcast_in_dim3A_32 = vector.shape_cast %reduce_sum3A_31 : vector<256xf32> to vector<256x1xf32>
    %mul3A = arith.mulf %get3A_1, %add3A_24 : vector<256x2048xf32>
    %reduce_sum3A_33 = arith.constant dense<0.000000e+00> : vector<256xf32>
    %reduce_sum3A_34 = vector.multi_reduction <add>, %mul3A, %reduce_sum3A_33 [1] : vector<256x2048xf32> to vector<256xf32>
    %broadcast_in_dim3A_35 = vector.shape_cast %reduce_sum3A_34 : vector<256xf32> to vector<256x1xf32>
    %add3A_36 = arith.addf %broadcast_in_dim3A_35, %broadcast_in_dim3A_32 : vector<256x1xf32>
    %mul3A_37 = arith.constant 5.000000e-01 : f32
    %mul3A_38 = vector.broadcast %mul3A_37 : f32 to vector<256x1xf32>
    %mul3A_39 = arith.mulf %mul3A_38, %add3A_36 : vector<256x1xf32>
    %mul3A_40 = arith.constant 0.707106769 : f32
    %mul3A_41 = vector.broadcast %mul3A_40 : f32 to vector<256x1xf32>
    %mul3A_42 = arith.mulf %add3A_36, %mul3A_41 : vector<256x1xf32>
    %erf3A = math.erf %mul3A_42 : vector<256x1xf32>
    %add3A_43 = arith.constant 1.000000e+00 : f32
    %add3A_44 = vector.broadcast %add3A_43 : f32 to vector<256x1xf32>
    %add3A_45 = arith.addf %add3A_44, %erf3A : vector<256x1xf32>
    %mul3A_46 = arith.mulf %mul3A_39, %add3A_45 : vector<256x1xf32>
    %eq3A_47 = arith.constant 0 : i32
    %eq3A_48 = vector.broadcast %eq3A_47 : i32 to vector<256x16xi32>
    %eq3A_49 = arith.cmpi eq, %iota3A_3, %eq3A_48 : vector<256x16xi32>
    %broadcast_in_dim3A_50 = vector.shape_cast %mul3A_46 : vector<256x1xf32> to vector<256x1xf32>
    %broadcast_in_dim3A_51 = vector.broadcast %broadcast_in_dim3A_50 : vector<256x1xf32> to vector<256x16xf32>
    %select_n3A_52 = arith.select %eq3A_49, %broadcast_in_dim3A_51, %broadcast_in_dim3A_6 : vector<256x16xi1>, vector<256x16xf32>
    %mul3A_53 = arith.constant 2 : i32
    %mul3A_54 = vector.broadcast %mul3A_53 : i32 to vector<256x1xi32>
    %mul3A_55 = arith.muli %mul3A_54, %broadcast_in_dim3A_4 : vector<256x1xi32>
    %add3A_56 = arith.constant 1 : i32
    %add3A_57 = vector.broadcast %add3A_56 : i32 to vector<256x1xi32>
    %add3A_58 = arith.addi %mul3A_55, %add3A_57 : vector<256x1xi32>
    %gt3A = arith.constant 0.000000e+00 : f32
    %gt3A_59 = vector.broadcast %gt3A : f32 to vector<256x1xf32>
    %gt3A_60 = arith.cmpf ogt, %add3A_36, %gt3A_59 : vector<256x1xf32>
    %convert_element_type3A_61 = arith.extui %gt3A_60 : vector<256x1xi1> to vector<256x1xi32>
    %add3A_62 = arith.addi %add3A_58, %convert_element_type3A_61 : vector<256x1xi32>
    %eq3A_63 = vector.broadcast %add3A_62 : vector<256x1xi32> to vector<256x256xi32>
    %eq3A_64 = arith.cmpi eq, %iota3A, %eq3A_63 : vector<256x256xi32>
    %convert_element_type3A_65 = arith.extui %eq3A_64 : vector<256x256xi1> to vector<256x256xi32>
    %convert_element_type3A_66 = arith.sitofp %convert_element_type3A_65 : vector<256x256xi32> to vector<256x256xf32>
    %convert_element_type3A_67 = arith.truncf %convert_element_type3A_66 : vector<256x256xf32> to vector<256x256xbf16>
    %get3A_68 = arith.constant 0 : index
    %get3A_69 = arith.constant 0 : index
    %get3A_70 = vector.load %arg2[%get3A_68, %get3A_69] : memref<256x2048xbf16, #tpu.memory_space<vmem>>, vector<256x2048xbf16>
    %dot_general3A_71 = arith.constant dense<0.000000e+00> : vector<256x2048xf32>
    %dot_general3A_72 = tpu.matmul %convert_element_type3A_67, %get3A_70, %dot_general3A_71 {dimension_numbers = #tpu.dot_dimension_numbers<[1], [0], [0], [1], [0, 0, 1, 1], [], []>, transpose_lhs_hint = false} : vector<256x256xbf16>, vector<256x2048xbf16>, vector<256x2048xf32> -> vector<256x2048xf32>
    %get3A_73 = arith.constant 0 : index
    %get3A_74 = arith.constant 0 : index
    %get3A_75 = vector.load %arg3[%get3A_73, %get3A_74] : memref<256x2048xbf16, #tpu.memory_space<vmem>>, vector<256x2048xbf16>
    %dot_general3A_76 = arith.constant dense<0.000000e+00> : vector<256x2048xf32>
    %dot_general3A_77 = tpu.matmul %convert_element_type3A_67, %get3A_75, %dot_general3A_76 {dimension_numbers = #tpu.dot_dimension_numbers<[1], [0], [0], [1], [0, 0, 1, 1], [], []>, transpose_lhs_hint = false} : vector<256x256xbf16>, vector<256x2048xbf16>, vector<256x2048xf32> -> vector<256x2048xf32>
    %add3A_78 = arith.addf %dot_general3A_72, %dot_general3A_77 : vector<256x2048xf32>
    %get3A_79 = arith.constant 0 : index
    %get3A_80 = arith.constant 0 : index
    %get3A_81 = vector.load %arg4[%get3A_79, %get3A_80] : memref<256x2048xbf16, #tpu.memory_space<vmem>>, vector<256x2048xbf16>
    %dot_general3A_82 = arith.constant dense<0.000000e+00> : vector<256x2048xf32>
    %dot_general3A_83 = tpu.matmul %convert_element_type3A_67, %get3A_81, %dot_general3A_82 {dimension_numbers = #tpu.dot_dimension_numbers<[1], [0], [0], [1], [0, 0, 1, 1], [], []>, transpose_lhs_hint = false} : vector<256x256xbf16>, vector<256x2048xbf16>, vector<256x2048xf32> -> vector<256x2048xf32>
    %add3A_84 = arith.addf %add3A_78, %dot_general3A_83 : vector<256x2048xf32>
    %get3A_85 = arith.constant 0 : index
    %get3A_86 = arith.constant 0 : index
    %get3A_87 = vector.load %arg11[%get3A_85, %get3A_86] : memref<8x256xf32, #tpu.memory_space<vmem>>, vector<1x256xf32>
    %broadcast_in_dim3A_88 = vector.shape_cast %get3A_87 : vector<1x256xf32> to vector<1x256xf32>
    %broadcast_in_dim3A_89 = vector.broadcast %broadcast_in_dim3A_88 : vector<1x256xf32> to vector<256x256xf32>
    %jit3A_90 = arith.constant 0.000000e+00 : f32
    %broadcast_in_dim3A_91 = vector.broadcast %jit3A_90 : f32 to vector<256x256xf32>
    %select_n3A_92 = arith.select %eq3A_64, %broadcast_in_dim3A_89, %broadcast_in_dim3A_91 : vector<256x256xi1>, vector<256x256xf32>
    %reduce_sum3A_93 = arith.constant dense<0.000000e+00> : vector<256xf32>
    %reduce_sum3A_94 = vector.multi_reduction <add>, %select_n3A_92, %reduce_sum3A_93 [1] : vector<256x256xf32> to vector<256xf32>
    %broadcast_in_dim3A_95 = vector.shape_cast %reduce_sum3A_94 : vector<256xf32> to vector<256x1xf32>
    %mul3A_96 = arith.mulf %get3A_1, %add3A_84 : vector<256x2048xf32>
    %reduce_sum3A_97 = arith.constant dense<0.000000e+00> : vector<256xf32>
    %reduce_sum3A_98 = vector.multi_reduction <add>, %mul3A_96, %reduce_sum3A_97 [1] : vector<256x2048xf32> to vector<256xf32>
    %broadcast_in_dim3A_99 = vector.shape_cast %reduce_sum3A_98 : vector<256xf32> to vector<256x1xf32>
    %add3A_100 = arith.addf %broadcast_in_dim3A_99, %broadcast_in_dim3A_95 : vector<256x1xf32>
    %mul3A_101 = arith.constant 5.000000e-01 : f32
    %mul3A_102 = vector.broadcast %mul3A_101 : f32 to vector<256x1xf32>
    %mul3A_103 = arith.mulf %mul3A_102, %add3A_100 : vector<256x1xf32>
    %mul3A_104 = arith.constant 0.707106769 : f32
    %mul3A_105 = vector.broadcast %mul3A_104 : f32 to vector<256x1xf32>
    %mul3A_106 = arith.mulf %add3A_100, %mul3A_105 : vector<256x1xf32>
    %erf3A_107 = math.erf %mul3A_106 : vector<256x1xf32>
    %add3A_108 = arith.constant 1.000000e+00 : f32
    %add3A_109 = vector.broadcast %add3A_108 : f32 to vector<256x1xf32>
    %add3A_110 = arith.addf %add3A_109, %erf3A_107 : vector<256x1xf32>
    %mul3A_111 = arith.mulf %mul3A_103, %add3A_110 : vector<256x1xf32>
    %eq3A_112 = arith.constant 1 : i32
    %eq3A_113 = vector.broadcast %eq3A_112 : i32 to vector<256x16xi32>
    %eq3A_114 = arith.cmpi eq, %iota3A_3, %eq3A_113 : vector<256x16xi32>
    %broadcast_in_dim3A_115 = vector.shape_cast %mul3A_111 : vector<256x1xf32> to vector<256x1xf32>
    %broadcast_in_dim3A_116 = vector.broadcast %broadcast_in_dim3A_115 : vector<256x1xf32> to vector<256x16xf32>
    %select_n3A_117 = arith.select %eq3A_114, %broadcast_in_dim3A_116, %select_n3A_52 : vector<256x16xi1>, vector<256x16xf32>
    %mul3A_118 = arith.constant 2 : i32
    %mul3A_119 = vector.broadcast %mul3A_118 : i32 to vector<256x1xi32>
    %mul3A_120 = arith.muli %mul3A_119, %add3A_62 : vector<256x1xi32>
    %add3A_121 = arith.constant 1 : i32
    %add3A_122 = vector.broadcast %add3A_121 : i32 to vector<256x1xi32>
    %add3A_123 = arith.addi %mul3A_120, %add3A_122 : vector<256x1xi32>
    %gt3A_124 = arith.constant 0.000000e+00 : f32
    %gt3A_125 = vector.broadcast %gt3A_124 : f32 to vector<256x1xf32>
    %gt3A_126 = arith.cmpf ogt, %add3A_100, %gt3A_125 : vector<256x1xf32>
    %convert_element_type3A_127 = arith.extui %gt3A_126 : vector<256x1xi1> to vector<256x1xi32>
    %add3A_128 = arith.addi %add3A_123, %convert_element_type3A_127 : vector<256x1xi32>
    %eq3A_129 = vector.broadcast %add3A_128 : vector<256x1xi32> to vector<256x256xi32>
    %eq3A_130 = arith.cmpi eq, %iota3A, %eq3A_129 : vector<256x256xi32>
    %convert_element_type3A_131 = arith.extui %eq3A_130 : vector<256x256xi1> to vector<256x256xi32>
    %convert_element_type3A_132 = arith.sitofp %convert_element_type3A_131 : vector<256x256xi32> to vector<256x256xf32>
    %convert_element_type3A_133 = arith.truncf %convert_element_type3A_132 : vector<256x256xf32> to vector<256x256xbf16>
    %get3A_134 = arith.constant 0 : index
    %get3A_135 = arith.constant 0 : index
    %get3A_136 = vector.load %arg2[%get3A_134, %get3A_135] : memref<256x2048xbf16, #tpu.memory_space<vmem>>, vector<256x2048xbf16>
    %dot_general3A_137 = arith.constant dense<0.000000e+00> : vector<256x2048xf32>
    %dot_general3A_138 = tpu.matmul %convert_element_type3A_133, %get3A_136, %dot_general3A_137 {dimension_numbers = #tpu.dot_dimension_numbers<[1], [0], [0], [1], [0, 0, 1, 1], [], []>, transpose_lhs_hint = false} : vector<256x256xbf16>, vector<256x2048xbf16>, vector<256x2048xf32> -> vector<256x2048xf32>
    %get3A_139 = arith.constant 0 : index
    %get3A_140 = arith.constant 0 : index
    %get3A_141 = vector.load %arg3[%get3A_139, %get3A_140] : memref<256x2048xbf16, #tpu.memory_space<vmem>>, vector<256x2048xbf16>
    %dot_general3A_142 = arith.constant dense<0.000000e+00> : vector<256x2048xf32>
    %dot_general3A_143 = tpu.matmul %convert_element_type3A_133, %get3A_141, %dot_general3A_142 {dimension_numbers = #tpu.dot_dimension_numbers<[1], [0], [0], [1], [0, 0, 1, 1], [], []>, transpose_lhs_hint = false} : vector<256x256xbf16>, vector<256x2048xbf16>, vector<256x2048xf32> -> vector<256x2048xf32>
    %add3A_144 = arith.addf %dot_general3A_138, %dot_general3A_143 : vector<256x2048xf32>
    %get3A_145 = arith.constant 0 : index
    %get3A_146 = arith.constant 0 : index
    %get3A_147 = vector.load %arg4[%get3A_145, %get3A_146] : memref<256x2048xbf16, #tpu.memory_space<vmem>>, vector<256x2048xbf16>
    %dot_general3A_148 = arith.constant dense<0.000000e+00> : vector<256x2048xf32>
    %dot_general3A_149 = tpu.matmul %convert_element_type3A_133, %get3A_147, %dot_general3A_148 {dimension_numbers = #tpu.dot_dimension_numbers<[1], [0], [0], [1], [0, 0, 1, 1], [], []>, transpose_lhs_hint = false} : vector<256x256xbf16>, vector<256x2048xbf16>, vector<256x2048xf32> -> vector<256x2048xf32>
    %add3A_150 = arith.addf %add3A_144, %dot_general3A_149 : vector<256x2048xf32>
    %get3A_151 = arith.constant 0 : index
    %get3A_152 = arith.constant 0 : index
    %get3A_153 = vector.load %arg11[%get3A_151, %get3A_152] : memref<8x256xf32, #tpu.memory_space<vmem>>, vector<1x256xf32>
    %broadcast_in_dim3A_154 = vector.shape_cast %get3A_153 : vector<1x256xf32> to vector<1x256xf32>
    %broadcast_in_dim3A_155 = vector.broadcast %broadcast_in_dim3A_154 : vector<1x256xf32> to vector<256x256xf32>
    %jit3A_156 = arith.constant 0.000000e+00 : f32
    %broadcast_in_dim3A_157 = vector.broadcast %jit3A_156 : f32 to vector<256x256xf32>
    %select_n3A_158 = arith.select %eq3A_130, %broadcast_in_dim3A_155, %broadcast_in_dim3A_157 : vector<256x256xi1>, vector<256x256xf32>
    %reduce_sum3A_159 = arith.constant dense<0.000000e+00> : vector<256xf32>
    %reduce_sum3A_160 = vector.multi_reduction <add>, %select_n3A_158, %reduce_sum3A_159 [1] : vector<256x256xf32> to vector<256xf32>
    %broadcast_in_dim3A_161 = vector.shape_cast %reduce_sum3A_160 : vector<256xf32> to vector<256x1xf32>
    %mul3A_162 = arith.mulf %get3A_1, %add3A_150 : vector<256x2048xf32>
    %reduce_sum3A_163 = arith.constant dense<0.000000e+00> : vector<256xf32>
    %reduce_sum3A_164 = vector.multi_reduction <add>, %mul3A_162, %reduce_sum3A_163 [1] : vector<256x2048xf32> to vector<256xf32>
    %broadcast_in_dim3A_165 = vector.shape_cast %reduce_sum3A_164 : vector<256xf32> to vector<256x1xf32>
    %add3A_166 = arith.addf %broadcast_in_dim3A_165, %broadcast_in_dim3A_161 : vector<256x1xf32>
    %mul3A_167 = arith.constant 5.000000e-01 : f32
    %mul3A_168 = vector.broadcast %mul3A_167 : f32 to vector<256x1xf32>
    %mul3A_169 = arith.mulf %mul3A_168, %add3A_166 : vector<256x1xf32>
    %mul3A_170 = arith.constant 0.707106769 : f32
    %mul3A_171 = vector.broadcast %mul3A_170 : f32 to vector<256x1xf32>
    %mul3A_172 = arith.mulf %add3A_166, %mul3A_171 : vector<256x1xf32>
    %erf3A_173 = math.erf %mul3A_172 : vector<256x1xf32>
    %add3A_174 = arith.constant 1.000000e+00 : f32
    %add3A_175 = vector.broadcast %add3A_174 : f32 to vector<256x1xf32>
    %add3A_176 = arith.addf %add3A_175, %erf3A_173 : vector<256x1xf32>
    %mul3A_177 = arith.mulf %mul3A_169, %add3A_176 : vector<256x1xf32>
    %eq3A_178 = arith.constant 2 : i32
    %eq3A_179 = vector.broadcast %eq3A_178 : i32 to vector<256x16xi32>
    %eq3A_180 = arith.cmpi eq, %iota3A_3, %eq3A_179 : vector<256x16xi32>
    %broadcast_in_dim3A_181 = vector.shape_cast %mul3A_177 : vector<256x1xf32> to vector<256x1xf32>
    %broadcast_in_dim3A_182 = vector.broadcast %broadcast_in_dim3A_181 : vector<256x1xf32> to vector<256x16xf32>
    %select_n3A_183 = arith.select %eq3A_180, %broadcast_in_dim3A_182, %select_n3A_117 : vector<256x16xi1>, vector<256x16xf32>
    %mul3A_184 = arith.constant 2 : i32
    %mul3A_185 = vector.broadcast %mul3A_184 : i32 to vector<256x1xi32>
    %mul3A_186 = arith.muli %mul3A_185, %add3A_128 : vector<256x1xi32>
    %add3A_187 = arith.constant 1 : i32
    %add3A_188 = vector.broadcast %add3A_187 : i32 to vector<256x1xi32>
    %add3A_189 = arith.addi %mul3A_186, %add3A_188 : vector<256x1xi32>
    %gt3A_190 = arith.constant 0.000000e+00 : f32
    %gt3A_191 = vector.broadcast %gt3A_190 : f32 to vector<256x1xf32>
    %gt3A_192 = arith.cmpf ogt, %add3A_166, %gt3A_191 : vector<256x1xf32>
    %convert_element_type3A_193 = arith.extui %gt3A_192 : vector<256x1xi1> to vector<256x1xi32>
    %add3A_194 = arith.addi %add3A_189, %convert_element_type3A_193 : vector<256x1xi32>
    %eq3A_195 = vector.broadcast %add3A_194 : vector<256x1xi32> to vector<256x256xi32>
    %eq3A_196 = arith.cmpi eq, %iota3A, %eq3A_195 : vector<256x256xi32>
    %convert_element_type3A_197 = arith.extui %eq3A_196 : vector<256x256xi1> to vector<256x256xi32>
    %convert_element_type3A_198 = arith.sitofp %convert_element_type3A_197 : vector<256x256xi32> to vector<256x256xf32>
    %convert_element_type3A_199 = arith.truncf %convert_element_type3A_198 : vector<256x256xf32> to vector<256x256xbf16>
    %get3A_200 = arith.constant 0 : index
    %get3A_201 = arith.constant 0 : index
    %get3A_202 = vector.load %arg2[%get3A_200, %get3A_201] : memref<256x2048xbf16, #tpu.memory_space<vmem>>, vector<256x2048xbf16>
    %dot_general3A_203 = arith.constant dense<0.000000e+00> : vector<256x2048xf32>
    %dot_general3A_204 = tpu.matmul %convert_element_type3A_199, %get3A_202, %dot_general3A_203 {dimension_numbers = #tpu.dot_dimension_numbers<[1], [0], [0], [1], [0, 0, 1, 1], [], []>, transpose_lhs_hint = false} : vector<256x256xbf16>, vector<256x2048xbf16>, vector<256x2048xf32> -> vector<256x2048xf32>
    %get3A_205 = arith.constant 0 : index
    %get3A_206 = arith.constant 0 : index
    %get3A_207 = vector.load %arg3[%get3A_205, %get3A_206] : memref<256x2048xbf16, #tpu.memory_space<vmem>>, vector<256x2048xbf16>
    %dot_general3A_208 = arith.constant dense<0.000000e+00> : vector<256x2048xf32>
    %dot_general3A_209 = tpu.matmul %convert_element_type3A_199, %get3A_207, %dot_general3A_208 {dimension_numbers = #tpu.dot_dimension_numbers<[1], [0], [0], [1], [0, 0, 1, 1], [], []>, transpose_lhs_hint = false} : vector<256x256xbf16>, vector<256x2048xbf16>, vector<256x2048xf32> -> vector<256x2048xf32>
    %add3A_210 = arith.addf %dot_general3A_204, %dot_general3A_209 : vector<256x2048xf32>
    %get3A_211 = arith.constant 0 : index
    %get3A_212 = arith.constant 0 : index
    %get3A_213 = vector.load %arg4[%get3A_211, %get3A_212] : memref<256x2048xbf16, #tpu.memory_space<vmem>>, vector<256x2048xbf16>
    %dot_general3A_214 = arith.constant dense<0.000000e+00> : vector<256x2048xf32>
    %dot_general3A_215 = tpu.matmul %convert_element_type3A_199, %get3A_213, %dot_general3A_214 {dimension_numbers = #tpu.dot_dimension_numbers<[1], [0], [0], [1], [0, 0, 1, 1], [], []>, transpose_lhs_hint = false} : vector<256x256xbf16>, vector<256x2048xbf16>, vector<256x2048xf32> -> vector<256x2048xf32>
    %add3A_216 = arith.addf %add3A_210, %dot_general3A_215 : vector<256x2048xf32>
    %get3A_217 = arith.constant 0 : index
    %get3A_218 = arith.constant 0 : index
    %get3A_219 = vector.load %arg11[%get3A_217, %get3A_218] : memref<8x256xf32, #tpu.memory_space<vmem>>, vector<1x256xf32>
    %broadcast_in_dim3A_220 = vector.shape_cast %get3A_219 : vector<1x256xf32> to vector<1x256xf32>
    %broadcast_in_dim3A_221 = vector.broadcast %broadcast_in_dim3A_220 : vector<1x256xf32> to vector<256x256xf32>
    %jit3A_222 = arith.constant 0.000000e+00 : f32
    %broadcast_in_dim3A_223 = vector.broadcast %jit3A_222 : f32 to vector<256x256xf32>
    %select_n3A_224 = arith.select %eq3A_196, %broadcast_in_dim3A_221, %broadcast_in_dim3A_223 : vector<256x256xi1>, vector<256x256xf32>
    %reduce_sum3A_225 = arith.constant dense<0.000000e+00> : vector<256xf32>
    %reduce_sum3A_226 = vector.multi_reduction <add>, %select_n3A_224, %reduce_sum3A_225 [1] : vector<256x256xf32> to vector<256xf32>
    %broadcast_in_dim3A_227 = vector.shape_cast %reduce_sum3A_226 : vector<256xf32> to vector<256x1xf32>
    %mul3A_228 = arith.mulf %get3A_1, %add3A_216 : vector<256x2048xf32>
    %reduce_sum3A_229 = arith.constant dense<0.000000e+00> : vector<256xf32>
    %reduce_sum3A_230 = vector.multi_reduction <add>, %mul3A_228, %reduce_sum3A_229 [1] : vector<256x2048xf32> to vector<256xf32>
    %broadcast_in_dim3A_231 = vector.shape_cast %reduce_sum3A_230 : vector<256xf32> to vector<256x1xf32>
    %add3A_232 = arith.addf %broadcast_in_dim3A_231, %broadcast_in_dim3A_227 : vector<256x1xf32>
    %mul3A_233 = arith.constant 5.000000e-01 : f32
    %mul3A_234 = vector.broadcast %mul3A_233 : f32 to vector<256x1xf32>
    %mul3A_235 = arith.mulf %mul3A_234, %add3A_232 : vector<256x1xf32>
    %mul3A_236 = arith.constant 0.707106769 : f32
    %mul3A_237 = vector.broadcast %mul3A_236 : f32 to vector<256x1xf32>
    %mul3A_238 = arith.mulf %add3A_232, %mul3A_237 : vector<256x1xf32>
    %erf3A_239 = math.erf %mul3A_238 : vector<256x1xf32>
    %add3A_240 = arith.constant 1.000000e+00 : f32
    %add3A_241 = vector.broadcast %add3A_240 : f32 to vector<256x1xf32>
    %add3A_242 = arith.addf %add3A_241, %erf3A_239 : vector<256x1xf32>
    %mul3A_243 = arith.mulf %mul3A_235, %add3A_242 : vector<256x1xf32>
    %eq3A_244 = arith.constant 3 : i32
    %eq3A_245 = vector.broadcast %eq3A_244 : i32 to vector<256x16xi32>
    %eq3A_246 = arith.cmpi eq, %iota3A_3, %eq3A_245 : vector<256x16xi32>
    %broadcast_in_dim3A_247 = vector.shape_cast %mul3A_243 : vector<256x1xf32> to vector<256x1xf32>
    %broadcast_in_dim3A_248 = vector.broadcast %broadcast_in_dim3A_247 : vector<256x1xf32> to vector<256x16xf32>
    %select_n3A_249 = arith.select %eq3A_246, %broadcast_in_dim3A_248, %select_n3A_183 : vector<256x16xi1>, vector<256x16xf32>
    %mul3A_250 = arith.constant 2 : i32
    %mul3A_251 = vector.broadcast %mul3A_250 : i32 to vector<256x1xi32>
    %mul3A_252 = arith.muli %mul3A_251, %add3A_194 : vector<256x1xi32>
    %add3A_253 = arith.constant 1 : i32
    %add3A_254 = vector.broadcast %add3A_253 : i32 to vector<256x1xi32>
    %add3A_255 = arith.addi %mul3A_252, %add3A_254 : vector<256x1xi32>
    %gt3A_256 = arith.constant 0.000000e+00 : f32
    %gt3A_257 = vector.broadcast %gt3A_256 : f32 to vector<256x1xf32>
    %gt3A_258 = arith.cmpf ogt, %add3A_232, %gt3A_257 : vector<256x1xf32>
    %convert_element_type3A_259 = arith.extui %gt3A_258 : vector<256x1xi1> to vector<256x1xi32>
    %add3A_260 = arith.addi %add3A_255, %convert_element_type3A_259 : vector<256x1xi32>
    %eq3A_261 = vector.broadcast %add3A_260 : vector<256x1xi32> to vector<256x256xi32>
    %eq3A_262 = arith.cmpi eq, %iota3A, %eq3A_261 : vector<256x256xi32>
    %convert_element_type3A_263 = arith.extui %eq3A_262 : vector<256x256xi1> to vector<256x256xi32>
    %convert_element_type3A_264 = arith.sitofp %convert_element_type3A_263 : vector<256x256xi32> to vector<256x256xf32>
    %convert_element_type3A_265 = arith.truncf %convert_element_type3A_264 : vector<256x256xf32> to vector<256x256xbf16>
    %get3A_266 = arith.constant 0 : index
    %get3A_267 = arith.constant 0 : index
    %get3A_268 = vector.load %arg2[%get3A_266, %get3A_267] : memref<256x2048xbf16, #tpu.memory_space<vmem>>, vector<256x2048xbf16>
    %dot_general3A_269 = arith.constant dense<0.000000e+00> : vector<256x2048xf32>
    %dot_general3A_270 = tpu.matmul %convert_element_type3A_265, %get3A_268, %dot_general3A_269 {dimension_numbers = #tpu.dot_dimension_numbers<[1], [0], [0], [1], [0, 0, 1, 1], [], []>, transpose_lhs_hint = false} : vector<256x256xbf16>, vector<256x2048xbf16>, vector<256x2048xf32> -> vector<256x2048xf32>
    %get3A_271 = arith.constant 0 : index
    %get3A_272 = arith.constant 0 : index
    %get3A_273 = vector.load %arg3[%get3A_271, %get3A_272] : memref<256x2048xbf16, #tpu.memory_space<vmem>>, vector<256x2048xbf16>
    %dot_general3A_274 = arith.constant dense<0.000000e+00> : vector<256x2048xf32>
    %dot_general3A_275 = tpu.matmul %convert_element_type3A_265, %get3A_273, %dot_general3A_274 {dimension_numbers = #tpu.dot_dimension_numbers<[1], [0], [0], [1], [0, 0, 1, 1], [], []>, transpose_lhs_hint = false} : vector<256x256xbf16>, vector<256x2048xbf16>, vector<256x2048xf32> -> vector<256x2048xf32>
    %add3A_276 = arith.addf %dot_general3A_270, %dot_general3A_275 : vector<256x2048xf32>
    %get3A_277 = arith.constant 0 : index
    %get3A_278 = arith.constant 0 : index
    %get3A_279 = vector.load %arg4[%get3A_277, %get3A_278] : memref<256x2048xbf16, #tpu.memory_space<vmem>>, vector<256x2048xbf16>
    %dot_general3A_280 = arith.constant dense<0.000000e+00> : vector<256x2048xf32>
    %dot_general3A_281 = tpu.matmul %convert_element_type3A_265, %get3A_279, %dot_general3A_280 {dimension_numbers = #tpu.dot_dimension_numbers<[1], [0], [0], [1], [0, 0, 1, 1], [], []>, transpose_lhs_hint = false} : vector<256x256xbf16>, vector<256x2048xbf16>, vector<256x2048xf32> -> vector<256x2048xf32>
    %add3A_282 = arith.addf %add3A_276, %dot_general3A_281 : vector<256x2048xf32>
    %get3A_283 = arith.constant 0 : index
    %get3A_284 = arith.constant 0 : index
    %get3A_285 = vector.load %arg11[%get3A_283, %get3A_284] : memref<8x256xf32, #tpu.memory_space<vmem>>, vector<1x256xf32>
    %broadcast_in_dim3A_286 = vector.shape_cast %get3A_285 : vector<1x256xf32> to vector<1x256xf32>
    %broadcast_in_dim3A_287 = vector.broadcast %broadcast_in_dim3A_286 : vector<1x256xf32> to vector<256x256xf32>
    %jit3A_288 = arith.constant 0.000000e+00 : f32
    %broadcast_in_dim3A_289 = vector.broadcast %jit3A_288 : f32 to vector<256x256xf32>
    %select_n3A_290 = arith.select %eq3A_262, %broadcast_in_dim3A_287, %broadcast_in_dim3A_289 : vector<256x256xi1>, vector<256x256xf32>
    %reduce_sum3A_291 = arith.constant dense<0.000000e+00> : vector<256xf32>
    %reduce_sum3A_292 = vector.multi_reduction <add>, %select_n3A_290, %reduce_sum3A_291 [1] : vector<256x256xf32> to vector<256xf32>
    %broadcast_in_dim3A_293 = vector.shape_cast %reduce_sum3A_292 : vector<256xf32> to vector<256x1xf32>
    %mul3A_294 = arith.mulf %get3A_1, %add3A_282 : vector<256x2048xf32>
    %reduce_sum3A_295 = arith.constant dense<0.000000e+00> : vector<256xf32>
    %reduce_sum3A_296 = vector.multi_reduction <add>, %mul3A_294, %reduce_sum3A_295 [1] : vector<256x2048xf32> to vector<256xf32>
    %broadcast_in_dim3A_297 = vector.shape_cast %reduce_sum3A_296 : vector<256xf32> to vector<256x1xf32>
    %add3A_298 = arith.addf %broadcast_in_dim3A_297, %broadcast_in_dim3A_293 : vector<256x1xf32>
    %mul3A_299 = arith.constant 5.000000e-01 : f32
    %mul3A_300 = vector.broadcast %mul3A_299 : f32 to vector<256x1xf32>
    %mul3A_301 = arith.mulf %mul3A_300, %add3A_298 : vector<256x1xf32>
    %mul3A_302 = arith.constant 0.707106769 : f32
    %mul3A_303 = vector.broadcast %mul3A_302 : f32 to vector<256x1xf32>
    %mul3A_304 = arith.mulf %add3A_298, %mul3A_303 : vector<256x1xf32>
    %erf3A_305 = math.erf %mul3A_304 : vector<256x1xf32>
    %add3A_306 = arith.constant 1.000000e+00 : f32
    %add3A_307 = vector.broadcast %add3A_306 : f32 to vector<256x1xf32>
    %add3A_308 = arith.addf %add3A_307, %erf3A_305 : vector<256x1xf32>
    %mul3A_309 = arith.mulf %mul3A_301, %add3A_308 : vector<256x1xf32>
    %eq3A_310 = arith.constant 4 : i32
    %eq3A_311 = vector.broadcast %eq3A_310 : i32 to vector<256x16xi32>
    %eq3A_312 = arith.cmpi eq, %iota3A_3, %eq3A_311 : vector<256x16xi32>
    %broadcast_in_dim3A_313 = vector.shape_cast %mul3A_309 : vector<256x1xf32> to vector<256x1xf32>
    %broadcast_in_dim3A_314 = vector.broadcast %broadcast_in_dim3A_313 : vector<256x1xf32> to vector<256x16xf32>
    %select_n3A_315 = arith.select %eq3A_312, %broadcast_in_dim3A_314, %select_n3A_249 : vector<256x16xi1>, vector<256x16xf32>
    %mul3A_316 = arith.constant 2 : i32
    %mul3A_317 = vector.broadcast %mul3A_316 : i32 to vector<256x1xi32>
    %mul3A_318 = arith.muli %mul3A_317, %add3A_260 : vector<256x1xi32>
    %add3A_319 = arith.constant 1 : i32
    %add3A_320 = vector.broadcast %add3A_319 : i32 to vector<256x1xi32>
    %add3A_321 = arith.addi %mul3A_318, %add3A_320 : vector<256x1xi32>
    %gt3A_322 = arith.constant 0.000000e+00 : f32
    %gt3A_323 = vector.broadcast %gt3A_322 : f32 to vector<256x1xf32>
    %gt3A_324 = arith.cmpf ogt, %add3A_298, %gt3A_323 : vector<256x1xf32>
    %convert_element_type3A_325 = arith.extui %gt3A_324 : vector<256x1xi1> to vector<256x1xi32>
    %add3A_326 = arith.addi %add3A_321, %convert_element_type3A_325 : vector<256x1xi32>
    %eq3A_327 = vector.broadcast %add3A_326 : vector<256x1xi32> to vector<256x256xi32>
    %eq3A_328 = arith.cmpi eq, %iota3A, %eq3A_327 : vector<256x256xi32>
    %convert_element_type3A_329 = arith.extui %eq3A_328 : vector<256x256xi1> to vector<256x256xi32>
    %convert_element_type3A_330 = arith.sitofp %convert_element_type3A_329 : vector<256x256xi32> to vector<256x256xf32>
    %convert_element_type3A_331 = arith.truncf %convert_element_type3A_330 : vector<256x256xf32> to vector<256x256xbf16>
    %get3A_332 = arith.constant 0 : index
    %get3A_333 = arith.constant 0 : index
    %get3A_334 = vector.load %arg2[%get3A_332, %get3A_333] : memref<256x2048xbf16, #tpu.memory_space<vmem>>, vector<256x2048xbf16>
    %dot_general3A_335 = arith.constant dense<0.000000e+00> : vector<256x2048xf32>
    %dot_general3A_336 = tpu.matmul %convert_element_type3A_331, %get3A_334, %dot_general3A_335 {dimension_numbers = #tpu.dot_dimension_numbers<[1], [0], [0], [1], [0, 0, 1, 1], [], []>, transpose_lhs_hint = false} : vector<256x256xbf16>, vector<256x2048xbf16>, vector<256x2048xf32> -> vector<256x2048xf32>
    %get3A_337 = arith.constant 0 : index
    %get3A_338 = arith.constant 0 : index
    %get3A_339 = vector.load %arg3[%get3A_337, %get3A_338] : memref<256x2048xbf16, #tpu.memory_space<vmem>>, vector<256x2048xbf16>
    %dot_general3A_340 = arith.constant dense<0.000000e+00> : vector<256x2048xf32>
    %dot_general3A_341 = tpu.matmul %convert_element_type3A_331, %get3A_339, %dot_general3A_340 {dimension_numbers = #tpu.dot_dimension_numbers<[1], [0], [0], [1], [0, 0, 1, 1], [], []>, transpose_lhs_hint = false} : vector<256x256xbf16>, vector<256x2048xbf16>, vector<256x2048xf32> -> vector<256x2048xf32>
    %add3A_342 = arith.addf %dot_general3A_336, %dot_general3A_341 : vector<256x2048xf32>
    %get3A_343 = arith.constant 0 : index
    %get3A_344 = arith.constant 0 : index
    %get3A_345 = vector.load %arg4[%get3A_343, %get3A_344] : memref<256x2048xbf16, #tpu.memory_space<vmem>>, vector<256x2048xbf16>
    %dot_general3A_346 = arith.constant dense<0.000000e+00> : vector<256x2048xf32>
    %dot_general3A_347 = tpu.matmul %convert_element_type3A_331, %get3A_345, %dot_general3A_346 {dimension_numbers = #tpu.dot_dimension_numbers<[1], [0], [0], [1], [0, 0, 1, 1], [], []>, transpose_lhs_hint = false} : vector<256x256xbf16>, vector<256x2048xbf16>, vector<256x2048xf32> -> vector<256x2048xf32>
    %add3A_348 = arith.addf %add3A_342, %dot_general3A_347 : vector<256x2048xf32>
    %get3A_349 = arith.constant 0 : index
    %get3A_350 = arith.constant 0 : index
    %get3A_351 = vector.load %arg11[%get3A_349, %get3A_350] : memref<8x256xf32, #tpu.memory_space<vmem>>, vector<1x256xf32>
    %broadcast_in_dim3A_352 = vector.shape_cast %get3A_351 : vector<1x256xf32> to vector<1x256xf32>
    %broadcast_in_dim3A_353 = vector.broadcast %broadcast_in_dim3A_352 : vector<1x256xf32> to vector<256x256xf32>
    %jit3A_354 = arith.constant 0.000000e+00 : f32
    %broadcast_in_dim3A_355 = vector.broadcast %jit3A_354 : f32 to vector<256x256xf32>
    %select_n3A_356 = arith.select %eq3A_328, %broadcast_in_dim3A_353, %broadcast_in_dim3A_355 : vector<256x256xi1>, vector<256x256xf32>
    %reduce_sum3A_357 = arith.constant dense<0.000000e+00> : vector<256xf32>
    %reduce_sum3A_358 = vector.multi_reduction <add>, %select_n3A_356, %reduce_sum3A_357 [1] : vector<256x256xf32> to vector<256xf32>
    %broadcast_in_dim3A_359 = vector.shape_cast %reduce_sum3A_358 : vector<256xf32> to vector<256x1xf32>
    %mul3A_360 = arith.mulf %get3A_1, %add3A_348 : vector<256x2048xf32>
    %reduce_sum3A_361 = arith.constant dense<0.000000e+00> : vector<256xf32>
    %reduce_sum3A_362 = vector.multi_reduction <add>, %mul3A_360, %reduce_sum3A_361 [1] : vector<256x2048xf32> to vector<256xf32>
    %broadcast_in_dim3A_363 = vector.shape_cast %reduce_sum3A_362 : vector<256xf32> to vector<256x1xf32>
    %add3A_364 = arith.addf %broadcast_in_dim3A_363, %broadcast_in_dim3A_359 : vector<256x1xf32>
    %mul3A_365 = arith.constant 5.000000e-01 : f32
    %mul3A_366 = vector.broadcast %mul3A_365 : f32 to vector<256x1xf32>
    %mul3A_367 = arith.mulf %mul3A_366, %add3A_364 : vector<256x1xf32>
    %mul3A_368 = arith.constant 0.707106769 : f32
    %mul3A_369 = vector.broadcast %mul3A_368 : f32 to vector<256x1xf32>
    %mul3A_370 = arith.mulf %add3A_364, %mul3A_369 : vector<256x1xf32>
    %erf3A_371 = math.erf %mul3A_370 : vector<256x1xf32>
    %add3A_372 = arith.constant 1.000000e+00 : f32
    %add3A_373 = vector.broadcast %add3A_372 : f32 to vector<256x1xf32>
    %add3A_374 = arith.addf %add3A_373, %erf3A_371 : vector<256x1xf32>
    %mul3A_375 = arith.mulf %mul3A_367, %add3A_374 : vector<256x1xf32>
    %eq3A_376 = arith.constant 5 : i32
    %eq3A_377 = vector.broadcast %eq3A_376 : i32 to vector<256x16xi32>
    %eq3A_378 = arith.cmpi eq, %iota3A_3, %eq3A_377 : vector<256x16xi32>
    %broadcast_in_dim3A_379 = vector.shape_cast %mul3A_375 : vector<256x1xf32> to vector<256x1xf32>
    %broadcast_in_dim3A_380 = vector.broadcast %broadcast_in_dim3A_379 : vector<256x1xf32> to vector<256x16xf32>
    %select_n3A_381 = arith.select %eq3A_378, %broadcast_in_dim3A_380, %select_n3A_315 : vector<256x16xi1>, vector<256x16xf32>
    %mul3A_382 = arith.constant 2 : i32
    %mul3A_383 = vector.broadcast %mul3A_382 : i32 to vector<256x1xi32>
    %mul3A_384 = arith.muli %mul3A_383, %add3A_326 : vector<256x1xi32>
    %add3A_385 = arith.constant 1 : i32
    %add3A_386 = vector.broadcast %add3A_385 : i32 to vector<256x1xi32>
    %add3A_387 = arith.addi %mul3A_384, %add3A_386 : vector<256x1xi32>
    %gt3A_388 = arith.constant 0.000000e+00 : f32
    %gt3A_389 = vector.broadcast %gt3A_388 : f32 to vector<256x1xf32>
    %gt3A_390 = arith.cmpf ogt, %add3A_364, %gt3A_389 : vector<256x1xf32>
    %convert_element_type3A_391 = arith.extui %gt3A_390 : vector<256x1xi1> to vector<256x1xi32>
    %add3A_392 = arith.addi %add3A_387, %convert_element_type3A_391 : vector<256x1xi32>
    %eq3A_393 = vector.broadcast %add3A_392 : vector<256x1xi32> to vector<256x256xi32>
    %eq3A_394 = arith.cmpi eq, %iota3A, %eq3A_393 : vector<256x256xi32>
    %convert_element_type3A_395 = arith.extui %eq3A_394 : vector<256x256xi1> to vector<256x256xi32>
    %convert_element_type3A_396 = arith.sitofp %convert_element_type3A_395 : vector<256x256xi32> to vector<256x256xf32>
    %convert_element_type3A_397 = arith.truncf %convert_element_type3A_396 : vector<256x256xf32> to vector<256x256xbf16>
    %get3A_398 = arith.constant 0 : index
    %get3A_399 = arith.constant 0 : index
    %get3A_400 = vector.load %arg2[%get3A_398, %get3A_399] : memref<256x2048xbf16, #tpu.memory_space<vmem>>, vector<256x2048xbf16>
    %dot_general3A_401 = arith.constant dense<0.000000e+00> : vector<256x2048xf32>
    %dot_general3A_402 = tpu.matmul %convert_element_type3A_397, %get3A_400, %dot_general3A_401 {dimension_numbers = #tpu.dot_dimension_numbers<[1], [0], [0], [1], [0, 0, 1, 1], [], []>, transpose_lhs_hint = false} : vector<256x256xbf16>, vector<256x2048xbf16>, vector<256x2048xf32> -> vector<256x2048xf32>
    %get3A_403 = arith.constant 0 : index
    %get3A_404 = arith.constant 0 : index
    %get3A_405 = vector.load %arg3[%get3A_403, %get3A_404] : memref<256x2048xbf16, #tpu.memory_space<vmem>>, vector<256x2048xbf16>
    %dot_general3A_406 = arith.constant dense<0.000000e+00> : vector<256x2048xf32>
    %dot_general3A_407 = tpu.matmul %convert_element_type3A_397, %get3A_405, %dot_general3A_406 {dimension_numbers = #tpu.dot_dimension_numbers<[1], [0], [0], [1], [0, 0, 1, 1], [], []>, transpose_lhs_hint = false} : vector<256x256xbf16>, vector<256x2048xbf16>, vector<256x2048xf32> -> vector<256x2048xf32>
    %add3A_408 = arith.addf %dot_general3A_402, %dot_general3A_407 : vector<256x2048xf32>
    %get3A_409 = arith.constant 0 : index
    %get3A_410 = arith.constant 0 : index
    %get3A_411 = vector.load %arg4[%get3A_409, %get3A_410] : memref<256x2048xbf16, #tpu.memory_space<vmem>>, vector<256x2048xbf16>
    %dot_general3A_412 = arith.constant dense<0.000000e+00> : vector<256x2048xf32>
    %dot_general3A_413 = tpu.matmul %convert_element_type3A_397, %get3A_411, %dot_general3A_412 {dimension_numbers = #tpu.dot_dimension_numbers<[1], [0], [0], [1], [0, 0, 1, 1], [], []>, transpose_lhs_hint = false} : vector<256x256xbf16>, vector<256x2048xbf16>, vector<256x2048xf32> -> vector<256x2048xf32>
    %add3A_414 = arith.addf %add3A_408, %dot_general3A_413 : vector<256x2048xf32>
    %get3A_415 = arith.constant 0 : index
    %get3A_416 = arith.constant 0 : index
    %get3A_417 = vector.load %arg11[%get3A_415, %get3A_416] : memref<8x256xf32, #tpu.memory_space<vmem>>, vector<1x256xf32>
    %broadcast_in_dim3A_418 = vector.shape_cast %get3A_417 : vector<1x256xf32> to vector<1x256xf32>
    %broadcast_in_dim3A_419 = vector.broadcast %broadcast_in_dim3A_418 : vector<1x256xf32> to vector<256x256xf32>
    %jit3A_420 = arith.constant 0.000000e+00 : f32
    %broadcast_in_dim3A_421 = vector.broadcast %jit3A_420 : f32 to vector<256x256xf32>
    %select_n3A_422 = arith.select %eq3A_394, %broadcast_in_dim3A_419, %broadcast_in_dim3A_421 : vector<256x256xi1>, vector<256x256xf32>
    %reduce_sum3A_423 = arith.constant dense<0.000000e+00> : vector<256xf32>
    %reduce_sum3A_424 = vector.multi_reduction <add>, %select_n3A_422, %reduce_sum3A_423 [1] : vector<256x256xf32> to vector<256xf32>
    %broadcast_in_dim3A_425 = vector.shape_cast %reduce_sum3A_424 : vector<256xf32> to vector<256x1xf32>
    %mul3A_426 = arith.mulf %get3A_1, %add3A_414 : vector<256x2048xf32>
    %reduce_sum3A_427 = arith.constant dense<0.000000e+00> : vector<256xf32>
    %reduce_sum3A_428 = vector.multi_reduction <add>, %mul3A_426, %reduce_sum3A_427 [1] : vector<256x2048xf32> to vector<256xf32>
    %broadcast_in_dim3A_429 = vector.shape_cast %reduce_sum3A_428 : vector<256xf32> to vector<256x1xf32>
    %add3A_430 = arith.addf %broadcast_in_dim3A_429, %broadcast_in_dim3A_425 : vector<256x1xf32>
    %mul3A_431 = arith.constant 5.000000e-01 : f32
    %mul3A_432 = vector.broadcast %mul3A_431 : f32 to vector<256x1xf32>
    %mul3A_433 = arith.mulf %mul3A_432, %add3A_430 : vector<256x1xf32>
    %mul3A_434 = arith.constant 0.707106769 : f32
    %mul3A_435 = vector.broadcast %mul3A_434 : f32 to vector<256x1xf32>
    %mul3A_436 = arith.mulf %add3A_430, %mul3A_435 : vector<256x1xf32>
    %erf3A_437 = math.erf %mul3A_436 : vector<256x1xf32>
    %add3A_438 = arith.constant 1.000000e+00 : f32
    %add3A_439 = vector.broadcast %add3A_438 : f32 to vector<256x1xf32>
    %add3A_440 = arith.addf %add3A_439, %erf3A_437 : vector<256x1xf32>
    %mul3A_441 = arith.mulf %mul3A_433, %add3A_440 : vector<256x1xf32>
    %eq3A_442 = arith.constant 6 : i32
    %eq3A_443 = vector.broadcast %eq3A_442 : i32 to vector<256x16xi32>
    %eq3A_444 = arith.cmpi eq, %iota3A_3, %eq3A_443 : vector<256x16xi32>
    %broadcast_in_dim3A_445 = vector.shape_cast %mul3A_441 : vector<256x1xf32> to vector<256x1xf32>
    %broadcast_in_dim3A_446 = vector.broadcast %broadcast_in_dim3A_445 : vector<256x1xf32> to vector<256x16xf32>
    %select_n3A_447 = arith.select %eq3A_444, %broadcast_in_dim3A_446, %select_n3A_381 : vector<256x16xi1>, vector<256x16xf32>
    %mul3A_448 = arith.constant 2 : i32
    %mul3A_449 = vector.broadcast %mul3A_448 : i32 to vector<256x1xi32>
    %mul3A_450 = arith.muli %mul3A_449, %add3A_392 : vector<256x1xi32>
    %add3A_451 = arith.constant 1 : i32
    %add3A_452 = vector.broadcast %add3A_451 : i32 to vector<256x1xi32>
    %add3A_453 = arith.addi %mul3A_450, %add3A_452 : vector<256x1xi32>
    %gt3A_454 = arith.constant 0.000000e+00 : f32
    %gt3A_455 = vector.broadcast %gt3A_454 : f32 to vector<256x1xf32>
    %gt3A_456 = arith.cmpf ogt, %add3A_430, %gt3A_455 : vector<256x1xf32>
    %convert_element_type3A_457 = arith.extui %gt3A_456 : vector<256x1xi1> to vector<256x1xi32>
    %add3A_458 = arith.addi %add3A_453, %convert_element_type3A_457 : vector<256x1xi32>
    %eq3A_459 = vector.broadcast %add3A_458 : vector<256x1xi32> to vector<256x256xi32>
    %eq3A_460 = arith.cmpi eq, %iota3A, %eq3A_459 : vector<256x256xi32>
    %convert_element_type3A_461 = arith.extui %eq3A_460 : vector<256x256xi1> to vector<256x256xi32>
    %convert_element_type3A_462 = arith.sitofp %convert_element_type3A_461 : vector<256x256xi32> to vector<256x256xf32>
    %convert_element_type3A_463 = arith.truncf %convert_element_type3A_462 : vector<256x256xf32> to vector<256x256xbf16>
    %get3A_464 = arith.constant 0 : index
    %get3A_465 = arith.constant 0 : index
    %get3A_466 = vector.load %arg2[%get3A_464, %get3A_465] : memref<256x2048xbf16, #tpu.memory_space<vmem>>, vector<256x2048xbf16>
    %dot_general3A_467 = arith.constant dense<0.000000e+00> : vector<256x2048xf32>
    %dot_general3A_468 = tpu.matmul %convert_element_type3A_463, %get3A_466, %dot_general3A_467 {dimension_numbers = #tpu.dot_dimension_numbers<[1], [0], [0], [1], [0, 0, 1, 1], [], []>, transpose_lhs_hint = false} : vector<256x256xbf16>, vector<256x2048xbf16>, vector<256x2048xf32> -> vector<256x2048xf32>
    %get3A_469 = arith.constant 0 : index
    %get3A_470 = arith.constant 0 : index
    %get3A_471 = vector.load %arg3[%get3A_469, %get3A_470] : memref<256x2048xbf16, #tpu.memory_space<vmem>>, vector<256x2048xbf16>
    %dot_general3A_472 = arith.constant dense<0.000000e+00> : vector<256x2048xf32>
    %dot_general3A_473 = tpu.matmul %convert_element_type3A_463, %get3A_471, %dot_general3A_472 {dimension_numbers = #tpu.dot_dimension_numbers<[1], [0], [0], [1], [0, 0, 1, 1], [], []>, transpose_lhs_hint = false} : vector<256x256xbf16>, vector<256x2048xbf16>, vector<256x2048xf32> -> vector<256x2048xf32>
    %add3A_474 = arith.addf %dot_general3A_468, %dot_general3A_473 : vector<256x2048xf32>
    %get3A_475 = arith.constant 0 : index
    %get3A_476 = arith.constant 0 : index
    %get3A_477 = vector.load %arg4[%get3A_475, %get3A_476] : memref<256x2048xbf16, #tpu.memory_space<vmem>>, vector<256x2048xbf16>
    %dot_general3A_478 = arith.constant dense<0.000000e+00> : vector<256x2048xf32>
    %dot_general3A_479 = tpu.matmul %convert_element_type3A_463, %get3A_477, %dot_general3A_478 {dimension_numbers = #tpu.dot_dimension_numbers<[1], [0], [0], [1], [0, 0, 1, 1], [], []>, transpose_lhs_hint = false} : vector<256x256xbf16>, vector<256x2048xbf16>, vector<256x2048xf32> -> vector<256x2048xf32>
    %add3A_480 = arith.addf %add3A_474, %dot_general3A_479 : vector<256x2048xf32>
    %get3A_481 = arith.constant 0 : index
    %get3A_482 = arith.constant 0 : index
    %get3A_483 = vector.load %arg11[%get3A_481, %get3A_482] : memref<8x256xf32, #tpu.memory_space<vmem>>, vector<1x256xf32>
    %broadcast_in_dim3A_484 = vector.shape_cast %get3A_483 : vector<1x256xf32> to vector<1x256xf32>
    %broadcast_in_dim3A_485 = vector.broadcast %broadcast_in_dim3A_484 : vector<1x256xf32> to vector<256x256xf32>
    %jit3A_486 = arith.constant 0.000000e+00 : f32
    %broadcast_in_dim3A_487 = vector.broadcast %jit3A_486 : f32 to vector<256x256xf32>
    %select_n3A_488 = arith.select %eq3A_460, %broadcast_in_dim3A_485, %broadcast_in_dim3A_487 : vector<256x256xi1>, vector<256x256xf32>
    %reduce_sum3A_489 = arith.constant dense<0.000000e+00> : vector<256xf32>
    %reduce_sum3A_490 = vector.multi_reduction <add>, %select_n3A_488, %reduce_sum3A_489 [1] : vector<256x256xf32> to vector<256xf32>
    %broadcast_in_dim3A_491 = vector.shape_cast %reduce_sum3A_490 : vector<256xf32> to vector<256x1xf32>
    %mul3A_492 = arith.mulf %get3A_1, %add3A_480 : vector<256x2048xf32>
    %reduce_sum3A_493 = arith.constant dense<0.000000e+00> : vector<256xf32>
    %reduce_sum3A_494 = vector.multi_reduction <add>, %mul3A_492, %reduce_sum3A_493 [1] : vector<256x2048xf32> to vector<256xf32>
    %broadcast_in_dim3A_495 = vector.shape_cast %reduce_sum3A_494 : vector<256xf32> to vector<256x1xf32>
    %add3A_496 = arith.addf %broadcast_in_dim3A_495, %broadcast_in_dim3A_491 : vector<256x1xf32>
    %mul3A_497 = arith.constant 5.000000e-01 : f32
    %mul3A_498 = vector.broadcast %mul3A_497 : f32 to vector<256x1xf32>
    %mul3A_499 = arith.mulf %mul3A_498, %add3A_496 : vector<256x1xf32>
    %mul3A_500 = arith.constant 0.707106769 : f32
    %mul3A_501 = vector.broadcast %mul3A_500 : f32 to vector<256x1xf32>
    %mul3A_502 = arith.mulf %add3A_496, %mul3A_501 : vector<256x1xf32>
    %erf3A_503 = math.erf %mul3A_502 : vector<256x1xf32>
    %add3A_504 = arith.constant 1.000000e+00 : f32
    %add3A_505 = vector.broadcast %add3A_504 : f32 to vector<256x1xf32>
    %add3A_506 = arith.addf %add3A_505, %erf3A_503 : vector<256x1xf32>
    %mul3A_507 = arith.mulf %mul3A_499, %add3A_506 : vector<256x1xf32>
    %eq3A_508 = arith.constant 7 : i32
    %eq3A_509 = vector.broadcast %eq3A_508 : i32 to vector<256x16xi32>
    %eq3A_510 = arith.cmpi eq, %iota3A_3, %eq3A_509 : vector<256x16xi32>
    %broadcast_in_dim3A_511 = vector.shape_cast %mul3A_507 : vector<256x1xf32> to vector<256x1xf32>
    %broadcast_in_dim3A_512 = vector.broadcast %broadcast_in_dim3A_511 : vector<256x1xf32> to vector<256x16xf32>
    %select_n3A_513 = arith.select %eq3A_510, %broadcast_in_dim3A_512, %select_n3A_447 : vector<256x16xi1>, vector<256x16xf32>
    %mul3A_514 = arith.constant 2 : i32
    %mul3A_515 = vector.broadcast %mul3A_514 : i32 to vector<256x1xi32>
    %mul3A_516 = arith.muli %mul3A_515, %add3A_458 : vector<256x1xi32>
    %add3A_517 = arith.constant 1 : i32
    %add3A_518 = vector.broadcast %add3A_517 : i32 to vector<256x1xi32>
    %add3A_519 = arith.addi %mul3A_516, %add3A_518 : vector<256x1xi32>
    %gt3A_520 = arith.constant 0.000000e+00 : f32
    %gt3A_521 = vector.broadcast %gt3A_520 : f32 to vector<256x1xf32>
    %gt3A_522 = arith.cmpf ogt, %add3A_496, %gt3A_521 : vector<256x1xf32>
    %convert_element_type3A_523 = arith.extui %gt3A_522 : vector<256x1xi1> to vector<256x1xi32>
    %add3A_524 = arith.addi %add3A_519, %convert_element_type3A_523 : vector<256x1xi32>
    %sub3A = arith.constant 255 : i32
    %sub3A_525 = vector.broadcast %sub3A : i32 to vector<256x1xi32>
    %sub3A_526 = arith.subi %add3A_524, %sub3A_525 : vector<256x1xi32>
    %eq3A_527 = vector.broadcast %sub3A_526 : vector<256x1xi32> to vector<256x256xi32>
    %eq3A_528 = arith.cmpi eq, %iota3A, %eq3A_527 : vector<256x256xi32>
    %convert_element_type3A_529 = arith.extui %eq3A_528 : vector<256x256xi1> to vector<256x256xi32>
    %convert_element_type3A_530 = arith.sitofp %convert_element_type3A_529 : vector<256x256xi32> to vector<256x256xf32>
    %convert_element_type3A_531 = arith.truncf %convert_element_type3A_530 : vector<256x256xf32> to vector<256x256xbf16>
    %get3A_532 = arith.constant 0 : index
    %get3A_533 = arith.constant 0 : index
    %get3A_534 = vector.load %arg5[%get3A_532, %get3A_533] : memref<256x2048xbf16, #tpu.memory_space<vmem>>, vector<256x2048xbf16>
    %dot_general3A_535 = arith.constant dense<0.000000e+00> : vector<256x2048xf32>
    %dot_general3A_536 = tpu.matmul %convert_element_type3A_531, %get3A_534, %dot_general3A_535 {dimension_numbers = #tpu.dot_dimension_numbers<[1], [0], [0], [1], [0, 0, 1, 1], [], []>, transpose_lhs_hint = false} : vector<256x256xbf16>, vector<256x2048xbf16>, vector<256x2048xf32> -> vector<256x2048xf32>
    %get3A_537 = arith.constant 0 : index
    %get3A_538 = arith.constant 0 : index
    %get3A_539 = vector.load %arg6[%get3A_537, %get3A_538] : memref<256x2048xbf16, #tpu.memory_space<vmem>>, vector<256x2048xbf16>
    %dot_general3A_540 = arith.constant dense<0.000000e+00> : vector<256x2048xf32>
    %dot_general3A_541 = tpu.matmul %convert_element_type3A_531, %get3A_539, %dot_general3A_540 {dimension_numbers = #tpu.dot_dimension_numbers<[1], [0], [0], [1], [0, 0, 1, 1], [], []>, transpose_lhs_hint = false} : vector<256x256xbf16>, vector<256x2048xbf16>, vector<256x2048xf32> -> vector<256x2048xf32>
    %add3A_542 = arith.addf %dot_general3A_536, %dot_general3A_541 : vector<256x2048xf32>
    %get3A_543 = arith.constant 0 : index
    %get3A_544 = arith.constant 0 : index
    %get3A_545 = vector.load %arg7[%get3A_543, %get3A_544] : memref<256x2048xbf16, #tpu.memory_space<vmem>>, vector<256x2048xbf16>
    %dot_general3A_546 = arith.constant dense<0.000000e+00> : vector<256x2048xf32>
    %dot_general3A_547 = tpu.matmul %convert_element_type3A_531, %get3A_545, %dot_general3A_546 {dimension_numbers = #tpu.dot_dimension_numbers<[1], [0], [0], [1], [0, 0, 1, 1], [], []>, transpose_lhs_hint = false} : vector<256x256xbf16>, vector<256x2048xbf16>, vector<256x2048xf32> -> vector<256x2048xf32>
    %add3A_548 = arith.addf %add3A_542, %dot_general3A_547 : vector<256x2048xf32>
    %get3A_549 = arith.constant 0 : index
    %get3A_550 = arith.constant 0 : index
    %get3A_551 = vector.load %arg12[%get3A_549, %get3A_550] : memref<8x256xf32, #tpu.memory_space<vmem>>, vector<1x256xf32>
    %broadcast_in_dim3A_552 = vector.shape_cast %get3A_551 : vector<1x256xf32> to vector<1x256xf32>
    %broadcast_in_dim3A_553 = vector.broadcast %broadcast_in_dim3A_552 : vector<1x256xf32> to vector<256x256xf32>
    %jit3A_554 = arith.constant 0.000000e+00 : f32
    %broadcast_in_dim3A_555 = vector.broadcast %jit3A_554 : f32 to vector<256x256xf32>
    %select_n3A_556 = arith.select %eq3A_528, %broadcast_in_dim3A_553, %broadcast_in_dim3A_555 : vector<256x256xi1>, vector<256x256xf32>
    %reduce_sum3A_557 = arith.constant dense<0.000000e+00> : vector<256xf32>
    %reduce_sum3A_558 = vector.multi_reduction <add>, %select_n3A_556, %reduce_sum3A_557 [1] : vector<256x256xf32> to vector<256xf32>
    %broadcast_in_dim3A_559 = vector.shape_cast %reduce_sum3A_558 : vector<256xf32> to vector<256x1xf32>
    %mul3A_560 = arith.mulf %get3A_1, %add3A_548 : vector<256x2048xf32>
    %reduce_sum3A_561 = arith.constant dense<0.000000e+00> : vector<256xf32>
    %reduce_sum3A_562 = vector.multi_reduction <add>, %mul3A_560, %reduce_sum3A_561 [1] : vector<256x2048xf32> to vector<256xf32>
    %broadcast_in_dim3A_563 = vector.shape_cast %reduce_sum3A_562 : vector<256xf32> to vector<256x1xf32>
    %add3A_564 = arith.addf %broadcast_in_dim3A_563, %broadcast_in_dim3A_559 : vector<256x1xf32>
    %mul3A_565 = arith.constant 5.000000e-01 : f32
    %mul3A_566 = vector.broadcast %mul3A_565 : f32 to vector<256x1xf32>
    %mul3A_567 = arith.mulf %mul3A_566, %add3A_564 : vector<256x1xf32>
    %mul3A_568 = arith.constant 0.707106769 : f32
    %mul3A_569 = vector.broadcast %mul3A_568 : f32 to vector<256x1xf32>
    %mul3A_570 = arith.mulf %add3A_564, %mul3A_569 : vector<256x1xf32>
    %erf3A_571 = math.erf %mul3A_570 : vector<256x1xf32>
    %add3A_572 = arith.constant 1.000000e+00 : f32
    %add3A_573 = vector.broadcast %add3A_572 : f32 to vector<256x1xf32>
    %add3A_574 = arith.addf %add3A_573, %erf3A_571 : vector<256x1xf32>
    %mul3A_575 = arith.mulf %mul3A_567, %add3A_574 : vector<256x1xf32>
    %eq3A_576 = arith.constant 8 : i32
    %eq3A_577 = vector.broadcast %eq3A_576 : i32 to vector<256x16xi32>
    %eq3A_578 = arith.cmpi eq, %iota3A_3, %eq3A_577 : vector<256x16xi32>
    %broadcast_in_dim3A_579 = vector.shape_cast %mul3A_575 : vector<256x1xf32> to vector<256x1xf32>
    %broadcast_in_dim3A_580 = vector.broadcast %broadcast_in_dim3A_579 : vector<256x1xf32> to vector<256x16xf32>
    %select_n3A_581 = arith.select %eq3A_578, %broadcast_in_dim3A_580, %select_n3A_513 : vector<256x16xi1>, vector<256x16xf32>
    %mul3A_582 = arith.constant 2 : i32
    %mul3A_583 = vector.broadcast %mul3A_582 : i32 to vector<256x1xi32>
    %mul3A_584 = arith.muli %mul3A_583, %add3A_524 : vector<256x1xi32>
    %add3A_585 = arith.constant 1 : i32
    %add3A_586 = vector.broadcast %add3A_585 : i32 to vector<256x1xi32>
    %add3A_587 = arith.addi %mul3A_584, %add3A_586 : vector<256x1xi32>
    %gt3A_588 = arith.constant 0.000000e+00 : f32
    %gt3A_589 = vector.broadcast %gt3A_588 : f32 to vector<256x1xf32>
    %gt3A_590 = arith.cmpf ogt, %add3A_564, %gt3A_589 : vector<256x1xf32>
    %convert_element_type3A_591 = arith.extui %gt3A_590 : vector<256x1xi1> to vector<256x1xi32>
    %add3A_592 = arith.addi %add3A_587, %convert_element_type3A_591 : vector<256x1xi32>
    %sub3A_593 = arith.constant 511 : i32
    %sub3A_594 = vector.broadcast %sub3A_593 : i32 to vector<256x1xi32>
    %sub3A_595 = arith.subi %add3A_592, %sub3A_594 : vector<256x1xi32>
    %eq3A_596 = vector.broadcast %sub3A_595 : vector<256x1xi32> to vector<256x512xi32>
    %eq3A_597 = arith.cmpi eq, %iota3A_2, %eq3A_596 : vector<256x512xi32>
    %convert_element_type3A_598 = arith.extui %eq3A_597 : vector<256x512xi1> to vector<256x512xi32>
    %convert_element_type3A_599 = arith.sitofp %convert_element_type3A_598 : vector<256x512xi32> to vector<256x512xf32>
    %convert_element_type3A_600 = arith.truncf %convert_element_type3A_599 : vector<256x512xf32> to vector<256x512xbf16>
    %get3A_601 = arith.constant 0 : index
    %get3A_602 = arith.constant 0 : index
    %get3A_603 = vector.load %arg8[%get3A_601, %get3A_602] : memref<512x2048xbf16, #tpu.memory_space<vmem>>, vector<512x2048xbf16>
    %dot_general3A_604 = arith.constant dense<0.000000e+00> : vector<256x2048xf32>
    %dot_general3A_605 = tpu.matmul %convert_element_type3A_600, %get3A_603, %dot_general3A_604 {dimension_numbers = #tpu.dot_dimension_numbers<[1], [0], [0], [1], [0, 0, 1, 1], [], []>, transpose_lhs_hint = false} : vector<256x512xbf16>, vector<512x2048xbf16>, vector<256x2048xf32> -> vector<256x2048xf32>
    %get3A_606 = arith.constant 0 : index
    %get3A_607 = arith.constant 0 : index
    %get3A_608 = vector.load %arg9[%get3A_606, %get3A_607] : memref<512x2048xbf16, #tpu.memory_space<vmem>>, vector<512x2048xbf16>
    %dot_general3A_609 = arith.constant dense<0.000000e+00> : vector<256x2048xf32>
    %dot_general3A_610 = tpu.matmul %convert_element_type3A_600, %get3A_608, %dot_general3A_609 {dimension_numbers = #tpu.dot_dimension_numbers<[1], [0], [0], [1], [0, 0, 1, 1], [], []>, transpose_lhs_hint = false} : vector<256x512xbf16>, vector<512x2048xbf16>, vector<256x2048xf32> -> vector<256x2048xf32>
    %add3A_611 = arith.addf %dot_general3A_605, %dot_general3A_610 : vector<256x2048xf32>
    %get3A_612 = arith.constant 0 : index
    %get3A_613 = arith.constant 0 : index
    %get3A_614 = vector.load %arg10[%get3A_612, %get3A_613] : memref<512x2048xbf16, #tpu.memory_space<vmem>>, vector<512x2048xbf16>
    %dot_general3A_615 = arith.constant dense<0.000000e+00> : vector<256x2048xf32>
    %dot_general3A_616 = tpu.matmul %convert_element_type3A_600, %get3A_614, %dot_general3A_615 {dimension_numbers = #tpu.dot_dimension_numbers<[1], [0], [0], [1], [0, 0, 1, 1], [], []>, transpose_lhs_hint = false} : vector<256x512xbf16>, vector<512x2048xbf16>, vector<256x2048xf32> -> vector<256x2048xf32>
    %add3A_617 = arith.addf %add3A_611, %dot_general3A_616 : vector<256x2048xf32>
    %get3A_618 = arith.constant 0 : index
    %get3A_619 = arith.constant 0 : index
    %get3A_620 = vector.load %arg13[%get3A_618, %get3A_619] : memref<8x512xf32, #tpu.memory_space<vmem>>, vector<1x512xf32>
    %broadcast_in_dim3A_621 = vector.shape_cast %get3A_620 : vector<1x512xf32> to vector<1x512xf32>
    %broadcast_in_dim3A_622 = vector.broadcast %broadcast_in_dim3A_621 : vector<1x512xf32> to vector<256x512xf32>
    %jit3A_623 = arith.constant 0.000000e+00 : f32
    %broadcast_in_dim3A_624 = vector.broadcast %jit3A_623 : f32 to vector<256x512xf32>
    %select_n3A_625 = arith.select %eq3A_597, %broadcast_in_dim3A_622, %broadcast_in_dim3A_624 : vector<256x512xi1>, vector<256x512xf32>
    %reduce_sum3A_626 = arith.constant dense<0.000000e+00> : vector<256xf32>
    %reduce_sum3A_627 = vector.multi_reduction <add>, %select_n3A_625, %reduce_sum3A_626 [1] : vector<256x512xf32> to vector<256xf32>
    %broadcast_in_dim3A_628 = vector.shape_cast %reduce_sum3A_627 : vector<256xf32> to vector<256x1xf32>
    %mul3A_629 = arith.mulf %get3A_1, %add3A_617 : vector<256x2048xf32>
    %reduce_sum3A_630 = arith.constant dense<0.000000e+00> : vector<256xf32>
    %reduce_sum3A_631 = vector.multi_reduction <add>, %mul3A_629, %reduce_sum3A_630 [1] : vector<256x2048xf32> to vector<256xf32>
    %broadcast_in_dim3A_632 = vector.shape_cast %reduce_sum3A_631 : vector<256xf32> to vector<256x1xf32>
    %add3A_633 = arith.addf %broadcast_in_dim3A_632, %broadcast_in_dim3A_628 : vector<256x1xf32>
    %mul3A_634 = arith.constant 5.000000e-01 : f32
    %mul3A_635 = vector.broadcast %mul3A_634 : f32 to vector<256x1xf32>
    %mul3A_636 = arith.mulf %mul3A_635, %add3A_633 : vector<256x1xf32>
    %mul3A_637 = arith.constant 0.707106769 : f32
    %mul3A_638 = vector.broadcast %mul3A_637 : f32 to vector<256x1xf32>
    %mul3A_639 = arith.mulf %add3A_633, %mul3A_638 : vector<256x1xf32>
    %erf3A_640 = math.erf %mul3A_639 : vector<256x1xf32>
    %add3A_641 = arith.constant 1.000000e+00 : f32
    %add3A_642 = vector.broadcast %add3A_641 : f32 to vector<256x1xf32>
    %add3A_643 = arith.addf %add3A_642, %erf3A_640 : vector<256x1xf32>
    %mul3A_644 = arith.mulf %mul3A_636, %add3A_643 : vector<256x1xf32>
    %eq3A_645 = arith.constant 9 : i32
    %eq3A_646 = vector.broadcast %eq3A_645 : i32 to vector<256x16xi32>
    %eq3A_647 = arith.cmpi eq, %iota3A_3, %eq3A_646 : vector<256x16xi32>
    %broadcast_in_dim3A_648 = vector.shape_cast %mul3A_644 : vector<256x1xf32> to vector<256x1xf32>
    %broadcast_in_dim3A_649 = vector.broadcast %broadcast_in_dim3A_648 : vector<256x1xf32> to vector<256x16xf32>
    %select_n3A_650 = arith.select %eq3A_647, %broadcast_in_dim3A_649, %select_n3A_581 : vector<256x16xi1>, vector<256x16xf32>
    %mul3A_651 = arith.constant 2 : i32
    %mul3A_652 = vector.broadcast %mul3A_651 : i32 to vector<256x1xi32>
    %mul3A_653 = arith.muli %mul3A_652, %add3A_592 : vector<256x1xi32>
    %add3A_654 = arith.constant 1 : i32
    %add3A_655 = vector.broadcast %add3A_654 : i32 to vector<256x1xi32>
    %add3A_656 = arith.addi %mul3A_653, %add3A_655 : vector<256x1xi32>
    %gt3A_657 = arith.constant 0.000000e+00 : f32
    %gt3A_658 = vector.broadcast %gt3A_657 : f32 to vector<256x1xf32>
    %gt3A_659 = arith.cmpf ogt, %add3A_633, %gt3A_658 : vector<256x1xf32>
    %convert_element_type3A_660 = arith.extui %gt3A_659 : vector<256x1xi1> to vector<256x1xi32>
    %add3A_661 = arith.addi %add3A_656, %convert_element_type3A_660 : vector<256x1xi32>
    %swap3A = arith.constant 0 : index
    %swap3A_662 = arith.constant 0 : index
    %swap3A_663 = vector.load %arg14[%swap3A, %swap3A_662] : memref<256x16xf32, #tpu.memory_space<vmem>>, vector<256x16xf32>
    tpu.vector_store %arg14[%swap3A, %swap3A_662], %select_n3A_650 {strides = array<i32>} : memref<256x16xf32, #tpu.memory_space<vmem>>, vector<256x16xf32>,
    %swap3A_664 = arith.constant 0 : index
    %swap3A_665 = arith.constant 0 : index
    %swap3A_666 = vector.load %arg15[%swap3A_664, %swap3A_665] : memref<256x1xi32, #tpu.memory_space<vmem>>, vector<256x1xi32>
    tpu.vector_store %arg15[%swap3A_664, %swap3A_665], %add3A_661 {strides = array<i32>} : memref<256x1xi32, #tpu.memory_space<vmem>>, vector<256x1xi32>,
    return
  }
  func.func @transform_0(%arg0: i32) -> (i32, i32) {
    %c0_i32 = arith.constant 0 : i32
    %c0_i32_0 = arith.constant 0 : i32
    return %arg0, %c0_i32 : i32, i32
  }
  func.func @transform_1(%arg0: i32) -> (i32, i32) {
    %c0_i32 = arith.constant 0 : i32
    %c0_i32_0 = arith.constant 0 : i32
    %c0_i32_1 = arith.constant 0 : i32
    return %c0_i32, %c0_i32_0 : i32, i32
  }
  func.func @transform_2(%arg0: i32) -> (i32, i32) {
    %c0_i32 = arith.constant 0 : i32
    %c0_i32_0 = arith.constant 0 : i32
    %c0_i32_1 = arith.constant 0 : i32
    return %c0_i32, %c0_i32_0 : i32, i32
  }
  func.func @transform_3(%arg0: i32) -> (i32, i32) {
    %c0_i32 = arith.constant 0 : i32
    %c0_i32_0 = arith.constant 0 : i32
    %c0_i32_1 = arith.constant 0 : i32
    return %c0_i32, %c0_i32_0 : i32, i32
  }
  func.func @transform_4(%arg0: i32) -> (i32, i32) {
    %c0_i32 = arith.constant 0 : i32
    %c0_i32_0 = arith.constant 0 : i32
    %c0_i32_1 = arith.constant 0 : i32
    return %c0_i32, %c0_i32_0 : i32, i32
  }
  func.func @transform_5(%arg0: i32) -> (i32, i32) {
    %c0_i32 = arith.constant 0 : i32
    %c0_i32_0 = arith.constant 0 : i32
    %c0_i32_1 = arith.constant 0 : i32
    return %c0_i32, %c0_i32_0 : i32, i32
  }
  func.func @transform_6(%arg0: i32) -> (i32, i32) {
    %c0_i32 = arith.constant 0 : i32
    %c0_i32_0 = arith.constant 0 : i32
    %c0_i32_1 = arith.constant 0 : i32
    return %c0_i32, %c0_i32_0 : i32, i32
  }
  func.func @transform_7(%arg0: i32) -> (i32, i32) {
    %c0_i32 = arith.constant 0 : i32
    %c0_i32_0 = arith.constant 0 : i32
    %c0_i32_1 = arith.constant 0 : i32
    return %c0_i32, %c0_i32_0 : i32, i32
  }
  func.func @transform_8(%arg0: i32) -> (i32, i32) {
    %c0_i32 = arith.constant 0 : i32
    %c0_i32_0 = arith.constant 0 : i32
    %c0_i32_1 = arith.constant 0 : i32
    return %c0_i32, %c0_i32_0 : i32, i32
  }
  func.func @transform_9(%arg0: i32) -> (i32, i32) {
    %c0_i32 = arith.constant 0 : i32
    %c0_i32_0 = arith.constant 0 : i32
    %c0_i32_1 = arith.constant 0 : i32
    return %c0_i32, %c0_i32_0 : i32, i32
  }
  func.func @transform_10(%arg0: i32) -> (i32, i32) {
    %c0_i32 = arith.constant 0 : i32
    %c0_i32_0 = arith.constant 0 : i32
    %c0_i32_1 = arith.constant 0 : i32
    return %c0_i32, %c0_i32_0 : i32, i32
  }
  func.func @transform_11(%arg0: i32) -> (i32, i32) {
    %c0_i32 = arith.constant 0 : i32
    %c0_i32_0 = arith.constant 0 : i32
    %c0_i32_1 = arith.constant 0 : i32
    return %c0_i32, %c0_i32_0 : i32, i32
  }
  func.func @transform_12(%arg0: i32) -> (i32, i32) {
    %c0_i32 = arith.constant 0 : i32
    %c0_i32_0 = arith.constant 0 : i32
    %c0_i32_1 = arith.constant 0 : i32
    return %c0_i32, %c0_i32_0 : i32, i32
  }
  func.func @transform_13(%arg0: i32) -> (i32, i32) {
    %c0_i32 = arith.constant 0 : i32
    %c0_i32_0 = arith.constant 0 : i32
    return %arg0, %c0_i32 : i32, i32
  }
  func.func @transform_14(%arg0: i32) -> (i32, i32) {
    %c0_i32 = arith.constant 0 : i32
    %c0_i32_0 = arith.constant 0 : i32
    return %arg0, %c0_i32 : i32, i32
  }
}

module attributes {stable_mosaic.version = 14 : i64} {
  func.func @_dot_kernel(%arg0: i32, %arg1: memref<256x2048xf32, #tpu.memory_space<vmem>>, %arg2: memref<256x2048xf32, #tpu.memory_space<vmem>>, %arg3: memref<256x1xi32, #tpu.memory_space<vmem>>, %arg4: memref<16x2048xf32, #tpu.memory_space<vmem>>, %arg5: memref<256x1xf32, #tpu.memory_space<vmem>>, %arg6: memref<256x1xi32, #tpu.memory_space<vmem>>) attributes {dimension_semantics = [#tpu.dimension_semantics<arbitrary>], iteration_bounds = array<i64: 32>, scalar_prefetch = 0 : i64, scratch_operands = 0 : i64, tpu.core_type = #tpu.core_type<tc>, window_params = [{transform_indices = @transform_0, window_bounds = array<i64: 256, 2048>}, {transform_indices = @transform_1, window_bounds = array<i64: 256, 2048>}, {transform_indices = @transform_2, window_bounds = array<i64: 256, 1>}, {pipeline_mode = #tpu.pipeline_mode<synchronous>, transform_indices = @transform_3, window_bounds = array<i64: 16, 2048>}, {transform_indices = @transform_4, window_bounds = array<i64: 256, 1>}, {transform_indices = @transform_5, window_bounds = array<i64: 256, 1>}]} {
    %get3A = arith.constant 0 : index
    %get3A_0 = arith.constant 0 : index
    %get3A_1 = vector.load %arg1[%get3A, %get3A_0] : memref<256x2048xf32, #tpu.memory_space<vmem>>, vector<256x2048xf32>
    %get3A_2 = arith.constant 0 : index
    %get3A_3 = arith.constant 0 : index
    %get3A_4 = vector.load %arg2[%get3A_2, %get3A_3] : memref<256x2048xf32, #tpu.memory_space<vmem>>, vector<256x2048xf32>
    %get3A_5 = arith.constant 0 : index
    %get3A_6 = arith.constant 0 : index
    %get3A_7 = vector.load %arg3[%get3A_5, %get3A_6] : memref<256x1xi32, #tpu.memory_space<vmem>>, vector<256x1xi32>
    %sub3A = arith.constant 1023 : i32
    %sub3A_8 = vector.broadcast %sub3A : i32 to vector<256x1xi32>
    %sub3A_9 = arith.subi %get3A_7, %sub3A_8 : vector<256x1xi32>
    %iota3A = tpu.iota {dimensions = array<i32: 1>} : vector<256x1024xi32>
    %eq3A = vector.broadcast %sub3A_9 : vector<256x1xi32> to vector<256x1024xi32>
    %eq3A_10 = arith.cmpi eq, %iota3A, %eq3A : vector<256x1024xi32>
    %get3A_11 = arith.constant 10 : index
    %get3A_12 = arith.constant 0 : index
    %get3A_13 = vector.load %arg4[%get3A_11, %get3A_12] : memref<16x2048xf32, #tpu.memory_space<vmem>>, vector<1x1024xf32>
    %broadcast_in_dim3A = vector.shape_cast %get3A_13 : vector<1x1024xf32> to vector<1x1024xf32>
    %broadcast_in_dim3A_14 = vector.broadcast %broadcast_in_dim3A : vector<1x1024xf32> to vector<256x1024xf32>
    %jit3A = arith.constant 0.000000e+00 : f32
    %broadcast_in_dim3A_15 = vector.broadcast %jit3A : f32 to vector<256x1024xf32>
    %select_n3A = arith.select %eq3A_10, %broadcast_in_dim3A_14, %broadcast_in_dim3A_15 : vector<256x1024xi1>, vector<256x1024xf32>
    %reduce_sum3A = arith.constant dense<0.000000e+00> : vector<256xf32>
    %reduce_sum3A_16 = vector.multi_reduction <add>, %select_n3A, %reduce_sum3A [1] : vector<256x1024xf32> to vector<256xf32>
    %broadcast_in_dim3A_17 = vector.shape_cast %reduce_sum3A_16 : vector<256xf32> to vector<256x1xf32>
    %mul3A = arith.mulf %get3A_1, %get3A_4 : vector<256x2048xf32>
    %reduce_sum3A_18 = arith.constant dense<0.000000e+00> : vector<256xf32>
    %reduce_sum3A_19 = vector.multi_reduction <add>, %mul3A, %reduce_sum3A_18 [1] : vector<256x2048xf32> to vector<256xf32>
    %broadcast_in_dim3A_20 = vector.shape_cast %reduce_sum3A_19 : vector<256xf32> to vector<256x1xf32>
    %add3A = arith.addf %broadcast_in_dim3A_20, %broadcast_in_dim3A_17 : vector<256x1xf32>
    %mul3A_21 = arith.constant 5.000000e-01 : f32
    %mul3A_22 = vector.broadcast %mul3A_21 : f32 to vector<256x1xf32>
    %mul3A_23 = arith.mulf %mul3A_22, %add3A : vector<256x1xf32>
    %mul3A_24 = arith.constant 0.707106769 : f32
    %mul3A_25 = vector.broadcast %mul3A_24 : f32 to vector<256x1xf32>
    %mul3A_26 = arith.mulf %add3A, %mul3A_25 : vector<256x1xf32>
    %erf3A = math.erf %mul3A_26 : vector<256x1xf32>
    %add3A_27 = arith.constant 1.000000e+00 : f32
    %add3A_28 = vector.broadcast %add3A_27 : f32 to vector<256x1xf32>
    %add3A_29 = arith.addf %add3A_28, %erf3A : vector<256x1xf32>
    %mul3A_30 = arith.mulf %mul3A_23, %add3A_29 : vector<256x1xf32>
    %swap3A = arith.constant 0 : index
    %swap3A_31 = arith.constant 0 : index
    %swap3A_32 = vector.load %arg5[%swap3A, %swap3A_31] : memref<256x1xf32, #tpu.memory_space<vmem>>, vector<256x1xf32>
    tpu.vector_store %arg5[%swap3A, %swap3A_31], %mul3A_30 {strides = array<i32>} : memref<256x1xf32, #tpu.memory_space<vmem>>, vector<256x1xf32>,
    %mul3A_33 = arith.constant 2 : i32
    %mul3A_34 = vector.broadcast %mul3A_33 : i32 to vector<256x1xi32>
    %mul3A_35 = arith.muli %mul3A_34, %get3A_7 : vector<256x1xi32>
    %add3A_36 = arith.constant 1 : i32
    %add3A_37 = vector.broadcast %add3A_36 : i32 to vector<256x1xi32>
    %add3A_38 = arith.addi %mul3A_35, %add3A_37 : vector<256x1xi32>
    %gt3A = arith.constant 0.000000e+00 : f32
    %gt3A_39 = vector.broadcast %gt3A : f32 to vector<256x1xf32>
    %gt3A_40 = arith.cmpf ogt, %add3A, %gt3A_39 : vector<256x1xf32>
    %convert_element_type3A = arith.extui %gt3A_40 : vector<256x1xi1> to vector<256x1xi32>
    %add3A_41 = arith.addi %add3A_38, %convert_element_type3A : vector<256x1xi32>
    %swap3A_42 = arith.constant 0 : index
    %swap3A_43 = arith.constant 0 : index
    %swap3A_44 = vector.load %arg6[%swap3A_42, %swap3A_43] : memref<256x1xi32, #tpu.memory_space<vmem>>, vector<256x1xi32>
    tpu.vector_store %arg6[%swap3A_42, %swap3A_43], %add3A_41 {strides = array<i32>} : memref<256x1xi32, #tpu.memory_space<vmem>>, vector<256x1xi32>,
    return
  }
  func.func @transform_0(%arg0: i32) -> (i32, i32) {
    %c0_i32 = arith.constant 0 : i32
    %c0_i32_0 = arith.constant 0 : i32
    return %arg0, %c0_i32 : i32, i32
  }
  func.func @transform_1(%arg0: i32) -> (i32, i32) {
    %c0_i32 = arith.constant 0 : i32
    %c0_i32_0 = arith.constant 0 : i32
    return %arg0, %c0_i32 : i32, i32
  }
  func.func @transform_2(%arg0: i32) -> (i32, i32) {
    %c0_i32 = arith.constant 0 : i32
    %c0_i32_0 = arith.constant 0 : i32
    return %arg0, %c0_i32 : i32, i32
  }
  func.func @transform_3(%arg0: i32) -> (i32, i32) {
    %c0_i32 = arith.constant 0 : i32
    %c0_i32_0 = arith.constant 0 : i32
    %c0_i32_1 = arith.constant 0 : i32
    return %c0_i32, %c0_i32_0 : i32, i32
  }
  func.func @transform_4(%arg0: i32) -> (i32, i32) {
    %c0_i32 = arith.constant 0 : i32
    %c0_i32_0 = arith.constant 0 : i32
    return %arg0, %c0_i32 : i32, i32
  }
  func.func @transform_5(%arg0: i32) -> (i32, i32) {
    %c0_i32 = arith.constant 0 : i32
    %c0_i32_0 = arith.constant 0 : i32
    return %arg0, %c0_i32 : i32, i32
  }
}

module attributes {stable_mosaic.version = 14 : i64} {
  func.func @_dot_kernel(%arg0: i32, %arg1: memref<256x2048xf32, #tpu.memory_space<vmem>>, %arg2: memref<256x2048xf32, #tpu.memory_space<vmem>>, %arg3: memref<256x1xi32, #tpu.memory_space<vmem>>, %arg4: memref<16x2048xf32, #tpu.memory_space<vmem>>, %arg5: memref<256x1xf32, #tpu.memory_space<vmem>>, %arg6: memref<256x1xi32, #tpu.memory_space<vmem>>) attributes {dimension_semantics = [#tpu.dimension_semantics<arbitrary>], iteration_bounds = array<i64: 32>, scalar_prefetch = 0 : i64, scratch_operands = 0 : i64, tpu.core_type = #tpu.core_type<tc>, window_params = [{transform_indices = @transform_0, window_bounds = array<i64: 256, 2048>}, {transform_indices = @transform_1, window_bounds = array<i64: 256, 2048>}, {transform_indices = @transform_2, window_bounds = array<i64: 256, 1>}, {pipeline_mode = #tpu.pipeline_mode<synchronous>, transform_indices = @transform_3, window_bounds = array<i64: 16, 2048>}, {transform_indices = @transform_4, window_bounds = array<i64: 256, 1>}, {transform_indices = @transform_5, window_bounds = array<i64: 256, 1>}]} {
    %get3A = arith.constant 0 : index
    %get3A_0 = arith.constant 0 : index
    %get3A_1 = vector.load %arg1[%get3A, %get3A_0] : memref<256x2048xf32, #tpu.memory_space<vmem>>, vector<256x2048xf32>
    %get3A_2 = arith.constant 0 : index
    %get3A_3 = arith.constant 0 : index
    %get3A_4 = vector.load %arg2[%get3A_2, %get3A_3] : memref<256x2048xf32, #tpu.memory_space<vmem>>, vector<256x2048xf32>
    %get3A_5 = arith.constant 0 : index
    %get3A_6 = arith.constant 0 : index
    %get3A_7 = vector.load %arg3[%get3A_5, %get3A_6] : memref<256x1xi32, #tpu.memory_space<vmem>>, vector<256x1xi32>
    %sub3A = arith.constant 2047 : i32
    %sub3A_8 = vector.broadcast %sub3A : i32 to vector<256x1xi32>
    %sub3A_9 = arith.subi %get3A_7, %sub3A_8 : vector<256x1xi32>
    %iota3A = tpu.iota {dimensions = array<i32: 1>} : vector<256x2048xi32>
    %eq3A = vector.broadcast %sub3A_9 : vector<256x1xi32> to vector<256x2048xi32>
    %eq3A_10 = arith.cmpi eq, %iota3A, %eq3A : vector<256x2048xi32>
    %get3A_11 = arith.constant 11 : index
    %get3A_12 = arith.constant 0 : index
    %get3A_13 = vector.load %arg4[%get3A_11, %get3A_12] : memref<16x2048xf32, #tpu.memory_space<vmem>>, vector<1x2048xf32>
    %broadcast_in_dim3A = vector.shape_cast %get3A_13 : vector<1x2048xf32> to vector<1x2048xf32>
    %broadcast_in_dim3A_14 = vector.broadcast %broadcast_in_dim3A : vector<1x2048xf32> to vector<256x2048xf32>
    %jit3A = arith.constant 0.000000e+00 : f32
    %broadcast_in_dim3A_15 = vector.broadcast %jit3A : f32 to vector<256x2048xf32>
    %select_n3A = arith.select %eq3A_10, %broadcast_in_dim3A_14, %broadcast_in_dim3A_15 : vector<256x2048xi1>, vector<256x2048xf32>
    %reduce_sum3A = arith.constant dense<0.000000e+00> : vector<256xf32>
    %reduce_sum3A_16 = vector.multi_reduction <add>, %select_n3A, %reduce_sum3A [1] : vector<256x2048xf32> to vector<256xf32>
    %broadcast_in_dim3A_17 = vector.shape_cast %reduce_sum3A_16 : vector<256xf32> to vector<256x1xf32>
    %mul3A = arith.mulf %get3A_1, %get3A_4 : vector<256x2048xf32>
    %reduce_sum3A_18 = arith.constant dense<0.000000e+00> : vector<256xf32>
    %reduce_sum3A_19 = vector.multi_reduction <add>, %mul3A, %reduce_sum3A_18 [1] : vector<256x2048xf32> to vector<256xf32>
    %broadcast_in_dim3A_20 = vector.shape_cast %reduce_sum3A_19 : vector<256xf32> to vector<256x1xf32>
    %add3A = arith.addf %broadcast_in_dim3A_20, %broadcast_in_dim3A_17 : vector<256x1xf32>
    %mul3A_21 = arith.constant 5.000000e-01 : f32
    %mul3A_22 = vector.broadcast %mul3A_21 : f32 to vector<256x1xf32>
    %mul3A_23 = arith.mulf %mul3A_22, %add3A : vector<256x1xf32>
    %mul3A_24 = arith.constant 0.707106769 : f32
    %mul3A_25 = vector.broadcast %mul3A_24 : f32 to vector<256x1xf32>
    %mul3A_26 = arith.mulf %add3A, %mul3A_25 : vector<256x1xf32>
    %erf3A = math.erf %mul3A_26 : vector<256x1xf32>
    %add3A_27 = arith.constant 1.000000e+00 : f32
    %add3A_28 = vector.broadcast %add3A_27 : f32 to vector<256x1xf32>
    %add3A_29 = arith.addf %add3A_28, %erf3A : vector<256x1xf32>
    %mul3A_30 = arith.mulf %mul3A_23, %add3A_29 : vector<256x1xf32>
    %swap3A = arith.constant 0 : index
    %swap3A_31 = arith.constant 0 : index
    %swap3A_32 = vector.load %arg5[%swap3A, %swap3A_31] : memref<256x1xf32, #tpu.memory_space<vmem>>, vector<256x1xf32>
    tpu.vector_store %arg5[%swap3A, %swap3A_31], %mul3A_30 {strides = array<i32>} : memref<256x1xf32, #tpu.memory_space<vmem>>, vector<256x1xf32>,
    %mul3A_33 = arith.constant 2 : i32
    %mul3A_34 = vector.broadcast %mul3A_33 : i32 to vector<256x1xi32>
    %mul3A_35 = arith.muli %mul3A_34, %get3A_7 : vector<256x1xi32>
    %add3A_36 = arith.constant 1 : i32
    %add3A_37 = vector.broadcast %add3A_36 : i32 to vector<256x1xi32>
    %add3A_38 = arith.addi %mul3A_35, %add3A_37 : vector<256x1xi32>
    %gt3A = arith.constant 0.000000e+00 : f32
    %gt3A_39 = vector.broadcast %gt3A : f32 to vector<256x1xf32>
    %gt3A_40 = arith.cmpf ogt, %add3A, %gt3A_39 : vector<256x1xf32>
    %convert_element_type3A = arith.extui %gt3A_40 : vector<256x1xi1> to vector<256x1xi32>
    %add3A_41 = arith.addi %add3A_38, %convert_element_type3A : vector<256x1xi32>
    %swap3A_42 = arith.constant 0 : index
    %swap3A_43 = arith.constant 0 : index
    %swap3A_44 = vector.load %arg6[%swap3A_42, %swap3A_43] : memref<256x1xi32, #tpu.memory_space<vmem>>, vector<256x1xi32>
    tpu.vector_store %arg6[%swap3A_42, %swap3A_43], %add3A_41 {strides = array<i32>} : memref<256x1xi32, #tpu.memory_space<vmem>>, vector<256x1xi32>,
    return
  }
  func.func @transform_0(%arg0: i32) -> (i32, i32) {
    %c0_i32 = arith.constant 0 : i32
    %c0_i32_0 = arith.constant 0 : i32
    return %arg0, %c0_i32 : i32, i32
  }
  func.func @transform_1(%arg0: i32) -> (i32, i32) {
    %c0_i32 = arith.constant 0 : i32
    %c0_i32_0 = arith.constant 0 : i32
    return %arg0, %c0_i32 : i32, i32
  }
  func.func @transform_2(%arg0: i32) -> (i32, i32) {
    %c0_i32 = arith.constant 0 : i32
    %c0_i32_0 = arith.constant 0 : i32
    return %arg0, %c0_i32 : i32, i32
  }
  func.func @transform_3(%arg0: i32) -> (i32, i32) {
    %c0_i32 = arith.constant 0 : i32
    %c0_i32_0 = arith.constant 0 : i32
    %c0_i32_1 = arith.constant 0 : i32
    return %c0_i32, %c0_i32_0 : i32, i32
  }
  func.func @transform_4(%arg0: i32) -> (i32, i32) {
    %c0_i32 = arith.constant 0 : i32
    %c0_i32_0 = arith.constant 0 : i32
    return %arg0, %c0_i32 : i32, i32
  }
  func.func @transform_5(%arg0: i32) -> (i32, i32) {
    %c0_i32 = arith.constant 0 : i32
    %c0_i32_0 = arith.constant 0 : i32
    return %arg0, %c0_i32 : i32, i32
  }
}

module attributes {stable_mosaic.version = 14 : i64} {
  func.func @_out_kernel(%arg0: i32, %arg1: memref<256x1xi32, #tpu.memory_space<vmem>>, %arg2: memref<256x16xf32, #tpu.memory_space<vmem>>, %arg3: memref<8x4096xi32, #tpu.memory_space<vmem>>, %arg4: memref<16x4096xbf16, #tpu.memory_space<vmem>>, %arg5: memref<4096x2048xbf16, #tpu.memory_space<vmem>>, %arg6: memref<256x2048xf32, #tpu.memory_space<vmem>>) attributes {dimension_semantics = [#tpu.dimension_semantics<arbitrary>], iteration_bounds = array<i64: 32>, scalar_prefetch = 0 : i64, scratch_operands = 0 : i64, tpu.core_type = #tpu.core_type<tc>, window_params = [{transform_indices = @transform_0, window_bounds = array<i64: 256, 1>}, {transform_indices = @transform_1, window_bounds = array<i64: 256, 16>}, {pipeline_mode = #tpu.pipeline_mode<synchronous>, transform_indices = @transform_2, window_bounds = array<i64: 8, 4096>}, {pipeline_mode = #tpu.pipeline_mode<synchronous>, transform_indices = @transform_3, window_bounds = array<i64: 16, 4096>}, {pipeline_mode = #tpu.pipeline_mode<synchronous>, transform_indices = @transform_4, window_bounds = array<i64: 4096, 2048>}, {transform_indices = @transform_5, window_bounds = array<i64: 256, 2048>}]} {
    %get3A = arith.constant 0 : index
    %get3A_0 = arith.constant 0 : index
    %get3A_1 = vector.load %arg1[%get3A, %get3A_0] : memref<256x1xi32, #tpu.memory_space<vmem>>, vector<256x1xi32>
    %add3A = arith.constant 1 : i32
    %add3A_2 = vector.broadcast %add3A : i32 to vector<256x1xi32>
    %add3A_3 = arith.addi %get3A_1, %add3A_2 : vector<256x1xi32>
    %iota3A = tpu.iota {dimensions = array<i32: 1>} : vector<256x4096xi32>
    %add3A_4 = arith.constant 1 : i32
    %add3A_5 = vector.broadcast %add3A_4 : i32 to vector<256x4096xi32>
    %add3A_6 = arith.addi %iota3A, %add3A_5 : vector<256x4096xi32>
    %get3A_7 = arith.constant 0 : index
    %get3A_8 = arith.constant 0 : index
    %get3A_9 = vector.load %arg3[%get3A_7, %get3A_8] : memref<8x4096xi32, #tpu.memory_space<vmem>>, vector<1x4096xi32>
    %shift_right_arithmetic3A = vector.broadcast %add3A_3 : vector<256x1xi32> to vector<256x4096xi32>
    %shift_right_arithmetic3A_10 = vector.broadcast %get3A_9 : vector<1x4096xi32> to vector<256x4096xi32>
    %shift_right_arithmetic3A_11 = arith.shrsi %shift_right_arithmetic3A, %shift_right_arithmetic3A_10 : vector<256x4096xi32>
    %eq3A = arith.cmpi eq, %shift_right_arithmetic3A_11, %add3A_6 : vector<256x4096xi32>
    %get3A_12 = arith.constant 0 : index
    %get3A_13 = arith.constant 0 : index
    %get3A_14 = vector.load %arg2[%get3A_12, %get3A_13] : memref<256x16xf32, #tpu.memory_space<vmem>>, vector<256x16xf32>
    %convert_element_type3A = arith.truncf %get3A_14 : vector<256x16xf32> to vector<256x16xbf16>
    %get3A_15 = arith.constant 0 : index
    %get3A_16 = arith.constant 0 : index
    %get3A_17 = vector.load %arg4[%get3A_15, %get3A_16] : memref<16x4096xbf16, #tpu.memory_space<vmem>>, vector<16x4096xbf16>
    %dot_general3A = arith.constant dense<0.000000e+00> : vector<256x4096xf32>
    %dot_general3A_18 = tpu.matmul %convert_element_type3A, %get3A_17, %dot_general3A {dimension_numbers = #tpu.dot_dimension_numbers<[1], [0], [0], [1], [0, 0, 1, 1], [], []>, transpose_lhs_hint = false} : vector<256x16xbf16>, vector<16x4096xbf16>, vector<256x4096xf32> -> vector<256x4096xf32>
    %jit3A = arith.constant 0.000000e+00 : f32
    %broadcast_in_dim3A = vector.broadcast %jit3A : f32 to vector<256x4096xf32>
    %select_n3A = arith.select %eq3A, %dot_general3A_18, %broadcast_in_dim3A : vector<256x4096xi1>, vector<256x4096xf32>
    %convert_element_type3A_19 = arith.truncf %select_n3A : vector<256x4096xf32> to vector<256x4096xbf16>
    %get3A_20 = arith.constant 0 : index
    %get3A_21 = arith.constant 0 : index
    %get3A_22 = vector.load %arg5[%get3A_20, %get3A_21] : memref<4096x2048xbf16, #tpu.memory_space<vmem>>, vector<4096x2048xbf16>
    %dot_general3A_23 = arith.constant dense<0.000000e+00> : vector<256x2048xf32>
    %dot_general3A_24 = tpu.matmul %convert_element_type3A_19, %get3A_22, %dot_general3A_23 {dimension_numbers = #tpu.dot_dimension_numbers<[1], [0], [0], [1], [0, 0, 1, 1], [], []>, transpose_lhs_hint = false} : vector<256x4096xbf16>, vector<4096x2048xbf16>, vector<256x2048xf32> -> vector<256x2048xf32>
    %swap3A = arith.constant 0 : index
    %swap3A_25 = arith.constant 0 : index
    %swap3A_26 = vector.load %arg6[%swap3A, %swap3A_25] : memref<256x2048xf32, #tpu.memory_space<vmem>>, vector<256x2048xf32>
    tpu.vector_store %arg6[%swap3A, %swap3A_25], %dot_general3A_24 {strides = array<i32>} : memref<256x2048xf32, #tpu.memory_space<vmem>>, vector<256x2048xf32>,
    return
  }
  func.func @transform_0(%arg0: i32) -> (i32, i32) {
    %c0_i32 = arith.constant 0 : i32
    %c0_i32_0 = arith.constant 0 : i32
    return %arg0, %c0_i32 : i32, i32
  }
  func.func @transform_1(%arg0: i32) -> (i32, i32) {
    %c0_i32 = arith.constant 0 : i32
    %c0_i32_0 = arith.constant 0 : i32
    return %arg0, %c0_i32 : i32, i32
  }
  func.func @transform_2(%arg0: i32) -> (i32, i32) {
    %c0_i32 = arith.constant 0 : i32
    %c0_i32_0 = arith.constant 0 : i32
    %c0_i32_1 = arith.constant 0 : i32
    return %c0_i32, %c0_i32_0 : i32, i32
  }
  func.func @transform_3(%arg0: i32) -> (i32, i32) {
    %c0_i32 = arith.constant 0 : i32
    %c0_i32_0 = arith.constant 0 : i32
    %c0_i32_1 = arith.constant 0 : i32
    return %c0_i32, %c0_i32_0 : i32, i32
  }
  func.func @transform_4(%arg0: i32) -> (i32, i32) {
    %c0_i32 = arith.constant 0 : i32
    %c0_i32_0 = arith.constant 0 : i32
    %c0_i32_1 = arith.constant 0 : i32
    return %c0_i32, %c0_i32_0 : i32, i32
  }
  func.func @transform_5(%arg0: i32) -> (i32, i32) {
    %c0_i32 = arith.constant 0 : i32
    %c0_i32_0 = arith.constant 0 : i32
    return %arg0, %c0_i32 : i32, i32
  }
}

</mosaic_0001>

<sc_bundles>
// kernel: kernel.11.cloned.1.call-start
scs
__scs_entry_jumppad:
0x0: {  	(pc) =	sbr.rel $0x88, $3  }
0x1: {  	(tag) =	ssettag $0x0;
	lr =	simm.s32 $0x1  }
0x2: {  	[smem:$0x3F9D] =	sst lr;
	_ =	strace $0xD0000000  }
0x3: {  	_ = 	snop  }
0x4: {  	_ = 	snop  }
0x5: {  	_ = 	snop  }
0x6: {  	_ = 	snop  }
0x7: {  	_ = 	snop  }
__scs_overlays_trampoline_lowered:
0x8: {  	[smem:$0x3FAC] =	sst s0  }
0x9: {  	[smem:$0x3FAD] =	sst s1  }
0xa: {  	[smem:$0x3FAE] =	sst s2  }
0xb: {  	[smem:$0x3FAF] =	sst s3  }
0xc: {  	[smem:$0x3FB0] =	sst s4  }
0xd: {  	[smem:$0x3FB1] =	sst s5  }
0xe: {  	[smem:$0x3FB2] =	sst s6  }
0xf: {  	[smem:$0x3FB3] =	sst s7  }
0x10: {  	[smem:$0x3FB4] =	sst s8  }
0x11: {  	[smem:$0x3FB5] =	sst s9;
	s0 =	simm.s32 @!p0 $0x0  }
0x12: {  	s1 =	sld [smem:$0x3F9B];
	s0 =	simm.s32 @p0 $0x1  }
0x13: {  	[smem:$0x3FB6] =	sst s0;
	s0 =	simm.s32 @!p1 $0x0  }
0x14: {  	s2 =	sld [smem:$0x3F9A];
	s0 =	simm.s32 @p1 $0x1  }
0x15: {  	[smem:$0x3FB7] =	sst s0;
	s0 =	simm.s32 @!p2 $0x0  }
0x16: {  	s3 =	sld [smem:$0x3FDB];
	s0 =	simm.s32 @p2 $0x1  }
0x17: {  	s4 =	simm.s32 $0x1BF5;
	[smem:$0x3FB9] =	sst s0  }
0x18: {  	s0 =	sld [smem:$0x3F9C];
	_ =	swait.ge [sflag:s4], $0x0  }
0x19: {  	s7 =	sld [smem:$0x3F9D]  }
0x1a: {  	s8 =	sadd.s32 $0xFFFFE003, lr  }
0x1b: {  	s9 =	sadd.s32 $0xFFFFFEF7, lr;
	s5 =	simm.s32 $0xFFFFFFFF;
	p2 =	slt.u32 s8, $0xFFFFF086  }
0x1c: {  	p1 =	slt.u32 s9, $0xF7A;
	s5 =	simm.s32 @!p2 $0x0  }
0x1d: {  	s5 =	simm.s32 @p1 $0x1;
	p0 =	seq.s32 s7, s2  }
0x1e: {  	s7 =	smul.u32 @!p0 $0xF7A, s2;
	p2 =	seq.s32 @!p0 s5, $0x0  }
0x1f: {  	s9 =	smul.u32 $0xF7A, s1;
	s8 =	simm.s32 @!p0 $0x1BF5;
	p2 =	por !p2, p0  }
0x20: {  	[sflag:s8] =	ssyncset.s32 @!p0 $0xFFFFF086;
	s6 =	sadd.s32 @!p0 s3, s7;
	s7 =	simm.s32 @!p0 $0x108  }
0x21: {  	s3 =	sadd.s32 s3, s9;
	s6 =	sadd.s32 @!p0 $0x88, s6;
	s7 =	simm.s32 @p2 $0x1082  }
0x22: {  	[simem:s7], [sflag:s8] =	dma.local @!p0 [hbm:s6], $0xF7A  }
0x23: {  	s9 =	sor.u32 $0xD0000000, s2;
	s6 =	simm.s32 $0x108;
	_ =	swait.ge @!p0 [sflag:s8], $0x0  }
0x24: {  	s3 =	sadd.s32 $0x88, s3;
	s6 =	simm.s32 @!p1 $0x1082;
	[sflag:s4] =	ssyncset.s32 $0xFFFFF086  }
0x25: {  	[simem:s6], [sflag:s4] =	dma.local [hbm:s3], $0xF7A  }
0x26: {  	[smem:$0x3F9D] =	sst s1;
	(tag) =	ssettag s2;
	_ =	strace s9  }
0x27: {  	s1 =	sld [smem:$0x3FAD]  }
0x28: {  	s2 =	sld [smem:$0x3FAE]  }
0x29: {  	s4 =	sld [smem:$0x3FB0]  }
0x2a: {  	p0 =	seq.s32 s5, $0x0;
	s5 =	sld [smem:$0x3FB1]  }
0x2b: {  	s6 =	sld [smem:$0x3FB2]  }
0x2c: {  	s7 =	sld [smem:$0x3FB3]  }
0x2d: {  	s3 =	simm.s32 $0x108;
	s8 =	sld [smem:$0x3FB4]  }
0x2e: {  	s3 =	simm.s32 @!p0 $0x1082;
	s9 =	sld [smem:$0x3FB5]  }
0x2f: {  	lr =	sadd.s32 s0, s3;
	s0 =	sld [smem:$0x3FAC]  }
0x30: {  	s3 =	sld [smem:$0x3FAF]  }
0x31: {  	[smem:$0x3FB8] =	sst s10  }
0x32: {  	s10 =	sld [smem:$0x3FB6];
	_ =	sdelay $0x3  }
0x33: {  	p0 =	seq.s32 s10, $0x1;
	s10 =	sld [smem:$0x3FB8];
	_ =	sdelay $0x3  }
0x34: {  	[smem:$0x3FB8] =	sst s10  }
0x35: {  	s10 =	sld [smem:$0x3FB7];
	_ =	sdelay $0x3  }
0x36: {  	p1 =	seq.s32 s10, $0x1;
	s10 =	sld [smem:$0x3FB8];
	_ =	sdelay $0x3  }
0x37: {  	[smem:$0x3FB8] =	sst s10  }
0x38: {  	s10 =	sld [smem:$0x3FB9]  }
0x39: {  	_ = 	snop;
	(pc) =	sbr.ind lr, $3  }
0x3a: {  	_ = 	snop  }
0x3b: {  	_ = 	snop  }
0x3c: {  	p2 =	seq.s32 s10, $0x1;
	s10 =	sld [smem:$0x3FB8]  }
0x3d: {  	_ =	shalt  }
0x3e: {  	_ =	shalt  }
0x3f: {  	_ =	shalt  }
0x40: {  	_ =	shalt  }
0x41: {  	_ =	shalt  }
0x42: {  	_ =	shalt  }
0x43: {  	_ =	shalt  }
0x44: {  	_ =	shalt  }
0x45: {  	_ =	shalt  }
0x46: {  	_ =	shalt  }
0x47: {  	_ =	shalt  }
0x48: {  	_ =	shalt  }
0x49: {  	_ =	shalt  }
0x4a: {  	_ =	shalt  }
0x4b: {  	_ =	shalt  }
0x4c: {  	_ =	shalt  }
0x4d: {  	_ =	shalt  }
0x4e: {  	_ =	shalt  }
0x4f: {  	_ =	shalt  }
0x50: {  	_ =	shalt  }
0x51: {  	_ =	shalt  }
0x52: {  	_ =	shalt  }
0x53: {  	_ =	shalt  }
0x54: {  	_ =	shalt  }
0x55: {  	_ =	shalt  }
0x56: {  	_ =	shalt  }
0x57: {  	_ =	shalt  }
0x58: {  	_ =	shalt  }
0x59: {  	_ =	shalt  }
0x5a: {  	_ =	shalt  }
0x5b: {  	_ =	shalt  }
0x5c: {  	_ =	shalt  }
0x5d: {  	_ =	shalt  }
0x5e: {  	_ =	shalt  }
0x5f: {  	_ =	shalt  }
0x60: {  	_ =	shalt  }
0x61: {  	_ =	shalt  }
0x62: {  	_ =	shalt  }
0x63: {  	_ =	shalt  }
0x64: {  	_ =	shalt  }
0x65: {  	_ =	shalt  }
0x66: {  	_ =	shalt  }
0x67: {  	_ =	shalt  }
0x68: {  	_ =	shalt  }
0x69: {  	_ =	shalt  }
0x6a: {  	_ =	shalt  }
0x6b: {  	_ =	shalt  }
0x6c: {  	_ =	shalt  }
0x6d: {  	_ =	shalt  }
0x6e: {  	_ =	shalt  }
0x6f: {  	_ =	shalt  }
0x70: {  	_ =	shalt  }
0x71: {  	_ =	shalt  }
0x72: {  	_ =	shalt  }
0x73: {  	_ =	shalt  }
0x74: {  	_ =	shalt  }
0x75: {  	_ =	shalt  }
0x76: {  	_ =	shalt  }
0x77: {  	_ =	shalt  }
0x78: {  	_ =	shalt  }
0x79: {  	_ =	shalt  }
0x7a: {  	_ =	shalt  }
0x7b: {  	_ =	shalt  }
0x7c: {  	_ =	shalt  }
0x7d: {  	_ =	shalt  }
0x7e: {  	_ =	shalt  }
0x7f: {  	_ =	shalt  }
0x80: {  	_ =	shalt  }
0x81: {  	_ =	shalt  }
0x82: {  	_ =	shalt  }
0x83: {  	_ =	shalt  }
0x84: {  	_ =	shalt  }
0x85: {  	_ =	shalt  }
0x86: {  	_ =	shalt  }
0x87: {  	_ =	shalt  }
.Lfunc_end0:
.L_simem_size_0:
called_computation.1_lowered:
.L_overlay_start_0:
0x88: {  	s2 =	sld [smem:$0x3FD9]  }
0x89: {  	s3 =	sld [smem:$0x3FFE];
	_ =	sdelay $0x1  }
0x8a: {  	s1 =	srdreg.scid  }
0x8b: {  	s0 =	sand.u32 $0x1, s1  }
0x8c: {  	s17 =	sshll.u32 s0, $0xA;
	s2 =	sadd.s32 s3, s2  }
0x8d: {  	s2 =	sadd.s32 s2, s17  }
0x8e: {  	[smem:$0x3FC4] =	sst s2  }
0x8f: {  	_ = 	snop  }
0x90: {  	s2 =	sld [smem:$0x3FC8]  }
0x91: {  	s18 =	sld [smem:$0x3FD0];
	(tm) =	ssettm $0x1  }
0x92: {  	s4 =	sld [smem:$0x3FFB];
	_ =	sdelay $0x3  }
0x93: {  	_ =	strace s4  }
0x94: {  	s4 =	sld [smem:$0x3FFC];
	_ =	sdelay $0x3  }
0x95: {  	_ =	strace s4  }
0x96: {  	s4 =	sld [smem:$0x3FFD];
	_ =	sdelay $0x3  }
0x97: {  	_ =	strace s4  }
0x98: {  	_ =	strace $0x8FFFFFFF  }
0x99: {  	s19 =	sld [smem:$0x3FDB];
	_ =	sdelay $0x1  }
0x9a: {  	s5 =	simm.s32 $_scs_section_size  }
0x9b: {  	s6 =	simm.s32 $_size__tile_overlayer_lowered;
	s7 =	simm.s32 $_tile_overlayer_lowered  }
0x9c: {  	s22 =	simm.s32 $0x1BFF;
	s21 =	sshll.u32 s7, $0x1;
	s4 =	sadd.s32 s5, s19  }
0x9d: {  	s8 =	simm.s32 $0x0;
	s20 =	sshll.u32 s6, $0x1;
	s6 =	sadd.s32 s21, s4  }
0x9e: {  	[timem:s8], [sflag:s22] =	dma.local [hbm:s6], s20  }
0x9f: {  	_ =	swait.ge [sflag:s22], s20  }
0xa0: {  	s5 =	ssub.s32 $0x0, s20;
	[sflag:s22] =	ssyncset.done $0x0  }
0xa1: {  	[sflag:s22] =	ssyncadd.s32 s5;
	_ =	sdelay $0x1  }
0xa2: {  	s23 =	simm.s32 $0x1B8B  }
0xa3: {  	_ =	swait.ge [sflag:s23], $0x1  }
0xa4: {  	[sflag:s23] =	ssyncset.done $0x0  }
0xa5: {  	s25 =	simm.s32 $0x1B8E;
	s24 =	sld [smem:$0x3FFE];
	[sflag:s23] =	ssyncadd.s32 $0xFFFFFFFF  }
0xa6: {  	s26 =	simm.s32 $execute0_lowered;
	[smem:$0x3FD2] =	sst s25  }
0xa7: {  	s6 =	sshll.u32 s26, $0x1;
	_ =	strace $0x80000049;
	[dreg:$0x1] =	wrdreg $0xFFFFFFFF  }
0xa8: {  	s28 =	simm.s32 $_size_execute0_lowered;
	s4 =	sadd.s32 s4, s6;
	[dreg:$0x0] =	wrdreg $0x0  }
0xa9: {  	s6 =	sshll.u32 s28, $0x1;
	[dreg:$0x2] =	wrdreg s4  }
0xaa: {  	[dreg:$0x3] =	wrdreg s6  }
0xab: {  	[dreg:$0x4] =	wrdreg $0xC0  }
0xac: {  	_ =	task [dreg:s8], $0x5FFFF  }
0xad: {  	[dreg:$0x1] =	wrdreg $0xFFFFFFFF  }
0xae: {  	[dreg:$0x0] =	wrdreg $0x60  }
0xaf: {  	[dreg:$0x2] =	wrdreg s2  }
0xb0: {  	[dreg:$0x3] =	wrdreg s24  }
0xb1: {  	[dreg:$0x4] =	wrdreg s18  }
0xb2: {  	[dreg:$0x5] =	wrdreg $0x9  }
0xb3: {  	_ =	task.clear_ibuf [dreg:s8], $0x6FFFF;
	_ =	strace $0x90000049  }
0xb4: {  	s29 =	simm.s32 $0x9;
	_ =	strace $0x8000004B  }
0xb5: {  	_ =	swait.ge [sflag:s29], $0x1  }
0xb6: {  	[sflag:s29] =	ssyncadd.s32 $0xFFFFFFFF  }
0xb7: {  	_ =	strace $0x9000004B  }
0xb8: {  	_ =	sfence  }
0xb9: {  	s30 =	sld [smem:$0x0];
	_ =	sdelay $0x2  }
0xba: {  	s31 =	sshll.u32 s1, $0xD;
	s1 =	sshrl.u32 s1, $0x2  }
0xbb: {  	s3 =	sand.u32 $0x4000, s31;
	s1 =	sadd.s32 s1, s30  }
0xbc: {  	s0 =	sor.u32 s3, s0;
	s1 =	sshll.u32 s1, $0x11  }
0xbd: {  	s0 =	sor.u32 s1, s0  }
0xbe: {  	s0 =	sadd.s32 $0x8F2B, s0  }
0xbf: {  	[sflag:s0] =	ssyncadd.remote.s32 $0x1  }
0xc0: {  	_ =	sfence.sel $0xFFFF  }
0xc1: {  	[dreg:$0x0] =	wrdreg $0xFFFFFFFF;
	(pc) =	sbr.abs _section_cstart, $3  }
0xc2: {  	[dreg:$0x1] =	wrdreg $0xFFFFFFFF  }
0xc3: {  	_ =	task.clear_ibuf [dreg:s8], $0x2FFFF;
	_ =	strace $0x9FFFFFFF  }
0xc4: {  	(tm) =	ssettm $0x7FFFFFFF  }
0xc5: {  	_ =	shalt  }
tec
execute0_lowered:
.L_overlay_start_1:
0x0: {  	(tag) =	ssettag $0x1  }
0x1: {  	s1 =	rddreg [dreg:$0x0]  }
0x2: {  	s0 =	srdreg.scid;
	s3 =	stileid.u32  }
0x3: {  	s2 =	rddreg [dreg:$0x1];
	s0 =	sand.u32 $0x1, s0;
	s3 =	sshll.u32 s3, $0x1  }
0x4: {  	s4 =	rddreg [dreg:$0x2];
	s5 =	sor.u32 s0, s3  }
0x5: {  	s3 =	simm.s32 $0x0;
	s6 =	sshll.u32 s5, $0x8;
	s5 =	sshll.u32 s5, $0x10  }
0x6: {  	[smem:$0x7FF] =	sst s3;
	s2 =	sadd.s32 s6, s2;
	s12 =	sadd.s32 s4, s5  }
0x7: {  	_ =	strace $0x8000004A;
	s2 =	sadd.s32 $0x41A00, s2;
	[dreg:$0x14] =	wrdreg s12  }
0x8: {  	s15 =	sadd.s32 $0x1000, s12;
	[dreg:$0x4] =	wrdreg s2  }
0x9: {  	s16 =	sadd.s32 $0x2000, s12;
	[dreg:$0x5] =	wrdreg s15  }
0xa: {  	s13 =	simm.s32 $0x4;
	s17 =	sadd.s32 $0x3000, s12;
	[dreg:$0x6] =	wrdreg s16  }
0xb: {  	s7 =	sadd.s32 $0x300, s1;
	s18 =	sadd.s32 $0x4000, s12;
	[dreg:$0x7] =	wrdreg s17  }
0xc: {  	s8 =	sadd.s32 $0x400, s1;
	s19 =	sadd.s32 $0x5000, s12;
	[dreg:$0x8] =	wrdreg s18  }
0xd: {  	s9 =	sadd.s32 $0x500, s1;
	s20 =	sadd.s32 $0x6000, s12;
	[dreg:$0x9] =	wrdreg s19  }
0xe: {  	s10 =	sadd.s32 $0x600, s1;
	s22 =	sadd.s32 $0x7000, s12;
	[dreg:$0xa] =	wrdreg s20  }
0xf: {  	s11 =	sadd.s32 $0x700, s1;
	s23 =	sadd.s32 $0x8000, s12;
	[dreg:$0xb] =	wrdreg s22  }
0x10: {  	s0 =	ssub.s32 $0x2, s0;
	s24 =	sadd.s32 $0x9000, s12;
	[dreg:$0xc] =	wrdreg s23  }
0x11: {  	s21 =	sshrl.u32 s0, $0x1;
	s25 =	sadd.s32 $0xA000, s12;
	[dreg:$0xd] =	wrdreg s24  }
0x12: {  	s0 =	ssub.s32 s0, s21;
	s26 =	sadd.s32 $0xB000, s12;
	[dreg:$0xe] =	wrdreg s25  }
0x13: {  	s5 =	sadd.s32 $0x100, s1;
	s28 =	sadd.s32 $0xC000, s12;
	[dreg:$0xf] =	wrdreg s26  }
0x14: {  	s6 =	sadd.s32 $0x200, s1;
	s29 =	sadd.s32 $0xD000, s12;
	[dreg:$0x10] =	wrdreg s28  }
0x15: {  	v2 =	vlaneseq.u32;
	s4 =	simm.s32 $0x2;
	s30 =	sadd.s32 $0xE000, s12;
	[dreg:$0x11] =	wrdreg s29  }
0x16: {  	vm0 =	vmmov $0xffff;
	v1 =	vshrl.u32 v2, $0x3;
	s31 =	sadd.s32 $0xF000, s12;
	s0 =	smax.u32 s0, $0x1;
	[dreg:$0x12] =	wrdreg s30  }
0x17: {  	v0 =	vand.u32 $0x7, v2;
	v2 =	vor.u32 $0x8, v2;
	v1 =	vmul.u32 $0x8, v1;
	[dreg:$0x13] =	wrdreg s31;
	s2 =	simm.s32 $0x1;
	s15 =	simm.s32 $0x3  }
.LBB2_1:
0x18: {  	[dreg:$0x15] =	wrdreg s0  }
0x19: {  	s16 =	rddreg [dreg:$0x4]  }
0x1a: {  	[tilespmem:s3], [sflag:$0x4] =	stream.linear.gather [hbm4b:s16+s3], $0x800, $0x38;
	[tilespmem:$0x18800] =	vst v63  }
0x1b: {  	_ =	swait.ge [sflag:s13], $0x800  }
0x1c: {  	[sflag:s13] =	ssyncset.done $0x0  }
0x1d: {  	[sflag:s13] =	ssyncadd.s32 $0xFFFFF800  }
0x1e: {  	v3 =	vld [tilespmem:$0x0];
	_ =	sdelay $0x4  }
0x1f: {  	v4 =	vshll.u32 v3, $0x4  }
0x20: {  	v3 =	vand.u32 $0x7, v3;
	v4 =	vand.u32 $0xFFFFFF80, v4  }
0x21: {  	v3 =	vor.u32 v3, v4  }
0x22: {  	v4 =	vperm.xlane v3, v0;
	_ =	sdelay $0x1  }
0x23: {  	v4 =	vadd.s32 v1, v4;
	_ =	sdelay $0x3  }
0x24: {  	s0 =	simm.s32 $0x800  }
0x25: {  	[tilespmem:s0], [sflag:$0x1] =	stream.indirect_vreg.gather [hbm4b:s1+s3], $0x80, v4, vm0, $0xb8;
	[tilespmem:$0x18800] =	vst v63  }
0x26: {  	s31 =	simm.s32 $0x1000  }
0x27: {  	[tilespmem:s31], [sflag:$0x1] =	stream.indirect_vreg.gather [hbm4b:s5+s3], $0x80, v4, vm0, $0xb8;
	[tilespmem:$0x18800] =	vst v63  }
0x28: {  	s12 =	simm.s32 $0x1800  }
0x29: {  	[tilespmem:s12], [sflag:$0x1] =	stream.indirect_vreg.gather [hbm4b:s6+s3], $0x80, v4, vm0, $0xb8;
	[tilespmem:$0x18800] =	vst v63  }
0x2a: {  	s14 =	simm.s32 $0x2000  }
0x2b: {  	[tilespmem:s14], [sflag:$0x1] =	stream.indirect_vreg.gather [hbm4b:s7+s3], $0x80, v4, vm0, $0xb8;
	[tilespmem:$0x18800] =	vst v63  }
0x2c: {  	s17 =	simm.s32 $0x2800  }
0x2d: {  	[tilespmem:s17], [sflag:$0x1] =	stream.indirect_vreg.gather [hbm4b:s8+s3], $0x80, v4, vm0, $0xb8;
	[tilespmem:$0x18800] =	vst v63  }
0x2e: {  	s19 =	simm.s32 $0x3000;
	v3 =	vperm.xlane v3, v2  }
0x2f: {  	[tilespmem:s19], [sflag:$0x1] =	stream.indirect_vreg.gather [hbm4b:s9+s3], $0x80, v4, vm0, $0xb8;
	[tilespmem:$0x18800] =	vst v63  }
0x30: {  	s20 =	simm.s32 $0x3800;
	v3 =	vadd.s32 v1, v3  }
0x31: {  	[tilespmem:s20], [sflag:$0x1] =	stream.indirect_vreg.gather [hbm4b:s10+s3], $0x80, v4, vm0, $0xb8;
	[tilespmem:$0x18800] =	vst v63  }
0x32: {  	s21 =	simm.s32 $0x4000  }
0x33: {  	[tilespmem:s21], [sflag:$0x1] =	stream.indirect_vreg.gather [hbm4b:s11+s3], $0x80, v4, vm0, $0xb8;
	[tilespmem:$0x18800] =	vst v63  }
0x34: {  	s22 =	simm.s32 $0x4800  }
0x35: {  	[tilespmem:s22], [sflag:$0x1] =	stream.indirect_vreg.gather [hbm4b:s1+s3], $0x80, v3, vm0, $0xb8;
	[tilespmem:$0x18800] =	vst v63  }
0x36: {  	s23 =	simm.s32 $0x5000  }
0x37: {  	[tilespmem:s23], [sflag:$0x1] =	stream.indirect_vreg.gather [hbm4b:s5+s3], $0x80, v3, vm0, $0xb8;
	[tilespmem:$0x18800] =	vst v63  }
0x38: {  	s24 =	simm.s32 $0x5800  }
0x39: {  	[tilespmem:s24], [sflag:$0x1] =	stream.indirect_vreg.gather [hbm4b:s6+s3], $0x80, v3, vm0, $0xb8;
	[tilespmem:$0x18800] =	vst v63  }
0x3a: {  	s25 =	simm.s32 $0x6000  }
0x3b: {  	[tilespmem:s25], [sflag:$0x1] =	stream.indirect_vreg.gather [hbm4b:s7+s3], $0x80, v3, vm0, $0xb8;
	[tilespmem:$0x18800] =	vst v63  }
0x3c: {  	s26 =	simm.s32 $0x6800  }
0x3d: {  	[tilespmem:s26], [sflag:$0x1] =	stream.indirect_vreg.gather [hbm4b:s8+s3], $0x80, v3, vm0, $0xb8;
	[tilespmem:$0x18800] =	vst v63  }
0x3e: {  	s28 =	simm.s32 $0x7000  }
0x3f: {  	[tilespmem:s28], [sflag:$0x1] =	stream.indirect_vreg.gather [hbm4b:s9+s3], $0x80, v3, vm0, $0xb8;
	[tilespmem:$0x18800] =	vst v63  }
0x40: {  	s12 =	simm.s32 $0x7800  }
0x41: {  	[tilespmem:s12], [sflag:$0x1] =	stream.indirect_vreg.gather [hbm4b:s10+s3], $0x80, v3, vm0, $0xb8;
	[tilespmem:$0x18800] =	vst v63  }
0x42: {  	s14 =	simm.s32 $0x8000  }
0x43: {  	[tilespmem:s14], [sflag:$0x1] =	stream.indirect_vreg.gather [hbm4b:s11+s3], $0x80, v3, vm0, $0xb8;
	[tilespmem:$0x18800] =	vst v63  }
0x44: {  	v3 =	vld [tilespmem:$0x80];
	_ =	sdelay $0x4  }
0x45: {  	v49 =	vshll.u32 v3, $0x4  }
0x46: {  	v3 =	vand.u32 $0x7, v3;
	v4 =	vand.u32 $0xFFFFFF80, v49  }
0x47: {  	v3 =	vor.u32 v3, v4  }
0x48: {  	v4 =	vperm.xlane v3, v0;
	_ =	sdelay $0x1  }
0x49: {  	v4 =	vadd.s32 v1, v4;
	_ =	sdelay $0x3  }
0x4a: {  	s14 =	simm.s32 $0x8800  }
0x4b: {  	[tilespmem:s14], [sflag:$0x2] =	stream.indirect_vreg.gather [hbm4b:s1+s3], $0x80, v4, vm0, $0xb8;
	[tilespmem:$0x18800] =	vst v63  }
0x4c: {  	s16 =	simm.s32 $0x9000  }
0x4d: {  	[tilespmem:s16], [sflag:$0x2] =	stream.indirect_vreg.gather [hbm4b:s5+s3], $0x80, v4, vm0, $0xb8;
	[tilespmem:$0x18800] =	vst v63  }
0x4e: {  	s16 =	simm.s32 $0x9800  }
0x4f: {  	[tilespmem:s16], [sflag:$0x2] =	stream.indirect_vreg.gather [hbm4b:s6+s3], $0x80, v4, vm0, $0xb8;
	[tilespmem:$0x18800] =	vst v63  }
0x50: {  	s16 =	simm.s32 $0xA000  }
0x51: {  	[tilespmem:s16], [sflag:$0x2] =	stream.indirect_vreg.gather [hbm4b:s7+s3], $0x80, v4, vm0, $0xb8;
	[tilespmem:$0x18800] =	vst v63  }
0x52: {  	s16 =	simm.s32 $0xA800  }
0x53: {  	[tilespmem:s16], [sflag:$0x2] =	stream.indirect_vreg.gather [hbm4b:s8+s3], $0x80, v4, vm0, $0xb8;
	[tilespmem:$0x18800] =	vst v63  }
0x54: {  	v3 =	vperm.xlane v3, v2;
	s16 =	simm.s32 $0xB000  }
0x55: {  	[tilespmem:s16], [sflag:$0x2] =	stream.indirect_vreg.gather [hbm4b:s9+s3], $0x80, v4, vm0, $0xb8;
	[tilespmem:$0x18800] =	vst v63  }
0x56: {  	v3 =	vadd.s32 v1, v3;
	s16 =	simm.s32 $0xB800  }
0x57: {  	[tilespmem:s16], [sflag:$0x2] =	stream.indirect_vreg.gather [hbm4b:s10+s3], $0x80, v4, vm0, $0xb8;
	[tilespmem:$0x18800] =	vst v63  }
0x58: {  	s16 =	simm.s32 $0xC000  }
0x59: {  	[tilespmem:s16], [sflag:$0x2] =	stream.indirect_vreg.gather [hbm4b:s11+s3], $0x80, v4, vm0, $0xb8;
	[tilespmem:$0x18800] =	vst v63  }
0x5a: {  	s16 =	simm.s32 $0xC800  }
0x5b: {  	[tilespmem:s16], [sflag:$0x2] =	stream.indirect_vreg.gather [hbm4b:s1+s3], $0x80, v3, vm0, $0xb8;
	[tilespmem:$0x18800] =	vst v63  }
0x5c: {  	s16 =	simm.s32 $0xD000  }
0x5d: {  	[tilespmem:s16], [sflag:$0x2] =	stream.indirect_vreg.gather [hbm4b:s5+s3], $0x80, v3, vm0, $0xb8;
	[tilespmem:$0x18800] =	vst v63  }
0x5e: {  	s16 =	simm.s32 $0xD800  }
0x5f: {  	[tilespmem:s16], [sflag:$0x2] =	stream.indirect_vreg.gather [hbm4b:s6+s3], $0x80, v3, vm0, $0xb8;
	[tilespmem:$0x18800] =	vst v63  }
0x60: {  	s16 =	simm.s32 $0xE000  }
0x61: {  	[tilespmem:s16], [sflag:$0x2] =	stream.indirect_vreg.gather [hbm4b:s7+s3], $0x80, v3, vm0, $0xb8;
	[tilespmem:$0x18800] =	vst v63  }
0x62: {  	s16 =	simm.s32 $0xE800  }
0x63: {  	[tilespmem:s16], [sflag:$0x2] =	stream.indirect_vreg.gather [hbm4b:s8+s3], $0x80, v3, vm0, $0xb8;
	[tilespmem:$0x18800] =	vst v63  }
0x64: {  	s16 =	simm.s32 $0xF000  }
0x65: {  	[tilespmem:s16], [sflag:$0x2] =	stream.indirect_vreg.gather [hbm4b:s9+s3], $0x80, v3, vm0, $0xb8;
	[tilespmem:$0x18800] =	vst v63  }
0x66: {  	s16 =	simm.s32 $0xF800  }
0x67: {  	[tilespmem:s16], [sflag:$0x2] =	stream.indirect_vreg.gather [hbm4b:s10+s3], $0x80, v3, vm0, $0xb8;
	[tilespmem:$0x18800] =	vst v63  }
0x68: {  	s16 =	simm.s32 $0x10000  }
0x69: {  	[tilespmem:s16], [sflag:$0x2] =	stream.indirect_vreg.gather [hbm4b:s11+s3], $0x80, v3, vm0, $0xb8;
	[tilespmem:$0x18800] =	vst v63  }
0x6a: {  	_ =	swait.ge [sflag:s2], $0x8000  }
0x6b: {  	[sflag:s2] =	ssyncset.done $0x0  }
0x6c: {  	[sflag:s2] =	ssyncadd.s32 $0xFFFF8000  }
0x6d: {  	v3 =	vld [tilespmem:$0x100];
	_ =	sdelay $0x4  }
0x6e: {  	v50 =	vshll.u32 v3, $0x4  }
0x6f: {  	v3 =	vand.u32 $0x7, v3;
	v4 =	vand.u32 $0xFFFFFF80, v50  }
0x70: {  	v3 =	vor.u32 v3, v4  }
0x71: {  	v4 =	vperm.xlane v3, v0;
	_ =	sdelay $0x1  }
0x72: {  	v4 =	vadd.s32 v1, v4;
	_ =	sdelay $0x3  }
0x73: {  	s14 =	simm.s32 $0x10800  }
0x74: {  	[tilespmem:s14], [sflag:$0x3] =	stream.indirect_vreg.gather [hbm4b:s1+s3], $0x80, v4, vm0, $0xb8;
	[tilespmem:$0x18800] =	vst v63  }
0x75: {  	s16 =	simm.s32 $0x11000  }
0x76: {  	[tilespmem:s16], [sflag:$0x3] =	stream.indirect_vreg.gather [hbm4b:s5+s3], $0x80, v4, vm0, $0xb8;
	[tilespmem:$0x18800] =	vst v63  }
0x77: {  	s16 =	simm.s32 $0x11800  }
0x78: {  	[tilespmem:s16], [sflag:$0x3] =	stream.indirect_vreg.gather [hbm4b:s6+s3], $0x80, v4, vm0, $0xb8;
	[tilespmem:$0x18800] =	vst v63  }
0x79: {  	s16 =	simm.s32 $0x12000  }
0x7a: {  	[tilespmem:s16], [sflag:$0x3] =	stream.indirect_vreg.gather [hbm4b:s7+s3], $0x80, v4, vm0, $0xb8;
	[tilespmem:$0x18800] =	vst v63  }
0x7b: {  	s16 =	simm.s32 $0x12800  }
0x7c: {  	[tilespmem:s16], [sflag:$0x3] =	stream.indirect_vreg.gather [hbm4b:s8+s3], $0x80, v4, vm0, $0xb8;
	[tilespmem:$0x18800] =	vst v63  }
0x7d: {  	v3 =	vperm.xlane v3, v2;
	s16 =	simm.s32 $0x13000  }
0x7e: {  	[tilespmem:s16], [sflag:$0x3] =	stream.indirect_vreg.gather [hbm4b:s9+s3], $0x80, v4, vm0, $0xb8;
	[tilespmem:$0x18800] =	vst v63  }
0x7f: {  	v3 =	vadd.s32 v1, v3;
	s16 =	simm.s32 $0x13800  }
0x80: {  	[tilespmem:s16], [sflag:$0x3] =	stream.indirect_vreg.gather [hbm4b:s10+s3], $0x80, v4, vm0, $0xb8;
	[tilespmem:$0x18800] =	vst v63  }
0x81: {  	s16 =	simm.s32 $0x14000  }
0x82: {  	[tilespmem:s16], [sflag:$0x3] =	stream.indirect_vreg.gather [hbm4b:s11+s3], $0x80, v4, vm0, $0xb8;
	[tilespmem:$0x18800] =	vst v63  }
0x83: {  	s16 =	simm.s32 $0x14800  }
0x84: {  	[tilespmem:s16], [sflag:$0x3] =	stream.indirect_vreg.gather [hbm4b:s1+s3], $0x80, v3, vm0, $0xb8;
	[tilespmem:$0x18800] =	vst v63  }
0x85: {  	s16 =	simm.s32 $0x15000  }
0x86: {  	[tilespmem:s16], [sflag:$0x3] =	stream.indirect_vreg.gather [hbm4b:s5+s3], $0x80, v3, vm0, $0xb8;
	[tilespmem:$0x18800] =	vst v63  }
0x87: {  	s16 =	simm.s32 $0x15800  }
0x88: {  	[tilespmem:s16], [sflag:$0x3] =	stream.indirect_vreg.gather [hbm4b:s6+s3], $0x80, v3, vm0, $0xb8;
	[tilespmem:$0x18800] =	vst v63  }
0x89: {  	s16 =	simm.s32 $0x16000  }
0x8a: {  	[tilespmem:s16], [sflag:$0x3] =	stream.indirect_vreg.gather [hbm4b:s7+s3], $0x80, v3, vm0, $0xb8;
	[tilespmem:$0x18800] =	vst v63  }
0x8b: {  	s16 =	simm.s32 $0x16800  }
0x8c: {  	[tilespmem:s16], [sflag:$0x3] =	stream.indirect_vreg.gather [hbm4b:s8+s3], $0x80, v3, vm0, $0xb8;
	[tilespmem:$0x18800] =	vst v63  }
0x8d: {  	s16 =	simm.s32 $0x17000  }
0x8e: {  	[tilespmem:s16], [sflag:$0x3] =	stream.indirect_vreg.gather [hbm4b:s9+s3], $0x80, v3, vm0, $0xb8;
	[tilespmem:$0x18800] =	vst v63  }
0x8f: {  	s16 =	simm.s32 $0x17800  }
0x90: {  	[tilespmem:s16], [sflag:$0x3] =	stream.indirect_vreg.gather [hbm4b:s10+s3], $0x80, v3, vm0, $0xb8;
	[tilespmem:$0x18800] =	vst v63  }
0x91: {  	s16 =	simm.s32 $0x18000  }
0x92: {  	[tilespmem:s16], [sflag:$0x3] =	stream.indirect_vreg.gather [hbm4b:s11+s3], $0x80, v3, vm0, $0xb8;
	[tilespmem:$0x18800] =	vst v63  }
0x93: {  	s16 =	rddreg [dreg:$0x14]  }
0x94: {  	[hbm4b:s16+s3] =	stream.linear.scatter [tilespmem:s0], [sflag:$0x4], $0x8000, $0x38;
	[tilespmem:$0x18800] =	vst v63  }
0x95: {  	_ =	swait.ge [sflag:s13], $0x8000  }
0x96: {  	[sflag:s13] =	ssyncset.done $0x0  }
0x97: {  	[sflag:s13] =	ssyncadd.s32 $0xFFFF8000  }
0x98: {  	_ =	swait.ge [sflag:s4], $0x8000  }
0x99: {  	[sflag:s4] =	ssyncset.done $0x0  }
0x9a: {  	[sflag:s4] =	ssyncadd.s32 $0xFFFF8000  }
0x9b: {  	v3 =	vld [tilespmem:$0x180];
	_ =	sdelay $0x4  }
0x9c: {  	v51 =	vshll.u32 v3, $0x4  }
0x9d: {  	v3 =	vand.u32 $0x7, v3;
	v4 =	vand.u32 $0xFFFFFF80, v51  }
0x9e: {  	v3 =	vor.u32 v3, v4  }
0x9f: {  	v4 =	vperm.xlane v3, v0;
	_ =	sdelay $0x1  }
0xa0: {  	v4 =	vadd.s32 v1, v4;
	_ =	sdelay $0x4  }
0xa1: {  	[tilespmem:s0], [sflag:$0x1] =	stream.indirect_vreg.gather [hbm4b:s1+s3], $0x80, v4, vm0, $0xb8;
	[tilespmem:$0x18800] =	vst v63  }
0xa2: {  	s30 =	simm.s32 $0x1000  }
0xa3: {  	[tilespmem:s30], [sflag:$0x1] =	stream.indirect_vreg.gather [hbm4b:s5+s3], $0x80, v4, vm0, $0xb8;
	[tilespmem:$0x18800] =	vst v63  }
0xa4: {  	s31 =	simm.s32 $0x1800  }
0xa5: {  	[tilespmem:s31], [sflag:$0x1] =	stream.indirect_vreg.gather [hbm4b:s6+s3], $0x80, v4, vm0, $0xb8;
	[tilespmem:$0x18800] =	vst v63  }
0xa6: {  	s18 =	simm.s32 $0x2000  }
0xa7: {  	[tilespmem:s18], [sflag:$0x1] =	stream.indirect_vreg.gather [hbm4b:s7+s3], $0x80, v4, vm0, $0xb8;
	[tilespmem:$0x18800] =	vst v63  }
0xa8: {  	s17 =	simm.s32 $0x2800  }
0xa9: {  	[tilespmem:s17], [sflag:$0x1] =	stream.indirect_vreg.gather [hbm4b:s8+s3], $0x80, v4, vm0, $0xb8;
	[tilespmem:$0x18800] =	vst v63  }
0xaa: {  	s29 =	simm.s32 $0x3000;
	v3 =	vperm.xlane v3, v2  }
0xab: {  	[tilespmem:s29], [sflag:$0x1] =	stream.indirect_vreg.gather [hbm4b:s9+s3], $0x80, v4, vm0, $0xb8;
	[tilespmem:$0x18800] =	vst v63  }
0xac: {  	s19 =	simm.s32 $0x3800;
	v3 =	vadd.s32 v1, v3  }
0xad: {  	[tilespmem:s19], [sflag:$0x1] =	stream.indirect_vreg.gather [hbm4b:s10+s3], $0x80, v4, vm0, $0xb8;
	[tilespmem:$0x18800] =	vst v63  }
0xae: {  	s20 =	simm.s32 $0x4000  }
0xaf: {  	[tilespmem:s20], [sflag:$0x1] =	stream.indirect_vreg.gather [hbm4b:s11+s3], $0x80, v4, vm0, $0xb8;
	[tilespmem:$0x18800] =	vst v63  }
0xb0: {  	s21 =	simm.s32 $0x4800  }
0xb1: {  	[tilespmem:s21], [sflag:$0x1] =	stream.indirect_vreg.gather [hbm4b:s1+s3], $0x80, v3, vm0, $0xb8;
	[tilespmem:$0x18800] =	vst v63  }
0xb2: {  	s22 =	simm.s32 $0x5000  }
0xb3: {  	[tilespmem:s22], [sflag:$0x1] =	stream.indirect_vreg.gather [hbm4b:s5+s3], $0x80, v3, vm0, $0xb8;
	[tilespmem:$0x18800] =	vst v63  }
0xb4: {  	s23 =	simm.s32 $0x5800  }
0xb5: {  	[tilespmem:s23], [sflag:$0x1] =	stream.indirect_vreg.gather [hbm4b:s6+s3], $0x80, v3, vm0, $0xb8;
	[tilespmem:$0x18800] =	vst v63  }
0xb6: {  	s24 =	simm.s32 $0x6000  }
0xb7: {  	[tilespmem:s24], [sflag:$0x1] =	stream.indirect_vreg.gather [hbm4b:s7+s3], $0x80, v3, vm0, $0xb8;
	[tilespmem:$0x18800] =	vst v63  }
0xb8: {  	s25 =	simm.s32 $0x6800  }
0xb9: {  	[tilespmem:s25], [sflag:$0x1] =	stream.indirect_vreg.gather [hbm4b:s8+s3], $0x80, v3, vm0, $0xb8;
	[tilespmem:$0x18800] =	vst v63  }
0xba: {  	s26 =	simm.s32 $0x7000  }
0xbb: {  	[tilespmem:s26], [sflag:$0x1] =	stream.indirect_vreg.gather [hbm4b:s9+s3], $0x80, v3, vm0, $0xb8;
	[tilespmem:$0x18800] =	vst v63  }
0xbc: {  	s28 =	simm.s32 $0x7800  }
0xbd: {  	[tilespmem:s28], [sflag:$0x1] =	stream.indirect_vreg.gather [hbm4b:s10+s3], $0x80, v3, vm0, $0xb8;
	[tilespmem:$0x18800] =	vst v63  }
0xbe: {  	s12 =	simm.s32 $0x8000  }
0xbf: {  	[tilespmem:s12], [sflag:$0x1] =	stream.indirect_vreg.gather [hbm4b:s11+s3], $0x80, v3, vm0, $0xb8;
	[tilespmem:$0x18800] =	vst v63  }
0xc0: {  	s30 =	rddreg [dreg:$0x5];
	s31 =	simm.s32 $0x8800  }
0xc1: {  	[hbm4b:s30+s3] =	stream.linear.scatter [tilespmem:s31], [sflag:$0x4], $0x8000, $0x38;
	[tilespmem:$0x18800] =	vst v63  }
0xc2: {  	_ =	swait.ge [sflag:s13], $0x8000  }
0xc3: {  	[sflag:s13] =	ssyncset.done $0x0  }
0xc4: {  	[sflag:s13] =	ssyncadd.s32 $0xFFFF8000  }
0xc5: {  	_ =	swait.ge [sflag:s15], $0x8000  }
0xc6: {  	[sflag:s15] =	ssyncset.done $0x0  }
0xc7: {  	[sflag:s15] =	ssyncadd.s32 $0xFFFF8000  }
0xc8: {  	v3 =	vld [tilespmem:$0x200];
	_ =	sdelay $0x4  }
0xc9: {  	v52 =	vshll.u32 v3, $0x4  }
0xca: {  	v3 =	vand.u32 $0x7, v3;
	v4 =	vand.u32 $0xFFFFFF80, v52  }
0xcb: {  	v3 =	vor.u32 v3, v4  }
0xcc: {  	v4 =	vperm.xlane v3, v0;
	_ =	sdelay $0x1  }
0xcd: {  	v4 =	vadd.s32 v1, v4;
	_ =	sdelay $0x4  }
0xce: {  	[tilespmem:s31], [sflag:$0x2] =	stream.indirect_vreg.gather [hbm4b:s1+s3], $0x80, v4, vm0, $0xb8;
	[tilespmem:$0x18800] =	vst v63  }
0xcf: {  	s31 =	simm.s32 $0x9000  }
0xd0: {  	[tilespmem:s31], [sflag:$0x2] =	stream.indirect_vreg.gather [hbm4b:s5+s3], $0x80, v4, vm0, $0xb8;
	[tilespmem:$0x18800] =	vst v63  }
0xd1: {  	s18 =	simm.s32 $0x9800  }
0xd2: {  	[tilespmem:s18], [sflag:$0x2] =	stream.indirect_vreg.gather [hbm4b:s6+s3], $0x80, v4, vm0, $0xb8;
	[tilespmem:$0x18800] =	vst v63  }
0xd3: {  	s19 =	simm.s32 $0xA000  }
0xd4: {  	[tilespmem:s19], [sflag:$0x2] =	stream.indirect_vreg.gather [hbm4b:s7+s3], $0x80, v4, vm0, $0xb8;
	[tilespmem:$0x18800] =	vst v63  }
0xd5: {  	s17 =	simm.s32 $0xA800  }
0xd6: {  	[tilespmem:s17], [sflag:$0x2] =	stream.indirect_vreg.gather [hbm4b:s8+s3], $0x80, v4, vm0, $0xb8;
	[tilespmem:$0x18800] =	vst v63  }
0xd7: {  	s30 =	simm.s32 $0xB000;
	v3 =	vperm.xlane v3, v2  }
0xd8: {  	[tilespmem:s30], [sflag:$0x2] =	stream.indirect_vreg.gather [hbm4b:s9+s3], $0x80, v4, vm0, $0xb8;
	[tilespmem:$0x18800] =	vst v63  }
0xd9: {  	s20 =	simm.s32 $0xB800;
	v3 =	vadd.s32 v1, v3  }
0xda: {  	[tilespmem:s20], [sflag:$0x2] =	stream.indirect_vreg.gather [hbm4b:s10+s3], $0x80, v4, vm0, $0xb8;
	[tilespmem:$0x18800] =	vst v63  }
0xdb: {  	s21 =	simm.s32 $0xC000  }
0xdc: {  	[tilespmem:s21], [sflag:$0x2] =	stream.indirect_vreg.gather [hbm4b:s11+s3], $0x80, v4, vm0, $0xb8;
	[tilespmem:$0x18800] =	vst v63  }
0xdd: {  	s22 =	simm.s32 $0xC800  }
0xde: {  	[tilespmem:s22], [sflag:$0x2] =	stream.indirect_vreg.gather [hbm4b:s1+s3], $0x80, v3, vm0, $0xb8;
	[tilespmem:$0x18800] =	vst v63  }
0xdf: {  	s23 =	simm.s32 $0xD000  }
0xe0: {  	[tilespmem:s23], [sflag:$0x2] =	stream.indirect_vreg.gather [hbm4b:s5+s3], $0x80, v3, vm0, $0xb8;
	[tilespmem:$0x18800] =	vst v63  }
0xe1: {  	s24 =	simm.s32 $0xD800  }
0xe2: {  	[tilespmem:s24], [sflag:$0x2] =	stream.indirect_vreg.gather [hbm4b:s6+s3], $0x80, v3, vm0, $0xb8;
	[tilespmem:$0x18800] =	vst v63  }
0xe3: {  	s25 =	simm.s32 $0xE000  }
0xe4: {  	[tilespmem:s25], [sflag:$0x2] =	stream.indirect_vreg.gather [hbm4b:s7+s3], $0x80, v3, vm0, $0xb8;
	[tilespmem:$0x18800] =	vst v63  }
0xe5: {  	s26 =	simm.s32 $0xE800  }
0xe6: {  	[tilespmem:s26], [sflag:$0x2] =	stream.indirect_vreg.gather [hbm4b:s8+s3], $0x80, v3, vm0, $0xb8;
	[tilespmem:$0x18800] =	vst v63  }
0xe7: {  	s28 =	simm.s32 $0xF000  }
0xe8: {  	[tilespmem:s28], [sflag:$0x2] =	stream.indirect_vreg.gather [hbm4b:s9+s3], $0x80, v3, vm0, $0xb8;
	[tilespmem:$0x18800] =	vst v63  }
0xe9: {  	s29 =	simm.s32 $0xF800  }
0xea: {  	[tilespmem:s29], [sflag:$0x2] =	stream.indirect_vreg.gather [hbm4b:s10+s3], $0x80, v3, vm0, $0xb8;
	[tilespmem:$0x18800] =	vst v63  }
0xeb: {  	s12 =	simm.s32 $0x10000  }
0xec: {  	[tilespmem:s12], [sflag:$0x2] =	stream.indirect_vreg.gather [hbm4b:s11+s3], $0x80, v3, vm0, $0xb8;
	[tilespmem:$0x18800] =	vst v63  }
0xed: {  	s16 =	rddreg [dreg:$0x6]  }
0xee: {  	[hbm4b:s16+s3] =	stream.linear.scatter [tilespmem:s14], [sflag:$0x4], $0x8000, $0x38;
	[tilespmem:$0x18800] =	vst v63  }
0xef: {  	_ =	swait.ge [sflag:s13], $0x8000  }
0xf0: {  	[sflag:s13] =	ssyncset.done $0x0  }
0xf1: {  	[sflag:s13] =	ssyncadd.s32 $0xFFFF8000  }
0xf2: {  	_ =	swait.ge [sflag:s2], $0x8000  }
0xf3: {  	[sflag:s2] =	ssyncset.done $0x0  }
0xf4: {  	[sflag:s2] =	ssyncadd.s32 $0xFFFF8000  }
0xf5: {  	v3 =	vld [tilespmem:$0x280];
	_ =	sdelay $0x4  }
0xf6: {  	v53 =	vshll.u32 v3, $0x4  }
0xf7: {  	v3 =	vand.u32 $0x7, v3;
	v4 =	vand.u32 $0xFFFFFF80, v53  }
0xf8: {  	v3 =	vor.u32 v3, v4  }
0xf9: {  	v4 =	vperm.xlane v3, v0;
	_ =	sdelay $0x1  }
0xfa: {  	v4 =	vadd.s32 v1, v4;
	_ =	sdelay $0x4  }
0xfb: {  	[tilespmem:s14], [sflag:$0x3] =	stream.indirect_vreg.gather [hbm4b:s1+s3], $0x80, v4, vm0, $0xb8;
	[tilespmem:$0x18800] =	vst v63  }
0xfc: {  	s12 =	simm.s32 $0x11000  }
0xfd: {  	[tilespmem:s12], [sflag:$0x3] =	stream.indirect_vreg.gather [hbm4b:s5+s3], $0x80, v4, vm0, $0xb8;
	[tilespmem:$0x18800] =	vst v63  }
0xfe: {  	s12 =	simm.s32 $0x11800  }
0xff: {  	[tilespmem:s12], [sflag:$0x3] =	stream.indirect_vreg.gather [hbm4b:s6+s3], $0x80, v4, vm0, $0xb8;
	[tilespmem:$0x18800] =	vst v63  }
0x100: {  	s12 =	simm.s32 $0x12000  }
0x101: {  	[tilespmem:s12], [sflag:$0x3] =	stream.indirect_vreg.gather [hbm4b:s7+s3], $0x80, v4, vm0, $0xb8;
	[tilespmem:$0x18800] =	vst v63  }
0x102: {  	s12 =	simm.s32 $0x12800  }
0x103: {  	[tilespmem:s12], [sflag:$0x3] =	stream.indirect_vreg.gather [hbm4b:s8+s3], $0x80, v4, vm0, $0xb8;
	[tilespmem:$0x18800] =	vst v63  }
0x104: {  	v3 =	vperm.xlane v3, v2;
	s12 =	simm.s32 $0x13000  }
0x105: {  	[tilespmem:s12], [sflag:$0x3] =	stream.indirect_vreg.gather [hbm4b:s9+s3], $0x80, v4, vm0, $0xb8;
	[tilespmem:$0x18800] =	vst v63  }
0x106: {  	v3 =	vadd.s32 v1, v3;
	s12 =	simm.s32 $0x13800  }
0x107: {  	[tilespmem:s12], [sflag:$0x3] =	stream.indirect_vreg.gather [hbm4b:s10+s3], $0x80, v4, vm0, $0xb8;
	[tilespmem:$0x18800] =	vst v63  }
0x108: {  	s12 =	simm.s32 $0x14000  }
0x109: {  	[tilespmem:s12], [sflag:$0x3] =	stream.indirect_vreg.gather [hbm4b:s11+s3], $0x80, v4, vm0, $0xb8;
	[tilespmem:$0x18800] =	vst v63  }
0x10a: {  	s12 =	simm.s32 $0x14800  }
0x10b: {  	[tilespmem:s12], [sflag:$0x3] =	stream.indirect_vreg.gather [hbm4b:s1+s3], $0x80, v3, vm0, $0xb8;
	[tilespmem:$0x18800] =	vst v63  }
0x10c: {  	s12 =	simm.s32 $0x15000  }
0x10d: {  	[tilespmem:s12], [sflag:$0x3] =	stream.indirect_vreg.gather [hbm4b:s5+s3], $0x80, v3, vm0, $0xb8;
	[tilespmem:$0x18800] =	vst v63  }
0x10e: {  	s12 =	simm.s32 $0x15800  }
0x10f: {  	[tilespmem:s12], [sflag:$0x3] =	stream.indirect_vreg.gather [hbm4b:s6+s3], $0x80, v3, vm0, $0xb8;
	[tilespmem:$0x18800] =	vst v63  }
0x110: {  	s12 =	simm.s32 $0x16000  }
0x111: {  	[tilespmem:s12], [sflag:$0x3] =	stream.indirect_vreg.gather [hbm4b:s7+s3], $0x80, v3, vm0, $0xb8;
	[tilespmem:$0x18800] =	vst v63  }
0x112: {  	s12 =	simm.s32 $0x16800  }
0x113: {  	[tilespmem:s12], [sflag:$0x3] =	stream.indirect_vreg.gather [hbm4b:s8+s3], $0x80, v3, vm0, $0xb8;
	[tilespmem:$0x18800] =	vst v63  }
0x114: {  	s12 =	simm.s32 $0x17000  }
0x115: {  	[tilespmem:s12], [sflag:$0x3] =	stream.indirect_vreg.gather [hbm4b:s9+s3], $0x80, v3, vm0, $0xb8;
	[tilespmem:$0x18800] =	vst v63  }
0x116: {  	s12 =	simm.s32 $0x17800  }
0x117: {  	[tilespmem:s12], [sflag:$0x3] =	stream.indirect_vreg.gather [hbm4b:s10+s3], $0x80, v3, vm0, $0xb8;
	[tilespmem:$0x18800] =	vst v63  }
0x118: {  	s12 =	simm.s32 $0x18000  }
0x119: {  	[tilespmem:s12], [sflag:$0x3] =	stream.indirect_vreg.gather [hbm4b:s11+s3], $0x80, v3, vm0, $0xb8;
	[tilespmem:$0x18800] =	vst v63  }
0x11a: {  	s16 =	rddreg [dreg:$0x7]  }
0x11b: {  	[hbm4b:s16+s3] =	stream.linear.scatter [tilespmem:s0], [sflag:$0x4], $0x8000, $0x38;
	[tilespmem:$0x18800] =	vst v63  }
0x11c: {  	_ =	swait.ge [sflag:s13], $0x8000  }
0x11d: {  	[sflag:s13] =	ssyncset.done $0x0  }
0x11e: {  	[sflag:s13] =	ssyncadd.s32 $0xFFFF8000  }
0x11f: {  	_ =	swait.ge [sflag:s4], $0x8000  }
0x120: {  	[sflag:s4] =	ssyncset.done $0x0  }
0x121: {  	[sflag:s4] =	ssyncadd.s32 $0xFFFF8000  }
0x122: {  	v3 =	vld [tilespmem:$0x300];
	_ =	sdelay $0x4  }
0x123: {  	v54 =	vshll.u32 v3, $0x4  }
0x124: {  	v3 =	vand.u32 $0x7, v3;
	v4 =	vand.u32 $0xFFFFFF80, v54  }
0x125: {  	v3 =	vor.u32 v3, v4  }
0x126: {  	v4 =	vperm.xlane v3, v0;
	_ =	sdelay $0x1  }
0x127: {  	v4 =	vadd.s32 v1, v4;
	_ =	sdelay $0x4  }
0x128: {  	[tilespmem:s0], [sflag:$0x1] =	stream.indirect_vreg.gather [hbm4b:s1+s3], $0x80, v4, vm0, $0xb8;
	[tilespmem:$0x18800] =	vst v63  }
0x129: {  	s16 =	simm.s32 $0x1000  }
0x12a: {  	[tilespmem:s16], [sflag:$0x1] =	stream.indirect_vreg.gather [hbm4b:s5+s3], $0x80, v4, vm0, $0xb8;
	[tilespmem:$0x18800] =	vst v63  }
0x12b: {  	s16 =	simm.s32 $0x1800  }
0x12c: {  	[tilespmem:s16], [sflag:$0x1] =	stream.indirect_vreg.gather [hbm4b:s6+s3], $0x80, v4, vm0, $0xb8;
	[tilespmem:$0x18800] =	vst v63  }
0x12d: {  	s16 =	simm.s32 $0x2000  }
0x12e: {  	[tilespmem:s16], [sflag:$0x1] =	stream.indirect_vreg.gather [hbm4b:s7+s3], $0x80, v4, vm0, $0xb8;
	[tilespmem:$0x18800] =	vst v63  }
0x12f: {  	s16 =	simm.s32 $0x2800  }
0x130: {  	[tilespmem:s16], [sflag:$0x1] =	stream.indirect_vreg.gather [hbm4b:s8+s3], $0x80, v4, vm0, $0xb8;
	[tilespmem:$0x18800] =	vst v63  }
0x131: {  	v3 =	vperm.xlane v3, v2;
	s16 =	simm.s32 $0x3000  }
0x132: {  	[tilespmem:s16], [sflag:$0x1] =	stream.indirect_vreg.gather [hbm4b:s9+s3], $0x80, v4, vm0, $0xb8;
	[tilespmem:$0x18800] =	vst v63  }
0x133: {  	v3 =	vadd.s32 v1, v3;
	s16 =	simm.s32 $0x3800  }
0x134: {  	[tilespmem:s16], [sflag:$0x1] =	stream.indirect_vreg.gather [hbm4b:s10+s3], $0x80, v4, vm0, $0xb8;
	[tilespmem:$0x18800] =	vst v63  }
0x135: {  	s16 =	simm.s32 $0x4000  }
0x136: {  	[tilespmem:s16], [sflag:$0x1] =	stream.indirect_vreg.gather [hbm4b:s11+s3], $0x80, v4, vm0, $0xb8;
	[tilespmem:$0x18800] =	vst v63  }
0x137: {  	s16 =	simm.s32 $0x4800  }
0x138: {  	[tilespmem:s16], [sflag:$0x1] =	stream.indirect_vreg.gather [hbm4b:s1+s3], $0x80, v3, vm0, $0xb8;
	[tilespmem:$0x18800] =	vst v63  }
0x139: {  	s16 =	simm.s32 $0x5000  }
0x13a: {  	[tilespmem:s16], [sflag:$0x1] =	stream.indirect_vreg.gather [hbm4b:s5+s3], $0x80, v3, vm0, $0xb8;
	[tilespmem:$0x18800] =	vst v63  }
0x13b: {  	s16 =	simm.s32 $0x5800  }
0x13c: {  	[tilespmem:s16], [sflag:$0x1] =	stream.indirect_vreg.gather [hbm4b:s6+s3], $0x80, v3, vm0, $0xb8;
	[tilespmem:$0x18800] =	vst v63  }
0x13d: {  	s16 =	simm.s32 $0x6000  }
0x13e: {  	[tilespmem:s16], [sflag:$0x1] =	stream.indirect_vreg.gather [hbm4b:s7+s3], $0x80, v3, vm0, $0xb8;
	[tilespmem:$0x18800] =	vst v63  }
0x13f: {  	s16 =	simm.s32 $0x6800  }
0x140: {  	[tilespmem:s16], [sflag:$0x1] =	stream.indirect_vreg.gather [hbm4b:s8+s3], $0x80, v3, vm0, $0xb8;
	[tilespmem:$0x18800] =	vst v63  }
0x141: {  	s16 =	simm.s32 $0x7000  }
0x142: {  	[tilespmem:s16], [sflag:$0x1] =	stream.indirect_vreg.gather [hbm4b:s9+s3], $0x80, v3, vm0, $0xb8;
	[tilespmem:$0x18800] =	vst v63  }
0x143: {  	s16 =	simm.s32 $0x7800  }
0x144: {  	[tilespmem:s16], [sflag:$0x1] =	stream.indirect_vreg.gather [hbm4b:s10+s3], $0x80, v3, vm0, $0xb8;
	[tilespmem:$0x18800] =	vst v63  }
0x145: {  	s12 =	simm.s32 $0x8000  }
0x146: {  	[tilespmem:s12], [sflag:$0x1] =	stream.indirect_vreg.gather [hbm4b:s11+s3], $0x80, v3, vm0, $0xb8;
	[tilespmem:$0x18800] =	vst v63  }
0x147: {  	s16 =	rddreg [dreg:$0x8];
	s12 =	simm.s32 $0x8800  }
0x148: {  	[hbm4b:s16+s3] =	stream.linear.scatter [tilespmem:s12], [sflag:$0x4], $0x8000, $0x38;
	[tilespmem:$0x18800] =	vst v63  }
0x149: {  	_ =	swait.ge [sflag:s13], $0x8000  }
0x14a: {  	[sflag:s13] =	ssyncset.done $0x0  }
0x14b: {  	[sflag:s13] =	ssyncadd.s32 $0xFFFF8000  }
0x14c: {  	_ =	swait.ge [sflag:s15], $0x8000  }
0x14d: {  	[sflag:s15] =	ssyncset.done $0x0  }
0x14e: {  	[sflag:s15] =	ssyncadd.s32 $0xFFFF8000  }
0x14f: {  	v3 =	vld [tilespmem:$0x380];
	_ =	sdelay $0x4  }
0x150: {  	v55 =	vshll.u32 v3, $0x4  }
0x151: {  	v3 =	vand.u32 $0x7, v3;
	v4 =	vand.u32 $0xFFFFFF80, v55  }
0x152: {  	v3 =	vor.u32 v3, v4  }
0x153: {  	v4 =	vperm.xlane v3, v0;
	_ =	sdelay $0x1  }
0x154: {  	v4 =	vadd.s32 v1, v4;
	_ =	sdelay $0x4  }
0x155: {  	[tilespmem:s12], [sflag:$0x2] =	stream.indirect_vreg.gather [hbm4b:s1+s3], $0x80, v4, vm0, $0xb8;
	[tilespmem:$0x18800] =	vst v63  }
0x156: {  	_ = 	snop  }
0x157: {  	[tilespmem:s31], [sflag:$0x2] =	stream.indirect_vreg.gather [hbm4b:s5+s3], $0x80, v4, vm0, $0xb8;
	[tilespmem:$0x18800] =	vst v63  }
0x158: {  	_ = 	snop  }
0x159: {  	[tilespmem:s18], [sflag:$0x2] =	stream.indirect_vreg.gather [hbm4b:s6+s3], $0x80, v4, vm0, $0xb8;
	[tilespmem:$0x18800] =	vst v63  }
0x15a: {  	_ = 	snop  }
0x15b: {  	[tilespmem:s19], [sflag:$0x2] =	stream.indirect_vreg.gather [hbm4b:s7+s3], $0x80, v4, vm0, $0xb8;
	[tilespmem:$0x18800] =	vst v63  }
0x15c: {  	_ = 	snop  }
0x15d: {  	[tilespmem:s17], [sflag:$0x2] =	stream.indirect_vreg.gather [hbm4b:s8+s3], $0x80, v4, vm0, $0xb8;
	[tilespmem:$0x18800] =	vst v63  }
0x15e: {  	v3 =	vperm.xlane v3, v2  }
0x15f: {  	[tilespmem:s30], [sflag:$0x2] =	stream.indirect_vreg.gather [hbm4b:s9+s3], $0x80, v4, vm0, $0xb8;
	[tilespmem:$0x18800] =	vst v63  }
0x160: {  	v3 =	vadd.s32 v1, v3  }
0x161: {  	[tilespmem:s20], [sflag:$0x2] =	stream.indirect_vreg.gather [hbm4b:s10+s3], $0x80, v4, vm0, $0xb8;
	[tilespmem:$0x18800] =	vst v63  }
0x162: {  	_ = 	snop  }
0x163: {  	[tilespmem:s21], [sflag:$0x2] =	stream.indirect_vreg.gather [hbm4b:s11+s3], $0x80, v4, vm0, $0xb8;
	[tilespmem:$0x18800] =	vst v63  }
0x164: {  	_ = 	snop  }
0x165: {  	[tilespmem:s22], [sflag:$0x2] =	stream.indirect_vreg.gather [hbm4b:s1+s3], $0x80, v3, vm0, $0xb8;
	[tilespmem:$0x18800] =	vst v63  }
0x166: {  	_ = 	snop  }
0x167: {  	[tilespmem:s23], [sflag:$0x2] =	stream.indirect_vreg.gather [hbm4b:s5+s3], $0x80, v3, vm0, $0xb8;
	[tilespmem:$0x18800] =	vst v63  }
0x168: {  	_ = 	snop  }
0x169: {  	[tilespmem:s24], [sflag:$0x2] =	stream.indirect_vreg.gather [hbm4b:s6+s3], $0x80, v3, vm0, $0xb8;
	[tilespmem:$0x18800] =	vst v63  }
0x16a: {  	_ = 	snop  }
0x16b: {  	[tilespmem:s25], [sflag:$0x2] =	stream.indirect_vreg.gather [hbm4b:s7+s3], $0x80, v3, vm0, $0xb8;
	[tilespmem:$0x18800] =	vst v63  }
0x16c: {  	_ = 	snop  }
0x16d: {  	[tilespmem:s26], [sflag:$0x2] =	stream.indirect_vreg.gather [hbm4b:s8+s3], $0x80, v3, vm0, $0xb8;
	[tilespmem:$0x18800] =	vst v63  }
0x16e: {  	_ = 	snop  }
0x16f: {  	[tilespmem:s28], [sflag:$0x2] =	stream.indirect_vreg.gather [hbm4b:s9+s3], $0x80, v3, vm0, $0xb8;
	[tilespmem:$0x18800] =	vst v63  }
0x170: {  	_ = 	snop  }
0x171: {  	[tilespmem:s29], [sflag:$0x2] =	stream.indirect_vreg.gather [hbm4b:s10+s3], $0x80, v3, vm0, $0xb8;
	[tilespmem:$0x18800] =	vst v63  }
0x172: {  	s21 =	simm.s32 $0x10000  }
0x173: {  	[tilespmem:s21], [sflag:$0x2] =	stream.indirect_vreg.gather [hbm4b:s11+s3], $0x80, v3, vm0, $0xb8;
	[tilespmem:$0x18800] =	vst v63  }
0x174: {  	s16 =	rddreg [dreg:$0x9]  }
0x175: {  	[hbm4b:s16+s3] =	stream.linear.scatter [tilespmem:s14], [sflag:$0x4], $0x8000, $0x38;
	[tilespmem:$0x18800] =	vst v63  }
0x176: {  	_ =	swait.ge [sflag:s13], $0x8000  }
0x177: {  	[sflag:s13] =	ssyncset.done $0x0  }
0x178: {  	[sflag:s13] =	ssyncadd.s32 $0xFFFF8000  }
0x179: {  	_ =	swait.ge [sflag:s2], $0x8000  }
0x17a: {  	[sflag:s2] =	ssyncset.done $0x0  }
0x17b: {  	[sflag:s2] =	ssyncadd.s32 $0xFFFF8000  }
0x17c: {  	v3 =	vld [tilespmem:$0x400];
	_ =	sdelay $0x4  }
0x17d: {  	v56 =	vshll.u32 v3, $0x4  }
0x17e: {  	v3 =	vand.u32 $0x7, v3;
	v4 =	vand.u32 $0xFFFFFF80, v56  }
0x17f: {  	v3 =	vor.u32 v3, v4  }
0x180: {  	v4 =	vperm.xlane v3, v0;
	_ =	sdelay $0x1  }
0x181: {  	v4 =	vadd.s32 v1, v4;
	_ =	sdelay $0x4  }
0x182: {  	[tilespmem:s14], [sflag:$0x3] =	stream.indirect_vreg.gather [hbm4b:s1+s3], $0x80, v4, vm0, $0xb8;
	[tilespmem:$0x18800] =	vst v63  }
0x183: {  	s21 =	simm.s32 $0x11000  }
0x184: {  	[tilespmem:s21], [sflag:$0x3] =	stream.indirect_vreg.gather [hbm4b:s5+s3], $0x80, v4, vm0, $0xb8;
	[tilespmem:$0x18800] =	vst v63  }
0x185: {  	s20 =	simm.s32 $0x11800  }
0x186: {  	[tilespmem:s20], [sflag:$0x3] =	stream.indirect_vreg.gather [hbm4b:s6+s3], $0x80, v4, vm0, $0xb8;
	[tilespmem:$0x18800] =	vst v63  }
0x187: {  	s21 =	simm.s32 $0x12000  }
0x188: {  	[tilespmem:s21], [sflag:$0x3] =	stream.indirect_vreg.gather [hbm4b:s7+s3], $0x80, v4, vm0, $0xb8;
	[tilespmem:$0x18800] =	vst v63  }
0x189: {  	s20 =	simm.s32 $0x12800  }
0x18a: {  	[tilespmem:s20], [sflag:$0x3] =	stream.indirect_vreg.gather [hbm4b:s8+s3], $0x80, v4, vm0, $0xb8;
	[tilespmem:$0x18800] =	vst v63  }
0x18b: {  	v3 =	vperm.xlane v3, v2;
	s21 =	simm.s32 $0x13000  }
0x18c: {  	[tilespmem:s21], [sflag:$0x3] =	stream.indirect_vreg.gather [hbm4b:s9+s3], $0x80, v4, vm0, $0xb8;
	[tilespmem:$0x18800] =	vst v63  }
0x18d: {  	v3 =	vadd.s32 v1, v3;
	s20 =	simm.s32 $0x13800  }
0x18e: {  	[tilespmem:s20], [sflag:$0x3] =	stream.indirect_vreg.gather [hbm4b:s10+s3], $0x80, v4, vm0, $0xb8;
	[tilespmem:$0x18800] =	vst v63  }
0x18f: {  	s21 =	simm.s32 $0x14000  }
0x190: {  	[tilespmem:s21], [sflag:$0x3] =	stream.indirect_vreg.gather [hbm4b:s11+s3], $0x80, v4, vm0, $0xb8;
	[tilespmem:$0x18800] =	vst v63  }
0x191: {  	s20 =	simm.s32 $0x14800  }
0x192: {  	[tilespmem:s20], [sflag:$0x3] =	stream.indirect_vreg.gather [hbm4b:s1+s3], $0x80, v3, vm0, $0xb8;
	[tilespmem:$0x18800] =	vst v63  }
0x193: {  	s21 =	simm.s32 $0x15000  }
0x194: {  	[tilespmem:s21], [sflag:$0x3] =	stream.indirect_vreg.gather [hbm4b:s5+s3], $0x80, v3, vm0, $0xb8;
	[tilespmem:$0x18800] =	vst v63  }
0x195: {  	s20 =	simm.s32 $0x15800  }
0x196: {  	[tilespmem:s20], [sflag:$0x3] =	stream.indirect_vreg.gather [hbm4b:s6+s3], $0x80, v3, vm0, $0xb8;
	[tilespmem:$0x18800] =	vst v63  }
0x197: {  	s21 =	simm.s32 $0x16000  }
0x198: {  	[tilespmem:s21], [sflag:$0x3] =	stream.indirect_vreg.gather [hbm4b:s7+s3], $0x80, v3, vm0, $0xb8;
	[tilespmem:$0x18800] =	vst v63  }
0x199: {  	s20 =	simm.s32 $0x16800  }
0x19a: {  	[tilespmem:s20], [sflag:$0x3] =	stream.indirect_vreg.gather [hbm4b:s8+s3], $0x80, v3, vm0, $0xb8;
	[tilespmem:$0x18800] =	vst v63  }
0x19b: {  	s21 =	simm.s32 $0x17000  }
0x19c: {  	[tilespmem:s21], [sflag:$0x3] =	stream.indirect_vreg.gather [hbm4b:s9+s3], $0x80, v3, vm0, $0xb8;
	[tilespmem:$0x18800] =	vst v63  }
0x19d: {  	s20 =	simm.s32 $0x17800  }
0x19e: {  	[tilespmem:s20], [sflag:$0x3] =	stream.indirect_vreg.gather [hbm4b:s10+s3], $0x80, v3, vm0, $0xb8;
	[tilespmem:$0x18800] =	vst v63  }
0x19f: {  	s21 =	simm.s32 $0x18000  }
0x1a0: {  	[tilespmem:s21], [sflag:$0x3] =	stream.indirect_vreg.gather [hbm4b:s11+s3], $0x80, v3, vm0, $0xb8;
	[tilespmem:$0x18800] =	vst v63  }
0x1a1: {  	s16 =	rddreg [dreg:$0xa]  }
0x1a2: {  	[hbm4b:s16+s3] =	stream.linear.scatter [tilespmem:s0], [sflag:$0x4], $0x8000, $0x38;
	[tilespmem:$0x18800] =	vst v63  }
0x1a3: {  	_ =	swait.ge [sflag:s13], $0x8000  }
0x1a4: {  	[sflag:s13] =	ssyncset.done $0x0  }
0x1a5: {  	[sflag:s13] =	ssyncadd.s32 $0xFFFF8000  }
0x1a6: {  	_ =	swait.ge [sflag:s4], $0x8000  }
0x1a7: {  	[sflag:s4] =	ssyncset.done $0x0  }
0x1a8: {  	[sflag:s4] =	ssyncadd.s32 $0xFFFF8000  }
0x1a9: {  	v3 =	vld [tilespmem:$0x480];
	_ =	sdelay $0x4  }
0x1aa: {  	v57 =	vshll.u32 v3, $0x4  }
0x1ab: {  	v3 =	vand.u32 $0x7, v3;
	v4 =	vand.u32 $0xFFFFFF80, v57  }
0x1ac: {  	v3 =	vor.u32 v3, v4  }
0x1ad: {  	v4 =	vperm.xlane v3, v0;
	_ =	sdelay $0x1  }
0x1ae: {  	v4 =	vadd.s32 v1, v4;
	_ =	sdelay $0x4  }
0x1af: {  	[tilespmem:s0], [sflag:$0x1] =	stream.indirect_vreg.gather [hbm4b:s1+s3], $0x80, v4, vm0, $0xb8;
	[tilespmem:$0x18800] =	vst v63  }
0x1b0: {  	s21 =	simm.s32 $0x1000  }
0x1b1: {  	[tilespmem:s21], [sflag:$0x1] =	stream.indirect_vreg.gather [hbm4b:s5+s3], $0x80, v4, vm0, $0xb8;
	[tilespmem:$0x18800] =	vst v63  }
0x1b2: {  	s20 =	simm.s32 $0x1800  }
0x1b3: {  	[tilespmem:s20], [sflag:$0x1] =	stream.indirect_vreg.gather [hbm4b:s6+s3], $0x80, v4, vm0, $0xb8;
	[tilespmem:$0x18800] =	vst v63  }
0x1b4: {  	s21 =	simm.s32 $0x2000  }
0x1b5: {  	[tilespmem:s21], [sflag:$0x1] =	stream.indirect_vreg.gather [hbm4b:s7+s3], $0x80, v4, vm0, $0xb8;
	[tilespmem:$0x18800] =	vst v63  }
0x1b6: {  	s20 =	simm.s32 $0x2800  }
0x1b7: {  	[tilespmem:s20], [sflag:$0x1] =	stream.indirect_vreg.gather [hbm4b:s8+s3], $0x80, v4, vm0, $0xb8;
	[tilespmem:$0x18800] =	vst v63  }
0x1b8: {  	v3 =	vperm.xlane v3, v2;
	s21 =	simm.s32 $0x3000  }
0x1b9: {  	[tilespmem:s21], [sflag:$0x1] =	stream.indirect_vreg.gather [hbm4b:s9+s3], $0x80, v4, vm0, $0xb8;
	[tilespmem:$0x18800] =	vst v63  }
0x1ba: {  	v3 =	vadd.s32 v1, v3;
	s20 =	simm.s32 $0x3800  }
0x1bb: {  	[tilespmem:s20], [sflag:$0x1] =	stream.indirect_vreg.gather [hbm4b:s10+s3], $0x80, v4, vm0, $0xb8;
	[tilespmem:$0x18800] =	vst v63  }
0x1bc: {  	s21 =	simm.s32 $0x4000  }
0x1bd: {  	[tilespmem:s21], [sflag:$0x1] =	stream.indirect_vreg.gather [hbm4b:s11+s3], $0x80, v4, vm0, $0xb8;
	[tilespmem:$0x18800] =	vst v63  }
0x1be: {  	s20 =	simm.s32 $0x4800  }
0x1bf: {  	[tilespmem:s20], [sflag:$0x1] =	stream.indirect_vreg.gather [hbm4b:s1+s3], $0x80, v3, vm0, $0xb8;
	[tilespmem:$0x18800] =	vst v63  }
0x1c0: {  	s21 =	simm.s32 $0x5000  }
0x1c1: {  	[tilespmem:s21], [sflag:$0x1] =	stream.indirect_vreg.gather [hbm4b:s5+s3], $0x80, v3, vm0, $0xb8;
	[tilespmem:$0x18800] =	vst v63  }
0x1c2: {  	s20 =	simm.s32 $0x5800  }
0x1c3: {  	[tilespmem:s20], [sflag:$0x1] =	stream.indirect_vreg.gather [hbm4b:s6+s3], $0x80, v3, vm0, $0xb8;
	[tilespmem:$0x18800] =	vst v63  }
0x1c4: {  	s21 =	simm.s32 $0x6000  }
0x1c5: {  	[tilespmem:s21], [sflag:$0x1] =	stream.indirect_vreg.gather [hbm4b:s7+s3], $0x80, v3, vm0, $0xb8;
	[tilespmem:$0x18800] =	vst v63  }
0x1c6: {  	s20 =	simm.s32 $0x6800  }
0x1c7: {  	[tilespmem:s20], [sflag:$0x1] =	stream.indirect_vreg.gather [hbm4b:s8+s3], $0x80, v3, vm0, $0xb8;
	[tilespmem:$0x18800] =	vst v63  }
0x1c8: {  	s21 =	simm.s32 $0x7000  }
0x1c9: {  	[tilespmem:s21], [sflag:$0x1] =	stream.indirect_vreg.gather [hbm4b:s9+s3], $0x80, v3, vm0, $0xb8;
	[tilespmem:$0x18800] =	vst v63  }
0x1ca: {  	s20 =	simm.s32 $0x7800  }
0x1cb: {  	[tilespmem:s20], [sflag:$0x1] =	stream.indirect_vreg.gather [hbm4b:s10+s3], $0x80, v3, vm0, $0xb8;
	[tilespmem:$0x18800] =	vst v63  }
0x1cc: {  	s21 =	simm.s32 $0x8000  }
0x1cd: {  	[tilespmem:s21], [sflag:$0x1] =	stream.indirect_vreg.gather [hbm4b:s11+s3], $0x80, v3, vm0, $0xb8;
	[tilespmem:$0x18800] =	vst v63  }
0x1ce: {  	s12 =	simm.s32 $0x8800;
	s16 =	rddreg [dreg:$0xb]  }
0x1cf: {  	[hbm4b:s16+s3] =	stream.linear.scatter [tilespmem:s12], [sflag:$0x4], $0x8000, $0x38;
	[tilespmem:$0x18800] =	vst v63  }
0x1d0: {  	_ =	swait.ge [sflag:s13], $0x8000  }
0x1d1: {  	[sflag:s13] =	ssyncset.done $0x0  }
0x1d2: {  	[sflag:s13] =	ssyncadd.s32 $0xFFFF8000  }
0x1d3: {  	_ =	swait.ge [sflag:s15], $0x8000  }
0x1d4: {  	[sflag:s15] =	ssyncset.done $0x0  }
0x1d5: {  	[sflag:s15] =	ssyncadd.s32 $0xFFFF8000  }
0x1d6: {  	v3 =	vld [tilespmem:$0x500];
	_ =	sdelay $0x4  }
0x1d7: {  	v58 =	vshll.u32 v3, $0x4  }
0x1d8: {  	v3 =	vand.u32 $0x7, v3;
	v4 =	vand.u32 $0xFFFFFF80, v58  }
0x1d9: {  	v3 =	vor.u32 v3, v4  }
0x1da: {  	v4 =	vperm.xlane v3, v0;
	_ =	sdelay $0x1  }
0x1db: {  	v4 =	vadd.s32 v1, v4;
	_ =	sdelay $0x4  }
0x1dc: {  	[tilespmem:s12], [sflag:$0x2] =	stream.indirect_vreg.gather [hbm4b:s1+s3], $0x80, v4, vm0, $0xb8;
	[tilespmem:$0x18800] =	vst v63  }
0x1dd: {  	s16 =	simm.s32 $0x9000  }
0x1de: {  	[tilespmem:s16], [sflag:$0x2] =	stream.indirect_vreg.gather [hbm4b:s5+s3], $0x80, v4, vm0, $0xb8;
	[tilespmem:$0x18800] =	vst v63  }
0x1df: {  	s18 =	simm.s32 $0x9800  }
0x1e0: {  	[tilespmem:s18], [sflag:$0x2] =	stream.indirect_vreg.gather [hbm4b:s6+s3], $0x80, v4, vm0, $0xb8;
	[tilespmem:$0x18800] =	vst v63  }
0x1e1: {  	s19 =	simm.s32 $0xA000  }
0x1e2: {  	[tilespmem:s19], [sflag:$0x2] =	stream.indirect_vreg.gather [hbm4b:s7+s3], $0x80, v4, vm0, $0xb8;
	[tilespmem:$0x18800] =	vst v63  }
0x1e3: {  	s31 =	simm.s32 $0xA800  }
0x1e4: {  	[tilespmem:s31], [sflag:$0x2] =	stream.indirect_vreg.gather [hbm4b:s8+s3], $0x80, v4, vm0, $0xb8;
	[tilespmem:$0x18800] =	vst v63  }
0x1e5: {  	v3 =	vperm.xlane v3, v2;
	s19 =	simm.s32 $0xB000  }
0x1e6: {  	[tilespmem:s19], [sflag:$0x2] =	stream.indirect_vreg.gather [hbm4b:s9+s3], $0x80, v4, vm0, $0xb8;
	[tilespmem:$0x18800] =	vst v63  }
0x1e7: {  	s17 =	simm.s32 $0xB800;
	v3 =	vadd.s32 v1, v3  }
0x1e8: {  	[tilespmem:s17], [sflag:$0x2] =	stream.indirect_vreg.gather [hbm4b:s10+s3], $0x80, v4, vm0, $0xb8;
	[tilespmem:$0x18800] =	vst v63  }
0x1e9: {  	s30 =	simm.s32 $0xC000  }
0x1ea: {  	[tilespmem:s30], [sflag:$0x2] =	stream.indirect_vreg.gather [hbm4b:s11+s3], $0x80, v4, vm0, $0xb8;
	[tilespmem:$0x18800] =	vst v63  }
0x1eb: {  	s22 =	simm.s32 $0xC800  }
0x1ec: {  	[tilespmem:s22], [sflag:$0x2] =	stream.indirect_vreg.gather [hbm4b:s1+s3], $0x80, v3, vm0, $0xb8;
	[tilespmem:$0x18800] =	vst v63  }
0x1ed: {  	s23 =	simm.s32 $0xD000  }
0x1ee: {  	[tilespmem:s23], [sflag:$0x2] =	stream.indirect_vreg.gather [hbm4b:s5+s3], $0x80, v3, vm0, $0xb8;
	[tilespmem:$0x18800] =	vst v63  }
0x1ef: {  	s24 =	simm.s32 $0xD800  }
0x1f0: {  	[tilespmem:s24], [sflag:$0x2] =	stream.indirect_vreg.gather [hbm4b:s6+s3], $0x80, v3, vm0, $0xb8;
	[tilespmem:$0x18800] =	vst v63  }
0x1f1: {  	s25 =	simm.s32 $0xE000  }
0x1f2: {  	[tilespmem:s25], [sflag:$0x2] =	stream.indirect_vreg.gather [hbm4b:s7+s3], $0x80, v3, vm0, $0xb8;
	[tilespmem:$0x18800] =	vst v63  }
0x1f3: {  	s26 =	simm.s32 $0xE800  }
0x1f4: {  	[tilespmem:s26], [sflag:$0x2] =	stream.indirect_vreg.gather [hbm4b:s8+s3], $0x80, v3, vm0, $0xb8;
	[tilespmem:$0x18800] =	vst v63  }
0x1f5: {  	s28 =	simm.s32 $0xF000  }
0x1f6: {  	[tilespmem:s28], [sflag:$0x2] =	stream.indirect_vreg.gather [hbm4b:s9+s3], $0x80, v3, vm0, $0xb8;
	[tilespmem:$0x18800] =	vst v63  }
0x1f7: {  	s29 =	simm.s32 $0xF800  }
0x1f8: {  	[tilespmem:s29], [sflag:$0x2] =	stream.indirect_vreg.gather [hbm4b:s10+s3], $0x80, v3, vm0, $0xb8;
	[tilespmem:$0x18800] =	vst v63  }
0x1f9: {  	s29 =	simm.s32 $0x10000  }
0x1fa: {  	[tilespmem:s29], [sflag:$0x2] =	stream.indirect_vreg.gather [hbm4b:s11+s3], $0x80, v3, vm0, $0xb8;
	[tilespmem:$0x18800] =	vst v63  }
0x1fb: {  	s16 =	rddreg [dreg:$0xc]  }
0x1fc: {  	[hbm4b:s16+s3] =	stream.linear.scatter [tilespmem:s14], [sflag:$0x4], $0x8000, $0x38;
	[tilespmem:$0x18800] =	vst v63  }
0x1fd: {  	_ =	swait.ge [sflag:s13], $0x8000  }
0x1fe: {  	[sflag:s13] =	ssyncset.done $0x0  }
0x1ff: {  	[sflag:s13] =	ssyncadd.s32 $0xFFFF8000  }
0x200: {  	_ =	swait.ge [sflag:s2], $0x8000  }
0x201: {  	[sflag:s2] =	ssyncset.done $0x0  }
0x202: {  	[sflag:s2] =	ssyncadd.s32 $0xFFFF8000  }
0x203: {  	v3 =	vld [tilespmem:$0x580];
	_ =	sdelay $0x4  }
0x204: {  	v59 =	vshll.u32 v3, $0x4  }
0x205: {  	v3 =	vand.u32 $0x7, v3;
	v4 =	vand.u32 $0xFFFFFF80, v59  }
0x206: {  	v3 =	vor.u32 v3, v4  }
0x207: {  	v4 =	vperm.xlane v3, v0;
	_ =	sdelay $0x1  }
0x208: {  	v4 =	vadd.s32 v1, v4;
	_ =	sdelay $0x4  }
0x209: {  	[tilespmem:s14], [sflag:$0x3] =	stream.indirect_vreg.gather [hbm4b:s1+s3], $0x80, v4, vm0, $0xb8;
	[tilespmem:$0x18800] =	vst v63  }
0x20a: {  	s29 =	simm.s32 $0x11000  }
0x20b: {  	[tilespmem:s29], [sflag:$0x3] =	stream.indirect_vreg.gather [hbm4b:s5+s3], $0x80, v4, vm0, $0xb8;
	[tilespmem:$0x18800] =	vst v63  }
0x20c: {  	s29 =	simm.s32 $0x11800  }
0x20d: {  	[tilespmem:s29], [sflag:$0x3] =	stream.indirect_vreg.gather [hbm4b:s6+s3], $0x80, v4, vm0, $0xb8;
	[tilespmem:$0x18800] =	vst v63  }
0x20e: {  	s29 =	simm.s32 $0x12000  }
0x20f: {  	[tilespmem:s29], [sflag:$0x3] =	stream.indirect_vreg.gather [hbm4b:s7+s3], $0x80, v4, vm0, $0xb8;
	[tilespmem:$0x18800] =	vst v63  }
0x210: {  	s29 =	simm.s32 $0x12800  }
0x211: {  	[tilespmem:s29], [sflag:$0x3] =	stream.indirect_vreg.gather [hbm4b:s8+s3], $0x80, v4, vm0, $0xb8;
	[tilespmem:$0x18800] =	vst v63  }
0x212: {  	v3 =	vperm.xlane v3, v2;
	s29 =	simm.s32 $0x13000  }
0x213: {  	[tilespmem:s29], [sflag:$0x3] =	stream.indirect_vreg.gather [hbm4b:s9+s3], $0x80, v4, vm0, $0xb8;
	[tilespmem:$0x18800] =	vst v63  }
0x214: {  	v3 =	vadd.s32 v1, v3;
	s29 =	simm.s32 $0x13800  }
0x215: {  	[tilespmem:s29], [sflag:$0x3] =	stream.indirect_vreg.gather [hbm4b:s10+s3], $0x80, v4, vm0, $0xb8;
	[tilespmem:$0x18800] =	vst v63  }
0x216: {  	s29 =	simm.s32 $0x14000  }
0x217: {  	[tilespmem:s29], [sflag:$0x3] =	stream.indirect_vreg.gather [hbm4b:s11+s3], $0x80, v4, vm0, $0xb8;
	[tilespmem:$0x18800] =	vst v63  }
0x218: {  	s29 =	simm.s32 $0x14800  }
0x219: {  	[tilespmem:s29], [sflag:$0x3] =	stream.indirect_vreg.gather [hbm4b:s1+s3], $0x80, v3, vm0, $0xb8;
	[tilespmem:$0x18800] =	vst v63  }
0x21a: {  	s29 =	simm.s32 $0x15000  }
0x21b: {  	[tilespmem:s29], [sflag:$0x3] =	stream.indirect_vreg.gather [hbm4b:s5+s3], $0x80, v3, vm0, $0xb8;
	[tilespmem:$0x18800] =	vst v63  }
0x21c: {  	s29 =	simm.s32 $0x15800  }
0x21d: {  	[tilespmem:s29], [sflag:$0x3] =	stream.indirect_vreg.gather [hbm4b:s6+s3], $0x80, v3, vm0, $0xb8;
	[tilespmem:$0x18800] =	vst v63  }
0x21e: {  	s29 =	simm.s32 $0x16000  }
0x21f: {  	[tilespmem:s29], [sflag:$0x3] =	stream.indirect_vreg.gather [hbm4b:s7+s3], $0x80, v3, vm0, $0xb8;
	[tilespmem:$0x18800] =	vst v63  }
0x220: {  	s29 =	simm.s32 $0x16800  }
0x221: {  	[tilespmem:s29], [sflag:$0x3] =	stream.indirect_vreg.gather [hbm4b:s8+s3], $0x80, v3, vm0, $0xb8;
	[tilespmem:$0x18800] =	vst v63  }
0x222: {  	s29 =	simm.s32 $0x17000  }
0x223: {  	[tilespmem:s29], [sflag:$0x3] =	stream.indirect_vreg.gather [hbm4b:s9+s3], $0x80, v3, vm0, $0xb8;
	[tilespmem:$0x18800] =	vst v63  }
0x224: {  	s29 =	simm.s32 $0x17800  }
0x225: {  	[tilespmem:s29], [sflag:$0x3] =	stream.indirect_vreg.gather [hbm4b:s10+s3], $0x80, v3, vm0, $0xb8;
	[tilespmem:$0x18800] =	vst v63  }
0x226: {  	s29 =	simm.s32 $0x18000  }
0x227: {  	[tilespmem:s29], [sflag:$0x3] =	stream.indirect_vreg.gather [hbm4b:s11+s3], $0x80, v3, vm0, $0xb8;
	[tilespmem:$0x18800] =	vst v63  }
0x228: {  	s16 =	rddreg [dreg:$0xd]  }
0x229: {  	[hbm4b:s16+s3] =	stream.linear.scatter [tilespmem:s0], [sflag:$0x4], $0x8000, $0x38;
	[tilespmem:$0x18800] =	vst v63  }
0x22a: {  	_ =	swait.ge [sflag:s13], $0x8000  }
0x22b: {  	[sflag:s13] =	ssyncset.done $0x0  }
0x22c: {  	[sflag:s13] =	ssyncadd.s32 $0xFFFF8000  }
0x22d: {  	_ =	swait.ge [sflag:s4], $0x8000  }
0x22e: {  	[sflag:s4] =	ssyncset.done $0x0  }
0x22f: {  	[sflag:s4] =	ssyncadd.s32 $0xFFFF8000  }
0x230: {  	v3 =	vld [tilespmem:$0x600];
	_ =	sdelay $0x4  }
0x231: {  	v60 =	vshll.u32 v3, $0x4  }
0x232: {  	v3 =	vand.u32 $0x7, v3;
	v4 =	vand.u32 $0xFFFFFF80, v60  }
0x233: {  	v3 =	vor.u32 v3, v4  }
0x234: {  	v4 =	vperm.xlane v3, v0;
	_ =	sdelay $0x1  }
0x235: {  	v4 =	vadd.s32 v1, v4;
	_ =	sdelay $0x4  }
0x236: {  	[tilespmem:s0], [sflag:$0x1] =	stream.indirect_vreg.gather [hbm4b:s1+s3], $0x80, v4, vm0, $0xb8;
	[tilespmem:$0x18800] =	vst v63  }
0x237: {  	s29 =	simm.s32 $0x1000  }
0x238: {  	[tilespmem:s29], [sflag:$0x1] =	stream.indirect_vreg.gather [hbm4b:s5+s3], $0x80, v4, vm0, $0xb8;
	[tilespmem:$0x18800] =	vst v63  }
0x239: {  	s29 =	simm.s32 $0x1800  }
0x23a: {  	[tilespmem:s29], [sflag:$0x1] =	stream.indirect_vreg.gather [hbm4b:s6+s3], $0x80, v4, vm0, $0xb8;
	[tilespmem:$0x18800] =	vst v63  }
0x23b: {  	s29 =	simm.s32 $0x2000  }
0x23c: {  	[tilespmem:s29], [sflag:$0x1] =	stream.indirect_vreg.gather [hbm4b:s7+s3], $0x80, v4, vm0, $0xb8;
	[tilespmem:$0x18800] =	vst v63  }
0x23d: {  	s29 =	simm.s32 $0x2800  }
0x23e: {  	[tilespmem:s29], [sflag:$0x1] =	stream.indirect_vreg.gather [hbm4b:s8+s3], $0x80, v4, vm0, $0xb8;
	[tilespmem:$0x18800] =	vst v63  }
0x23f: {  	v3 =	vperm.xlane v3, v2;
	s29 =	simm.s32 $0x3000  }
0x240: {  	[tilespmem:s29], [sflag:$0x1] =	stream.indirect_vreg.gather [hbm4b:s9+s3], $0x80, v4, vm0, $0xb8;
	[tilespmem:$0x18800] =	vst v63  }
0x241: {  	v3 =	vadd.s32 v1, v3;
	s29 =	simm.s32 $0x3800  }
0x242: {  	[tilespmem:s29], [sflag:$0x1] =	stream.indirect_vreg.gather [hbm4b:s10+s3], $0x80, v4, vm0, $0xb8;
	[tilespmem:$0x18800] =	vst v63  }
0x243: {  	s29 =	simm.s32 $0x4000  }
0x244: {  	[tilespmem:s29], [sflag:$0x1] =	stream.indirect_vreg.gather [hbm4b:s11+s3], $0x80, v4, vm0, $0xb8;
	[tilespmem:$0x18800] =	vst v63  }
0x245: {  	s29 =	simm.s32 $0x4800  }
0x246: {  	[tilespmem:s29], [sflag:$0x1] =	stream.indirect_vreg.gather [hbm4b:s1+s3], $0x80, v3, vm0, $0xb8;
	[tilespmem:$0x18800] =	vst v63  }
0x247: {  	s29 =	simm.s32 $0x5000  }
0x248: {  	[tilespmem:s29], [sflag:$0x1] =	stream.indirect_vreg.gather [hbm4b:s5+s3], $0x80, v3, vm0, $0xb8;
	[tilespmem:$0x18800] =	vst v63  }
0x249: {  	s29 =	simm.s32 $0x5800  }
0x24a: {  	[tilespmem:s29], [sflag:$0x1] =	stream.indirect_vreg.gather [hbm4b:s6+s3], $0x80, v3, vm0, $0xb8;
	[tilespmem:$0x18800] =	vst v63  }
0x24b: {  	s29 =	simm.s32 $0x6000  }
0x24c: {  	[tilespmem:s29], [sflag:$0x1] =	stream.indirect_vreg.gather [hbm4b:s7+s3], $0x80, v3, vm0, $0xb8;
	[tilespmem:$0x18800] =	vst v63  }
0x24d: {  	s29 =	simm.s32 $0x6800  }
0x24e: {  	[tilespmem:s29], [sflag:$0x1] =	stream.indirect_vreg.gather [hbm4b:s8+s3], $0x80, v3, vm0, $0xb8;
	[tilespmem:$0x18800] =	vst v63  }
0x24f: {  	s29 =	simm.s32 $0x7000  }
0x250: {  	[tilespmem:s29], [sflag:$0x1] =	stream.indirect_vreg.gather [hbm4b:s9+s3], $0x80, v3, vm0, $0xb8;
	[tilespmem:$0x18800] =	vst v63  }
0x251: {  	s29 =	simm.s32 $0x7800  }
0x252: {  	[tilespmem:s29], [sflag:$0x1] =	stream.indirect_vreg.gather [hbm4b:s10+s3], $0x80, v3, vm0, $0xb8;
	[tilespmem:$0x18800] =	vst v63  }
0x253: {  	s29 =	simm.s32 $0x8000  }
0x254: {  	[tilespmem:s29], [sflag:$0x1] =	stream.indirect_vreg.gather [hbm4b:s11+s3], $0x80, v3, vm0, $0xb8;
	[tilespmem:$0x18800] =	vst v63  }
0x255: {  	s16 =	rddreg [dreg:$0xe];
	s29 =	simm.s32 $0x8800  }
0x256: {  	[hbm4b:s16+s3] =	stream.linear.scatter [tilespmem:s29], [sflag:$0x4], $0x8000, $0x38;
	[tilespmem:$0x18800] =	vst v63  }
0x257: {  	_ =	swait.ge [sflag:s13], $0x8000  }
0x258: {  	[sflag:s13] =	ssyncset.done $0x0  }
0x259: {  	[sflag:s13] =	ssyncadd.s32 $0xFFFF8000  }
0x25a: {  	_ =	swait.ge [sflag:s15], $0x8000  }
0x25b: {  	[sflag:s15] =	ssyncset.done $0x0  }
0x25c: {  	[sflag:s15] =	ssyncadd.s32 $0xFFFF8000  }
0x25d: {  	v3 =	vld [tilespmem:$0x680];
	_ =	sdelay $0x4  }
0x25e: {  	v61 =	vshll.u32 v3, $0x4  }
0x25f: {  	v3 =	vand.u32 $0x7, v3;
	v4 =	vand.u32 $0xFFFFFF80, v61  }
0x260: {  	v3 =	vor.u32 v3, v4  }
0x261: {  	v4 =	vperm.xlane v3, v0;
	_ =	sdelay $0x1  }
0x262: {  	v4 =	vadd.s32 v1, v4;
	_ =	sdelay $0x4  }
0x263: {  	[tilespmem:s29], [sflag:$0x2] =	stream.indirect_vreg.gather [hbm4b:s1+s3], $0x80, v4, vm0, $0xb8;
	[tilespmem:$0x18800] =	vst v63  }
0x264: {  	s21 =	simm.s32 $0x9000  }
0x265: {  	[tilespmem:s21], [sflag:$0x2] =	stream.indirect_vreg.gather [hbm4b:s5+s3], $0x80, v4, vm0, $0xb8;
	[tilespmem:$0x18800] =	vst v63  }
0x266: {  	s12 =	simm.s32 $0x9800  }
0x267: {  	[tilespmem:s12], [sflag:$0x2] =	stream.indirect_vreg.gather [hbm4b:s6+s3], $0x80, v4, vm0, $0xb8;
	[tilespmem:$0x18800] =	vst v63  }
0x268: {  	s18 =	simm.s32 $0xA000  }
0x269: {  	[tilespmem:s18], [sflag:$0x2] =	stream.indirect_vreg.gather [hbm4b:s7+s3], $0x80, v4, vm0, $0xb8;
	[tilespmem:$0x18800] =	vst v63  }
0x26a: {  	s20 =	simm.s32 $0xA800  }
0x26b: {  	[tilespmem:s20], [sflag:$0x2] =	stream.indirect_vreg.gather [hbm4b:s8+s3], $0x80, v4, vm0, $0xb8;
	[tilespmem:$0x18800] =	vst v63  }
0x26c: {  	s31 =	simm.s32 $0xB000;
	v3 =	vperm.xlane v3, v2  }
0x26d: {  	[tilespmem:s31], [sflag:$0x2] =	stream.indirect_vreg.gather [hbm4b:s9+s3], $0x80, v4, vm0, $0xb8;
	[tilespmem:$0x18800] =	vst v63  }
0x26e: {  	s19 =	simm.s32 $0xB800;
	v3 =	vadd.s32 v1, v3  }
0x26f: {  	[tilespmem:s19], [sflag:$0x2] =	stream.indirect_vreg.gather [hbm4b:s10+s3], $0x80, v4, vm0, $0xb8;
	[tilespmem:$0x18800] =	vst v63  }
0x270: {  	s17 =	simm.s32 $0xC000  }
0x271: {  	[tilespmem:s17], [sflag:$0x2] =	stream.indirect_vreg.gather [hbm4b:s11+s3], $0x80, v4, vm0, $0xb8;
	[tilespmem:$0x18800] =	vst v63  }
0x272: {  	s30 =	simm.s32 $0xC800  }
0x273: {  	[tilespmem:s30], [sflag:$0x2] =	stream.indirect_vreg.gather [hbm4b:s1+s3], $0x80, v3, vm0, $0xb8;
	[tilespmem:$0x18800] =	vst v63  }
0x274: {  	s22 =	simm.s32 $0xD000  }
0x275: {  	[tilespmem:s22], [sflag:$0x2] =	stream.indirect_vreg.gather [hbm4b:s5+s3], $0x80, v3, vm0, $0xb8;
	[tilespmem:$0x18800] =	vst v63  }
0x276: {  	s23 =	simm.s32 $0xD800  }
0x277: {  	[tilespmem:s23], [sflag:$0x2] =	stream.indirect_vreg.gather [hbm4b:s6+s3], $0x80, v3, vm0, $0xb8;
	[tilespmem:$0x18800] =	vst v63  }
0x278: {  	s24 =	simm.s32 $0xE000  }
0x279: {  	[tilespmem:s24], [sflag:$0x2] =	stream.indirect_vreg.gather [hbm4b:s7+s3], $0x80, v3, vm0, $0xb8;
	[tilespmem:$0x18800] =	vst v63  }
0x27a: {  	s25 =	simm.s32 $0xE800  }
0x27b: {  	[tilespmem:s25], [sflag:$0x2] =	stream.indirect_vreg.gather [hbm4b:s8+s3], $0x80, v3, vm0, $0xb8;
	[tilespmem:$0x18800] =	vst v63  }
0x27c: {  	s26 =	simm.s32 $0xF000  }
0x27d: {  	[tilespmem:s26], [sflag:$0x2] =	stream.indirect_vreg.gather [hbm4b:s9+s3], $0x80, v3, vm0, $0xb8;
	[tilespmem:$0x18800] =	vst v63  }
0x27e: {  	s28 =	simm.s32 $0xF800  }
0x27f: {  	[tilespmem:s28], [sflag:$0x2] =	stream.indirect_vreg.gather [hbm4b:s10+s3], $0x80, v3, vm0, $0xb8;
	[tilespmem:$0x18800] =	vst v63  }
0x280: {  	s23 =	simm.s32 $0x10000  }
0x281: {  	[tilespmem:s23], [sflag:$0x2] =	stream.indirect_vreg.gather [hbm4b:s11+s3], $0x80, v3, vm0, $0xb8;
	[tilespmem:$0x18800] =	vst v63  }
0x282: {  	s22 =	rddreg [dreg:$0xf]  }
0x283: {  	[hbm4b:s22+s3] =	stream.linear.scatter [tilespmem:s14], [sflag:$0x4], $0x8000, $0x38;
	[tilespmem:$0x18800] =	vst v63  }
0x284: {  	_ =	swait.ge [sflag:s13], $0x8000  }
0x285: {  	[sflag:s13] =	ssyncset.done $0x0  }
0x286: {  	[sflag:s13] =	ssyncadd.s32 $0xFFFF8000  }
0x287: {  	_ =	swait.ge [sflag:s2], $0x8000  }
0x288: {  	[sflag:s2] =	ssyncset.done $0x0  }
0x289: {  	[sflag:s2] =	ssyncadd.s32 $0xFFFF8000  }
0x28a: {  	v3 =	vld [tilespmem:$0x700];
	_ =	sdelay $0x4  }
0x28b: {  	v62 =	vshll.u32 v3, $0x4  }
0x28c: {  	v3 =	vand.u32 $0x7, v3;
	v4 =	vand.u32 $0xFFFFFF80, v62  }
0x28d: {  	v3 =	vor.u32 v3, v4  }
0x28e: {  	v4 =	vperm.xlane v3, v0;
	_ =	sdelay $0x1  }
0x28f: {  	v4 =	vadd.s32 v1, v4;
	_ =	sdelay $0x4  }
0x290: {  	[tilespmem:s14], [sflag:$0x3] =	stream.indirect_vreg.gather [hbm4b:s1+s3], $0x80, v4, vm0, $0xb8;
	[tilespmem:$0x18800] =	vst v63  }
0x291: {  	s24 =	simm.s32 $0x11000  }
0x292: {  	[tilespmem:s24], [sflag:$0x3] =	stream.indirect_vreg.gather [hbm4b:s5+s3], $0x80, v4, vm0, $0xb8;
	[tilespmem:$0x18800] =	vst v63  }
0x293: {  	s25 =	simm.s32 $0x11800  }
0x294: {  	[tilespmem:s25], [sflag:$0x3] =	stream.indirect_vreg.gather [hbm4b:s6+s3], $0x80, v4, vm0, $0xb8;
	[tilespmem:$0x18800] =	vst v63  }
0x295: {  	s26 =	simm.s32 $0x12000  }
0x296: {  	[tilespmem:s26], [sflag:$0x3] =	stream.indirect_vreg.gather [hbm4b:s7+s3], $0x80, v4, vm0, $0xb8;
	[tilespmem:$0x18800] =	vst v63  }
0x297: {  	s28 =	simm.s32 $0x12800  }
0x298: {  	[tilespmem:s28], [sflag:$0x3] =	stream.indirect_vreg.gather [hbm4b:s8+s3], $0x80, v4, vm0, $0xb8;
	[tilespmem:$0x18800] =	vst v63  }
0x299: {  	s30 =	simm.s32 $0x13000;
	v3 =	vperm.xlane v3, v2  }
0x29a: {  	[tilespmem:s30], [sflag:$0x3] =	stream.indirect_vreg.gather [hbm4b:s9+s3], $0x80, v4, vm0, $0xb8;
	[tilespmem:$0x18800] =	vst v63  }
0x29b: {  	s31 =	simm.s32 $0x13800;
	v3 =	vadd.s32 v1, v3  }
0x29c: {  	[tilespmem:s31], [sflag:$0x3] =	stream.indirect_vreg.gather [hbm4b:s10+s3], $0x80, v4, vm0, $0xb8;
	[tilespmem:$0x18800] =	vst v63  }
0x29d: {  	s16 =	simm.s32 $0x14000  }
0x29e: {  	[tilespmem:s16], [sflag:$0x3] =	stream.indirect_vreg.gather [hbm4b:s11+s3], $0x80, v4, vm0, $0xb8;
	[tilespmem:$0x18800] =	vst v63  }
0x29f: {  	s17 =	simm.s32 $0x14800  }
0x2a0: {  	[tilespmem:s17], [sflag:$0x3] =	stream.indirect_vreg.gather [hbm4b:s1+s3], $0x80, v3, vm0, $0xb8;
	[tilespmem:$0x18800] =	vst v63  }
0x2a1: {  	s18 =	simm.s32 $0x15000  }
0x2a2: {  	[tilespmem:s18], [sflag:$0x3] =	stream.indirect_vreg.gather [hbm4b:s5+s3], $0x80, v3, vm0, $0xb8;
	[tilespmem:$0x18800] =	vst v63  }
0x2a3: {  	s19 =	simm.s32 $0x15800  }
0x2a4: {  	[tilespmem:s19], [sflag:$0x3] =	stream.indirect_vreg.gather [hbm4b:s6+s3], $0x80, v3, vm0, $0xb8;
	[tilespmem:$0x18800] =	vst v63  }
0x2a5: {  	s20 =	simm.s32 $0x16000  }
0x2a6: {  	[tilespmem:s20], [sflag:$0x3] =	stream.indirect_vreg.gather [hbm4b:s7+s3], $0x80, v3, vm0, $0xb8;
	[tilespmem:$0x18800] =	vst v63  }
0x2a7: {  	s21 =	simm.s32 $0x16800  }
0x2a8: {  	[tilespmem:s21], [sflag:$0x3] =	stream.indirect_vreg.gather [hbm4b:s8+s3], $0x80, v3, vm0, $0xb8;
	[tilespmem:$0x18800] =	vst v63  }
0x2a9: {  	s22 =	simm.s32 $0x17000  }
0x2aa: {  	[tilespmem:s22], [sflag:$0x3] =	stream.indirect_vreg.gather [hbm4b:s9+s3], $0x80, v3, vm0, $0xb8;
	[tilespmem:$0x18800] =	vst v63  }
0x2ab: {  	s23 =	simm.s32 $0x17800  }
0x2ac: {  	[tilespmem:s23], [sflag:$0x3] =	stream.indirect_vreg.gather [hbm4b:s10+s3], $0x80, v3, vm0, $0xb8;
	[tilespmem:$0x18800] =	vst v63  }
0x2ad: {  	s25 =	simm.s32 $0x18000  }
0x2ae: {  	[tilespmem:s25], [sflag:$0x3] =	stream.indirect_vreg.gather [hbm4b:s11+s3], $0x80, v3, vm0, $0xb8;
	[tilespmem:$0x18800] =	vst v63  }
0x2af: {  	s24 =	rddreg [dreg:$0x10]  }
0x2b0: {  	[hbm4b:s24+s3] =	stream.linear.scatter [tilespmem:s0], [sflag:$0x4], $0x8000, $0x38;
	[tilespmem:$0x18800] =	vst v63  }
0x2b1: {  	_ =	swait.ge [sflag:s13], $0x8000  }
0x2b2: {  	[sflag:s13] =	ssyncset.done $0x0  }
0x2b3: {  	[sflag:s13] =	ssyncadd.s32 $0xFFFF8000  }
0x2b4: {  	_ =	swait.ge [sflag:s4], $0x8000  }
0x2b5: {  	[sflag:s4] =	ssyncset.done $0x0  }
0x2b6: {  	[sflag:s4] =	ssyncadd.s32 $0xFFFF8000  }
0x2b7: {  	v3 =	vld [tilespmem:$0x780];
	_ =	sdelay $0x4  }
0x2b8: {  	v63 =	vshll.u32 v3, $0x4  }
0x2b9: {  	v3 =	vand.u32 $0x7, v3;
	v4 =	vand.u32 $0xFFFFFF80, v63  }
0x2ba: {  	v3 =	vor.u32 v3, v4  }
0x2bb: {  	v4 =	vperm.xlane v3, v0;
	_ =	sdelay $0x1  }
0x2bc: {  	v4 =	vadd.s32 v1, v4;
	_ =	sdelay $0x4  }
0x2bd: {  	[tilespmem:s0], [sflag:$0x1] =	stream.indirect_vreg.gather [hbm4b:s1+s3], $0x80, v4, vm0, $0xb8;
	[tilespmem:$0x18800] =	vst v63  }
0x2be: {  	s26 =	simm.s32 $0x1000  }
0x2bf: {  	[tilespmem:s26], [sflag:$0x1] =	stream.indirect_vreg.gather [hbm4b:s5+s3], $0x80, v4, vm0, $0xb8;
	[tilespmem:$0x18800] =	vst v63  }
0x2c0: {  	s28 =	simm.s32 $0x1800  }
0x2c1: {  	[tilespmem:s28], [sflag:$0x1] =	stream.indirect_vreg.gather [hbm4b:s6+s3], $0x80, v4, vm0, $0xb8;
	[tilespmem:$0x18800] =	vst v63  }
0x2c2: {  	s30 =	simm.s32 $0x2000  }
0x2c3: {  	[tilespmem:s30], [sflag:$0x1] =	stream.indirect_vreg.gather [hbm4b:s7+s3], $0x80, v4, vm0, $0xb8;
	[tilespmem:$0x18800] =	vst v63  }
0x2c4: {  	s31 =	simm.s32 $0x2800  }
0x2c5: {  	[tilespmem:s31], [sflag:$0x1] =	stream.indirect_vreg.gather [hbm4b:s8+s3], $0x80, v4, vm0, $0xb8;
	[tilespmem:$0x18800] =	vst v63  }
0x2c6: {  	s16 =	simm.s32 $0x3000;
	v3 =	vperm.xlane v3, v2  }
0x2c7: {  	[tilespmem:s16], [sflag:$0x1] =	stream.indirect_vreg.gather [hbm4b:s9+s3], $0x80, v4, vm0, $0xb8;
	[tilespmem:$0x18800] =	vst v63  }
0x2c8: {  	s17 =	simm.s32 $0x3800;
	v3 =	vadd.s32 v1, v3  }
0x2c9: {  	[tilespmem:s17], [sflag:$0x1] =	stream.indirect_vreg.gather [hbm4b:s10+s3], $0x80, v4, vm0, $0xb8;
	[tilespmem:$0x18800] =	vst v63  }
0x2ca: {  	s18 =	simm.s32 $0x4000  }
0x2cb: {  	[tilespmem:s18], [sflag:$0x1] =	stream.indirect_vreg.gather [hbm4b:s11+s3], $0x80, v4, vm0, $0xb8;
	[tilespmem:$0x18800] =	vst v63  }
0x2cc: {  	s19 =	simm.s32 $0x4800  }
0x2cd: {  	[tilespmem:s19], [sflag:$0x1] =	stream.indirect_vreg.gather [hbm4b:s1+s3], $0x80, v3, vm0, $0xb8;
	[tilespmem:$0x18800] =	vst v63  }
0x2ce: {  	s20 =	simm.s32 $0x5000  }
0x2cf: {  	[tilespmem:s20], [sflag:$0x1] =	stream.indirect_vreg.gather [hbm4b:s5+s3], $0x80, v3, vm0, $0xb8;
	[tilespmem:$0x18800] =	vst v63  }
0x2d0: {  	s21 =	simm.s32 $0x5800  }
0x2d1: {  	[tilespmem:s21], [sflag:$0x1] =	stream.indirect_vreg.gather [hbm4b:s6+s3], $0x80, v3, vm0, $0xb8;
	[tilespmem:$0x18800] =	vst v63  }
0x2d2: {  	s22 =	simm.s32 $0x6000  }
0x2d3: {  	[tilespmem:s22], [sflag:$0x1] =	stream.indirect_vreg.gather [hbm4b:s7+s3], $0x80, v3, vm0, $0xb8;
	[tilespmem:$0x18800] =	vst v63  }
0x2d4: {  	s23 =	simm.s32 $0x6800  }
0x2d5: {  	[tilespmem:s23], [sflag:$0x1] =	stream.indirect_vreg.gather [hbm4b:s8+s3], $0x80, v3, vm0, $0xb8;
	[tilespmem:$0x18800] =	vst v63  }
0x2d6: {  	s24 =	simm.s32 $0x7000  }
0x2d7: {  	[tilespmem:s24], [sflag:$0x1] =	stream.indirect_vreg.gather [hbm4b:s9+s3], $0x80, v3, vm0, $0xb8;
	[tilespmem:$0x18800] =	vst v63  }
0x2d8: {  	s25 =	simm.s32 $0x7800  }
0x2d9: {  	[tilespmem:s25], [sflag:$0x1] =	stream.indirect_vreg.gather [hbm4b:s10+s3], $0x80, v3, vm0, $0xb8;
	[tilespmem:$0x18800] =	vst v63  }
0x2da: {  	s28 =	simm.s32 $0x8000  }
0x2db: {  	[tilespmem:s28], [sflag:$0x1] =	stream.indirect_vreg.gather [hbm4b:s11+s3], $0x80, v3, vm0, $0xb8;
	[tilespmem:$0x18800] =	vst v63  }
0x2dc: {  	s29 =	simm.s32 $0x8800;
	s26 =	rddreg [dreg:$0x11]  }
0x2dd: {  	[hbm4b:s26+s3] =	stream.linear.scatter [tilespmem:s29], [sflag:$0x4], $0x8000, $0x38;
	[tilespmem:$0x18800] =	vst v63  }
0x2de: {  	_ =	swait.ge [sflag:s13], $0x8000  }
0x2df: {  	[sflag:s13] =	ssyncset.done $0x0  }
0x2e0: {  	[sflag:s13] =	ssyncadd.s32 $0xFFFF8000  }
0x2e1: {  	_ =	swait.ge [sflag:s15], $0x8000  }
0x2e2: {  	[sflag:s15] =	ssyncset.done $0x0  }
0x2e3: {  	s29 =	rddreg [dreg:$0x12];
	[sflag:s15] =	ssyncadd.s32 $0xFFFF8000  }
0x2e4: {  	[hbm4b:s29+s3] =	stream.linear.scatter [tilespmem:s14], [sflag:$0x4], $0x8000, $0x38;
	[tilespmem:$0x18800] =	vst v63  }
0x2e5: {  	_ =	swait.ge [sflag:s13], $0x8000  }
0x2e6: {  	[sflag:s13] =	ssyncset.done $0x0  }
0x2e7: {  	[sflag:s13] =	ssyncadd.s32 $0xFFFF8000  }
0x2e8: {  	_ =	swait.ge [sflag:s2], $0x8000  }
0x2e9: {  	s31 =	rddreg [dreg:$0x15]  }
0x2ea: {  	[sflag:s2] =	ssyncset.done $0x0;
	p0 =	sne.s32 s31, $0x1  }
.Ltmp0:
0x2eb: {  	s30 =	rddreg [dreg:$0x13];
	[sflag:s2] =	ssyncadd.s32 $0xFFFF8000;
	(pc) =	sbr.rel @p0 .LBB2_1-.Ltmp0, $4  }
0x2ec: {  	[hbm4b:s30+s3] =	stream.linear.scatter [tilespmem:s0], [sflag:$0x4], $0x8000, $0x38;
	[tilespmem:$0x18800] =	vst v63  }
0x2ed: {  	_ =	swait.ge [sflag:s13], $0x8000  }
0x2ee: {  	[sflag:s13] =	ssyncset.done $0x0  }
0x2ef: {  	s0 =	sadd.s32 $0xFFFFFFFF, s31;
	[sflag:s13] =	ssyncadd.s32 $0xFFFF8000  }
0x2f0: {  	_ =	sfence.sel $0x180000  }
0x2f1: {  	[bflag:$0x0] =	sbarrier.arrive $0xFFFF  }
0x2f2: {  	_ =	strace $0x9000004A  }
0x2f3: {  	s0 =	stileid.u32;
	[bflag:$0x2] =	sbarrier.arrive $0xFFFF  }
0x2f4: {  	p0 =	sne.s32 s0, $0x0;
	s0 =	rddreg [dreg:$0x3]  }
0x2f5: {  	s0 =	sadd.s32 @!p0 $0x100000, s0  }
0x2f6: {  	[sflag:s0] =	ssyncadd.tile.s32 @!p0 $0x1;
	_ =	shalt  }
.Lfunc_end2:
_tile_overlayer_lowered:
.L_overlay_start_2:
0x2f7: {  	(tag) =	ssettag $0x2  }
0x2f8: {  	s0 =	rddreg [dreg:$0x0];
	s2 =	stileid.u32  }
0x2f9: {  	s1 =	rddreg [dreg:$0x1];
	p0 =	sne.s32 s2, $0x0  }
0x2fa: {  	s3 =	rddreg [dreg:$0x2];
	[bflag:$0x3] =	sbarrier.arrive $0xFFFF;
	s2 =	simm.s32 @!p0 $0x1C04  }
0x2fb: {  	[timem:s3], [sflag:s2] =	dma.local @!p0 [hbm:s0], s1  }
0x2fc: {  	s0 =	simm.s32 @!p0 $0x4  }
0x2fd: {  	_ =	swait.ge @!p0 [sflag:s0], s1  }
0x2fe: {  	s1 =	ssub.s32 @!p0 $0x0, s1;
	[sflag:s0] =	ssyncset.done @!p0 $0x0  }
0x2ff: {  	[sflag:s0] =	ssyncadd.s32 @!p0 s1  }
0x300: {  	[bflag:$0x3] =	sbarrier.arrive $0xFFFF  }
0x301: {  	_ =	shalt  }

// kernel: kernel.8.cloned.1.call-start
scs
__scs_entry_jumppad:
0x0: {  	(pc) =	sbr.rel $0x88, $3  }
0x1: {  	(tag) =	ssettag $0x0;
	lr =	simm.s32 $0x1  }
0x2: {  	[smem:$0x3F9D] =	sst lr;
	_ =	strace $0xD0000000  }
0x3: {  	_ = 	snop  }
0x4: {  	_ = 	snop  }
0x5: {  	_ = 	snop  }
0x6: {  	_ = 	snop  }
0x7: {  	_ = 	snop  }
__scs_overlays_trampoline_lowered:
0x8: {  	[smem:$0x3FAC] =	sst s0  }
0x9: {  	[smem:$0x3FAD] =	sst s1  }
0xa: {  	[smem:$0x3FAE] =	sst s2  }
0xb: {  	[smem:$0x3FAF] =	sst s3  }
0xc: {  	[smem:$0x3FB0] =	sst s4  }
0xd: {  	[smem:$0x3FB1] =	sst s5  }
0xe: {  	[smem:$0x3FB2] =	sst s6  }
0xf: {  	[smem:$0x3FB3] =	sst s7  }
0x10: {  	[smem:$0x3FB4] =	sst s8  }
0x11: {  	[smem:$0x3FB5] =	sst s9;
	s0 =	simm.s32 @!p0 $0x0  }
0x12: {  	s1 =	sld [smem:$0x3F9B];
	s0 =	simm.s32 @p0 $0x1  }
0x13: {  	[smem:$0x3FB6] =	sst s0;
	s0 =	simm.s32 @!p1 $0x0  }
0x14: {  	s2 =	sld [smem:$0x3F9A];
	s0 =	simm.s32 @p1 $0x1  }
0x15: {  	[smem:$0x3FB7] =	sst s0;
	s0 =	simm.s32 @!p2 $0x0  }
0x16: {  	s3 =	sld [smem:$0x3FDB];
	s0 =	simm.s32 @p2 $0x1  }
0x17: {  	s4 =	simm.s32 $0x1BF5;
	[smem:$0x3FB9] =	sst s0  }
0x18: {  	s0 =	sld [smem:$0x3F9C];
	_ =	swait.ge [sflag:s4], $0x0  }
0x19: {  	s7 =	sld [smem:$0x3F9D]  }
0x1a: {  	s8 =	sadd.s32 $0xFFFFE003, lr  }
0x1b: {  	s9 =	sadd.s32 $0xFFFFFEF7, lr;
	s5 =	simm.s32 $0xFFFFFFFF;
	p2 =	slt.u32 s8, $0xFFFFF086  }
0x1c: {  	p1 =	slt.u32 s9, $0xF7A;
	s5 =	simm.s32 @!p2 $0x0  }
0x1d: {  	s5 =	simm.s32 @p1 $0x1;
	p0 =	seq.s32 s7, s2  }
0x1e: {  	s7 =	smul.u32 @!p0 $0xF7A, s2;
	p2 =	seq.s32 @!p0 s5, $0x0  }
0x1f: {  	s9 =	smul.u32 $0xF7A, s1;
	s8 =	simm.s32 @!p0 $0x1BF5;
	p2 =	por !p2, p0  }
0x20: {  	[sflag:s8] =	ssyncset.s32 @!p0 $0xFFFFF086;
	s6 =	sadd.s32 @!p0 s3, s7;
	s7 =	simm.s32 @!p0 $0x108  }
0x21: {  	s3 =	sadd.s32 s3, s9;
	s6 =	sadd.s32 @!p0 $0x88, s6;
	s7 =	simm.s32 @p2 $0x1082  }
0x22: {  	[simem:s7], [sflag:s8] =	dma.local @!p0 [hbm:s6], $0xF7A  }
0x23: {  	s9 =	sor.u32 $0xD0000000, s2;
	s6 =	simm.s32 $0x108;
	_ =	swait.ge @!p0 [sflag:s8], $0x0  }
0x24: {  	s3 =	sadd.s32 $0x88, s3;
	s6 =	simm.s32 @!p1 $0x1082;
	[sflag:s4] =	ssyncset.s32 $0xFFFFF086  }
0x25: {  	[simem:s6], [sflag:s4] =	dma.local [hbm:s3], $0xF7A  }
0x26: {  	[smem:$0x3F9D] =	sst s1;
	(tag) =	ssettag s2;
	_ =	strace s9  }
0x27: {  	s1 =	sld [smem:$0x3FAD]  }
0x28: {  	s2 =	sld [smem:$0x3FAE]  }
0x29: {  	s4 =	sld [smem:$0x3FB0]  }
0x2a: {  	p0 =	seq.s32 s5, $0x0;
	s5 =	sld [smem:$0x3FB1]  }
0x2b: {  	s6 =	sld [smem:$0x3FB2]  }
0x2c: {  	s7 =	sld [smem:$0x3FB3]  }
0x2d: {  	s3 =	simm.s32 $0x108;
	s8 =	sld [smem:$0x3FB4]  }
0x2e: {  	s3 =	simm.s32 @!p0 $0x1082;
	s9 =	sld [smem:$0x3FB5]  }
0x2f: {  	lr =	sadd.s32 s0, s3;
	s0 =	sld [smem:$0x3FAC]  }
0x30: {  	s3 =	sld [smem:$0x3FAF]  }
0x31: {  	[smem:$0x3FB8] =	sst s10  }
0x32: {  	s10 =	sld [smem:$0x3FB6];
	_ =	sdelay $0x3  }
0x33: {  	p0 =	seq.s32 s10, $0x1;
	s10 =	sld [smem:$0x3FB8];
	_ =	sdelay $0x3  }
0x34: {  	[smem:$0x3FB8] =	sst s10  }
0x35: {  	s10 =	sld [smem:$0x3FB7];
	_ =	sdelay $0x3  }
0x36: {  	p1 =	seq.s32 s10, $0x1;
	s10 =	sld [smem:$0x3FB8];
	_ =	sdelay $0x3  }
0x37: {  	[smem:$0x3FB8] =	sst s10  }
0x38: {  	s10 =	sld [smem:$0x3FB9]  }
0x39: {  	_ = 	snop;
	(pc) =	sbr.ind lr, $3  }
0x3a: {  	_ = 	snop  }
0x3b: {  	_ = 	snop  }
0x3c: {  	p2 =	seq.s32 s10, $0x1;
	s10 =	sld [smem:$0x3FB8]  }
0x3d: {  	_ =	shalt  }
0x3e: {  	_ =	shalt  }
0x3f: {  	_ =	shalt  }
0x40: {  	_ =	shalt  }
0x41: {  	_ =	shalt  }
0x42: {  	_ =	shalt  }
0x43: {  	_ =	shalt  }
0x44: {  	_ =	shalt  }
0x45: {  	_ =	shalt  }
0x46: {  	_ =	shalt  }
0x47: {  	_ =	shalt  }
0x48: {  	_ =	shalt  }
0x49: {  	_ =	shalt  }
0x4a: {  	_ =	shalt  }
0x4b: {  	_ =	shalt  }
0x4c: {  	_ =	shalt  }
0x4d: {  	_ =	shalt  }
0x4e: {  	_ =	shalt  }
0x4f: {  	_ =	shalt  }
0x50: {  	_ =	shalt  }
0x51: {  	_ =	shalt  }
0x52: {  	_ =	shalt  }
0x53: {  	_ =	shalt  }
0x54: {  	_ =	shalt  }
0x55: {  	_ =	shalt  }
0x56: {  	_ =	shalt  }
0x57: {  	_ =	shalt  }
0x58: {  	_ =	shalt  }
0x59: {  	_ =	shalt  }
0x5a: {  	_ =	shalt  }
0x5b: {  	_ =	shalt  }
0x5c: {  	_ =	shalt  }
0x5d: {  	_ =	shalt  }
0x5e: {  	_ =	shalt  }
0x5f: {  	_ =	shalt  }
0x60: {  	_ =	shalt  }
0x61: {  	_ =	shalt  }
0x62: {  	_ =	shalt  }
0x63: {  	_ =	shalt  }
0x64: {  	_ =	shalt  }
0x65: {  	_ =	shalt  }
0x66: {  	_ =	shalt  }
0x67: {  	_ =	shalt  }
0x68: {  	_ =	shalt  }
0x69: {  	_ =	shalt  }
0x6a: {  	_ =	shalt  }
0x6b: {  	_ =	shalt  }
0x6c: {  	_ =	shalt  }
0x6d: {  	_ =	shalt  }
0x6e: {  	_ =	shalt  }
0x6f: {  	_ =	shalt  }
0x70: {  	_ =	shalt  }
0x71: {  	_ =	shalt  }
0x72: {  	_ =	shalt  }
0x73: {  	_ =	shalt  }
0x74: {  	_ =	shalt  }
0x75: {  	_ =	shalt  }
0x76: {  	_ =	shalt  }
0x77: {  	_ =	shalt  }
0x78: {  	_ =	shalt  }
0x79: {  	_ =	shalt  }
0x7a: {  	_ =	shalt  }
0x7b: {  	_ =	shalt  }
0x7c: {  	_ =	shalt  }
0x7d: {  	_ =	shalt  }
0x7e: {  	_ =	shalt  }
0x7f: {  	_ =	shalt  }
0x80: {  	_ =	shalt  }
0x81: {  	_ =	shalt  }
0x82: {  	_ =	shalt  }
0x83: {  	_ =	shalt  }
0x84: {  	_ =	shalt  }
0x85: {  	_ =	shalt  }
0x86: {  	_ =	shalt  }
0x87: {  	_ =	shalt  }
.Lfunc_end0:
.L_simem_size_0:
called_computation_lowered:
.L_overlay_start_0:
0x88: {  	s2 =	sld [smem:$0x3FD9]  }
0x89: {  	s3 =	sld [smem:$0x3FFE];
	_ =	sdelay $0x1  }
0x8a: {  	s1 =	srdreg.scid  }
0x8b: {  	s0 =	sand.u32 $0x1, s1  }
0x8c: {  	s17 =	sshll.u32 s0, $0xA;
	s2 =	sadd.s32 s3, s2  }
0x8d: {  	s2 =	sadd.s32 s2, s17  }
0x8e: {  	[smem:$0x3FC4] =	sst s2  }
0x8f: {  	_ = 	snop  }
0x90: {  	s2 =	sld [smem:$0x3FC8]  }
0x91: {  	s18 =	sld [smem:$0x3FD0];
	(tm) =	ssettm $0x1  }
0x92: {  	s4 =	sld [smem:$0x3FFB];
	_ =	sdelay $0x3  }
0x93: {  	_ =	strace s4  }
0x94: {  	s4 =	sld [smem:$0x3FFC];
	_ =	sdelay $0x3  }
0x95: {  	_ =	strace s4  }
0x96: {  	s4 =	sld [smem:$0x3FFD];
	_ =	sdelay $0x3  }
0x97: {  	_ =	strace s4  }
0x98: {  	_ =	strace $0x8FFFFFFF  }
0x99: {  	s19 =	sld [smem:$0x3FDB];
	_ =	sdelay $0x1  }
0x9a: {  	s5 =	simm.s32 $_scs_section_size  }
0x9b: {  	s6 =	simm.s32 $_size__tile_overlayer_lowered;
	s7 =	simm.s32 $_tile_overlayer_lowered  }
0x9c: {  	s22 =	simm.s32 $0x1BFF;
	s21 =	sshll.u32 s7, $0x1;
	s4 =	sadd.s32 s5, s19  }
0x9d: {  	s8 =	simm.s32 $0x0;
	s20 =	sshll.u32 s6, $0x1;
	s6 =	sadd.s32 s21, s4  }
0x9e: {  	[timem:s8], [sflag:s22] =	dma.local [hbm:s6], s20  }
0x9f: {  	_ =	swait.ge [sflag:s22], s20  }
0xa0: {  	s5 =	ssub.s32 $0x0, s20;
	[sflag:s22] =	ssyncset.done $0x0  }
0xa1: {  	[sflag:s22] =	ssyncadd.s32 s5;
	_ =	sdelay $0x1  }
0xa2: {  	s23 =	simm.s32 $0x1B8B  }
0xa3: {  	_ =	swait.ge [sflag:s23], $0x1  }
0xa4: {  	[sflag:s23] =	ssyncset.done $0x0  }
0xa5: {  	s25 =	simm.s32 $0x1B8E;
	s24 =	sld [smem:$0x3FFE];
	[sflag:s23] =	ssyncadd.s32 $0xFFFFFFFF  }
0xa6: {  	s26 =	simm.s32 $execute0_lowered;
	[smem:$0x3FD2] =	sst s25  }
0xa7: {  	s6 =	sshll.u32 s26, $0x1;
	_ =	strace $0x80000046;
	[dreg:$0x1] =	wrdreg $0xFFFFFFFF  }
0xa8: {  	s28 =	simm.s32 $_size_execute0_lowered;
	s4 =	sadd.s32 s4, s6;
	[dreg:$0x0] =	wrdreg $0x0  }
0xa9: {  	s6 =	sshll.u32 s28, $0x1;
	[dreg:$0x2] =	wrdreg s4  }
0xaa: {  	[dreg:$0x3] =	wrdreg s6  }
0xab: {  	[dreg:$0x4] =	wrdreg $0xC0  }
0xac: {  	_ =	task [dreg:s8], $0x5FFFF  }
0xad: {  	[dreg:$0x1] =	wrdreg $0xFFFFFFFF  }
0xae: {  	[dreg:$0x0] =	wrdreg $0x60  }
0xaf: {  	[dreg:$0x2] =	wrdreg s2  }
0xb0: {  	[dreg:$0x3] =	wrdreg s24  }
0xb1: {  	[dreg:$0x4] =	wrdreg s18  }
0xb2: {  	[dreg:$0x5] =	wrdreg $0x9  }
0xb3: {  	_ =	task.clear_ibuf [dreg:s8], $0x6FFFF;
	_ =	strace $0x90000046  }
0xb4: {  	s29 =	simm.s32 $0x9;
	_ =	strace $0x80000048  }
0xb5: {  	_ =	swait.ge [sflag:s29], $0x1  }
0xb6: {  	[sflag:s29] =	ssyncadd.s32 $0xFFFFFFFF  }
0xb7: {  	_ =	strace $0x90000048  }
0xb8: {  	_ =	sfence  }
0xb9: {  	s30 =	sld [smem:$0x0];
	_ =	sdelay $0x2  }
0xba: {  	s31 =	sshll.u32 s1, $0xD;
	s1 =	sshrl.u32 s1, $0x2  }
0xbb: {  	s3 =	sand.u32 $0x4000, s31;
	s1 =	sadd.s32 s1, s30  }
0xbc: {  	s0 =	sor.u32 s3, s0;
	s1 =	sshll.u32 s1, $0x11  }
0xbd: {  	s0 =	sor.u32 s1, s0  }
0xbe: {  	s0 =	sadd.s32 $0x8F2B, s0  }
0xbf: {  	[sflag:s0] =	ssyncadd.remote.s32 $0x1  }
0xc0: {  	_ =	sfence.sel $0xFFFF  }
0xc1: {  	[dreg:$0x0] =	wrdreg $0xFFFFFFFF;
	(pc) =	sbr.abs _section_cstart, $3  }
0xc2: {  	[dreg:$0x1] =	wrdreg $0xFFFFFFFF  }
0xc3: {  	_ =	task.clear_ibuf [dreg:s8], $0x2FFFF;
	_ =	strace $0x9FFFFFFF  }
0xc4: {  	(tm) =	ssettm $0x7FFFFFFF  }
0xc5: {  	_ =	shalt  }
tec
execute0_lowered:
.L_overlay_start_1:
0x0: {  	(tag) =	ssettag $0x1  }
0x1: {  	s1 =	rddreg [dreg:$0x0]  }
0x2: {  	s0 =	srdreg.scid;
	s3 =	stileid.u32  }
0x3: {  	s2 =	rddreg [dreg:$0x1];
	s0 =	sand.u32 $0x1, s0;
	s3 =	sshll.u32 s3, $0x1  }
0x4: {  	s4 =	rddreg [dreg:$0x2];
	s5 =	sor.u32 s0, s3  }
0x5: {  	s3 =	simm.s32 $0x0;
	s6 =	sshll.u32 s5, $0x8;
	s5 =	sshll.u32 s5, $0x10  }
0x6: {  	[smem:$0x7FF] =	sst s3;
	s2 =	sadd.s32 s6, s2;
	s12 =	sadd.s32 s4, s5  }
0x7: {  	_ =	strace $0x80000047;
	s2 =	sadd.s32 $0x21A00, s2;
	[dreg:$0x14] =	wrdreg s12  }
0x8: {  	s15 =	sadd.s32 $0x1000, s12;
	[dreg:$0x4] =	wrdreg s2  }
0x9: {  	s16 =	sadd.s32 $0x2000, s12;
	[dreg:$0x5] =	wrdreg s15  }
0xa: {  	s13 =	simm.s32 $0x4;
	s17 =	sadd.s32 $0x3000, s12;
	[dreg:$0x6] =	wrdreg s16  }
0xb: {  	s7 =	sadd.s32 $0x300, s1;
	s18 =	sadd.s32 $0x4000, s12;
	[dreg:$0x7] =	wrdreg s17  }
0xc: {  	s8 =	sadd.s32 $0x400, s1;
	s19 =	sadd.s32 $0x5000, s12;
	[dreg:$0x8] =	wrdreg s18  }
0xd: {  	s9 =	sadd.s32 $0x500, s1;
	s20 =	sadd.s32 $0x6000, s12;
	[dreg:$0x9] =	wrdreg s19  }
0xe: {  	s10 =	sadd.s32 $0x600, s1;
	s22 =	sadd.s32 $0x7000, s12;
	[dreg:$0xa] =	wrdreg s20  }
0xf: {  	s11 =	sadd.s32 $0x700, s1;
	s23 =	sadd.s32 $0x8000, s12;
	[dreg:$0xb] =	wrdreg s22  }
0x10: {  	s0 =	ssub.s32 $0x2, s0;
	s24 =	sadd.s32 $0x9000, s12;
	[dreg:$0xc] =	wrdreg s23  }
0x11: {  	s21 =	sshrl.u32 s0, $0x1;
	s25 =	sadd.s32 $0xA000, s12;
	[dreg:$0xd] =	wrdreg s24  }
0x12: {  	s0 =	ssub.s32 s0, s21;
	s26 =	sadd.s32 $0xB000, s12;
	[dreg:$0xe] =	wrdreg s25  }
0x13: {  	s5 =	sadd.s32 $0x100, s1;
	s28 =	sadd.s32 $0xC000, s12;
	[dreg:$0xf] =	wrdreg s26  }
0x14: {  	s6 =	sadd.s32 $0x200, s1;
	s29 =	sadd.s32 $0xD000, s12;
	[dreg:$0x10] =	wrdreg s28  }
0x15: {  	v2 =	vlaneseq.u32;
	s4 =	simm.s32 $0x2;
	s30 =	sadd.s32 $0xE000, s12;
	[dreg:$0x11] =	wrdreg s29  }
0x16: {  	vm0 =	vmmov $0xffff;
	v1 =	vshrl.u32 v2, $0x3;
	s31 =	sadd.s32 $0xF000, s12;
	s0 =	smax.u32 s0, $0x1;
	[dreg:$0x12] =	wrdreg s30  }
0x17: {  	v0 =	vand.u32 $0x7, v2;
	v2 =	vor.u32 $0x8, v2;
	v1 =	vmul.u32 $0x8, v1;
	[dreg:$0x13] =	wrdreg s31;
	s2 =	simm.s32 $0x1;
	s15 =	simm.s32 $0x3  }
.LBB2_1:
0x18: {  	[dreg:$0x15] =	wrdreg s0  }
0x19: {  	s16 =	rddreg [dreg:$0x4]  }
0x1a: {  	[tilespmem:s3], [sflag:$0x4] =	stream.linear.gather [hbm4b:s16+s3], $0x800, $0x38;
	[tilespmem:$0x18800] =	vst v63  }
0x1b: {  	_ =	swait.ge [sflag:s13], $0x800  }
0x1c: {  	[sflag:s13] =	ssyncset.done $0x0  }
0x1d: {  	[sflag:s13] =	ssyncadd.s32 $0xFFFFF800  }
0x1e: {  	v3 =	vld [tilespmem:$0x0];
	_ =	sdelay $0x4  }
0x1f: {  	v4 =	vshll.u32 v3, $0x4  }
0x20: {  	v3 =	vand.u32 $0x7, v3;
	v4 =	vand.u32 $0xFFFFFF80, v4  }
0x21: {  	v3 =	vor.u32 v3, v4  }
0x22: {  	v4 =	vperm.xlane v3, v0;
	_ =	sdelay $0x1  }
0x23: {  	v4 =	vadd.s32 v1, v4;
	_ =	sdelay $0x3  }
0x24: {  	s0 =	simm.s32 $0x800  }
0x25: {  	[tilespmem:s0], [sflag:$0x1] =	stream.indirect_vreg.gather [hbm4b:s1+s3], $0x80, v4, vm0, $0xb8;
	[tilespmem:$0x18800] =	vst v63  }
0x26: {  	s31 =	simm.s32 $0x1000  }
0x27: {  	[tilespmem:s31], [sflag:$0x1] =	stream.indirect_vreg.gather [hbm4b:s5+s3], $0x80, v4, vm0, $0xb8;
	[tilespmem:$0x18800] =	vst v63  }
0x28: {  	s12 =	simm.s32 $0x1800  }
0x29: {  	[tilespmem:s12], [sflag:$0x1] =	stream.indirect_vreg.gather [hbm4b:s6+s3], $0x80, v4, vm0, $0xb8;
	[tilespmem:$0x18800] =	vst v63  }
0x2a: {  	s14 =	simm.s32 $0x2000  }
0x2b: {  	[tilespmem:s14], [sflag:$0x1] =	stream.indirect_vreg.gather [hbm4b:s7+s3], $0x80, v4, vm0, $0xb8;
	[tilespmem:$0x18800] =	vst v63  }
0x2c: {  	s17 =	simm.s32 $0x2800  }
0x2d: {  	[tilespmem:s17], [sflag:$0x1] =	stream.indirect_vreg.gather [hbm4b:s8+s3], $0x80, v4, vm0, $0xb8;
	[tilespmem:$0x18800] =	vst v63  }
0x2e: {  	s19 =	simm.s32 $0x3000;
	v3 =	vperm.xlane v3, v2  }
0x2f: {  	[tilespmem:s19], [sflag:$0x1] =	stream.indirect_vreg.gather [hbm4b:s9+s3], $0x80, v4, vm0, $0xb8;
	[tilespmem:$0x18800] =	vst v63  }
0x30: {  	s20 =	simm.s32 $0x3800;
	v3 =	vadd.s32 v1, v3  }
0x31: {  	[tilespmem:s20], [sflag:$0x1] =	stream.indirect_vreg.gather [hbm4b:s10+s3], $0x80, v4, vm0, $0xb8;
	[tilespmem:$0x18800] =	vst v63  }
0x32: {  	s21 =	simm.s32 $0x4000  }
0x33: {  	[tilespmem:s21], [sflag:$0x1] =	stream.indirect_vreg.gather [hbm4b:s11+s3], $0x80, v4, vm0, $0xb8;
	[tilespmem:$0x18800] =	vst v63  }
0x34: {  	s22 =	simm.s32 $0x4800  }
0x35: {  	[tilespmem:s22], [sflag:$0x1] =	stream.indirect_vreg.gather [hbm4b:s1+s3], $0x80, v3, vm0, $0xb8;
	[tilespmem:$0x18800] =	vst v63  }
0x36: {  	s23 =	simm.s32 $0x5000  }
0x37: {  	[tilespmem:s23], [sflag:$0x1] =	stream.indirect_vreg.gather [hbm4b:s5+s3], $0x80, v3, vm0, $0xb8;
	[tilespmem:$0x18800] =	vst v63  }
0x38: {  	s24 =	simm.s32 $0x5800  }
0x39: {  	[tilespmem:s24], [sflag:$0x1] =	stream.indirect_vreg.gather [hbm4b:s6+s3], $0x80, v3, vm0, $0xb8;
	[tilespmem:$0x18800] =	vst v63  }
0x3a: {  	s25 =	simm.s32 $0x6000  }
0x3b: {  	[tilespmem:s25], [sflag:$0x1] =	stream.indirect_vreg.gather [hbm4b:s7+s3], $0x80, v3, vm0, $0xb8;
	[tilespmem:$0x18800] =	vst v63  }
0x3c: {  	s26 =	simm.s32 $0x6800  }
0x3d: {  	[tilespmem:s26], [sflag:$0x1] =	stream.indirect_vreg.gather [hbm4b:s8+s3], $0x80, v3, vm0, $0xb8;
	[tilespmem:$0x18800] =	vst v63  }
0x3e: {  	s28 =	simm.s32 $0x7000  }
0x3f: {  	[tilespmem:s28], [sflag:$0x1] =	stream.indirect_vreg.gather [hbm4b:s9+s3], $0x80, v3, vm0, $0xb8;
	[tilespmem:$0x18800] =	vst v63  }
0x40: {  	s12 =	simm.s32 $0x7800  }
0x41: {  	[tilespmem:s12], [sflag:$0x1] =	stream.indirect_vreg.gather [hbm4b:s10+s3], $0x80, v3, vm0, $0xb8;
	[tilespmem:$0x18800] =	vst v63  }
0x42: {  	s14 =	simm.s32 $0x8000  }
0x43: {  	[tilespmem:s14], [sflag:$0x1] =	stream.indirect_vreg.gather [hbm4b:s11+s3], $0x80, v3, vm0, $0xb8;
	[tilespmem:$0x18800] =	vst v63  }
0x44: {  	v3 =	vld [tilespmem:$0x80];
	_ =	sdelay $0x4  }
0x45: {  	v49 =	vshll.u32 v3, $0x4  }
0x46: {  	v3 =	vand.u32 $0x7, v3;
	v4 =	vand.u32 $0xFFFFFF80, v49  }
0x47: {  	v3 =	vor.u32 v3, v4  }
0x48: {  	v4 =	vperm.xlane v3, v0;
	_ =	sdelay $0x1  }
0x49: {  	v4 =	vadd.s32 v1, v4;
	_ =	sdelay $0x3  }
0x4a: {  	s14 =	simm.s32 $0x8800  }
0x4b: {  	[tilespmem:s14], [sflag:$0x2] =	stream.indirect_vreg.gather [hbm4b:s1+s3], $0x80, v4, vm0, $0xb8;
	[tilespmem:$0x18800] =	vst v63  }
0x4c: {  	s16 =	simm.s32 $0x9000  }
0x4d: {  	[tilespmem:s16], [sflag:$0x2] =	stream.indirect_vreg.gather [hbm4b:s5+s3], $0x80, v4, vm0, $0xb8;
	[tilespmem:$0x18800] =	vst v63  }
0x4e: {  	s16 =	simm.s32 $0x9800  }
0x4f: {  	[tilespmem:s16], [sflag:$0x2] =	stream.indirect_vreg.gather [hbm4b:s6+s3], $0x80, v4, vm0, $0xb8;
	[tilespmem:$0x18800] =	vst v63  }
0x50: {  	s16 =	simm.s32 $0xA000  }
0x51: {  	[tilespmem:s16], [sflag:$0x2] =	stream.indirect_vreg.gather [hbm4b:s7+s3], $0x80, v4, vm0, $0xb8;
	[tilespmem:$0x18800] =	vst v63  }
0x52: {  	s16 =	simm.s32 $0xA800  }
0x53: {  	[tilespmem:s16], [sflag:$0x2] =	stream.indirect_vreg.gather [hbm4b:s8+s3], $0x80, v4, vm0, $0xb8;
	[tilespmem:$0x18800] =	vst v63  }
0x54: {  	v3 =	vperm.xlane v3, v2;
	s16 =	simm.s32 $0xB000  }
0x55: {  	[tilespmem:s16], [sflag:$0x2] =	stream.indirect_vreg.gather [hbm4b:s9+s3], $0x80, v4, vm0, $0xb8;
	[tilespmem:$0x18800] =	vst v63  }
0x56: {  	v3 =	vadd.s32 v1, v3;
	s16 =	simm.s32 $0xB800  }
0x57: {  	[tilespmem:s16], [sflag:$0x2] =	stream.indirect_vreg.gather [hbm4b:s10+s3], $0x80, v4, vm0, $0xb8;
	[tilespmem:$0x18800] =	vst v63  }
0x58: {  	s16 =	simm.s32 $0xC000  }
0x59: {  	[tilespmem:s16], [sflag:$0x2] =	stream.indirect_vreg.gather [hbm4b:s11+s3], $0x80, v4, vm0, $0xb8;
	[tilespmem:$0x18800] =	vst v63  }
0x5a: {  	s16 =	simm.s32 $0xC800  }
0x5b: {  	[tilespmem:s16], [sflag:$0x2] =	stream.indirect_vreg.gather [hbm4b:s1+s3], $0x80, v3, vm0, $0xb8;
	[tilespmem:$0x18800] =	vst v63  }
0x5c: {  	s16 =	simm.s32 $0xD000  }
0x5d: {  	[tilespmem:s16], [sflag:$0x2] =	stream.indirect_vreg.gather [hbm4b:s5+s3], $0x80, v3, vm0, $0xb8;
	[tilespmem:$0x18800] =	vst v63  }
0x5e: {  	s16 =	simm.s32 $0xD800  }
0x5f: {  	[tilespmem:s16], [sflag:$0x2] =	stream.indirect_vreg.gather [hbm4b:s6+s3], $0x80, v3, vm0, $0xb8;
	[tilespmem:$0x18800] =	vst v63  }
0x60: {  	s16 =	simm.s32 $0xE000  }
0x61: {  	[tilespmem:s16], [sflag:$0x2] =	stream.indirect_vreg.gather [hbm4b:s7+s3], $0x80, v3, vm0, $0xb8;
	[tilespmem:$0x18800] =	vst v63  }
0x62: {  	s16 =	simm.s32 $0xE800  }
0x63: {  	[tilespmem:s16], [sflag:$0x2] =	stream.indirect_vreg.gather [hbm4b:s8+s3], $0x80, v3, vm0, $0xb8;
	[tilespmem:$0x18800] =	vst v63  }
0x64: {  	s16 =	simm.s32 $0xF000  }
0x65: {  	[tilespmem:s16], [sflag:$0x2] =	stream.indirect_vreg.gather [hbm4b:s9+s3], $0x80, v3, vm0, $0xb8;
	[tilespmem:$0x18800] =	vst v63  }
0x66: {  	s16 =	simm.s32 $0xF800  }
0x67: {  	[tilespmem:s16], [sflag:$0x2] =	stream.indirect_vreg.gather [hbm4b:s10+s3], $0x80, v3, vm0, $0xb8;
	[tilespmem:$0x18800] =	vst v63  }
0x68: {  	s16 =	simm.s32 $0x10000  }
0x69: {  	[tilespmem:s16], [sflag:$0x2] =	stream.indirect_vreg.gather [hbm4b:s11+s3], $0x80, v3, vm0, $0xb8;
	[tilespmem:$0x18800] =	vst v63  }
0x6a: {  	_ =	swait.ge [sflag:s2], $0x8000  }
0x6b: {  	[sflag:s2] =	ssyncset.done $0x0  }
0x6c: {  	[sflag:s2] =	ssyncadd.s32 $0xFFFF8000  }
0x6d: {  	v3 =	vld [tilespmem:$0x100];
	_ =	sdelay $0x4  }
0x6e: {  	v50 =	vshll.u32 v3, $0x4  }
0x6f: {  	v3 =	vand.u32 $0x7, v3;
	v4 =	vand.u32 $0xFFFFFF80, v50  }
0x70: {  	v3 =	vor.u32 v3, v4  }
0x71: {  	v4 =	vperm.xlane v3, v0;
	_ =	sdelay $0x1  }
0x72: {  	v4 =	vadd.s32 v1, v4;
	_ =	sdelay $0x3  }
0x73: {  	s14 =	simm.s32 $0x10800  }
0x74: {  	[tilespmem:s14], [sflag:$0x3] =	stream.indirect_vreg.gather [hbm4b:s1+s3], $0x80, v4, vm0, $0xb8;
	[tilespmem:$0x18800] =	vst v63  }
0x75: {  	s16 =	simm.s32 $0x11000  }
0x76: {  	[tilespmem:s16], [sflag:$0x3] =	stream.indirect_vreg.gather [hbm4b:s5+s3], $0x80, v4, vm0, $0xb8;
	[tilespmem:$0x18800] =	vst v63  }
0x77: {  	s16 =	simm.s32 $0x11800  }
0x78: {  	[tilespmem:s16], [sflag:$0x3] =	stream.indirect_vreg.gather [hbm4b:s6+s3], $0x80, v4, vm0, $0xb8;
	[tilespmem:$0x18800] =	vst v63  }
0x79: {  	s16 =	simm.s32 $0x12000  }
0x7a: {  	[tilespmem:s16], [sflag:$0x3] =	stream.indirect_vreg.gather [hbm4b:s7+s3], $0x80, v4, vm0, $0xb8;
	[tilespmem:$0x18800] =	vst v63  }
0x7b: {  	s16 =	simm.s32 $0x12800  }
0x7c: {  	[tilespmem:s16], [sflag:$0x3] =	stream.indirect_vreg.gather [hbm4b:s8+s3], $0x80, v4, vm0, $0xb8;
	[tilespmem:$0x18800] =	vst v63  }
0x7d: {  	v3 =	vperm.xlane v3, v2;
	s16 =	simm.s32 $0x13000  }
0x7e: {  	[tilespmem:s16], [sflag:$0x3] =	stream.indirect_vreg.gather [hbm4b:s9+s3], $0x80, v4, vm0, $0xb8;
	[tilespmem:$0x18800] =	vst v63  }
0x7f: {  	v3 =	vadd.s32 v1, v3;
	s16 =	simm.s32 $0x13800  }
0x80: {  	[tilespmem:s16], [sflag:$0x3] =	stream.indirect_vreg.gather [hbm4b:s10+s3], $0x80, v4, vm0, $0xb8;
	[tilespmem:$0x18800] =	vst v63  }
0x81: {  	s16 =	simm.s32 $0x14000  }
0x82: {  	[tilespmem:s16], [sflag:$0x3] =	stream.indirect_vreg.gather [hbm4b:s11+s3], $0x80, v4, vm0, $0xb8;
	[tilespmem:$0x18800] =	vst v63  }
0x83: {  	s16 =	simm.s32 $0x14800  }
0x84: {  	[tilespmem:s16], [sflag:$0x3] =	stream.indirect_vreg.gather [hbm4b:s1+s3], $0x80, v3, vm0, $0xb8;
	[tilespmem:$0x18800] =	vst v63  }
0x85: {  	s16 =	simm.s32 $0x15000  }
0x86: {  	[tilespmem:s16], [sflag:$0x3] =	stream.indirect_vreg.gather [hbm4b:s5+s3], $0x80, v3, vm0, $0xb8;
	[tilespmem:$0x18800] =	vst v63  }
0x87: {  	s16 =	simm.s32 $0x15800  }
0x88: {  	[tilespmem:s16], [sflag:$0x3] =	stream.indirect_vreg.gather [hbm4b:s6+s3], $0x80, v3, vm0, $0xb8;
	[tilespmem:$0x18800] =	vst v63  }
0x89: {  	s16 =	simm.s32 $0x16000  }
0x8a: {  	[tilespmem:s16], [sflag:$0x3] =	stream.indirect_vreg.gather [hbm4b:s7+s3], $0x80, v3, vm0, $0xb8;
	[tilespmem:$0x18800] =	vst v63  }
0x8b: {  	s16 =	simm.s32 $0x16800  }
0x8c: {  	[tilespmem:s16], [sflag:$0x3] =	stream.indirect_vreg.gather [hbm4b:s8+s3], $0x80, v3, vm0, $0xb8;
	[tilespmem:$0x18800] =	vst v63  }
0x8d: {  	s16 =	simm.s32 $0x17000  }
0x8e: {  	[tilespmem:s16], [sflag:$0x3] =	stream.indirect_vreg.gather [hbm4b:s9+s3], $0x80, v3, vm0, $0xb8;
	[tilespmem:$0x18800] =	vst v63  }
0x8f: {  	s16 =	simm.s32 $0x17800  }
0x90: {  	[tilespmem:s16], [sflag:$0x3] =	stream.indirect_vreg.gather [hbm4b:s10+s3], $0x80, v3, vm0, $0xb8;
	[tilespmem:$0x18800] =	vst v63  }
0x91: {  	s16 =	simm.s32 $0x18000  }
0x92: {  	[tilespmem:s16], [sflag:$0x3] =	stream.indirect_vreg.gather [hbm4b:s11+s3], $0x80, v3, vm0, $0xb8;
	[tilespmem:$0x18800] =	vst v63  }
0x93: {  	s16 =	rddreg [dreg:$0x14]  }
0x94: {  	[hbm4b:s16+s3] =	stream.linear.scatter [tilespmem:s0], [sflag:$0x4], $0x8000, $0x38;
	[tilespmem:$0x18800] =	vst v63  }
0x95: {  	_ =	swait.ge [sflag:s13], $0x8000  }
0x96: {  	[sflag:s13] =	ssyncset.done $0x0  }
0x97: {  	[sflag:s13] =	ssyncadd.s32 $0xFFFF8000  }
0x98: {  	_ =	swait.ge [sflag:s4], $0x8000  }
0x99: {  	[sflag:s4] =	ssyncset.done $0x0  }
0x9a: {  	[sflag:s4] =	ssyncadd.s32 $0xFFFF8000  }
0x9b: {  	v3 =	vld [tilespmem:$0x180];
	_ =	sdelay $0x4  }
0x9c: {  	v51 =	vshll.u32 v3, $0x4  }
0x9d: {  	v3 =	vand.u32 $0x7, v3;
	v4 =	vand.u32 $0xFFFFFF80, v51  }
0x9e: {  	v3 =	vor.u32 v3, v4  }
0x9f: {  	v4 =	vperm.xlane v3, v0;
	_ =	sdelay $0x1  }
0xa0: {  	v4 =	vadd.s32 v1, v4;
	_ =	sdelay $0x4  }
0xa1: {  	[tilespmem:s0], [sflag:$0x1] =	stream.indirect_vreg.gather [hbm4b:s1+s3], $0x80, v4, vm0, $0xb8;
	[tilespmem:$0x18800] =	vst v63  }
0xa2: {  	s30 =	simm.s32 $0x1000  }
0xa3: {  	[tilespmem:s30], [sflag:$0x1] =	stream.indirect_vreg.gather [hbm4b:s5+s3], $0x80, v4, vm0, $0xb8;
	[tilespmem:$0x18800] =	vst v63  }
0xa4: {  	s31 =	simm.s32 $0x1800  }
0xa5: {  	[tilespmem:s31], [sflag:$0x1] =	stream.indirect_vreg.gather [hbm4b:s6+s3], $0x80, v4, vm0, $0xb8;
	[tilespmem:$0x18800] =	vst v63  }
0xa6: {  	s18 =	simm.s32 $0x2000  }
0xa7: {  	[tilespmem:s18], [sflag:$0x1] =	stream.indirect_vreg.gather [hbm4b:s7+s3], $0x80, v4, vm0, $0xb8;
	[tilespmem:$0x18800] =	vst v63  }
0xa8: {  	s17 =	simm.s32 $0x2800  }
0xa9: {  	[tilespmem:s17], [sflag:$0x1] =	stream.indirect_vreg.gather [hbm4b:s8+s3], $0x80, v4, vm0, $0xb8;
	[tilespmem:$0x18800] =	vst v63  }
0xaa: {  	s29 =	simm.s32 $0x3000;
	v3 =	vperm.xlane v3, v2  }
0xab: {  	[tilespmem:s29], [sflag:$0x1] =	stream.indirect_vreg.gather [hbm4b:s9+s3], $0x80, v4, vm0, $0xb8;
	[tilespmem:$0x18800] =	vst v63  }
0xac: {  	s19 =	simm.s32 $0x3800;
	v3 =	vadd.s32 v1, v3  }
0xad: {  	[tilespmem:s19], [sflag:$0x1] =	stream.indirect_vreg.gather [hbm4b:s10+s3], $0x80, v4, vm0, $0xb8;
	[tilespmem:$0x18800] =	vst v63  }
0xae: {  	s20 =	simm.s32 $0x4000  }
0xaf: {  	[tilespmem:s20], [sflag:$0x1] =	stream.indirect_vreg.gather [hbm4b:s11+s3], $0x80, v4, vm0, $0xb8;
	[tilespmem:$0x18800] =	vst v63  }
0xb0: {  	s21 =	simm.s32 $0x4800  }
0xb1: {  	[tilespmem:s21], [sflag:$0x1] =	stream.indirect_vreg.gather [hbm4b:s1+s3], $0x80, v3, vm0, $0xb8;
	[tilespmem:$0x18800] =	vst v63  }
0xb2: {  	s22 =	simm.s32 $0x5000  }
0xb3: {  	[tilespmem:s22], [sflag:$0x1] =	stream.indirect_vreg.gather [hbm4b:s5+s3], $0x80, v3, vm0, $0xb8;
	[tilespmem:$0x18800] =	vst v63  }
0xb4: {  	s23 =	simm.s32 $0x5800  }
0xb5: {  	[tilespmem:s23], [sflag:$0x1] =	stream.indirect_vreg.gather [hbm4b:s6+s3], $0x80, v3, vm0, $0xb8;
	[tilespmem:$0x18800] =	vst v63  }
0xb6: {  	s24 =	simm.s32 $0x6000  }
0xb7: {  	[tilespmem:s24], [sflag:$0x1] =	stream.indirect_vreg.gather [hbm4b:s7+s3], $0x80, v3, vm0, $0xb8;
	[tilespmem:$0x18800] =	vst v63  }
0xb8: {  	s25 =	simm.s32 $0x6800  }
0xb9: {  	[tilespmem:s25], [sflag:$0x1] =	stream.indirect_vreg.gather [hbm4b:s8+s3], $0x80, v3, vm0, $0xb8;
	[tilespmem:$0x18800] =	vst v63  }
0xba: {  	s26 =	simm.s32 $0x7000  }
0xbb: {  	[tilespmem:s26], [sflag:$0x1] =	stream.indirect_vreg.gather [hbm4b:s9+s3], $0x80, v3, vm0, $0xb8;
	[tilespmem:$0x18800] =	vst v63  }
0xbc: {  	s28 =	simm.s32 $0x7800  }
0xbd: {  	[tilespmem:s28], [sflag:$0x1] =	stream.indirect_vreg.gather [hbm4b:s10+s3], $0x80, v3, vm0, $0xb8;
	[tilespmem:$0x18800] =	vst v63  }
0xbe: {  	s12 =	simm.s32 $0x8000  }
0xbf: {  	[tilespmem:s12], [sflag:$0x1] =	stream.indirect_vreg.gather [hbm4b:s11+s3], $0x80, v3, vm0, $0xb8;
	[tilespmem:$0x18800] =	vst v63  }
0xc0: {  	s30 =	rddreg [dreg:$0x5];
	s31 =	simm.s32 $0x8800  }
0xc1: {  	[hbm4b:s30+s3] =	stream.linear.scatter [tilespmem:s31], [sflag:$0x4], $0x8000, $0x38;
	[tilespmem:$0x18800] =	vst v63  }
0xc2: {  	_ =	swait.ge [sflag:s13], $0x8000  }
0xc3: {  	[sflag:s13] =	ssyncset.done $0x0  }
0xc4: {  	[sflag:s13] =	ssyncadd.s32 $0xFFFF8000  }
0xc5: {  	_ =	swait.ge [sflag:s15], $0x8000  }
0xc6: {  	[sflag:s15] =	ssyncset.done $0x0  }
0xc7: {  	[sflag:s15] =	ssyncadd.s32 $0xFFFF8000  }
0xc8: {  	v3 =	vld [tilespmem:$0x200];
	_ =	sdelay $0x4  }
0xc9: {  	v52 =	vshll.u32 v3, $0x4  }
0xca: {  	v3 =	vand.u32 $0x7, v3;
	v4 =	vand.u32 $0xFFFFFF80, v52  }
0xcb: {  	v3 =	vor.u32 v3, v4  }
0xcc: {  	v4 =	vperm.xlane v3, v0;
	_ =	sdelay $0x1  }
0xcd: {  	v4 =	vadd.s32 v1, v4;
	_ =	sdelay $0x4  }
0xce: {  	[tilespmem:s31], [sflag:$0x2] =	stream.indirect_vreg.gather [hbm4b:s1+s3], $0x80, v4, vm0, $0xb8;
	[tilespmem:$0x18800] =	vst v63  }
0xcf: {  	s31 =	simm.s32 $0x9000  }
0xd0: {  	[tilespmem:s31], [sflag:$0x2] =	stream.indirect_vreg.gather [hbm4b:s5+s3], $0x80, v4, vm0, $0xb8;
	[tilespmem:$0x18800] =	vst v63  }
0xd1: {  	s18 =	simm.s32 $0x9800  }
0xd2: {  	[tilespmem:s18], [sflag:$0x2] =	stream.indirect_vreg.gather [hbm4b:s6+s3], $0x80, v4, vm0, $0xb8;
	[tilespmem:$0x18800] =	vst v63  }
0xd3: {  	s19 =	simm.s32 $0xA000  }
0xd4: {  	[tilespmem:s19], [sflag:$0x2] =	stream.indirect_vreg.gather [hbm4b:s7+s3], $0x80, v4, vm0, $0xb8;
	[tilespmem:$0x18800] =	vst v63  }
0xd5: {  	s17 =	simm.s32 $0xA800  }
0xd6: {  	[tilespmem:s17], [sflag:$0x2] =	stream.indirect_vreg.gather [hbm4b:s8+s3], $0x80, v4, vm0, $0xb8;
	[tilespmem:$0x18800] =	vst v63  }
0xd7: {  	s30 =	simm.s32 $0xB000;
	v3 =	vperm.xlane v3, v2  }
0xd8: {  	[tilespmem:s30], [sflag:$0x2] =	stream.indirect_vreg.gather [hbm4b:s9+s3], $0x80, v4, vm0, $0xb8;
	[tilespmem:$0x18800] =	vst v63  }
0xd9: {  	s20 =	simm.s32 $0xB800;
	v3 =	vadd.s32 v1, v3  }
0xda: {  	[tilespmem:s20], [sflag:$0x2] =	stream.indirect_vreg.gather [hbm4b:s10+s3], $0x80, v4, vm0, $0xb8;
	[tilespmem:$0x18800] =	vst v63  }
0xdb: {  	s21 =	simm.s32 $0xC000  }
0xdc: {  	[tilespmem:s21], [sflag:$0x2] =	stream.indirect_vreg.gather [hbm4b:s11+s3], $0x80, v4, vm0, $0xb8;
	[tilespmem:$0x18800] =	vst v63  }
0xdd: {  	s22 =	simm.s32 $0xC800  }
0xde: {  	[tilespmem:s22], [sflag:$0x2] =	stream.indirect_vreg.gather [hbm4b:s1+s3], $0x80, v3, vm0, $0xb8;
	[tilespmem:$0x18800] =	vst v63  }
0xdf: {  	s23 =	simm.s32 $0xD000  }
0xe0: {  	[tilespmem:s23], [sflag:$0x2] =	stream.indirect_vreg.gather [hbm4b:s5+s3], $0x80, v3, vm0, $0xb8;
	[tilespmem:$0x18800] =	vst v63  }
0xe1: {  	s24 =	simm.s32 $0xD800  }
0xe2: {  	[tilespmem:s24], [sflag:$0x2] =	stream.indirect_vreg.gather [hbm4b:s6+s3], $0x80, v3, vm0, $0xb8;
	[tilespmem:$0x18800] =	vst v63  }
0xe3: {  	s25 =	simm.s32 $0xE000  }
0xe4: {  	[tilespmem:s25], [sflag:$0x2] =	stream.indirect_vreg.gather [hbm4b:s7+s3], $0x80, v3, vm0, $0xb8;
	[tilespmem:$0x18800] =	vst v63  }
0xe5: {  	s26 =	simm.s32 $0xE800  }
0xe6: {  	[tilespmem:s26], [sflag:$0x2] =	stream.indirect_vreg.gather [hbm4b:s8+s3], $0x80, v3, vm0, $0xb8;
	[tilespmem:$0x18800] =	vst v63  }
0xe7: {  	s28 =	simm.s32 $0xF000  }
0xe8: {  	[tilespmem:s28], [sflag:$0x2] =	stream.indirect_vreg.gather [hbm4b:s9+s3], $0x80, v3, vm0, $0xb8;
	[tilespmem:$0x18800] =	vst v63  }
0xe9: {  	s29 =	simm.s32 $0xF800  }
0xea: {  	[tilespmem:s29], [sflag:$0x2] =	stream.indirect_vreg.gather [hbm4b:s10+s3], $0x80, v3, vm0, $0xb8;
	[tilespmem:$0x18800] =	vst v63  }
0xeb: {  	s12 =	simm.s32 $0x10000  }
0xec: {  	[tilespmem:s12], [sflag:$0x2] =	stream.indirect_vreg.gather [hbm4b:s11+s3], $0x80, v3, vm0, $0xb8;
	[tilespmem:$0x18800] =	vst v63  }
0xed: {  	s16 =	rddreg [dreg:$0x6]  }
0xee: {  	[hbm4b:s16+s3] =	stream.linear.scatter [tilespmem:s14], [sflag:$0x4], $0x8000, $0x38;
	[tilespmem:$0x18800] =	vst v63  }
0xef: {  	_ =	swait.ge [sflag:s13], $0x8000  }
0xf0: {  	[sflag:s13] =	ssyncset.done $0x0  }
0xf1: {  	[sflag:s13] =	ssyncadd.s32 $0xFFFF8000  }
0xf2: {  	_ =	swait.ge [sflag:s2], $0x8000  }
0xf3: {  	[sflag:s2] =	ssyncset.done $0x0  }
0xf4: {  	[sflag:s2] =	ssyncadd.s32 $0xFFFF8000  }
0xf5: {  	v3 =	vld [tilespmem:$0x280];
	_ =	sdelay $0x4  }
0xf6: {  	v53 =	vshll.u32 v3, $0x4  }
0xf7: {  	v3 =	vand.u32 $0x7, v3;
	v4 =	vand.u32 $0xFFFFFF80, v53  }
0xf8: {  	v3 =	vor.u32 v3, v4  }
0xf9: {  	v4 =	vperm.xlane v3, v0;
	_ =	sdelay $0x1  }
0xfa: {  	v4 =	vadd.s32 v1, v4;
	_ =	sdelay $0x4  }
0xfb: {  	[tilespmem:s14], [sflag:$0x3] =	stream.indirect_vreg.gather [hbm4b:s1+s3], $0x80, v4, vm0, $0xb8;
	[tilespmem:$0x18800] =	vst v63  }
0xfc: {  	s12 =	simm.s32 $0x11000  }
0xfd: {  	[tilespmem:s12], [sflag:$0x3] =	stream.indirect_vreg.gather [hbm4b:s5+s3], $0x80, v4, vm0, $0xb8;
	[tilespmem:$0x18800] =	vst v63  }
0xfe: {  	s12 =	simm.s32 $0x11800  }
0xff: {  	[tilespmem:s12], [sflag:$0x3] =	stream.indirect_vreg.gather [hbm4b:s6+s3], $0x80, v4, vm0, $0xb8;
	[tilespmem:$0x18800] =	vst v63  }
0x100: {  	s12 =	simm.s32 $0x12000  }
0x101: {  	[tilespmem:s12], [sflag:$0x3] =	stream.indirect_vreg.gather [hbm4b:s7+s3], $0x80, v4, vm0, $0xb8;
	[tilespmem:$0x18800] =	vst v63  }
0x102: {  	s12 =	simm.s32 $0x12800  }
0x103: {  	[tilespmem:s12], [sflag:$0x3] =	stream.indirect_vreg.gather [hbm4b:s8+s3], $0x80, v4, vm0, $0xb8;
	[tilespmem:$0x18800] =	vst v63  }
0x104: {  	v3 =	vperm.xlane v3, v2;
	s12 =	simm.s32 $0x13000  }
0x105: {  	[tilespmem:s12], [sflag:$0x3] =	stream.indirect_vreg.gather [hbm4b:s9+s3], $0x80, v4, vm0, $0xb8;
	[tilespmem:$0x18800] =	vst v63  }
0x106: {  	v3 =	vadd.s32 v1, v3;
	s12 =	simm.s32 $0x13800  }
0x107: {  	[tilespmem:s12], [sflag:$0x3] =	stream.indirect_vreg.gather [hbm4b:s10+s3], $0x80, v4, vm0, $0xb8;
	[tilespmem:$0x18800] =	vst v63  }
0x108: {  	s12 =	simm.s32 $0x14000  }
0x109: {  	[tilespmem:s12], [sflag:$0x3] =	stream.indirect_vreg.gather [hbm4b:s11+s3], $0x80, v4, vm0, $0xb8;
	[tilespmem:$0x18800] =	vst v63  }
0x10a: {  	s12 =	simm.s32 $0x14800  }
0x10b: {  	[tilespmem:s12], [sflag:$0x3] =	stream.indirect_vreg.gather [hbm4b:s1+s3], $0x80, v3, vm0, $0xb8;
	[tilespmem:$0x18800] =	vst v63  }
0x10c: {  	s12 =	simm.s32 $0x15000  }
0x10d: {  	[tilespmem:s12], [sflag:$0x3] =	stream.indirect_vreg.gather [hbm4b:s5+s3], $0x80, v3, vm0, $0xb8;
	[tilespmem:$0x18800] =	vst v63  }
0x10e: {  	s12 =	simm.s32 $0x15800  }
0x10f: {  	[tilespmem:s12], [sflag:$0x3] =	stream.indirect_vreg.gather [hbm4b:s6+s3], $0x80, v3, vm0, $0xb8;
	[tilespmem:$0x18800] =	vst v63  }
0x110: {  	s12 =	simm.s32 $0x16000  }
0x111: {  	[tilespmem:s12], [sflag:$0x3] =	stream.indirect_vreg.gather [hbm4b:s7+s3], $0x80, v3, vm0, $0xb8;
	[tilespmem:$0x18800] =	vst v63  }
0x112: {  	s12 =	simm.s32 $0x16800  }
0x113: {  	[tilespmem:s12], [sflag:$0x3] =	stream.indirect_vreg.gather [hbm4b:s8+s3], $0x80, v3, vm0, $0xb8;
	[tilespmem:$0x18800] =	vst v63  }
0x114: {  	s12 =	simm.s32 $0x17000  }
0x115: {  	[tilespmem:s12], [sflag:$0x3] =	stream.indirect_vreg.gather [hbm4b:s9+s3], $0x80, v3, vm0, $0xb8;
	[tilespmem:$0x18800] =	vst v63  }
0x116: {  	s12 =	simm.s32 $0x17800  }
0x117: {  	[tilespmem:s12], [sflag:$0x3] =	stream.indirect_vreg.gather [hbm4b:s10+s3], $0x80, v3, vm0, $0xb8;
	[tilespmem:$0x18800] =	vst v63  }
0x118: {  	s12 =	simm.s32 $0x18000  }
0x119: {  	[tilespmem:s12], [sflag:$0x3] =	stream.indirect_vreg.gather [hbm4b:s11+s3], $0x80, v3, vm0, $0xb8;
	[tilespmem:$0x18800] =	vst v63  }
0x11a: {  	s16 =	rddreg [dreg:$0x7]  }
0x11b: {  	[hbm4b:s16+s3] =	stream.linear.scatter [tilespmem:s0], [sflag:$0x4], $0x8000, $0x38;
	[tilespmem:$0x18800] =	vst v63  }
0x11c: {  	_ =	swait.ge [sflag:s13], $0x8000  }
0x11d: {  	[sflag:s13] =	ssyncset.done $0x0  }
0x11e: {  	[sflag:s13] =	ssyncadd.s32 $0xFFFF8000  }
0x11f: {  	_ =	swait.ge [sflag:s4], $0x8000  }
0x120: {  	[sflag:s4] =	ssyncset.done $0x0  }
0x121: {  	[sflag:s4] =	ssyncadd.s32 $0xFFFF8000  }
0x122: {  	v3 =	vld [tilespmem:$0x300];
	_ =	sdelay $0x4  }
0x123: {  	v54 =	vshll.u32 v3, $0x4  }
0x124: {  	v3 =	vand.u32 $0x7, v3;
	v4 =	vand.u32 $0xFFFFFF80, v54  }
0x125: {  	v3 =	vor.u32 v3, v4  }
0x126: {  	v4 =	vperm.xlane v3, v0;
	_ =	sdelay $0x1  }
0x127: {  	v4 =	vadd.s32 v1, v4;
	_ =	sdelay $0x4  }
0x128: {  	[tilespmem:s0], [sflag:$0x1] =	stream.indirect_vreg.gather [hbm4b:s1+s3], $0x80, v4, vm0, $0xb8;
	[tilespmem:$0x18800] =	vst v63  }
0x129: {  	s16 =	simm.s32 $0x1000  }
0x12a: {  	[tilespmem:s16], [sflag:$0x1] =	stream.indirect_vreg.gather [hbm4b:s5+s3], $0x80, v4, vm0, $0xb8;
	[tilespmem:$0x18800] =	vst v63  }
0x12b: {  	s16 =	simm.s32 $0x1800  }
0x12c: {  	[tilespmem:s16], [sflag:$0x1] =	stream.indirect_vreg.gather [hbm4b:s6+s3], $0x80, v4, vm0, $0xb8;
	[tilespmem:$0x18800] =	vst v63  }
0x12d: {  	s16 =	simm.s32 $0x2000  }
0x12e: {  	[tilespmem:s16], [sflag:$0x1] =	stream.indirect_vreg.gather [hbm4b:s7+s3], $0x80, v4, vm0, $0xb8;
	[tilespmem:$0x18800] =	vst v63  }
0x12f: {  	s16 =	simm.s32 $0x2800  }
0x130: {  	[tilespmem:s16], [sflag:$0x1] =	stream.indirect_vreg.gather [hbm4b:s8+s3], $0x80, v4, vm0, $0xb8;
	[tilespmem:$0x18800] =	vst v63  }
0x131: {  	v3 =	vperm.xlane v3, v2;
	s16 =	simm.s32 $0x3000  }
0x132: {  	[tilespmem:s16], [sflag:$0x1] =	stream.indirect_vreg.gather [hbm4b:s9+s3], $0x80, v4, vm0, $0xb8;
	[tilespmem:$0x18800] =	vst v63  }
0x133: {  	v3 =	vadd.s32 v1, v3;
	s16 =	simm.s32 $0x3800  }
0x134: {  	[tilespmem:s16], [sflag:$0x1] =	stream.indirect_vreg.gather [hbm4b:s10+s3], $0x80, v4, vm0, $0xb8;
	[tilespmem:$0x18800] =	vst v63  }
0x135: {  	s16 =	simm.s32 $0x4000  }
0x136: {  	[tilespmem:s16], [sflag:$0x1] =	stream.indirect_vreg.gather [hbm4b:s11+s3], $0x80, v4, vm0, $0xb8;
	[tilespmem:$0x18800] =	vst v63  }
0x137: {  	s16 =	simm.s32 $0x4800  }
0x138: {  	[tilespmem:s16], [sflag:$0x1] =	stream.indirect_vreg.gather [hbm4b:s1+s3], $0x80, v3, vm0, $0xb8;
	[tilespmem:$0x18800] =	vst v63  }
0x139: {  	s16 =	simm.s32 $0x5000  }
0x13a: {  	[tilespmem:s16], [sflag:$0x1] =	stream.indirect_vreg.gather [hbm4b:s5+s3], $0x80, v3, vm0, $0xb8;
	[tilespmem:$0x18800] =	vst v63  }
0x13b: {  	s16 =	simm.s32 $0x5800  }
0x13c: {  	[tilespmem:s16], [sflag:$0x1] =	stream.indirect_vreg.gather [hbm4b:s6+s3], $0x80, v3, vm0, $0xb8;
	[tilespmem:$0x18800] =	vst v63  }
0x13d: {  	s16 =	simm.s32 $0x6000  }
0x13e: {  	[tilespmem:s16], [sflag:$0x1] =	stream.indirect_vreg.gather [hbm4b:s7+s3], $0x80, v3, vm0, $0xb8;
	[tilespmem:$0x18800] =	vst v63  }
0x13f: {  	s16 =	simm.s32 $0x6800  }
0x140: {  	[tilespmem:s16], [sflag:$0x1] =	stream.indirect_vreg.gather [hbm4b:s8+s3], $0x80, v3, vm0, $0xb8;
	[tilespmem:$0x18800] =	vst v63  }
0x141: {  	s16 =	simm.s32 $0x7000  }
0x142: {  	[tilespmem:s16], [sflag:$0x1] =	stream.indirect_vreg.gather [hbm4b:s9+s3], $0x80, v3, vm0, $0xb8;
	[tilespmem:$0x18800] =	vst v63  }
0x143: {  	s16 =	simm.s32 $0x7800  }
0x144: {  	[tilespmem:s16], [sflag:$0x1] =	stream.indirect_vreg.gather [hbm4b:s10+s3], $0x80, v3, vm0, $0xb8;
	[tilespmem:$0x18800] =	vst v63  }
0x145: {  	s12 =	simm.s32 $0x8000  }
0x146: {  	[tilespmem:s12], [sflag:$0x1] =	stream.indirect_vreg.gather [hbm4b:s11+s3], $0x80, v3, vm0, $0xb8;
	[tilespmem:$0x18800] =	vst v63  }
0x147: {  	s16 =	rddreg [dreg:$0x8];
	s12 =	simm.s32 $0x8800  }
0x148: {  	[hbm4b:s16+s3] =	stream.linear.scatter [tilespmem:s12], [sflag:$0x4], $0x8000, $0x38;
	[tilespmem:$0x18800] =	vst v63  }
0x149: {  	_ =	swait.ge [sflag:s13], $0x8000  }
0x14a: {  	[sflag:s13] =	ssyncset.done $0x0  }
0x14b: {  	[sflag:s13] =	ssyncadd.s32 $0xFFFF8000  }
0x14c: {  	_ =	swait.ge [sflag:s15], $0x8000  }
0x14d: {  	[sflag:s15] =	ssyncset.done $0x0  }
0x14e: {  	[sflag:s15] =	ssyncadd.s32 $0xFFFF8000  }
0x14f: {  	v3 =	vld [tilespmem:$0x380];
	_ =	sdelay $0x4  }
0x150: {  	v55 =	vshll.u32 v3, $0x4  }
0x151: {  	v3 =	vand.u32 $0x7, v3;
	v4 =	vand.u32 $0xFFFFFF80, v55  }
0x152: {  	v3 =	vor.u32 v3, v4  }
0x153: {  	v4 =	vperm.xlane v3, v0;
	_ =	sdelay $0x1  }
0x154: {  	v4 =	vadd.s32 v1, v4;
	_ =	sdelay $0x4  }
0x155: {  	[tilespmem:s12], [sflag:$0x2] =	stream.indirect_vreg.gather [hbm4b:s1+s3], $0x80, v4, vm0, $0xb8;
	[tilespmem:$0x18800] =	vst v63  }
0x156: {  	_ = 	snop  }
0x157: {  	[tilespmem:s31], [sflag:$0x2] =	stream.indirect_vreg.gather [hbm4b:s5+s3], $0x80, v4, vm0, $0xb8;
	[tilespmem:$0x18800] =	vst v63  }
0x158: {  	_ = 	snop  }
0x159: {  	[tilespmem:s18], [sflag:$0x2] =	stream.indirect_vreg.gather [hbm4b:s6+s3], $0x80, v4, vm0, $0xb8;
	[tilespmem:$0x18800] =	vst v63  }
0x15a: {  	_ = 	snop  }
0x15b: {  	[tilespmem:s19], [sflag:$0x2] =	stream.indirect_vreg.gather [hbm4b:s7+s3], $0x80, v4, vm0, $0xb8;
	[tilespmem:$0x18800] =	vst v63  }
0x15c: {  	_ = 	snop  }
0x15d: {  	[tilespmem:s17], [sflag:$0x2] =	stream.indirect_vreg.gather [hbm4b:s8+s3], $0x80, v4, vm0, $0xb8;
	[tilespmem:$0x18800] =	vst v63  }
0x15e: {  	v3 =	vperm.xlane v3, v2  }
0x15f: {  	[tilespmem:s30], [sflag:$0x2] =	stream.indirect_vreg.gather [hbm4b:s9+s3], $0x80, v4, vm0, $0xb8;
	[tilespmem:$0x18800] =	vst v63  }
0x160: {  	v3 =	vadd.s32 v1, v3  }
0x161: {  	[tilespmem:s20], [sflag:$0x2] =	stream.indirect_vreg.gather [hbm4b:s10+s3], $0x80, v4, vm0, $0xb8;
	[tilespmem:$0x18800] =	vst v63  }
0x162: {  	_ = 	snop  }
0x163: {  	[tilespmem:s21], [sflag:$0x2] =	stream.indirect_vreg.gather [hbm4b:s11+s3], $0x80, v4, vm0, $0xb8;
	[tilespmem:$0x18800] =	vst v63  }
0x164: {  	_ = 	snop  }
0x165: {  	[tilespmem:s22], [sflag:$0x2] =	stream.indirect_vreg.gather [hbm4b:s1+s3], $0x80, v3, vm0, $0xb8;
	[tilespmem:$0x18800] =	vst v63  }
0x166: {  	_ = 	snop  }
0x167: {  	[tilespmem:s23], [sflag:$0x2] =	stream.indirect_vreg.gather [hbm4b:s5+s3], $0x80, v3, vm0, $0xb8;
	[tilespmem:$0x18800] =	vst v63  }
0x168: {  	_ = 	snop  }
0x169: {  	[tilespmem:s24], [sflag:$0x2] =	stream.indirect_vreg.gather [hbm4b:s6+s3], $0x80, v3, vm0, $0xb8;
	[tilespmem:$0x18800] =	vst v63  }
0x16a: {  	_ = 	snop  }
0x16b: {  	[tilespmem:s25], [sflag:$0x2] =	stream.indirect_vreg.gather [hbm4b:s7+s3], $0x80, v3, vm0, $0xb8;
	[tilespmem:$0x18800] =	vst v63  }
0x16c: {  	_ = 	snop  }
0x16d: {  	[tilespmem:s26], [sflag:$0x2] =	stream.indirect_vreg.gather [hbm4b:s8+s3], $0x80, v3, vm0, $0xb8;
	[tilespmem:$0x18800] =	vst v63  }
0x16e: {  	_ = 	snop  }
0x16f: {  	[tilespmem:s28], [sflag:$0x2] =	stream.indirect_vreg.gather [hbm4b:s9+s3], $0x80, v3, vm0, $0xb8;
	[tilespmem:$0x18800] =	vst v63  }
0x170: {  	_ = 	snop  }
0x171: {  	[tilespmem:s29], [sflag:$0x2] =	stream.indirect_vreg.gather [hbm4b:s10+s3], $0x80, v3, vm0, $0xb8;
	[tilespmem:$0x18800] =	vst v63  }
0x172: {  	s21 =	simm.s32 $0x10000  }
0x173: {  	[tilespmem:s21], [sflag:$0x2] =	stream.indirect_vreg.gather [hbm4b:s11+s3], $0x80, v3, vm0, $0xb8;
	[tilespmem:$0x18800] =	vst v63  }
0x174: {  	s16 =	rddreg [dreg:$0x9]  }
0x175: {  	[hbm4b:s16+s3] =	stream.linear.scatter [tilespmem:s14], [sflag:$0x4], $0x8000, $0x38;
	[tilespmem:$0x18800] =	vst v63  }
0x176: {  	_ =	swait.ge [sflag:s13], $0x8000  }
0x177: {  	[sflag:s13] =	ssyncset.done $0x0  }
0x178: {  	[sflag:s13] =	ssyncadd.s32 $0xFFFF8000  }
0x179: {  	_ =	swait.ge [sflag:s2], $0x8000  }
0x17a: {  	[sflag:s2] =	ssyncset.done $0x0  }
0x17b: {  	[sflag:s2] =	ssyncadd.s32 $0xFFFF8000  }
0x17c: {  	v3 =	vld [tilespmem:$0x400];
	_ =	sdelay $0x4  }
0x17d: {  	v56 =	vshll.u32 v3, $0x4  }
0x17e: {  	v3 =	vand.u32 $0x7, v3;
	v4 =	vand.u32 $0xFFFFFF80, v56  }
0x17f: {  	v3 =	vor.u32 v3, v4  }
0x180: {  	v4 =	vperm.xlane v3, v0;
	_ =	sdelay $0x1  }
0x181: {  	v4 =	vadd.s32 v1, v4;
	_ =	sdelay $0x4  }
0x182: {  	[tilespmem:s14], [sflag:$0x3] =	stream.indirect_vreg.gather [hbm4b:s1+s3], $0x80, v4, vm0, $0xb8;
	[tilespmem:$0x18800] =	vst v63  }
0x183: {  	s21 =	simm.s32 $0x11000  }
0x184: {  	[tilespmem:s21], [sflag:$0x3] =	stream.indirect_vreg.gather [hbm4b:s5+s3], $0x80, v4, vm0, $0xb8;
	[tilespmem:$0x18800] =	vst v63  }
0x185: {  	s20 =	simm.s32 $0x11800  }
0x186: {  	[tilespmem:s20], [sflag:$0x3] =	stream.indirect_vreg.gather [hbm4b:s6+s3], $0x80, v4, vm0, $0xb8;
	[tilespmem:$0x18800] =	vst v63  }
0x187: {  	s21 =	simm.s32 $0x12000  }
0x188: {  	[tilespmem:s21], [sflag:$0x3] =	stream.indirect_vreg.gather [hbm4b:s7+s3], $0x80, v4, vm0, $0xb8;
	[tilespmem:$0x18800] =	vst v63  }
0x189: {  	s20 =	simm.s32 $0x12800  }
0x18a: {  	[tilespmem:s20], [sflag:$0x3] =	stream.indirect_vreg.gather [hbm4b:s8+s3], $0x80, v4, vm0, $0xb8;
	[tilespmem:$0x18800] =	vst v63  }
0x18b: {  	v3 =	vperm.xlane v3, v2;
	s21 =	simm.s32 $0x13000  }
0x18c: {  	[tilespmem:s21], [sflag:$0x3] =	stream.indirect_vreg.gather [hbm4b:s9+s3], $0x80, v4, vm0, $0xb8;
	[tilespmem:$0x18800] =	vst v63  }
0x18d: {  	v3 =	vadd.s32 v1, v3;
	s20 =	simm.s32 $0x13800  }
0x18e: {  	[tilespmem:s20], [sflag:$0x3] =	stream.indirect_vreg.gather [hbm4b:s10+s3], $0x80, v4, vm0, $0xb8;
	[tilespmem:$0x18800] =	vst v63  }
0x18f: {  	s21 =	simm.s32 $0x14000  }
0x190: {  	[tilespmem:s21], [sflag:$0x3] =	stream.indirect_vreg.gather [hbm4b:s11+s3], $0x80, v4, vm0, $0xb8;
	[tilespmem:$0x18800] =	vst v63  }
0x191: {  	s20 =	simm.s32 $0x14800  }
0x192: {  	[tilespmem:s20], [sflag:$0x3] =	stream.indirect_vreg.gather [hbm4b:s1+s3], $0x80, v3, vm0, $0xb8;
	[tilespmem:$0x18800] =	vst v63  }
0x193: {  	s21 =	simm.s32 $0x15000  }
0x194: {  	[tilespmem:s21], [sflag:$0x3] =	stream.indirect_vreg.gather [hbm4b:s5+s3], $0x80, v3, vm0, $0xb8;
	[tilespmem:$0x18800] =	vst v63  }
0x195: {  	s20 =	simm.s32 $0x15800  }
0x196: {  	[tilespmem:s20], [sflag:$0x3] =	stream.indirect_vreg.gather [hbm4b:s6+s3], $0x80, v3, vm0, $0xb8;
	[tilespmem:$0x18800] =	vst v63  }
0x197: {  	s21 =	simm.s32 $0x16000  }
0x198: {  	[tilespmem:s21], [sflag:$0x3] =	stream.indirect_vreg.gather [hbm4b:s7+s3], $0x80, v3, vm0, $0xb8;
	[tilespmem:$0x18800] =	vst v63  }
0x199: {  	s20 =	simm.s32 $0x16800  }
0x19a: {  	[tilespmem:s20], [sflag:$0x3] =	stream.indirect_vreg.gather [hbm4b:s8+s3], $0x80, v3, vm0, $0xb8;
	[tilespmem:$0x18800] =	vst v63  }
0x19b: {  	s21 =	simm.s32 $0x17000  }
0x19c: {  	[tilespmem:s21], [sflag:$0x3] =	stream.indirect_vreg.gather [hbm4b:s9+s3], $0x80, v3, vm0, $0xb8;
	[tilespmem:$0x18800] =	vst v63  }
0x19d: {  	s20 =	simm.s32 $0x17800  }
0x19e: {  	[tilespmem:s20], [sflag:$0x3] =	stream.indirect_vreg.gather [hbm4b:s10+s3], $0x80, v3, vm0, $0xb8;
	[tilespmem:$0x18800] =	vst v63  }
0x19f: {  	s21 =	simm.s32 $0x18000  }
0x1a0: {  	[tilespmem:s21], [sflag:$0x3] =	stream.indirect_vreg.gather [hbm4b:s11+s3], $0x80, v3, vm0, $0xb8;
	[tilespmem:$0x18800] =	vst v63  }
0x1a1: {  	s16 =	rddreg [dreg:$0xa]  }
0x1a2: {  	[hbm4b:s16+s3] =	stream.linear.scatter [tilespmem:s0], [sflag:$0x4], $0x8000, $0x38;
	[tilespmem:$0x18800] =	vst v63  }
0x1a3: {  	_ =	swait.ge [sflag:s13], $0x8000  }
0x1a4: {  	[sflag:s13] =	ssyncset.done $0x0  }
0x1a5: {  	[sflag:s13] =	ssyncadd.s32 $0xFFFF8000  }
0x1a6: {  	_ =	swait.ge [sflag:s4], $0x8000  }
0x1a7: {  	[sflag:s4] =	ssyncset.done $0x0  }
0x1a8: {  	[sflag:s4] =	ssyncadd.s32 $0xFFFF8000  }
0x1a9: {  	v3 =	vld [tilespmem:$0x480];
	_ =	sdelay $0x4  }
0x1aa: {  	v57 =	vshll.u32 v3, $0x4  }
0x1ab: {  	v3 =	vand.u32 $0x7, v3;
	v4 =	vand.u32 $0xFFFFFF80, v57  }
0x1ac: {  	v3 =	vor.u32 v3, v4  }
0x1ad: {  	v4 =	vperm.xlane v3, v0;
	_ =	sdelay $0x1  }
0x1ae: {  	v4 =	vadd.s32 v1, v4;
	_ =	sdelay $0x4  }
0x1af: {  	[tilespmem:s0], [sflag:$0x1] =	stream.indirect_vreg.gather [hbm4b:s1+s3], $0x80, v4, vm0, $0xb8;
	[tilespmem:$0x18800] =	vst v63  }
0x1b0: {  	s21 =	simm.s32 $0x1000  }
0x1b1: {  	[tilespmem:s21], [sflag:$0x1] =	stream.indirect_vreg.gather [hbm4b:s5+s3], $0x80, v4, vm0, $0xb8;
	[tilespmem:$0x18800] =	vst v63  }
0x1b2: {  	s20 =	simm.s32 $0x1800  }
0x1b3: {  	[tilespmem:s20], [sflag:$0x1] =	stream.indirect_vreg.gather [hbm4b:s6+s3], $0x80, v4, vm0, $0xb8;
	[tilespmem:$0x18800] =	vst v63  }
0x1b4: {  	s21 =	simm.s32 $0x2000  }
0x1b5: {  	[tilespmem:s21], [sflag:$0x1] =	stream.indirect_vreg.gather [hbm4b:s7+s3], $0x80, v4, vm0, $0xb8;
	[tilespmem:$0x18800] =	vst v63  }
0x1b6: {  	s20 =	simm.s32 $0x2800  }
0x1b7: {  	[tilespmem:s20], [sflag:$0x1] =	stream.indirect_vreg.gather [hbm4b:s8+s3], $0x80, v4, vm0, $0xb8;
	[tilespmem:$0x18800] =	vst v63  }
0x1b8: {  	v3 =	vperm.xlane v3, v2;
	s21 =	simm.s32 $0x3000  }
0x1b9: {  	[tilespmem:s21], [sflag:$0x1] =	stream.indirect_vreg.gather [hbm4b:s9+s3], $0x80, v4, vm0, $0xb8;
	[tilespmem:$0x18800] =	vst v63  }
0x1ba: {  	v3 =	vadd.s32 v1, v3;
	s20 =	simm.s32 $0x3800  }
0x1bb: {  	[tilespmem:s20], [sflag:$0x1] =	stream.indirect_vreg.gather [hbm4b:s10+s3], $0x80, v4, vm0, $0xb8;
	[tilespmem:$0x18800] =	vst v63  }
0x1bc: {  	s21 =	simm.s32 $0x4000  }
0x1bd: {  	[tilespmem:s21], [sflag:$0x1] =	stream.indirect_vreg.gather [hbm4b:s11+s3], $0x80, v4, vm0, $0xb8;
	[tilespmem:$0x18800] =	vst v63  }
0x1be: {  	s20 =	simm.s32 $0x4800  }
0x1bf: {  	[tilespmem:s20], [sflag:$0x1] =	stream.indirect_vreg.gather [hbm4b:s1+s3], $0x80, v3, vm0, $0xb8;
	[tilespmem:$0x18800] =	vst v63  }
0x1c0: {  	s21 =	simm.s32 $0x5000  }
0x1c1: {  	[tilespmem:s21], [sflag:$0x1] =	stream.indirect_vreg.gather [hbm4b:s5+s3], $0x80, v3, vm0, $0xb8;
	[tilespmem:$0x18800] =	vst v63  }
0x1c2: {  	s20 =	simm.s32 $0x5800  }
0x1c3: {  	[tilespmem:s20], [sflag:$0x1] =	stream.indirect_vreg.gather [hbm4b:s6+s3], $0x80, v3, vm0, $0xb8;
	[tilespmem:$0x18800] =	vst v63  }
0x1c4: {  	s21 =	simm.s32 $0x6000  }
0x1c5: {  	[tilespmem:s21], [sflag:$0x1] =	stream.indirect_vreg.gather [hbm4b:s7+s3], $0x80, v3, vm0, $0xb8;
	[tilespmem:$0x18800] =	vst v63  }
0x1c6: {  	s20 =	simm.s32 $0x6800  }
0x1c7: {  	[tilespmem:s20], [sflag:$0x1] =	stream.indirect_vreg.gather [hbm4b:s8+s3], $0x80, v3, vm0, $0xb8;
	[tilespmem:$0x18800] =	vst v63  }
0x1c8: {  	s21 =	simm.s32 $0x7000  }
0x1c9: {  	[tilespmem:s21], [sflag:$0x1] =	stream.indirect_vreg.gather [hbm4b:s9+s3], $0x80, v3, vm0, $0xb8;
	[tilespmem:$0x18800] =	vst v63  }
0x1ca: {  	s20 =	simm.s32 $0x7800  }
0x1cb: {  	[tilespmem:s20], [sflag:$0x1] =	stream.indirect_vreg.gather [hbm4b:s10+s3], $0x80, v3, vm0, $0xb8;
	[tilespmem:$0x18800] =	vst v63  }
0x1cc: {  	s21 =	simm.s32 $0x8000  }
0x1cd: {  	[tilespmem:s21], [sflag:$0x1] =	stream.indirect_vreg.gather [hbm4b:s11+s3], $0x80, v3, vm0, $0xb8;
	[tilespmem:$0x18800] =	vst v63  }
0x1ce: {  	s12 =	simm.s32 $0x8800;
	s16 =	rddreg [dreg:$0xb]  }
0x1cf: {  	[hbm4b:s16+s3] =	stream.linear.scatter [tilespmem:s12], [sflag:$0x4], $0x8000, $0x38;
	[tilespmem:$0x18800] =	vst v63  }
0x1d0: {  	_ =	swait.ge [sflag:s13], $0x8000  }
0x1d1: {  	[sflag:s13] =	ssyncset.done $0x0  }
0x1d2: {  	[sflag:s13] =	ssyncadd.s32 $0xFFFF8000  }
0x1d3: {  	_ =	swait.ge [sflag:s15], $0x8000  }
0x1d4: {  	[sflag:s15] =	ssyncset.done $0x0  }
0x1d5: {  	[sflag:s15] =	ssyncadd.s32 $0xFFFF8000  }
0x1d6: {  	v3 =	vld [tilespmem:$0x500];
	_ =	sdelay $0x4  }
0x1d7: {  	v58 =	vshll.u32 v3, $0x4  }
0x1d8: {  	v3 =	vand.u32 $0x7, v3;
	v4 =	vand.u32 $0xFFFFFF80, v58  }
0x1d9: {  	v3 =	vor.u32 v3, v4  }
0x1da: {  	v4 =	vperm.xlane v3, v0;
	_ =	sdelay $0x1  }
0x1db: {  	v4 =	vadd.s32 v1, v4;
	_ =	sdelay $0x4  }
0x1dc: {  	[tilespmem:s12], [sflag:$0x2] =	stream.indirect_vreg.gather [hbm4b:s1+s3], $0x80, v4, vm0, $0xb8;
	[tilespmem:$0x18800] =	vst v63  }
0x1dd: {  	s16 =	simm.s32 $0x9000  }
0x1de: {  	[tilespmem:s16], [sflag:$0x2] =	stream.indirect_vreg.gather [hbm4b:s5+s3], $0x80, v4, vm0, $0xb8;
	[tilespmem:$0x18800] =	vst v63  }
0x1df: {  	s18 =	simm.s32 $0x9800  }
0x1e0: {  	[tilespmem:s18], [sflag:$0x2] =	stream.indirect_vreg.gather [hbm4b:s6+s3], $0x80, v4, vm0, $0xb8;
	[tilespmem:$0x18800] =	vst v63  }
0x1e1: {  	s19 =	simm.s32 $0xA000  }
0x1e2: {  	[tilespmem:s19], [sflag:$0x2] =	stream.indirect_vreg.gather [hbm4b:s7+s3], $0x80, v4, vm0, $0xb8;
	[tilespmem:$0x18800] =	vst v63  }
0x1e3: {  	s31 =	simm.s32 $0xA800  }
0x1e4: {  	[tilespmem:s31], [sflag:$0x2] =	stream.indirect_vreg.gather [hbm4b:s8+s3], $0x80, v4, vm0, $0xb8;
	[tilespmem:$0x18800] =	vst v63  }
0x1e5: {  	v3 =	vperm.xlane v3, v2;
	s19 =	simm.s32 $0xB000  }
0x1e6: {  	[tilespmem:s19], [sflag:$0x2] =	stream.indirect_vreg.gather [hbm4b:s9+s3], $0x80, v4, vm0, $0xb8;
	[tilespmem:$0x18800] =	vst v63  }
0x1e7: {  	s17 =	simm.s32 $0xB800;
	v3 =	vadd.s32 v1, v3  }
0x1e8: {  	[tilespmem:s17], [sflag:$0x2] =	stream.indirect_vreg.gather [hbm4b:s10+s3], $0x80, v4, vm0, $0xb8;
	[tilespmem:$0x18800] =	vst v63  }
0x1e9: {  	s30 =	simm.s32 $0xC000  }
0x1ea: {  	[tilespmem:s30], [sflag:$0x2] =	stream.indirect_vreg.gather [hbm4b:s11+s3], $0x80, v4, vm0, $0xb8;
	[tilespmem:$0x18800] =	vst v63  }
0x1eb: {  	s22 =	simm.s32 $0xC800  }
0x1ec: {  	[tilespmem:s22], [sflag:$0x2] =	stream.indirect_vreg.gather [hbm4b:s1+s3], $0x80, v3, vm0, $0xb8;
	[tilespmem:$0x18800] =	vst v63  }
0x1ed: {  	s23 =	simm.s32 $0xD000  }
0x1ee: {  	[tilespmem:s23], [sflag:$0x2] =	stream.indirect_vreg.gather [hbm4b:s5+s3], $0x80, v3, vm0, $0xb8;
	[tilespmem:$0x18800] =	vst v63  }
0x1ef: {  	s24 =	simm.s32 $0xD800  }
0x1f0: {  	[tilespmem:s24], [sflag:$0x2] =	stream.indirect_vreg.gather [hbm4b:s6+s3], $0x80, v3, vm0, $0xb8;
	[tilespmem:$0x18800] =	vst v63  }
0x1f1: {  	s25 =	simm.s32 $0xE000  }
0x1f2: {  	[tilespmem:s25], [sflag:$0x2] =	stream.indirect_vreg.gather [hbm4b:s7+s3], $0x80, v3, vm0, $0xb8;
	[tilespmem:$0x18800] =	vst v63  }
0x1f3: {  	s26 =	simm.s32 $0xE800  }
0x1f4: {  	[tilespmem:s26], [sflag:$0x2] =	stream.indirect_vreg.gather [hbm4b:s8+s3], $0x80, v3, vm0, $0xb8;
	[tilespmem:$0x18800] =	vst v63  }
0x1f5: {  	s28 =	simm.s32 $0xF000  }
0x1f6: {  	[tilespmem:s28], [sflag:$0x2] =	stream.indirect_vreg.gather [hbm4b:s9+s3], $0x80, v3, vm0, $0xb8;
	[tilespmem:$0x18800] =	vst v63  }
0x1f7: {  	s29 =	simm.s32 $0xF800  }
0x1f8: {  	[tilespmem:s29], [sflag:$0x2] =	stream.indirect_vreg.gather [hbm4b:s10+s3], $0x80, v3, vm0, $0xb8;
	[tilespmem:$0x18800] =	vst v63  }
0x1f9: {  	s29 =	simm.s32 $0x10000  }
0x1fa: {  	[tilespmem:s29], [sflag:$0x2] =	stream.indirect_vreg.gather [hbm4b:s11+s3], $0x80, v3, vm0, $0xb8;
	[tilespmem:$0x18800] =	vst v63  }
0x1fb: {  	s16 =	rddreg [dreg:$0xc]  }
0x1fc: {  	[hbm4b:s16+s3] =	stream.linear.scatter [tilespmem:s14], [sflag:$0x4], $0x8000, $0x38;
	[tilespmem:$0x18800] =	vst v63  }
0x1fd: {  	_ =	swait.ge [sflag:s13], $0x8000  }
0x1fe: {  	[sflag:s13] =	ssyncset.done $0x0  }
0x1ff: {  	[sflag:s13] =	ssyncadd.s32 $0xFFFF8000  }
0x200: {  	_ =	swait.ge [sflag:s2], $0x8000  }
0x201: {  	[sflag:s2] =	ssyncset.done $0x0  }
0x202: {  	[sflag:s2] =	ssyncadd.s32 $0xFFFF8000  }
0x203: {  	v3 =	vld [tilespmem:$0x580];
	_ =	sdelay $0x4  }
0x204: {  	v59 =	vshll.u32 v3, $0x4  }
0x205: {  	v3 =	vand.u32 $0x7, v3;
	v4 =	vand.u32 $0xFFFFFF80, v59  }
0x206: {  	v3 =	vor.u32 v3, v4  }
0x207: {  	v4 =	vperm.xlane v3, v0;
	_ =	sdelay $0x1  }
0x208: {  	v4 =	vadd.s32 v1, v4;
	_ =	sdelay $0x4  }
0x209: {  	[tilespmem:s14], [sflag:$0x3] =	stream.indirect_vreg.gather [hbm4b:s1+s3], $0x80, v4, vm0, $0xb8;
	[tilespmem:$0x18800] =	vst v63  }
0x20a: {  	s29 =	simm.s32 $0x11000  }
0x20b: {  	[tilespmem:s29], [sflag:$0x3] =	stream.indirect_vreg.gather [hbm4b:s5+s3], $0x80, v4, vm0, $0xb8;
	[tilespmem:$0x18800] =	vst v63  }
0x20c: {  	s29 =	simm.s32 $0x11800  }
0x20d: {  	[tilespmem:s29], [sflag:$0x3] =	stream.indirect_vreg.gather [hbm4b:s6+s3], $0x80, v4, vm0, $0xb8;
	[tilespmem:$0x18800] =	vst v63  }
0x20e: {  	s29 =	simm.s32 $0x12000  }
0x20f: {  	[tilespmem:s29], [sflag:$0x3] =	stream.indirect_vreg.gather [hbm4b:s7+s3], $0x80, v4, vm0, $0xb8;
	[tilespmem:$0x18800] =	vst v63  }
0x210: {  	s29 =	simm.s32 $0x12800  }
0x211: {  	[tilespmem:s29], [sflag:$0x3] =	stream.indirect_vreg.gather [hbm4b:s8+s3], $0x80, v4, vm0, $0xb8;
	[tilespmem:$0x18800] =	vst v63  }
0x212: {  	v3 =	vperm.xlane v3, v2;
	s29 =	simm.s32 $0x13000  }
0x213: {  	[tilespmem:s29], [sflag:$0x3] =	stream.indirect_vreg.gather [hbm4b:s9+s3], $0x80, v4, vm0, $0xb8;
	[tilespmem:$0x18800] =	vst v63  }
0x214: {  	v3 =	vadd.s32 v1, v3;
	s29 =	simm.s32 $0x13800  }
0x215: {  	[tilespmem:s29], [sflag:$0x3] =	stream.indirect_vreg.gather [hbm4b:s10+s3], $0x80, v4, vm0, $0xb8;
	[tilespmem:$0x18800] =	vst v63  }
0x216: {  	s29 =	simm.s32 $0x14000  }
0x217: {  	[tilespmem:s29], [sflag:$0x3] =	stream.indirect_vreg.gather [hbm4b:s11+s3], $0x80, v4, vm0, $0xb8;
	[tilespmem:$0x18800] =	vst v63  }
0x218: {  	s29 =	simm.s32 $0x14800  }
0x219: {  	[tilespmem:s29], [sflag:$0x3] =	stream.indirect_vreg.gather [hbm4b:s1+s3], $0x80, v3, vm0, $0xb8;
	[tilespmem:$0x18800] =	vst v63  }
0x21a: {  	s29 =	simm.s32 $0x15000  }
0x21b: {  	[tilespmem:s29], [sflag:$0x3] =	stream.indirect_vreg.gather [hbm4b:s5+s3], $0x80, v3, vm0, $0xb8;
	[tilespmem:$0x18800] =	vst v63  }
0x21c: {  	s29 =	simm.s32 $0x15800  }
0x21d: {  	[tilespmem:s29], [sflag:$0x3] =	stream.indirect_vreg.gather [hbm4b:s6+s3], $0x80, v3, vm0, $0xb8;
	[tilespmem:$0x18800] =	vst v63  }
0x21e: {  	s29 =	simm.s32 $0x16000  }
0x21f: {  	[tilespmem:s29], [sflag:$0x3] =	stream.indirect_vreg.gather [hbm4b:s7+s3], $0x80, v3, vm0, $0xb8;
	[tilespmem:$0x18800] =	vst v63  }
0x220: {  	s29 =	simm.s32 $0x16800  }
0x221: {  	[tilespmem:s29], [sflag:$0x3] =	stream.indirect_vreg.gather [hbm4b:s8+s3], $0x80, v3, vm0, $0xb8;
	[tilespmem:$0x18800] =	vst v63  }
0x222: {  	s29 =	simm.s32 $0x17000  }
0x223: {  	[tilespmem:s29], [sflag:$0x3] =	stream.indirect_vreg.gather [hbm4b:s9+s3], $0x80, v3, vm0, $0xb8;
	[tilespmem:$0x18800] =	vst v63  }
0x224: {  	s29 =	simm.s32 $0x17800  }
0x225: {  	[tilespmem:s29], [sflag:$0x3] =	stream.indirect_vreg.gather [hbm4b:s10+s3], $0x80, v3, vm0, $0xb8;
	[tilespmem:$0x18800] =	vst v63  }
0x226: {  	s29 =	simm.s32 $0x18000  }
0x227: {  	[tilespmem:s29], [sflag:$0x3] =	stream.indirect_vreg.gather [hbm4b:s11+s3], $0x80, v3, vm0, $0xb8;
	[tilespmem:$0x18800] =	vst v63  }
0x228: {  	s16 =	rddreg [dreg:$0xd]  }
0x229: {  	[hbm4b:s16+s3] =	stream.linear.scatter [tilespmem:s0], [sflag:$0x4], $0x8000, $0x38;
	[tilespmem:$0x18800] =	vst v63  }
0x22a: {  	_ =	swait.ge [sflag:s13], $0x8000  }
0x22b: {  	[sflag:s13] =	ssyncset.done $0x0  }
0x22c: {  	[sflag:s13] =	ssyncadd.s32 $0xFFFF8000  }
0x22d: {  	_ =	swait.ge [sflag:s4], $0x8000  }
0x22e: {  	[sflag:s4] =	ssyncset.done $0x0  }
0x22f: {  	[sflag:s4] =	ssyncadd.s32 $0xFFFF8000  }
0x230: {  	v3 =	vld [tilespmem:$0x600];
	_ =	sdelay $0x4  }
0x231: {  	v60 =	vshll.u32 v3, $0x4  }
0x232: {  	v3 =	vand.u32 $0x7, v3;
	v4 =	vand.u32 $0xFFFFFF80, v60  }
0x233: {  	v3 =	vor.u32 v3, v4  }
0x234: {  	v4 =	vperm.xlane v3, v0;
	_ =	sdelay $0x1  }
0x235: {  	v4 =	vadd.s32 v1, v4;
	_ =	sdelay $0x4  }
0x236: {  	[tilespmem:s0], [sflag:$0x1] =	stream.indirect_vreg.gather [hbm4b:s1+s3], $0x80, v4, vm0, $0xb8;
	[tilespmem:$0x18800] =	vst v63  }
0x237: {  	s29 =	simm.s32 $0x1000  }
0x238: {  	[tilespmem:s29], [sflag:$0x1] =	stream.indirect_vreg.gather [hbm4b:s5+s3], $0x80, v4, vm0, $0xb8;
	[tilespmem:$0x18800] =	vst v63  }
0x239: {  	s29 =	simm.s32 $0x1800  }
0x23a: {  	[tilespmem:s29], [sflag:$0x1] =	stream.indirect_vreg.gather [hbm4b:s6+s3], $0x80, v4, vm0, $0xb8;
	[tilespmem:$0x18800] =	vst v63  }
0x23b: {  	s29 =	simm.s32 $0x2000  }
0x23c: {  	[tilespmem:s29], [sflag:$0x1] =	stream.indirect_vreg.gather [hbm4b:s7+s3], $0x80, v4, vm0, $0xb8;
	[tilespmem:$0x18800] =	vst v63  }
0x23d: {  	s29 =	simm.s32 $0x2800  }
0x23e: {  	[tilespmem:s29], [sflag:$0x1] =	stream.indirect_vreg.gather [hbm4b:s8+s3], $0x80, v4, vm0, $0xb8;
	[tilespmem:$0x18800] =	vst v63  }
0x23f: {  	v3 =	vperm.xlane v3, v2;
	s29 =	simm.s32 $0x3000  }
0x240: {  	[tilespmem:s29], [sflag:$0x1] =	stream.indirect_vreg.gather [hbm4b:s9+s3], $0x80, v4, vm0, $0xb8;
	[tilespmem:$0x18800] =	vst v63  }
0x241: {  	v3 =	vadd.s32 v1, v3;
	s29 =	simm.s32 $0x3800  }
0x242: {  	[tilespmem:s29], [sflag:$0x1] =	stream.indirect_vreg.gather [hbm4b:s10+s3], $0x80, v4, vm0, $0xb8;
	[tilespmem:$0x18800] =	vst v63  }
0x243: {  	s29 =	simm.s32 $0x4000  }
0x244: {  	[tilespmem:s29], [sflag:$0x1] =	stream.indirect_vreg.gather [hbm4b:s11+s3], $0x80, v4, vm0, $0xb8;
	[tilespmem:$0x18800] =	vst v63  }
0x245: {  	s29 =	simm.s32 $0x4800  }
0x246: {  	[tilespmem:s29], [sflag:$0x1] =	stream.indirect_vreg.gather [hbm4b:s1+s3], $0x80, v3, vm0, $0xb8;
	[tilespmem:$0x18800] =	vst v63  }
0x247: {  	s29 =	simm.s32 $0x5000  }
0x248: {  	[tilespmem:s29], [sflag:$0x1] =	stream.indirect_vreg.gather [hbm4b:s5+s3], $0x80, v3, vm0, $0xb8;
	[tilespmem:$0x18800] =	vst v63  }
0x249: {  	s29 =	simm.s32 $0x5800  }
0x24a: {  	[tilespmem:s29], [sflag:$0x1] =	stream.indirect_vreg.gather [hbm4b:s6+s3], $0x80, v3, vm0, $0xb8;
	[tilespmem:$0x18800] =	vst v63  }
0x24b: {  	s29 =	simm.s32 $0x6000  }
0x24c: {  	[tilespmem:s29], [sflag:$0x1] =	stream.indirect_vreg.gather [hbm4b:s7+s3], $0x80, v3, vm0, $0xb8;
	[tilespmem:$0x18800] =	vst v63  }
0x24d: {  	s29 =	simm.s32 $0x6800  }
0x24e: {  	[tilespmem:s29], [sflag:$0x1] =	stream.indirect_vreg.gather [hbm4b:s8+s3], $0x80, v3, vm0, $0xb8;
	[tilespmem:$0x18800] =	vst v63  }
0x24f: {  	s29 =	simm.s32 $0x7000  }
0x250: {  	[tilespmem:s29], [sflag:$0x1] =	stream.indirect_vreg.gather [hbm4b:s9+s3], $0x80, v3, vm0, $0xb8;
	[tilespmem:$0x18800] =	vst v63  }
0x251: {  	s29 =	simm.s32 $0x7800  }
0x252: {  	[tilespmem:s29], [sflag:$0x1] =	stream.indirect_vreg.gather [hbm4b:s10+s3], $0x80, v3, vm0, $0xb8;
	[tilespmem:$0x18800] =	vst v63  }
0x253: {  	s29 =	simm.s32 $0x8000  }
0x254: {  	[tilespmem:s29], [sflag:$0x1] =	stream.indirect_vreg.gather [hbm4b:s11+s3], $0x80, v3, vm0, $0xb8;
	[tilespmem:$0x18800] =	vst v63  }
0x255: {  	s16 =	rddreg [dreg:$0xe];
	s29 =	simm.s32 $0x8800  }
0x256: {  	[hbm4b:s16+s3] =	stream.linear.scatter [tilespmem:s29], [sflag:$0x4], $0x8000, $0x38;
	[tilespmem:$0x18800] =	vst v63  }
0x257: {  	_ =	swait.ge [sflag:s13], $0x8000  }
0x258: {  	[sflag:s13] =	ssyncset.done $0x0  }
0x259: {  	[sflag:s13] =	ssyncadd.s32 $0xFFFF8000  }
0x25a: {  	_ =	swait.ge [sflag:s15], $0x8000  }
0x25b: {  	[sflag:s15] =	ssyncset.done $0x0  }
0x25c: {  	[sflag:s15] =	ssyncadd.s32 $0xFFFF8000  }
0x25d: {  	v3 =	vld [tilespmem:$0x680];
	_ =	sdelay $0x4  }
0x25e: {  	v61 =	vshll.u32 v3, $0x4  }
0x25f: {  	v3 =	vand.u32 $0x7, v3;
	v4 =	vand.u32 $0xFFFFFF80, v61  }
0x260: {  	v3 =	vor.u32 v3, v4  }
0x261: {  	v4 =	vperm.xlane v3, v0;
	_ =	sdelay $0x1  }
0x262: {  	v4 =	vadd.s32 v1, v4;
	_ =	sdelay $0x4  }
0x263: {  	[tilespmem:s29], [sflag:$0x2] =	stream.indirect_vreg.gather [hbm4b:s1+s3], $0x80, v4, vm0, $0xb8;
	[tilespmem:$0x18800] =	vst v63  }
0x264: {  	s21 =	simm.s32 $0x9000  }
0x265: {  	[tilespmem:s21], [sflag:$0x2] =	stream.indirect_vreg.gather [hbm4b:s5+s3], $0x80, v4, vm0, $0xb8;
	[tilespmem:$0x18800] =	vst v63  }
0x266: {  	s12 =	simm.s32 $0x9800  }
0x267: {  	[tilespmem:s12], [sflag:$0x2] =	stream.indirect_vreg.gather [hbm4b:s6+s3], $0x80, v4, vm0, $0xb8;
	[tilespmem:$0x18800] =	vst v63  }
0x268: {  	s18 =	simm.s32 $0xA000  }
0x269: {  	[tilespmem:s18], [sflag:$0x2] =	stream.indirect_vreg.gather [hbm4b:s7+s3], $0x80, v4, vm0, $0xb8;
	[tilespmem:$0x18800] =	vst v63  }
0x26a: {  	s20 =	simm.s32 $0xA800  }
0x26b: {  	[tilespmem:s20], [sflag:$0x2] =	stream.indirect_vreg.gather [hbm4b:s8+s3], $0x80, v4, vm0, $0xb8;
	[tilespmem:$0x18800] =	vst v63  }
0x26c: {  	s31 =	simm.s32 $0xB000;
	v3 =	vperm.xlane v3, v2  }
0x26d: {  	[tilespmem:s31], [sflag:$0x2] =	stream.indirect_vreg.gather [hbm4b:s9+s3], $0x80, v4, vm0, $0xb8;
	[tilespmem:$0x18800] =	vst v63  }
0x26e: {  	s19 =	simm.s32 $0xB800;
	v3 =	vadd.s32 v1, v3  }
0x26f: {  	[tilespmem:s19], [sflag:$0x2] =	stream.indirect_vreg.gather [hbm4b:s10+s3], $0x80, v4, vm0, $0xb8;
	[tilespmem:$0x18800] =	vst v63  }
0x270: {  	s17 =	simm.s32 $0xC000  }
0x271: {  	[tilespmem:s17], [sflag:$0x2] =	stream.indirect_vreg.gather [hbm4b:s11+s3], $0x80, v4, vm0, $0xb8;
	[tilespmem:$0x18800] =	vst v63  }
0x272: {  	s30 =	simm.s32 $0xC800  }
0x273: {  	[tilespmem:s30], [sflag:$0x2] =	stream.indirect_vreg.gather [hbm4b:s1+s3], $0x80, v3, vm0, $0xb8;
	[tilespmem:$0x18800] =	vst v63  }
0x274: {  	s22 =	simm.s32 $0xD000  }
0x275: {  	[tilespmem:s22], [sflag:$0x2] =	stream.indirect_vreg.gather [hbm4b:s5+s3], $0x80, v3, vm0, $0xb8;
	[tilespmem:$0x18800] =	vst v63  }
0x276: {  	s23 =	simm.s32 $0xD800  }
0x277: {  	[tilespmem:s23], [sflag:$0x2] =	stream.indirect_vreg.gather [hbm4b:s6+s3], $0x80, v3, vm0, $0xb8;
	[tilespmem:$0x18800] =	vst v63  }
0x278: {  	s24 =	simm.s32 $0xE000  }
0x279: {  	[tilespmem:s24], [sflag:$0x2] =	stream.indirect_vreg.gather [hbm4b:s7+s3], $0x80, v3, vm0, $0xb8;
	[tilespmem:$0x18800] =	vst v63  }
0x27a: {  	s25 =	simm.s32 $0xE800  }
0x27b: {  	[tilespmem:s25], [sflag:$0x2] =	stream.indirect_vreg.gather [hbm4b:s8+s3], $0x80, v3, vm0, $0xb8;
	[tilespmem:$0x18800] =	vst v63  }
0x27c: {  	s26 =	simm.s32 $0xF000  }
0x27d: {  	[tilespmem:s26], [sflag:$0x2] =	stream.indirect_vreg.gather [hbm4b:s9+s3], $0x80, v3, vm0, $0xb8;
	[tilespmem:$0x18800] =	vst v63  }
0x27e: {  	s28 =	simm.s32 $0xF800  }
0x27f: {  	[tilespmem:s28], [sflag:$0x2] =	stream.indirect_vreg.gather [hbm4b:s10+s3], $0x80, v3, vm0, $0xb8;
	[tilespmem:$0x18800] =	vst v63  }
0x280: {  	s23 =	simm.s32 $0x10000  }
0x281: {  	[tilespmem:s23], [sflag:$0x2] =	stream.indirect_vreg.gather [hbm4b:s11+s3], $0x80, v3, vm0, $0xb8;
	[tilespmem:$0x18800] =	vst v63  }
0x282: {  	s22 =	rddreg [dreg:$0xf]  }
0x283: {  	[hbm4b:s22+s3] =	stream.linear.scatter [tilespmem:s14], [sflag:$0x4], $0x8000, $0x38;
	[tilespmem:$0x18800] =	vst v63  }
0x284: {  	_ =	swait.ge [sflag:s13], $0x8000  }
0x285: {  	[sflag:s13] =	ssyncset.done $0x0  }
0x286: {  	[sflag:s13] =	ssyncadd.s32 $0xFFFF8000  }
0x287: {  	_ =	swait.ge [sflag:s2], $0x8000  }
0x288: {  	[sflag:s2] =	ssyncset.done $0x0  }
0x289: {  	[sflag:s2] =	ssyncadd.s32 $0xFFFF8000  }
0x28a: {  	v3 =	vld [tilespmem:$0x700];
	_ =	sdelay $0x4  }
0x28b: {  	v62 =	vshll.u32 v3, $0x4  }
0x28c: {  	v3 =	vand.u32 $0x7, v3;
	v4 =	vand.u32 $0xFFFFFF80, v62  }
0x28d: {  	v3 =	vor.u32 v3, v4  }
0x28e: {  	v4 =	vperm.xlane v3, v0;
	_ =	sdelay $0x1  }
0x28f: {  	v4 =	vadd.s32 v1, v4;
	_ =	sdelay $0x4  }
0x290: {  	[tilespmem:s14], [sflag:$0x3] =	stream.indirect_vreg.gather [hbm4b:s1+s3], $0x80, v4, vm0, $0xb8;
	[tilespmem:$0x18800] =	vst v63  }
0x291: {  	s24 =	simm.s32 $0x11000  }
0x292: {  	[tilespmem:s24], [sflag:$0x3] =	stream.indirect_vreg.gather [hbm4b:s5+s3], $0x80, v4, vm0, $0xb8;
	[tilespmem:$0x18800] =	vst v63  }
0x293: {  	s25 =	simm.s32 $0x11800  }
0x294: {  	[tilespmem:s25], [sflag:$0x3] =	stream.indirect_vreg.gather [hbm4b:s6+s3], $0x80, v4, vm0, $0xb8;
	[tilespmem:$0x18800] =	vst v63  }
0x295: {  	s26 =	simm.s32 $0x12000  }
0x296: {  	[tilespmem:s26], [sflag:$0x3] =	stream.indirect_vreg.gather [hbm4b:s7+s3], $0x80, v4, vm0, $0xb8;
	[tilespmem:$0x18800] =	vst v63  }
0x297: {  	s28 =	simm.s32 $0x12800  }
0x298: {  	[tilespmem:s28], [sflag:$0x3] =	stream.indirect_vreg.gather [hbm4b:s8+s3], $0x80, v4, vm0, $0xb8;
	[tilespmem:$0x18800] =	vst v63  }
0x299: {  	s30 =	simm.s32 $0x13000;
	v3 =	vperm.xlane v3, v2  }
0x29a: {  	[tilespmem:s30], [sflag:$0x3] =	stream.indirect_vreg.gather [hbm4b:s9+s3], $0x80, v4, vm0, $0xb8;
	[tilespmem:$0x18800] =	vst v63  }
0x29b: {  	s31 =	simm.s32 $0x13800;
	v3 =	vadd.s32 v1, v3  }
0x29c: {  	[tilespmem:s31], [sflag:$0x3] =	stream.indirect_vreg.gather [hbm4b:s10+s3], $0x80, v4, vm0, $0xb8;
	[tilespmem:$0x18800] =	vst v63  }
0x29d: {  	s16 =	simm.s32 $0x14000  }
0x29e: {  	[tilespmem:s16], [sflag:$0x3] =	stream.indirect_vreg.gather [hbm4b:s11+s3], $0x80, v4, vm0, $0xb8;
	[tilespmem:$0x18800] =	vst v63  }
0x29f: {  	s17 =	simm.s32 $0x14800  }
0x2a0: {  	[tilespmem:s17], [sflag:$0x3] =	stream.indirect_vreg.gather [hbm4b:s1+s3], $0x80, v3, vm0, $0xb8;
	[tilespmem:$0x18800] =	vst v63  }
0x2a1: {  	s18 =	simm.s32 $0x15000  }
0x2a2: {  	[tilespmem:s18], [sflag:$0x3] =	stream.indirect_vreg.gather [hbm4b:s5+s3], $0x80, v3, vm0, $0xb8;
	[tilespmem:$0x18800] =	vst v63  }
0x2a3: {  	s19 =	simm.s32 $0x15800  }
0x2a4: {  	[tilespmem:s19], [sflag:$0x3] =	stream.indirect_vreg.gather [hbm4b:s6+s3], $0x80, v3, vm0, $0xb8;
	[tilespmem:$0x18800] =	vst v63  }
0x2a5: {  	s20 =	simm.s32 $0x16000  }
0x2a6: {  	[tilespmem:s20], [sflag:$0x3] =	stream.indirect_vreg.gather [hbm4b:s7+s3], $0x80, v3, vm0, $0xb8;
	[tilespmem:$0x18800] =	vst v63  }
0x2a7: {  	s21 =	simm.s32 $0x16800  }
0x2a8: {  	[tilespmem:s21], [sflag:$0x3] =	stream.indirect_vreg.gather [hbm4b:s8+s3], $0x80, v3, vm0, $0xb8;
	[tilespmem:$0x18800] =	vst v63  }
0x2a9: {  	s22 =	simm.s32 $0x17000  }
0x2aa: {  	[tilespmem:s22], [sflag:$0x3] =	stream.indirect_vreg.gather [hbm4b:s9+s3], $0x80, v3, vm0, $0xb8;
	[tilespmem:$0x18800] =	vst v63  }
0x2ab: {  	s23 =	simm.s32 $0x17800  }
0x2ac: {  	[tilespmem:s23], [sflag:$0x3] =	stream.indirect_vreg.gather [hbm4b:s10+s3], $0x80, v3, vm0, $0xb8;
	[tilespmem:$0x18800] =	vst v63  }
0x2ad: {  	s25 =	simm.s32 $0x18000  }
0x2ae: {  	[tilespmem:s25], [sflag:$0x3] =	stream.indirect_vreg.gather [hbm4b:s11+s3], $0x80, v3, vm0, $0xb8;
	[tilespmem:$0x18800] =	vst v63  }
0x2af: {  	s24 =	rddreg [dreg:$0x10]  }
0x2b0: {  	[hbm4b:s24+s3] =	stream.linear.scatter [tilespmem:s0], [sflag:$0x4], $0x8000, $0x38;
	[tilespmem:$0x18800] =	vst v63  }
0x2b1: {  	_ =	swait.ge [sflag:s13], $0x8000  }
0x2b2: {  	[sflag:s13] =	ssyncset.done $0x0  }
0x2b3: {  	[sflag:s13] =	ssyncadd.s32 $0xFFFF8000  }
0x2b4: {  	_ =	swait.ge [sflag:s4], $0x8000  }
0x2b5: {  	[sflag:s4] =	ssyncset.done $0x0  }
0x2b6: {  	[sflag:s4] =	ssyncadd.s32 $0xFFFF8000  }
0x2b7: {  	v3 =	vld [tilespmem:$0x780];
	_ =	sdelay $0x4  }
0x2b8: {  	v63 =	vshll.u32 v3, $0x4  }
0x2b9: {  	v3 =	vand.u32 $0x7, v3;
	v4 =	vand.u32 $0xFFFFFF80, v63  }
0x2ba: {  	v3 =	vor.u32 v3, v4  }
0x2bb: {  	v4 =	vperm.xlane v3, v0;
	_ =	sdelay $0x1  }
0x2bc: {  	v4 =	vadd.s32 v1, v4;
	_ =	sdelay $0x4  }
0x2bd: {  	[tilespmem:s0], [sflag:$0x1] =	stream.indirect_vreg.gather [hbm4b:s1+s3], $0x80, v4, vm0, $0xb8;
	[tilespmem:$0x18800] =	vst v63  }
0x2be: {  	s26 =	simm.s32 $0x1000  }
0x2bf: {  	[tilespmem:s26], [sflag:$0x1] =	stream.indirect_vreg.gather [hbm4b:s5+s3], $0x80, v4, vm0, $0xb8;
	[tilespmem:$0x18800] =	vst v63  }
0x2c0: {  	s28 =	simm.s32 $0x1800  }
0x2c1: {  	[tilespmem:s28], [sflag:$0x1] =	stream.indirect_vreg.gather [hbm4b:s6+s3], $0x80, v4, vm0, $0xb8;
	[tilespmem:$0x18800] =	vst v63  }
0x2c2: {  	s30 =	simm.s32 $0x2000  }
0x2c3: {  	[tilespmem:s30], [sflag:$0x1] =	stream.indirect_vreg.gather [hbm4b:s7+s3], $0x80, v4, vm0, $0xb8;
	[tilespmem:$0x18800] =	vst v63  }
0x2c4: {  	s31 =	simm.s32 $0x2800  }
0x2c5: {  	[tilespmem:s31], [sflag:$0x1] =	stream.indirect_vreg.gather [hbm4b:s8+s3], $0x80, v4, vm0, $0xb8;
	[tilespmem:$0x18800] =	vst v63  }
0x2c6: {  	s16 =	simm.s32 $0x3000;
	v3 =	vperm.xlane v3, v2  }
0x2c7: {  	[tilespmem:s16], [sflag:$0x1] =	stream.indirect_vreg.gather [hbm4b:s9+s3], $0x80, v4, vm0, $0xb8;
	[tilespmem:$0x18800] =	vst v63  }
0x2c8: {  	s17 =	simm.s32 $0x3800;
	v3 =	vadd.s32 v1, v3  }
0x2c9: {  	[tilespmem:s17], [sflag:$0x1] =	stream.indirect_vreg.gather [hbm4b:s10+s3], $0x80, v4, vm0, $0xb8;
	[tilespmem:$0x18800] =	vst v63  }
0x2ca: {  	s18 =	simm.s32 $0x4000  }
0x2cb: {  	[tilespmem:s18], [sflag:$0x1] =	stream.indirect_vreg.gather [hbm4b:s11+s3], $0x80, v4, vm0, $0xb8;
	[tilespmem:$0x18800] =	vst v63  }
0x2cc: {  	s19 =	simm.s32 $0x4800  }
0x2cd: {  	[tilespmem:s19], [sflag:$0x1] =	stream.indirect_vreg.gather [hbm4b:s1+s3], $0x80, v3, vm0, $0xb8;
	[tilespmem:$0x18800] =	vst v63  }
0x2ce: {  	s20 =	simm.s32 $0x5000  }
0x2cf: {  	[tilespmem:s20], [sflag:$0x1] =	stream.indirect_vreg.gather [hbm4b:s5+s3], $0x80, v3, vm0, $0xb8;
	[tilespmem:$0x18800] =	vst v63  }
0x2d0: {  	s21 =	simm.s32 $0x5800  }
0x2d1: {  	[tilespmem:s21], [sflag:$0x1] =	stream.indirect_vreg.gather [hbm4b:s6+s3], $0x80, v3, vm0, $0xb8;
	[tilespmem:$0x18800] =	vst v63  }
0x2d2: {  	s22 =	simm.s32 $0x6000  }
0x2d3: {  	[tilespmem:s22], [sflag:$0x1] =	stream.indirect_vreg.gather [hbm4b:s7+s3], $0x80, v3, vm0, $0xb8;
	[tilespmem:$0x18800] =	vst v63  }
0x2d4: {  	s23 =	simm.s32 $0x6800  }
0x2d5: {  	[tilespmem:s23], [sflag:$0x1] =	stream.indirect_vreg.gather [hbm4b:s8+s3], $0x80, v3, vm0, $0xb8;
	[tilespmem:$0x18800] =	vst v63  }
0x2d6: {  	s24 =	simm.s32 $0x7000  }
0x2d7: {  	[tilespmem:s24], [sflag:$0x1] =	stream.indirect_vreg.gather [hbm4b:s9+s3], $0x80, v3, vm0, $0xb8;
	[tilespmem:$0x18800] =	vst v63  }
0x2d8: {  	s25 =	simm.s32 $0x7800  }
0x2d9: {  	[tilespmem:s25], [sflag:$0x1] =	stream.indirect_vreg.gather [hbm4b:s10+s3], $0x80, v3, vm0, $0xb8;
	[tilespmem:$0x18800] =	vst v63  }
0x2da: {  	s28 =	simm.s32 $0x8000  }
0x2db: {  	[tilespmem:s28], [sflag:$0x1] =	stream.indirect_vreg.gather [hbm4b:s11+s3], $0x80, v3, vm0, $0xb8;
	[tilespmem:$0x18800] =	vst v63  }
0x2dc: {  	s29 =	simm.s32 $0x8800;
	s26 =	rddreg [dreg:$0x11]  }
0x2dd: {  	[hbm4b:s26+s3] =	stream.linear.scatter [tilespmem:s29], [sflag:$0x4], $0x8000, $0x38;
	[tilespmem:$0x18800] =	vst v63  }
0x2de: {  	_ =	swait.ge [sflag:s13], $0x8000  }
0x2df: {  	[sflag:s13] =	ssyncset.done $0x0  }
0x2e0: {  	[sflag:s13] =	ssyncadd.s32 $0xFFFF8000  }
0x2e1: {  	_ =	swait.ge [sflag:s15], $0x8000  }
0x2e2: {  	[sflag:s15] =	ssyncset.done $0x0  }
0x2e3: {  	s29 =	rddreg [dreg:$0x12];
	[sflag:s15] =	ssyncadd.s32 $0xFFFF8000  }
0x2e4: {  	[hbm4b:s29+s3] =	stream.linear.scatter [tilespmem:s14], [sflag:$0x4], $0x8000, $0x38;
	[tilespmem:$0x18800] =	vst v63  }
0x2e5: {  	_ =	swait.ge [sflag:s13], $0x8000  }
0x2e6: {  	[sflag:s13] =	ssyncset.done $0x0  }
0x2e7: {  	[sflag:s13] =	ssyncadd.s32 $0xFFFF8000  }
0x2e8: {  	_ =	swait.ge [sflag:s2], $0x8000  }
0x2e9: {  	s31 =	rddreg [dreg:$0x15]  }
0x2ea: {  	[sflag:s2] =	ssyncset.done $0x0;
	p0 =	sne.s32 s31, $0x1  }
.Ltmp0:
0x2eb: {  	s30 =	rddreg [dreg:$0x13];
	[sflag:s2] =	ssyncadd.s32 $0xFFFF8000;
	(pc) =	sbr.rel @p0 .LBB2_1-.Ltmp0, $4  }
0x2ec: {  	[hbm4b:s30+s3] =	stream.linear.scatter [tilespmem:s0], [sflag:$0x4], $0x8000, $0x38;
	[tilespmem:$0x18800] =	vst v63  }
0x2ed: {  	_ =	swait.ge [sflag:s13], $0x8000  }
0x2ee: {  	[sflag:s13] =	ssyncset.done $0x0  }
0x2ef: {  	s0 =	sadd.s32 $0xFFFFFFFF, s31;
	[sflag:s13] =	ssyncadd.s32 $0xFFFF8000  }
0x2f0: {  	_ =	sfence.sel $0x180000  }
0x2f1: {  	[bflag:$0x0] =	sbarrier.arrive $0xFFFF  }
0x2f2: {  	_ =	strace $0x90000047  }
0x2f3: {  	s0 =	stileid.u32;
	[bflag:$0x2] =	sbarrier.arrive $0xFFFF  }
0x2f4: {  	p0 =	sne.s32 s0, $0x0;
	s0 =	rddreg [dreg:$0x3]  }
0x2f5: {  	s0 =	sadd.s32 @!p0 $0x100000, s0  }
0x2f6: {  	[sflag:s0] =	ssyncadd.tile.s32 @!p0 $0x1;
	_ =	shalt  }
.Lfunc_end2:
_tile_overlayer_lowered:
.L_overlay_start_2:
0x2f7: {  	(tag) =	ssettag $0x2  }
0x2f8: {  	s0 =	rddreg [dreg:$0x0];
	s2 =	stileid.u32  }
0x2f9: {  	s1 =	rddreg [dreg:$0x1];
	p0 =	sne.s32 s2, $0x0  }
0x2fa: {  	s3 =	rddreg [dreg:$0x2];
	[bflag:$0x3] =	sbarrier.arrive $0xFFFF;
	s2 =	simm.s32 @!p0 $0x1C04  }
0x2fb: {  	[timem:s3], [sflag:s2] =	dma.local @!p0 [hbm:s0], s1  }
0x2fc: {  	s0 =	simm.s32 @!p0 $0x4  }
0x2fd: {  	_ =	swait.ge @!p0 [sflag:s0], s1  }
0x2fe: {  	s1 =	ssub.s32 @!p0 $0x0, s1;
	[sflag:s0] =	ssyncset.done @!p0 $0x0  }
0x2ff: {  	[sflag:s0] =	ssyncadd.s32 @!p0 s1  }
0x300: {  	[bflag:$0x3] =	sbarrier.arrive $0xFFFF  }
0x301: {  	_ =	shalt  }

</sc_bundles>
